<compile_context>
chip_gen: v7x
topology: tpu7x:2x2x1
jax: 0.10.2.dev20260603
libtpu: 0.0.44.dev20260713+nightly
codegen_flags: <defaults>
</compile_context>

<pallas_src>
import jax
import jax.numpy as jnp
from jax import lax
from jax.experimental import pallas as pl
from jax.experimental.pallas import tpu as pltpu
from jax.experimental.pallas import tpu_sc as plsc

NN = 100000
NE = 3200000
NG = 64
NPAD = 100096
NROWS = NPAD // 128
SUB = 16
CORES = 2
NW = CORES * SUB
PER_SUB = NPAD // SUB

EPW = NE // NW
BE = 10000
TB = EPW // BE

_mesh = plsc.VectorSubcoreMesh(core_axis_name="c", subcore_axis_name="s")


def _start_idx(edge_hbm, e0, buf, sem):
    return pltpu.async_copy(edge_hbm.at[pl.ds(e0, BE)], buf, sem)


def _drain_idx(edge_hbm, buf, sem):
    pltpu.make_async_copy(edge_hbm.at[pl.ds(0, BE)], buf, sem).wait()


def _deg_body(dst_hbm, ones_hbm, zeros_hbm, out_hbm,
              deg_sh, idx_a, idx_b, ones_v, stage_v, sem_a, sem_b):
    c = lax.axis_index("c")
    s = lax.axis_index("s")
    wid = c * SUB + s
    sl = pl.ds(s * PER_SUB, PER_SUB)
    base_e = wid * EPW
    _start_idx(dst_hbm, base_e, idx_a, sem_a)
    pltpu.sync_copy(zeros_hbm.at[sl], stage_v)
    pltpu.sync_copy(stage_v, deg_sh.at[sl])
    pltpu.sync_copy(ones_hbm, ones_v)
    plsc.subcore_barrier()

    def outer(i, carry):
        e0 = base_e + i * (2 * BE)
        _start_idx(dst_hbm, e0 + BE, idx_b, sem_b)
        _drain_idx(dst_hbm, idx_a, sem_a)
        pltpu.sync_copy(ones_v, deg_sh.at[idx_a], add=True)
        _start_idx(dst_hbm, e0 + 2 * BE, idx_a, sem_a)
        _drain_idx(dst_hbm, idx_b, sem_b)
        pltpu.sync_copy(ones_v, deg_sh.at[idx_b], add=True)
        return carry

    lax.fori_loop(0, TB // 2 - 1, outer, 0)
    _start_idx(dst_hbm, base_e + (TB - 1) * BE, idx_b, sem_b)
    _drain_idx(dst_hbm, idx_a, sem_a)
    pltpu.sync_copy(ones_v, deg_sh.at[idx_a], add=True)
    _drain_idx(dst_hbm, idx_b, sem_b)
    pltpu.sync_copy(ones_v, deg_sh.at[idx_b], add=True)
    plsc.subcore_barrier()
    pltpu.sync_copy(deg_sh.at[sl], stage_v)
    pltpu.sync_copy(stage_v, out_hbm.at[pl.ds(c * NPAD + s * PER_SUB, PER_SUB)])


_deg_call = pl.kernel(
    _deg_body,
    out_type=jax.ShapeDtypeStruct((CORES * NPAD,), jnp.float32),
    mesh=_mesh,
    scratch_types=[
        pltpu.VMEM_SHARED((NPAD,), jnp.float32),
        pltpu.VMEM((BE,), jnp.int32),
        pltpu.VMEM((BE,), jnp.int32),
        pltpu.VMEM((BE,), jnp.float32),
        pltpu.VMEM((PER_SUB,), jnp.float32),
        pltpu.SemaphoreType.DMA,
        pltpu.SemaphoreType.DMA,
    ],
)


def _p1_body(src_hbm, dst_hbm, v1_hbm, zeros_hbm, out_hbm,
             v1_sh, acc_sh, idx_sa, idx_da, idx_sb, idx_db, vals, stage_v,
             sem_a, sem_b):
    c = lax.axis_index("c")
    s = lax.axis_index("s")
    wid = c * SUB + s
    sl = pl.ds(s * PER_SUB, PER_SUB)
    base_e = wid * EPW
    _start_idx(src_hbm, base_e, idx_sa, sem_a)
    _start_idx(dst_hbm, base_e, idx_da, sem_a)
    pltpu.sync_copy(v1_hbm.at[sl], stage_v)
    pltpu.sync_copy(stage_v, v1_sh.at[sl])
    pltpu.sync_copy(zeros_hbm.at[sl], stage_v)
    pltpu.sync_copy(stage_v, acc_sh.at[sl])
    plsc.subcore_barrier()

    def outer(i, carry):
        e0 = base_e + i * (2 * BE)
        _start_idx(src_hbm, e0 + BE, idx_sb, sem_b)
        _start_idx(dst_hbm, e0 + BE, idx_db, sem_b)
        _drain_idx(src_hbm, idx_sa, sem_a)
        _drain_idx(dst_hbm, idx_da, sem_a)
        pltpu.sync_copy(v1_sh.at[idx_sa], vals)
        pltpu.sync_copy(vals, acc_sh.at[idx_da], add=True)
        _start_idx(src_hbm, e0 + 2 * BE, idx_sa, sem_a)
        _start_idx(dst_hbm, e0 + 2 * BE, idx_da, sem_a)
        _drain_idx(src_hbm, idx_sb, sem_b)
        _drain_idx(dst_hbm, idx_db, sem_b)
        pltpu.sync_copy(v1_sh.at[idx_sb], vals)
        pltpu.sync_copy(vals, acc_sh.at[idx_db], add=True)
        return carry

    lax.fori_loop(0, TB // 2 - 1, outer, 0)
    e9 = base_e + (TB - 1) * BE
    _start_idx(src_hbm, e9, idx_sb, sem_b)
    _start_idx(dst_hbm, e9, idx_db, sem_b)
    _drain_idx(src_hbm, idx_sa, sem_a)
    _drain_idx(dst_hbm, idx_da, sem_a)
    pltpu.sync_copy(v1_sh.at[idx_sa], vals)
    pltpu.sync_copy(vals, acc_sh.at[idx_da], add=True)
    _drain_idx(src_hbm, idx_sb, sem_b)
    _drain_idx(dst_hbm, idx_db, sem_b)
    pltpu.sync_copy(v1_sh.at[idx_sb], vals)
    pltpu.sync_copy(vals, acc_sh.at[idx_db], add=True)
    plsc.subcore_barrier()
    pltpu.sync_copy(acc_sh.at[sl], stage_v)
    pltpu.sync_copy(stage_v, out_hbm.at[pl.ds(c * NPAD + s * PER_SUB, PER_SUB)])


_p1_call = pl.kernel(
    _p1_body,
    out_type=jax.ShapeDtypeStruct((CORES * NPAD,), jnp.float32),
    mesh=_mesh,
    scratch_types=[
        pltpu.VMEM_SHARED((NPAD,), jnp.float32),
        pltpu.VMEM_SHARED((NPAD,), jnp.float32),
        pltpu.VMEM((BE,), jnp.int32),
        pltpu.VMEM((BE,), jnp.int32),
        pltpu.VMEM((BE,), jnp.int32),
        pltpu.VMEM((BE,), jnp.int32),
        pltpu.VMEM((BE,), jnp.float32),
        pltpu.VMEM((PER_SUB,), jnp.float32),
        pltpu.SemaphoreType.DMA,
        pltpu.SemaphoreType.DMA,
    ],
)


def _p2_body(src_hbm, dst_hbm, v2c0_hbm, v2c1_hbm, zeros_hbm, out0_hbm, out1_hbm,
             v0_sh, w1_sh, a0_sh, a1_sh, idx_sa, idx_da, idx_sb, idx_db,
             vals0, vals1, stage_v, sem_a, sem_b):
    c = lax.axis_index("c")
    s = lax.axis_index("s")
    wid = c * SUB + s
    sl = pl.ds(s * PER_SUB, PER_SUB)
    base_e = wid * EPW
    _start_idx(src_hbm, base_e, idx_sa, sem_a)
    _start_idx(dst_hbm, base_e, idx_da, sem_a)
    pltpu.sync_copy(v2c0_hbm.at[sl], stage_v)
    pltpu.sync_copy(stage_v, v0_sh.at[sl])
    pltpu.sync_copy(v2c1_hbm.at[sl], stage_v)
    pltpu.sync_copy(stage_v, w1_sh.at[sl])
    pltpu.sync_copy(zeros_hbm.at[sl], stage_v)
    pltpu.sync_copy(stage_v, a0_sh.at[sl])
    pltpu.sync_copy(stage_v, a1_sh.at[sl])
    plsc.subcore_barrier()

    def do_batch(idx_s, idx_d):
        pltpu.sync_copy(v0_sh.at[idx_s], vals0)
        pltpu.sync_copy(w1_sh.at[idx_s], vals1)
        pltpu.sync_copy(vals0, a0_sh.at[idx_d], add=True)
        pltpu.sync_copy(vals1, a1_sh.at[idx_d], add=True)

    def outer(i, carry):
        e0 = base_e + i * (2 * BE)
        _start_idx(src_hbm, e0 + BE, idx_sb, sem_b)
        _start_idx(dst_hbm, e0 + BE, idx_db, sem_b)
        _drain_idx(src_hbm, idx_sa, sem_a)
        _drain_idx(dst_hbm, idx_da, sem_a)
        do_batch(idx_sa, idx_da)
        _start_idx(src_hbm, e0 + 2 * BE, idx_sa, sem_a)
        _start_idx(dst_hbm, e0 + 2 * BE, idx_da, sem_a)
        _drain_idx(src_hbm, idx_sb, sem_b)
        _drain_idx(dst_hbm, idx_db, sem_b)
        do_batch(idx_sb, idx_db)
        return carry

    lax.fori_loop(0, TB // 2 - 1, outer, 0)
    e9 = base_e + (TB - 1) * BE
    _start_idx(src_hbm, e9, idx_sb, sem_b)
    _start_idx(dst_hbm, e9, idx_db, sem_b)
    _drain_idx(src_hbm, idx_sa, sem_a)
    _drain_idx(dst_hbm, idx_da, sem_a)
    do_batch(idx_sa, idx_da)
    _drain_idx(src_hbm, idx_sb, sem_b)
    _drain_idx(dst_hbm, idx_db, sem_b)
    do_batch(idx_sb, idx_db)
    plsc.subcore_barrier()
    pltpu.sync_copy(a0_sh.at[sl], stage_v)
    pltpu.sync_copy(stage_v, out0_hbm.at[pl.ds(c * NPAD + s * PER_SUB, PER_SUB)])
    pltpu.sync_copy(a1_sh.at[sl], stage_v)
    pltpu.sync_copy(stage_v, out1_hbm.at[pl.ds(c * NPAD + s * PER_SUB, PER_SUB)])


_p2_call = pl.kernel(
    _p2_body,
    out_type=(
        jax.ShapeDtypeStruct((CORES * NPAD,), jnp.float32),
        jax.ShapeDtypeStruct((CORES * NPAD,), jnp.float32),
    ),
    mesh=_mesh,
    scratch_types=[
        pltpu.VMEM_SHARED((NPAD,), jnp.float32),
        pltpu.VMEM_SHARED((NPAD,), jnp.float32),
        pltpu.VMEM_SHARED((NPAD,), jnp.float32),
        pltpu.VMEM_SHARED((NPAD,), jnp.float32),
        pltpu.VMEM((BE,), jnp.int32),
        pltpu.VMEM((BE,), jnp.int32),
        pltpu.VMEM((BE,), jnp.int32),
        pltpu.VMEM((BE,), jnp.int32),
        pltpu.VMEM((BE,), jnp.float32),
        pltpu.VMEM((BE,), jnp.float32),
        pltpu.VMEM((PER_SUB,), jnp.float32),
        pltpu.SemaphoreType.DMA,
        pltpu.SemaphoreType.DMA,
    ],
)


def _prep_body(degp_ref, xp_ref, dinv_ref, v1_ref):
    deg = degp_ref[0] + degp_ref[1] + 1.0
    dinv = lax.rsqrt(deg)
    dinv_ref[...] = dinv
    v1_ref[...] = xp_ref[...] * dinv


_prep_call = pl.pallas_call(
    _prep_body,
    out_shape=(
        jax.ShapeDtypeStruct((NROWS, 128), jnp.float32),
        jax.ShapeDtypeStruct((NROWS, 128), jnp.float32),
    ),
)


def _mid_body(accp_ref, dinv_ref, v1_ref, w1_ref, b1_ref, w2_ref, v2cm_ref):
    dinv = dinv_ref[...]
    s1 = dinv * (accp_ref[0] + accp_ref[1] + v1_ref[...])
    g0 = jnp.zeros_like(s1)
    g1 = jnp.zeros_like(s1)
    for k in range(16):
        h = jnp.maximum(s1 * w1_ref[0, k] + b1_ref[0, k], 0.0)
        g0 += h * w2_ref[k, 0]
        g1 += h * w2_ref[k, 1]
    v2cm_ref[0] = g0 * dinv
    v2cm_ref[1] = g1 * dinv


_mid_call = pl.pallas_call(
    _mid_body,
    in_specs=[
        pl.BlockSpec(memory_space=pltpu.VMEM),
        pl.BlockSpec(memory_space=pltpu.VMEM),
        pl.BlockSpec(memory_space=pltpu.VMEM),
        pl.BlockSpec(memory_space=pltpu.SMEM),
        pl.BlockSpec(memory_space=pltpu.SMEM),
        pl.BlockSpec(memory_space=pltpu.SMEM),
    ],
    out_shape=jax.ShapeDtypeStruct((2, NROWS, 128), jnp.float32),
)


def _final_body(acc2cm_ref, v2cm_ref, dinv_ref, b2_ref, batch_ref, out_ref):
    dinv = dinv_ref[...]
    hs = []
    for ch in range(2):
        s2 = dinv * (acc2cm_ref[0, ch] + acc2cm_ref[1, ch] + v2cm_ref[ch])
        hs.append(jnp.maximum(s2 + b2_ref[0, ch], 0.0))
    bt = batch_ref[...]
    for g in range(NG):
        m = (bt == g).astype(jnp.float32)
        cnt = jnp.maximum(jnp.sum(m), 1.0)
        z0 = jnp.sum(m * hs[0]) / cnt
        z1 = jnp.sum(m * hs[1]) / cnt
        mx = jnp.maximum(z0, z1)
        lse = jnp.log(jnp.exp(z0 - mx) + jnp.exp(z1 - mx)) + mx
        out_ref[g, 0] = z0 - lse
        out_ref[g, 1] = z1 - lse


_final_call = pl.pallas_call(
    _final_body,
    in_specs=[
        pl.BlockSpec(memory_space=pltpu.VMEM),
        pl.BlockSpec(memory_space=pltpu.VMEM),
        pl.BlockSpec(memory_space=pltpu.VMEM),
        pl.BlockSpec(memory_space=pltpu.SMEM),
        pl.BlockSpec(memory_space=pltpu.VMEM),
    ],
    out_specs=pl.BlockSpec(memory_space=pltpu.SMEM),
    out_shape=jax.ShapeDtypeStruct((NG, 2), jnp.float32),
)


def kernel(x, edge_index, batch, W1, b1, W2, b2):
    ei = edge_index.astype(jnp.int32)
    srcp = ei[0]
    dstp = ei[1]
    zerosN = jnp.zeros((NPAD,), jnp.float32)
    ones_b = jnp.ones((BE,), jnp.float32)

    degp = _deg_call(dstp, ones_b, zerosN)

    xp = jnp.concatenate([x[:, 0], jnp.zeros((NPAD - NN,), jnp.float32)])
    dinv, v1 = _prep_call(degp.reshape(CORES, NROWS, 128), xp.reshape(NROWS, 128))

    acc1p = _p1_call(srcp, dstp, v1.reshape(NPAD), zerosN)

    v2cm = _mid_call(acc1p.reshape(CORES, NROWS, 128), dinv, v1,
                     W1, b1.reshape(1, 16), W2)

    v2flat = v2cm.reshape(2, NPAD)
    acc2c0, acc2c1 = _p2_call(srcp, dstp, v2flat[0], v2flat[1], zerosN)

    acc2cm = jnp.stack(
        [acc2c0.reshape(CORES, NROWS, 128), acc2c1.reshape(CORES, NROWS, 128)],
        axis=1)
    batchp = jnp.concatenate(
        [batch.astype(jnp.int32), jnp.full((NPAD - NN,), NG, jnp.int32)]
    ).reshape(NROWS, 128)

    return _final_call(acc2cm, v2cm, dinv, b2.reshape(1, 2), batchp)

# --- scband reference (transcript-rebuilt; emitter-appended) ---
"""Pipeline reference for scband-net-191106-7670811590818 (READ-ONLY COPY).

The authoritative reference and input builder live on the scoring server;
editing this copy changes nothing except your own understanding.
"""

import jax, jax.numpy as jnp
import numpy as np

N_NODES = 100000
N_EDGES = 3200000
NUM_GRAPHS = 64


def gcn_conv(x, edge_index, W, b, num_nodes):
    # PyG GCNConv: out = D^{-1/2} (A + I) D^{-1/2} (X W) + b
    src = edge_index[0]
    dst = edge_index[1]
    loop = jnp.arange(num_nodes, dtype=edge_index.dtype)
    src = jnp.concatenate([src, loop])
    dst = jnp.concatenate([dst, loop])
    h = x @ W
    deg = jnp.zeros((num_nodes,), dtype=h.dtype).at[dst].add(1.0)
    dinv = jnp.where(deg > 0, deg ** -0.5, 0.0)
    norm = dinv[src] * dinv[dst]
    msg = h[src] * norm[:, None]
    out = jnp.zeros((num_nodes, W.shape[1]), dtype=h.dtype).at[dst].add(msg)
    return out + b


def setup_inputs(seed: int = 0) -> dict:
    key = jax.random.key(seed)
    k1, k2, k3, k4, k5 = jax.random.split(key, 5)
    x = jax.random.normal(k1, (N_NODES, 1), dtype=jnp.float32)
    edge_index = jax.random.randint(k2, (2, N_EDGES), 0, N_NODES, dtype=jnp.int64)
    batch = jnp.sort(jax.random.randint(k3, (N_NODES,), 0, NUM_GRAPHS, dtype=jnp.int64))
    W1 = jax.random.normal(k4, (1, 16), dtype=jnp.float32) * (1.0 / np.sqrt(1.0))
    b1 = jnp.zeros((16,), dtype=jnp.float32)
    W2 = jax.random.normal(k5, (16, 2), dtype=jnp.float32) * (1.0 / np.sqrt(16.0))
    b2 = jnp.zeros((2,), dtype=jnp.float32)
    return {"x": x, "edge_index": edge_index, "batch": batch, "W1": W1, "b1": b1, "W2": W2, "b2": b2}


def reference(x, edge_index, batch, W1, b1, W2, b2):
    # conv1 + relu (dropout is identity in eval mode)
    h = gcn_conv(x, edge_index, W1, b1, N_NODES)
    h = jax.nn.relu(h)
    # conv2 + relu
    h = gcn_conv(h, edge_index, W2, b2, N_NODES)
    h = jax.nn.relu(h)
    # global_mean_pool over batch ids
    sums = jax.ops.segment_sum(h, batch, num_segments=NUM_GRAPHS)
    counts = jax.ops.segment_sum(jnp.ones((N_NODES,), dtype=h.dtype), batch, num_segments=NUM_GRAPHS)
    pooled = sums / jnp.clip(counts, 1.0)[:, None]
    return jax.nn.log_softmax(pooled, axis=1)

if __name__ == "__main__":
    import jax
    _d = setup_inputs()
    print(jax.jit(kernel)(*tuple(_d.values())))

</pallas_src>

<mosaic_0001>
#map = affine_map<(d0, d1) -> (0)>
module attributes {stable_mosaic.version = 14 : i64} {
  func.func @_p1_body(%arg0: i32, %arg1: i32, %arg2: memref<3200000xi32, #tpu.memory_space<hbm>>, %arg3: memref<3200000xi32, #tpu.memory_space<hbm>>, %arg4: memref<100096xf32, #tpu.memory_space<hbm>>, %arg5: memref<100096xf32, #tpu.memory_space<hbm>>, %arg6: memref<200192xf32, #tpu.memory_space<hbm>>, %arg7: memref<100096xf32, #tpu.memory_space<vmem_shared>>, %arg8: memref<100096xf32, #tpu.memory_space<vmem_shared>>, %arg9: memref<10000xi32, #tpu.memory_space<vmem>>, %arg10: memref<10000xi32, #tpu.memory_space<vmem>>, %arg11: memref<10000xi32, #tpu.memory_space<vmem>>, %arg12: memref<10000xi32, #tpu.memory_space<vmem>>, %arg13: memref<10000xf32, #tpu.memory_space<vmem>>, %arg14: memref<6256xf32, #tpu.memory_space<vmem>>, %arg15: memref<!tpu.dma_semaphore, #tpu.memory_space<semaphore_mem>>, %arg16: memref<!tpu.dma_semaphore, #tpu.memory_space<semaphore_mem>>) attributes {dimension_semantics = [#tpu.dimension_semantics<core_parallel>, #tpu.dimension_semantics<subcore_parallel>], iteration_bounds = array<i64: 2, 16>, scalar_prefetch = 0 : i64, scratch_operands = 10 : i64, tpu.core_type = #tpu.core_type<sc_vector_subcore>, window_params = [{transform_indices = #map}, {transform_indices = #map}, {transform_indices = #map}, {transform_indices = #map}, {transform_indices = #map}]} {
    %mul3A = arith.constant 16 : i32
    %mul3A_0 = arith.muli %arg0, %mul3A : i32
    %add3A = arith.addi %mul3A_0, %arg1 : i32
    %mul3A_1 = arith.constant 6256 : i32
    %mul3A_2 = arith.muli %arg1, %mul3A_1 : i32
    %mul3A_3 = arith.constant 100000 : i32
    %mul3A_4 = arith.muli %add3A, %mul3A_3 : i32
    %dma_start3A = tpu.memref_slice %arg2[%mul3A_4] : memref<3200000xi32, #tpu.memory_space<hbm>> -> memref<10000xi32, #tpu.memory_space<hbm>>
    %dma_start3A_5 = tpu.memref_slice %arg2[%mul3A_4] : memref<3200000xi32, #tpu.memory_space<hbm>> -> memref<10000xi32, #tpu.memory_space<hbm>>
    tpu.enqueue_dma source(%dma_start3A_5 : memref<10000xi32, #tpu.memory_space<hbm>>) target(%arg9 : memref<10000xi32, #tpu.memory_space<vmem>>) target_semaphore(%arg15 : memref<!tpu.dma_semaphore, #tpu.memory_space<semaphore_mem>>)
    %dma_start3A_6 = tpu.memref_slice %arg3[%mul3A_4] : memref<3200000xi32, #tpu.memory_space<hbm>> -> memref<10000xi32, #tpu.memory_space<hbm>>
    %dma_start3A_7 = tpu.memref_slice %arg3[%mul3A_4] : memref<3200000xi32, #tpu.memory_space<hbm>> -> memref<10000xi32, #tpu.memory_space<hbm>>
    tpu.enqueue_dma source(%dma_start3A_7 : memref<10000xi32, #tpu.memory_space<hbm>>) target(%arg10 : memref<10000xi32, #tpu.memory_space<vmem>>) target_semaphore(%arg15 : memref<!tpu.dma_semaphore, #tpu.memory_space<semaphore_mem>>)
    "tpu.region"() ({
      %run_scoped3A = tpu.sem_alloc : memref<!tpu.dma_semaphore, #tpu.memory_space<semaphore_mem>>
      %dma_start3A_40 = tpu.memref_slice %arg4[%mul3A_2] : memref<100096xf32, #tpu.memory_space<hbm>> -> memref<6256xf32, #tpu.memory_space<hbm>>
      %dma_start3A_41 = tpu.memref_slice %arg4[%mul3A_2] : memref<100096xf32, #tpu.memory_space<hbm>> -> memref<6256xf32, #tpu.memory_space<hbm>>
      tpu.enqueue_dma source(%dma_start3A_41 : memref<6256xf32, #tpu.memory_space<hbm>>) target(%arg14 : memref<6256xf32, #tpu.memory_space<vmem>>) target_semaphore(%run_scoped3A : memref<!tpu.dma_semaphore, #tpu.memory_space<semaphore_mem>>)
      %dma_wait3A_42 = tpu.memref_slice %arg4[%mul3A_2] : memref<100096xf32, #tpu.memory_space<hbm>> -> memref<6256xf32, #tpu.memory_space<hbm>>
      %dma_wait3A_43 = tpu.memref_slice %arg4[%mul3A_2] : memref<100096xf32, #tpu.memory_space<hbm>> -> memref<6256xf32, #tpu.memory_space<hbm>>
      tpu.wait_dma2 semaphore(%run_scoped3A : memref<!tpu.dma_semaphore, #tpu.memory_space<semaphore_mem>>) src(%dma_wait3A_43 : memref<6256xf32, #tpu.memory_space<hbm>>) dst(%arg14 : memref<6256xf32, #tpu.memory_space<vmem>>)
      tpu.yield
    }) : () -> ()
    "tpu.region"() ({
      %run_scoped3A = tpu.sem_alloc : memref<!tpu.dma_semaphore, #tpu.memory_space<semaphore_mem>>
      %dma_start3A_40 = tpu.memref_slice %arg7[%mul3A_2] : memref<100096xf32, #tpu.memory_space<vmem_shared>> -> memref<6256xf32, #tpu.memory_space<vmem_shared>>
      %dma_start3A_41 = tpu.memref_slice %arg7[%mul3A_2] : memref<100096xf32, #tpu.memory_space<vmem_shared>> -> memref<6256xf32, #tpu.memory_space<vmem_shared>>
      tpu.enqueue_dma source(%arg14 : memref<6256xf32, #tpu.memory_space<vmem>>) target(%dma_start3A_41 : memref<6256xf32, #tpu.memory_space<vmem_shared>>) target_semaphore(%run_scoped3A : memref<!tpu.dma_semaphore, #tpu.memory_space<semaphore_mem>>)
      %dma_wait3A_42 = tpu.memref_slice %arg7[%mul3A_2] : memref<100096xf32, #tpu.memory_space<vmem_shared>> -> memref<6256xf32, #tpu.memory_space<vmem_shared>>
      %dma_wait3A_43 = tpu.memref_slice %arg7[%mul3A_2] : memref<100096xf32, #tpu.memory_space<vmem_shared>> -> memref<6256xf32, #tpu.memory_space<vmem_shared>>
      tpu.wait_dma2 semaphore(%run_scoped3A : memref<!tpu.dma_semaphore, #tpu.memory_space<semaphore_mem>>) src(%arg14 : memref<6256xf32, #tpu.memory_space<vmem>>) dst(%dma_wait3A_43 : memref<6256xf32, #tpu.memory_space<vmem_shared>>)
      tpu.yield
    }) : () -> ()
    "tpu.region"() ({
      %run_scoped3A = tpu.sem_alloc : memref<!tpu.dma_semaphore, #tpu.memory_space<semaphore_mem>>
      %dma_start3A_40 = tpu.memref_slice %arg5[%mul3A_2] : memref<100096xf32, #tpu.memory_space<hbm>> -> memref<6256xf32, #tpu.memory_space<hbm>>
      %dma_start3A_41 = tpu.memref_slice %arg5[%mul3A_2] : memref<100096xf32, #tpu.memory_space<hbm>> -> memref<6256xf32, #tpu.memory_space<hbm>>
      tpu.enqueue_dma source(%dma_start3A_41 : memref<6256xf32, #tpu.memory_space<hbm>>) target(%arg14 : memref<6256xf32, #tpu.memory_space<vmem>>) target_semaphore(%run_scoped3A : memref<!tpu.dma_semaphore, #tpu.memory_space<semaphore_mem>>)
      %dma_wait3A_42 = tpu.memref_slice %arg5[%mul3A_2] : memref<100096xf32, #tpu.memory_space<hbm>> -> memref<6256xf32, #tpu.memory_space<hbm>>
      %dma_wait3A_43 = tpu.memref_slice %arg5[%mul3A_2] : memref<100096xf32, #tpu.memory_space<hbm>> -> memref<6256xf32, #tpu.memory_space<hbm>>
      tpu.wait_dma2 semaphore(%run_scoped3A : memref<!tpu.dma_semaphore, #tpu.memory_space<semaphore_mem>>) src(%dma_wait3A_43 : memref<6256xf32, #tpu.memory_space<hbm>>) dst(%arg14 : memref<6256xf32, #tpu.memory_space<vmem>>)
      tpu.yield
    }) : () -> ()
    "tpu.region"() ({
      %run_scoped3A = tpu.sem_alloc : memref<!tpu.dma_semaphore, #tpu.memory_space<semaphore_mem>>
      %dma_start3A_40 = tpu.memref_slice %arg8[%mul3A_2] : memref<100096xf32, #tpu.memory_space<vmem_shared>> -> memref<6256xf32, #tpu.memory_space<vmem_shared>>
      %dma_start3A_41 = tpu.memref_slice %arg8[%mul3A_2] : memref<100096xf32, #tpu.memory_space<vmem_shared>> -> memref<6256xf32, #tpu.memory_space<vmem_shared>>
      tpu.enqueue_dma source(%arg14 : memref<6256xf32, #tpu.memory_space<vmem>>) target(%dma_start3A_41 : memref<6256xf32, #tpu.memory_space<vmem_shared>>) target_semaphore(%run_scoped3A : memref<!tpu.dma_semaphore, #tpu.memory_space<semaphore_mem>>)
      %dma_wait3A_42 = tpu.memref_slice %arg8[%mul3A_2] : memref<100096xf32, #tpu.memory_space<vmem_shared>> -> memref<6256xf32, #tpu.memory_space<vmem_shared>>
      %dma_wait3A_43 = tpu.memref_slice %arg8[%mul3A_2] : memref<100096xf32, #tpu.memory_space<vmem_shared>> -> memref<6256xf32, #tpu.memory_space<vmem_shared>>
      tpu.wait_dma2 semaphore(%run_scoped3A : memref<!tpu.dma_semaphore, #tpu.memory_space<semaphore_mem>>) src(%arg14 : memref<6256xf32, #tpu.memory_space<vmem>>) dst(%dma_wait3A_43 : memref<6256xf32, #tpu.memory_space<vmem_shared>>)
      tpu.yield
    }) : () -> ()
    %barrier3A = arith.constant 0 : index
    tpu.barrier barrier_id(%barrier3A)
    %scan3A = arith.constant 0 : i32
    %scan3A_8 = arith.constant 0 : i32
    %scan3A_9 = arith.constant 4 : i32
    %scan3A_10 = arith.addi %scan3A_8, %scan3A_9 : i32
    %scan3A_11 = arith.constant 1 : i32
    scf.for %scan3A_40 = %scan3A_8 to %scan3A_10 step %scan3A_11  : i32 {
      %mul3A_41 = arith.constant 20000 : i32
      %mul3A_42 = arith.muli %scan3A_40, %mul3A_41 : i32
      %add3A_43 = arith.addi %mul3A_4, %mul3A_42 : i32
      %add3A_44 = arith.constant 10000 : i32
      %add3A_45 = arith.addi %add3A_43, %add3A_44 : i32
      %dma_start3A_46 = tpu.memref_slice %arg2[%add3A_45] : memref<3200000xi32, #tpu.memory_space<hbm>> -> memref<10000xi32, #tpu.memory_space<hbm>>
      %dma_start3A_47 = tpu.memref_slice %arg2[%add3A_45] : memref<3200000xi32, #tpu.memory_space<hbm>> -> memref<10000xi32, #tpu.memory_space<hbm>>
      tpu.enqueue_dma source(%dma_start3A_47 : memref<10000xi32, #tpu.memory_space<hbm>>) target(%arg11 : memref<10000xi32, #tpu.memory_space<vmem>>) target_semaphore(%arg16 : memref<!tpu.dma_semaphore, #tpu.memory_space<semaphore_mem>>)
      %add3A_48 = arith.constant 10000 : i32
      %add3A_49 = arith.addi %add3A_43, %add3A_48 : i32
      %dma_start3A_50 = tpu.memref_slice %arg3[%add3A_49] : memref<3200000xi32, #tpu.memory_space<hbm>> -> memref<10000xi32, #tpu.memory_space<hbm>>
      %dma_start3A_51 = tpu.memref_slice %arg3[%add3A_49] : memref<3200000xi32, #tpu.memory_space<hbm>> -> memref<10000xi32, #tpu.memory_space<hbm>>
      tpu.enqueue_dma source(%dma_start3A_51 : memref<10000xi32, #tpu.memory_space<hbm>>) target(%arg12 : memref<10000xi32, #tpu.memory_space<vmem>>) target_semaphore(%arg16 : memref<!tpu.dma_semaphore, #tpu.memory_space<semaphore_mem>>)
      %dma_wait3A_52 = arith.constant 0 : i32
      %dma_wait3A_53 = tpu.memref_slice %arg2[%dma_wait3A_52] : memref<3200000xi32, #tpu.memory_space<hbm>> -> memref<10000xi32, #tpu.memory_space<hbm>>
      %dma_wait3A_54 = arith.constant 0 : i32
      %dma_wait3A_55 = tpu.memref_slice %arg2[%dma_wait3A_54] : memref<3200000xi32, #tpu.memory_space<hbm>> -> memref<10000xi32, #tpu.memory_space<hbm>>
      tpu.wait_dma2 semaphore(%arg15 : memref<!tpu.dma_semaphore, #tpu.memory_space<semaphore_mem>>) src(%dma_wait3A_55 : memref<10000xi32, #tpu.memory_space<hbm>>) dst(%arg9 : memref<10000xi32, #tpu.memory_space<vmem>>)
      %dma_wait3A_56 = arith.constant 0 : i32
      %dma_wait3A_57 = tpu.memref_slice %arg3[%dma_wait3A_56] : memref<3200000xi32, #tpu.memory_space<hbm>> -> memref<10000xi32, #tpu.memory_space<hbm>>
      %dma_wait3A_58 = arith.constant 0 : i32
      %dma_wait3A_59 = tpu.memref_slice %arg3[%dma_wait3A_58] : memref<3200000xi32, #tpu.memory_space<hbm>> -> memref<10000xi32, #tpu.memory_space<hbm>>
      tpu.wait_dma2 semaphore(%arg15 : memref<!tpu.dma_semaphore, #tpu.memory_space<semaphore_mem>>) src(%dma_wait3A_59 : memref<10000xi32, #tpu.memory_space<hbm>>) dst(%arg10 : memref<10000xi32, #tpu.memory_space<vmem>>)
      "tpu.region"() ({
        %run_scoped3A = tpu.sem_alloc : memref<!tpu.dma_semaphore, #tpu.memory_space<semaphore_mem>>
        %dma_start3A_76 = arith.constant 0 : i32
        %dma_start3A_77 = tpu.memref_slice %arg7[%dma_start3A_76] : memref<100096xf32, #tpu.memory_space<vmem_shared>> -> memref<100096xf32, #tpu.memory_space<vmem_shared>>
        tpu.enqueue_indirect_dma source(%dma_start3A_77 : memref<100096xf32, #tpu.memory_space<vmem_shared>>) target(%arg13 : memref<10000xf32, #tpu.memory_space<vmem>>) offsets(%arg9 : memref<10000xi32, #tpu.memory_space<vmem>>) semaphore(%run_scoped3A : memref<!tpu.dma_semaphore, #tpu.memory_space<semaphore_mem>>)
        %dma_wait3A_78 = arith.constant 0 : i32
        %dma_wait3A_79 = tpu.memref_slice %arg7[%dma_wait3A_78] : memref<100096xf32, #tpu.memory_space<vmem_shared>> -> memref<100096xf32, #tpu.memory_space<vmem_shared>>
        tpu.wait_indirect_dma semaphore(%run_scoped3A : memref<!tpu.dma_semaphore, #tpu.memory_space<semaphore_mem>>) src(%dma_wait3A_79 : memref<100096xf32, #tpu.memory_space<vmem_shared>>) dst(%arg13 : memref<10000xf32, #tpu.memory_space<vmem>>)
        tpu.yield
      }) : () -> ()
      "tpu.region"() ({
        %run_scoped3A = tpu.sem_alloc : memref<!tpu.dma_semaphore, #tpu.memory_space<semaphore_mem>>
        %dma_start3A_76 = arith.constant 0 : i32
        %dma_start3A_77 = tpu.memref_slice %arg8[%dma_start3A_76] : memref<100096xf32, #tpu.memory_space<vmem_shared>> -> memref<100096xf32, #tpu.memory_space<vmem_shared>>
        tpu.enqueue_indirect_dma source(%arg13 : memref<10000xf32, #tpu.memory_space<vmem>>) target(%dma_start3A_77 : memref<100096xf32, #tpu.memory_space<vmem_shared>>) offsets(%arg10 : memref<10000xi32, #tpu.memory_space<vmem>>) semaphore(%run_scoped3A : memref<!tpu.dma_semaphore, #tpu.memory_space<semaphore_mem>>) {add = true}
        %dma_wait3A_78 = arith.constant 0 : i32
        %dma_wait3A_79 = tpu.memref_slice %arg8[%dma_wait3A_78] : memref<100096xf32, #tpu.memory_space<vmem_shared>> -> memref<100096xf32, #tpu.memory_space<vmem_shared>>
        tpu.wait_indirect_dma semaphore(%run_scoped3A : memref<!tpu.dma_semaphore, #tpu.memory_space<semaphore_mem>>) src(%arg13 : memref<10000xf32, #tpu.memory_space<vmem>>) dst(%dma_wait3A_79 : memref<100096xf32, #tpu.memory_space<vmem_shared>>)
        tpu.yield
      }) : () -> ()
      %add3A_60 = arith.constant 20000 : i32
      %add3A_61 = arith.addi %add3A_43, %add3A_60 : i32
      %dma_start3A_62 = tpu.memref_slice %arg2[%add3A_61] : memref<3200000xi32, #tpu.memory_space<hbm>> -> memref<10000xi32, #tpu.memory_space<hbm>>
      %dma_start3A_63 = tpu.memref_slice %arg2[%add3A_61] : memref<3200000xi32, #tpu.memory_space<hbm>> -> memref<10000xi32, #tpu.memory_space<hbm>>
      tpu.enqueue_dma source(%dma_start3A_63 : memref<10000xi32, #tpu.memory_space<hbm>>) target(%arg9 : memref<10000xi32, #tpu.memory_space<vmem>>) target_semaphore(%arg15 : memref<!tpu.dma_semaphore, #tpu.memory_space<semaphore_mem>>)
      %add3A_64 = arith.constant 20000 : i32
      %add3A_65 = arith.addi %add3A_43, %add3A_64 : i32
      %dma_start3A_66 = tpu.memref_slice %arg3[%add3A_65] : memref<3200000xi32, #tpu.memory_space<hbm>> -> memref<10000xi32, #tpu.memory_space<hbm>>
      %dma_start3A_67 = tpu.memref_slice %arg3[%add3A_65] : memref<3200000xi32, #tpu.memory_space<hbm>> -> memref<10000xi32, #tpu.memory_space<hbm>>
      tpu.enqueue_dma source(%dma_start3A_67 : memref<10000xi32, #tpu.memory_space<hbm>>) target(%arg10 : memref<10000xi32, #tpu.memory_space<vmem>>) target_semaphore(%arg15 : memref<!tpu.dma_semaphore, #tpu.memory_space<semaphore_mem>>)
      %dma_wait3A_68 = arith.constant 0 : i32
      %dma_wait3A_69 = tpu.memref_slice %arg2[%dma_wait3A_68] : memref<3200000xi32, #tpu.memory_space<hbm>> -> memref<10000xi32, #tpu.memory_space<hbm>>
      %dma_wait3A_70 = arith.constant 0 : i32
      %dma_wait3A_71 = tpu.memref_slice %arg2[%dma_wait3A_70] : memref<3200000xi32, #tpu.memory_space<hbm>> -> memref<10000xi32, #tpu.memory_space<hbm>>
      tpu.wait_dma2 semaphore(%arg16 : memref<!tpu.dma_semaphore, #tpu.memory_space<semaphore_mem>>) src(%dma_wait3A_71 : memref<10000xi32, #tpu.memory_space<hbm>>) dst(%arg11 : memref<10000xi32, #tpu.memory_space<vmem>>)
      %dma_wait3A_72 = arith.constant 0 : i32
      %dma_wait3A_73 = tpu.memref_slice %arg3[%dma_wait3A_72] : memref<3200000xi32, #tpu.memory_space<hbm>> -> memref<10000xi32, #tpu.memory_space<hbm>>
      %dma_wait3A_74 = arith.constant 0 : i32
      %dma_wait3A_75 = tpu.memref_slice %arg3[%dma_wait3A_74] : memref<3200000xi32, #tpu.memory_space<hbm>> -> memref<10000xi32, #tpu.memory_space<hbm>>
      tpu.wait_dma2 semaphore(%arg16 : memref<!tpu.dma_semaphore, #tpu.memory_space<semaphore_mem>>) src(%dma_wait3A_75 : memref<10000xi32, #tpu.memory_space<hbm>>) dst(%arg12 : memref<10000xi32, #tpu.memory_space<vmem>>)
      "tpu.region"() ({
        %run_scoped3A = tpu.sem_alloc : memref<!tpu.dma_semaphore, #tpu.memory_space<semaphore_mem>>
        %dma_start3A_76 = arith.constant 0 : i32
        %dma_start3A_77 = tpu.memref_slice %arg7[%dma_start3A_76] : memref<100096xf32, #tpu.memory_space<vmem_shared>> -> memref<100096xf32, #tpu.memory_space<vmem_shared>>
        tpu.enqueue_indirect_dma source(%dma_start3A_77 : memref<100096xf32, #tpu.memory_space<vmem_shared>>) target(%arg13 : memref<10000xf32, #tpu.memory_space<vmem>>) offsets(%arg11 : memref<10000xi32, #tpu.memory_space<vmem>>) semaphore(%run_scoped3A : memref<!tpu.dma_semaphore, #tpu.memory_space<semaphore_mem>>)
        %dma_wait3A_78 = arith.constant 0 : i32
        %dma_wait3A_79 = tpu.memref_slice %arg7[%dma_wait3A_78] : memref<100096xf32, #tpu.memory_space<vmem_shared>> -> memref<100096xf32, #tpu.memory_space<vmem_shared>>
        tpu.wait_indirect_dma semaphore(%run_scoped3A : memref<!tpu.dma_semaphore, #tpu.memory_space<semaphore_mem>>) src(%dma_wait3A_79 : memref<100096xf32, #tpu.memory_space<vmem_shared>>) dst(%arg13 : memref<10000xf32, #tpu.memory_space<vmem>>)
        tpu.yield
      }) : () -> ()
      "tpu.region"() ({
        %run_scoped3A = tpu.sem_alloc : memref<!tpu.dma_semaphore, #tpu.memory_space<semaphore_mem>>
        %dma_start3A_76 = arith.constant 0 : i32
        %dma_start3A_77 = tpu.memref_slice %arg8[%dma_start3A_76] : memref<100096xf32, #tpu.memory_space<vmem_shared>> -> memref<100096xf32, #tpu.memory_space<vmem_shared>>
        tpu.enqueue_indirect_dma source(%arg13 : memref<10000xf32, #tpu.memory_space<vmem>>) target(%dma_start3A_77 : memref<100096xf32, #tpu.memory_space<vmem_shared>>) offsets(%arg12 : memref<10000xi32, #tpu.memory_space<vmem>>) semaphore(%run_scoped3A : memref<!tpu.dma_semaphore, #tpu.memory_space<semaphore_mem>>) {add = true}
        %dma_wait3A_78 = arith.constant 0 : i32
        %dma_wait3A_79 = tpu.memref_slice %arg8[%dma_wait3A_78] : memref<100096xf32, #tpu.memory_space<vmem_shared>> -> memref<100096xf32, #tpu.memory_space<vmem_shared>>
        tpu.wait_indirect_dma semaphore(%run_scoped3A : memref<!tpu.dma_semaphore, #tpu.memory_space<semaphore_mem>>) src(%arg13 : memref<10000xf32, #tpu.memory_space<vmem>>) dst(%dma_wait3A_79 : memref<100096xf32, #tpu.memory_space<vmem_shared>>)
        tpu.yield
      }) : () -> ()
    }
    %scan3A_12 = arith.constant 4 : i32
    %add3A_13 = arith.constant 90000 : i32
    %add3A_14 = arith.addi %mul3A_4, %add3A_13 : i32
    %dma_start3A_15 = tpu.memref_slice %arg2[%add3A_14] : memref<3200000xi32, #tpu.memory_space<hbm>> -> memref<10000xi32, #tpu.memory_space<hbm>>
    %dma_start3A_16 = tpu.memref_slice %arg2[%add3A_14] : memref<3200000xi32, #tpu.memory_space<hbm>> -> memref<10000xi32, #tpu.memory_space<hbm>>
    tpu.enqueue_dma source(%dma_start3A_16 : memref<10000xi32, #tpu.memory_space<hbm>>) target(%arg11 : memref<10000xi32, #tpu.memory_space<vmem>>) target_semaphore(%arg16 : memref<!tpu.dma_semaphore, #tpu.memory_space<semaphore_mem>>)
    %dma_start3A_17 = tpu.memref_slice %arg3[%add3A_14] : memref<3200000xi32, #tpu.memory_space<hbm>> -> memref<10000xi32, #tpu.memory_space<hbm>>
    %dma_start3A_18 = tpu.memref_slice %arg3[%add3A_14] : memref<3200000xi32, #tpu.memory_space<hbm>> -> memref<10000xi32, #tpu.memory_space<hbm>>
    tpu.enqueue_dma source(%dma_start3A_18 : memref<10000xi32, #tpu.memory_space<hbm>>) target(%arg12 : memref<10000xi32, #tpu.memory_space<vmem>>) target_semaphore(%arg16 : memref<!tpu.dma_semaphore, #tpu.memory_space<semaphore_mem>>)
    %dma_wait3A = arith.constant 0 : i32
    %dma_wait3A_19 = tpu.memref_slice %arg2[%dma_wait3A] : memref<3200000xi32, #tpu.memory_space<hbm>> -> memref<10000xi32, #tpu.memory_space<hbm>>
    %dma_wait3A_20 = arith.constant 0 : i32
    %dma_wait3A_21 = tpu.memref_slice %arg2[%dma_wait3A_20] : memref<3200000xi32, #tpu.memory_space<hbm>> -> memref<10000xi32, #tpu.memory_space<hbm>>
    tpu.wait_dma2 semaphore(%arg15 : memref<!tpu.dma_semaphore, #tpu.memory_space<semaphore_mem>>) src(%dma_wait3A_21 : memref<10000xi32, #tpu.memory_space<hbm>>) dst(%arg9 : memref<10000xi32, #tpu.memory_space<vmem>>)
    %dma_wait3A_22 = arith.constant 0 : i32
    %dma_wait3A_23 = tpu.memref_slice %arg3[%dma_wait3A_22] : memref<3200000xi32, #tpu.memory_space<hbm>> -> memref<10000xi32, #tpu.memory_space<hbm>>
    %dma_wait3A_24 = arith.constant 0 : i32
    %dma_wait3A_25 = tpu.memref_slice %arg3[%dma_wait3A_24] : memref<3200000xi32, #tpu.memory_space<hbm>> -> memref<10000xi32, #tpu.memory_space<hbm>>
    tpu.wait_dma2 semaphore(%arg15 : memref<!tpu.dma_semaphore, #tpu.memory_space<semaphore_mem>>) src(%dma_wait3A_25 : memref<10000xi32, #tpu.memory_space<hbm>>) dst(%arg10 : memref<10000xi32, #tpu.memory_space<vmem>>)
    "tpu.region"() ({
      %run_scoped3A = tpu.sem_alloc : memref<!tpu.dma_semaphore, #tpu.memory_space<semaphore_mem>>
      %dma_start3A_40 = arith.constant 0 : i32
      %dma_start3A_41 = tpu.memref_slice %arg7[%dma_start3A_40] : memref<100096xf32, #tpu.memory_space<vmem_shared>> -> memref<100096xf32, #tpu.memory_space<vmem_shared>>
      tpu.enqueue_indirect_dma source(%dma_start3A_41 : memref<100096xf32, #tpu.memory_space<vmem_shared>>) target(%arg13 : memref<10000xf32, #tpu.memory_space<vmem>>) offsets(%arg9 : memref<10000xi32, #tpu.memory_space<vmem>>) semaphore(%run_scoped3A : memref<!tpu.dma_semaphore, #tpu.memory_space<semaphore_mem>>)
      %dma_wait3A_42 = arith.constant 0 : i32
      %dma_wait3A_43 = tpu.memref_slice %arg7[%dma_wait3A_42] : memref<100096xf32, #tpu.memory_space<vmem_shared>> -> memref<100096xf32, #tpu.memory_space<vmem_shared>>
      tpu.wait_indirect_dma semaphore(%run_scoped3A : memref<!tpu.dma_semaphore, #tpu.memory_space<semaphore_mem>>) src(%dma_wait3A_43 : memref<100096xf32, #tpu.memory_space<vmem_shared>>) dst(%arg13 : memref<10000xf32, #tpu.memory_space<vmem>>)
      tpu.yield
    }) : () -> ()
    "tpu.region"() ({
      %run_scoped3A = tpu.sem_alloc : memref<!tpu.dma_semaphore, #tpu.memory_space<semaphore_mem>>
      %dma_start3A_40 = arith.constant 0 : i32
      %dma_start3A_41 = tpu.memref_slice %arg8[%dma_start3A_40] : memref<100096xf32, #tpu.memory_space<vmem_shared>> -> memref<100096xf32, #tpu.memory_space<vmem_shared>>
      tpu.enqueue_indirect_dma source(%arg13 : memref<10000xf32, #tpu.memory_space<vmem>>) target(%dma_start3A_41 : memref<100096xf32, #tpu.memory_space<vmem_shared>>) offsets(%arg10 : memref<10000xi32, #tpu.memory_space<vmem>>) semaphore(%run_scoped3A : memref<!tpu.dma_semaphore, #tpu.memory_space<semaphore_mem>>) {add = true}
      %dma_wait3A_42 = arith.constant 0 : i32
      %dma_wait3A_43 = tpu.memref_slice %arg8[%dma_wait3A_42] : memref<100096xf32, #tpu.memory_space<vmem_shared>> -> memref<100096xf32, #tpu.memory_space<vmem_shared>>
      tpu.wait_indirect_dma semaphore(%run_scoped3A : memref<!tpu.dma_semaphore, #tpu.memory_space<semaphore_mem>>) src(%arg13 : memref<10000xf32, #tpu.memory_space<vmem>>) dst(%dma_wait3A_43 : memref<100096xf32, #tpu.memory_space<vmem_shared>>)
      tpu.yield
    }) : () -> ()
    %dma_wait3A_26 = arith.constant 0 : i32
    %dma_wait3A_27 = tpu.memref_slice %arg2[%dma_wait3A_26] : memref<3200000xi32, #tpu.memory_space<hbm>> -> memref<10000xi32, #tpu.memory_space<hbm>>
    %dma_wait3A_28 = arith.constant 0 : i32
    %dma_wait3A_29 = tpu.memref_slice %arg2[%dma_wait3A_28] : memref<3200000xi32, #tpu.memory_space<hbm>> -> memref<10000xi32, #tpu.memory_space<hbm>>
    tpu.wait_dma2 semaphore(%arg16 : memref<!tpu.dma_semaphore, #tpu.memory_space<semaphore_mem>>) src(%dma_wait3A_29 : memref<10000xi32, #tpu.memory_space<hbm>>) dst(%arg11 : memref<10000xi32, #tpu.memory_space<vmem>>)
    %dma_wait3A_30 = arith.constant 0 : i32
    %dma_wait3A_31 = tpu.memref_slice %arg3[%dma_wait3A_30] : memref<3200000xi32, #tpu.memory_space<hbm>> -> memref<10000xi32, #tpu.memory_space<hbm>>
    %dma_wait3A_32 = arith.constant 0 : i32
    %dma_wait3A_33 = tpu.memref_slice %arg3[%dma_wait3A_32] : memref<3200000xi32, #tpu.memory_space<hbm>> -> memref<10000xi32, #tpu.memory_space<hbm>>
    tpu.wait_dma2 semaphore(%arg16 : memref<!tpu.dma_semaphore, #tpu.memory_space<semaphore_mem>>) src(%dma_wait3A_33 : memref<10000xi32, #tpu.memory_space<hbm>>) dst(%arg12 : memref<10000xi32, #tpu.memory_space<vmem>>)
    "tpu.region"() ({
      %run_scoped3A = tpu.sem_alloc : memref<!tpu.dma_semaphore, #tpu.memory_space<semaphore_mem>>
      %dma_start3A_40 = arith.constant 0 : i32
      %dma_start3A_41 = tpu.memref_slice %arg7[%dma_start3A_40] : memref<100096xf32, #tpu.memory_space<vmem_shared>> -> memref<100096xf32, #tpu.memory_space<vmem_shared>>
      tpu.enqueue_indirect_dma source(%dma_start3A_41 : memref<100096xf32, #tpu.memory_space<vmem_shared>>) target(%arg13 : memref<10000xf32, #tpu.memory_space<vmem>>) offsets(%arg11 : memref<10000xi32, #tpu.memory_space<vmem>>) semaphore(%run_scoped3A : memref<!tpu.dma_semaphore, #tpu.memory_space<semaphore_mem>>)
      %dma_wait3A_42 = arith.constant 0 : i32
      %dma_wait3A_43 = tpu.memref_slice %arg7[%dma_wait3A_42] : memref<100096xf32, #tpu.memory_space<vmem_shared>> -> memref<100096xf32, #tpu.memory_space<vmem_shared>>
      tpu.wait_indirect_dma semaphore(%run_scoped3A : memref<!tpu.dma_semaphore, #tpu.memory_space<semaphore_mem>>) src(%dma_wait3A_43 : memref<100096xf32, #tpu.memory_space<vmem_shared>>) dst(%arg13 : memref<10000xf32, #tpu.memory_space<vmem>>)
      tpu.yield
    }) : () -> ()
    "tpu.region"() ({
      %run_scoped3A = tpu.sem_alloc : memref<!tpu.dma_semaphore, #tpu.memory_space<semaphore_mem>>
      %dma_start3A_40 = arith.constant 0 : i32
      %dma_start3A_41 = tpu.memref_slice %arg8[%dma_start3A_40] : memref<100096xf32, #tpu.memory_space<vmem_shared>> -> memref<100096xf32, #tpu.memory_space<vmem_shared>>
      tpu.enqueue_indirect_dma source(%arg13 : memref<10000xf32, #tpu.memory_space<vmem>>) target(%dma_start3A_41 : memref<100096xf32, #tpu.memory_space<vmem_shared>>) offsets(%arg12 : memref<10000xi32, #tpu.memory_space<vmem>>) semaphore(%run_scoped3A : memref<!tpu.dma_semaphore, #tpu.memory_space<semaphore_mem>>) {add = true}
      %dma_wait3A_42 = arith.constant 0 : i32
      %dma_wait3A_43 = tpu.memref_slice %arg8[%dma_wait3A_42] : memref<100096xf32, #tpu.memory_space<vmem_shared>> -> memref<100096xf32, #tpu.memory_space<vmem_shared>>
      tpu.wait_indirect_dma semaphore(%run_scoped3A : memref<!tpu.dma_semaphore, #tpu.memory_space<semaphore_mem>>) src(%arg13 : memref<10000xf32, #tpu.memory_space<vmem>>) dst(%dma_wait3A_43 : memref<100096xf32, #tpu.memory_space<vmem_shared>>)
      tpu.yield
    }) : () -> ()
    %barrier3A_34 = arith.constant 0 : index
    tpu.barrier barrier_id(%barrier3A_34)
    "tpu.region"() ({
      %run_scoped3A = tpu.sem_alloc : memref<!tpu.dma_semaphore, #tpu.memory_space<semaphore_mem>>
      %dma_start3A_40 = tpu.memref_slice %arg8[%mul3A_2] : memref<100096xf32, #tpu.memory_space<vmem_shared>> -> memref<6256xf32, #tpu.memory_space<vmem_shared>>
      %dma_start3A_41 = tpu.memref_slice %arg8[%mul3A_2] : memref<100096xf32, #tpu.memory_space<vmem_shared>> -> memref<6256xf32, #tpu.memory_space<vmem_shared>>
      tpu.enqueue_dma source(%dma_start3A_41 : memref<6256xf32, #tpu.memory_space<vmem_shared>>) target(%arg14 : memref<6256xf32, #tpu.memory_space<vmem>>) target_semaphore(%run_scoped3A : memref<!tpu.dma_semaphore, #tpu.memory_space<semaphore_mem>>)
      %dma_wait3A_42 = tpu.memref_slice %arg8[%mul3A_2] : memref<100096xf32, #tpu.memory_space<vmem_shared>> -> memref<6256xf32, #tpu.memory_space<vmem_shared>>
      %dma_wait3A_43 = tpu.memref_slice %arg8[%mul3A_2] : memref<100096xf32, #tpu.memory_space<vmem_shared>> -> memref<6256xf32, #tpu.memory_space<vmem_shared>>
      tpu.wait_dma2 semaphore(%run_scoped3A : memref<!tpu.dma_semaphore, #tpu.memory_space<semaphore_mem>>) src(%dma_wait3A_43 : memref<6256xf32, #tpu.memory_space<vmem_shared>>) dst(%arg14 : memref<6256xf32, #tpu.memory_space<vmem>>)
      tpu.yield
    }) : () -> ()
    %mul3A_35 = arith.constant 100096 : i32
    %mul3A_36 = arith.muli %arg0, %mul3A_35 : i32
    %mul3A_37 = arith.constant 6256 : i32
    %mul3A_38 = arith.muli %arg1, %mul3A_37 : i32
    %add3A_39 = arith.addi %mul3A_36, %mul3A_38 : i32
    "tpu.region"() ({
      %run_scoped3A = tpu.sem_alloc : memref<!tpu.dma_semaphore, #tpu.memory_space<semaphore_mem>>
      %dma_start3A_40 = tpu.memref_slice %arg6[%add3A_39] : memref<200192xf32, #tpu.memory_space<hbm>> -> memref<6256xf32, #tpu.memory_space<hbm>>
      %dma_start3A_41 = tpu.memref_slice %arg6[%add3A_39] : memref<200192xf32, #tpu.memory_space<hbm>> -> memref<6256xf32, #tpu.memory_space<hbm>>
      tpu.enqueue_dma source(%arg14 : memref<6256xf32, #tpu.memory_space<vmem>>) target(%dma_start3A_41 : memref<6256xf32, #tpu.memory_space<hbm>>) target_semaphore(%run_scoped3A : memref<!tpu.dma_semaphore, #tpu.memory_space<semaphore_mem>>)
      %dma_wait3A_42 = tpu.memref_slice %arg6[%add3A_39] : memref<200192xf32, #tpu.memory_space<hbm>> -> memref<6256xf32, #tpu.memory_space<hbm>>
      %dma_wait3A_43 = tpu.memref_slice %arg6[%add3A_39] : memref<200192xf32, #tpu.memory_space<hbm>> -> memref<6256xf32, #tpu.memory_space<hbm>>
      tpu.wait_dma2 semaphore(%run_scoped3A : memref<!tpu.dma_semaphore, #tpu.memory_space<semaphore_mem>>) src(%arg14 : memref<6256xf32, #tpu.memory_space<vmem>>) dst(%dma_wait3A_43 : memref<6256xf32, #tpu.memory_space<hbm>>)
      tpu.yield
    }) : () -> ()
    return
  }
}

#map = affine_map<(d0, d1) -> (0)>
module attributes {stable_mosaic.version = 14 : i64} {
  func.func @_p2_body(%arg0: i32, %arg1: i32, %arg2: memref<3200000xi32, #tpu.memory_space<hbm>>, %arg3: memref<3200000xi32, #tpu.memory_space<hbm>>, %arg4: memref<100096xf32, #tpu.memory_space<hbm>>, %arg5: memref<100096xf32, #tpu.memory_space<hbm>>, %arg6: memref<100096xf32, #tpu.memory_space<hbm>>, %arg7: memref<200192xf32, #tpu.memory_space<hbm>>, %arg8: memref<200192xf32, #tpu.memory_space<hbm>>, %arg9: memref<100096xf32, #tpu.memory_space<vmem_shared>>, %arg10: memref<100096xf32, #tpu.memory_space<vmem_shared>>, %arg11: memref<100096xf32, #tpu.memory_space<vmem_shared>>, %arg12: memref<100096xf32, #tpu.memory_space<vmem_shared>>, %arg13: memref<10000xi32, #tpu.memory_space<vmem>>, %arg14: memref<10000xi32, #tpu.memory_space<vmem>>, %arg15: memref<10000xi32, #tpu.memory_space<vmem>>, %arg16: memref<10000xi32, #tpu.memory_space<vmem>>, %arg17: memref<10000xf32, #tpu.memory_space<vmem>>, %arg18: memref<10000xf32, #tpu.memory_space<vmem>>, %arg19: memref<6256xf32, #tpu.memory_space<vmem>>, %arg20: memref<!tpu.dma_semaphore, #tpu.memory_space<semaphore_mem>>, %arg21: memref<!tpu.dma_semaphore, #tpu.memory_space<semaphore_mem>>) attributes {dimension_semantics = [#tpu.dimension_semantics<core_parallel>, #tpu.dimension_semantics<subcore_parallel>], iteration_bounds = array<i64: 2, 16>, scalar_prefetch = 0 : i64, scratch_operands = 13 : i64, tpu.core_type = #tpu.core_type<sc_vector_subcore>, window_params = [{transform_indices = #map}, {transform_indices = #map}, {transform_indices = #map}, {transform_indices = #map}, {transform_indices = #map}, {transform_indices = #map}, {transform_indices = #map}]} {
    %mul3A = arith.constant 16 : i32
    %mul3A_0 = arith.muli %arg0, %mul3A : i32
    %add3A = arith.addi %mul3A_0, %arg1 : i32
    %mul3A_1 = arith.constant 6256 : i32
    %mul3A_2 = arith.muli %arg1, %mul3A_1 : i32
    %mul3A_3 = arith.constant 100000 : i32
    %mul3A_4 = arith.muli %add3A, %mul3A_3 : i32
    %dma_start3A = tpu.memref_slice %arg2[%mul3A_4] : memref<3200000xi32, #tpu.memory_space<hbm>> -> memref<10000xi32, #tpu.memory_space<hbm>>
    %dma_start3A_5 = tpu.memref_slice %arg2[%mul3A_4] : memref<3200000xi32, #tpu.memory_space<hbm>> -> memref<10000xi32, #tpu.memory_space<hbm>>
    tpu.enqueue_dma source(%dma_start3A_5 : memref<10000xi32, #tpu.memory_space<hbm>>) target(%arg13 : memref<10000xi32, #tpu.memory_space<vmem>>) target_semaphore(%arg20 : memref<!tpu.dma_semaphore, #tpu.memory_space<semaphore_mem>>)
    %dma_start3A_6 = tpu.memref_slice %arg3[%mul3A_4] : memref<3200000xi32, #tpu.memory_space<hbm>> -> memref<10000xi32, #tpu.memory_space<hbm>>
    %dma_start3A_7 = tpu.memref_slice %arg3[%mul3A_4] : memref<3200000xi32, #tpu.memory_space<hbm>> -> memref<10000xi32, #tpu.memory_space<hbm>>
    tpu.enqueue_dma source(%dma_start3A_7 : memref<10000xi32, #tpu.memory_space<hbm>>) target(%arg14 : memref<10000xi32, #tpu.memory_space<vmem>>) target_semaphore(%arg20 : memref<!tpu.dma_semaphore, #tpu.memory_space<semaphore_mem>>)
    "tpu.region"() ({
      %run_scoped3A = tpu.sem_alloc : memref<!tpu.dma_semaphore, #tpu.memory_space<semaphore_mem>>
      %dma_start3A_45 = tpu.memref_slice %arg4[%mul3A_2] : memref<100096xf32, #tpu.memory_space<hbm>> -> memref<6256xf32, #tpu.memory_space<hbm>>
      %dma_start3A_46 = tpu.memref_slice %arg4[%mul3A_2] : memref<100096xf32, #tpu.memory_space<hbm>> -> memref<6256xf32, #tpu.memory_space<hbm>>
      tpu.enqueue_dma source(%dma_start3A_46 : memref<6256xf32, #tpu.memory_space<hbm>>) target(%arg19 : memref<6256xf32, #tpu.memory_space<vmem>>) target_semaphore(%run_scoped3A : memref<!tpu.dma_semaphore, #tpu.memory_space<semaphore_mem>>)
      %dma_wait3A_47 = tpu.memref_slice %arg4[%mul3A_2] : memref<100096xf32, #tpu.memory_space<hbm>> -> memref<6256xf32, #tpu.memory_space<hbm>>
      %dma_wait3A_48 = tpu.memref_slice %arg4[%mul3A_2] : memref<100096xf32, #tpu.memory_space<hbm>> -> memref<6256xf32, #tpu.memory_space<hbm>>
      tpu.wait_dma2 semaphore(%run_scoped3A : memref<!tpu.dma_semaphore, #tpu.memory_space<semaphore_mem>>) src(%dma_wait3A_48 : memref<6256xf32, #tpu.memory_space<hbm>>) dst(%arg19 : memref<6256xf32, #tpu.memory_space<vmem>>)
      tpu.yield
    }) : () -> ()
    "tpu.region"() ({
      %run_scoped3A = tpu.sem_alloc : memref<!tpu.dma_semaphore, #tpu.memory_space<semaphore_mem>>
      %dma_start3A_45 = tpu.memref_slice %arg9[%mul3A_2] : memref<100096xf32, #tpu.memory_space<vmem_shared>> -> memref<6256xf32, #tpu.memory_space<vmem_shared>>
      %dma_start3A_46 = tpu.memref_slice %arg9[%mul3A_2] : memref<100096xf32, #tpu.memory_space<vmem_shared>> -> memref<6256xf32, #tpu.memory_space<vmem_shared>>
      tpu.enqueue_dma source(%arg19 : memref<6256xf32, #tpu.memory_space<vmem>>) target(%dma_start3A_46 : memref<6256xf32, #tpu.memory_space<vmem_shared>>) target_semaphore(%run_scoped3A : memref<!tpu.dma_semaphore, #tpu.memory_space<semaphore_mem>>)
      %dma_wait3A_47 = tpu.memref_slice %arg9[%mul3A_2] : memref<100096xf32, #tpu.memory_space<vmem_shared>> -> memref<6256xf32, #tpu.memory_space<vmem_shared>>
      %dma_wait3A_48 = tpu.memref_slice %arg9[%mul3A_2] : memref<100096xf32, #tpu.memory_space<vmem_shared>> -> memref<6256xf32, #tpu.memory_space<vmem_shared>>
      tpu.wait_dma2 semaphore(%run_scoped3A : memref<!tpu.dma_semaphore, #tpu.memory_space<semaphore_mem>>) src(%arg19 : memref<6256xf32, #tpu.memory_space<vmem>>) dst(%dma_wait3A_48 : memref<6256xf32, #tpu.memory_space<vmem_shared>>)
      tpu.yield
    }) : () -> ()
    "tpu.region"() ({
      %run_scoped3A = tpu.sem_alloc : memref<!tpu.dma_semaphore, #tpu.memory_space<semaphore_mem>>
      %dma_start3A_45 = tpu.memref_slice %arg5[%mul3A_2] : memref<100096xf32, #tpu.memory_space<hbm>> -> memref<6256xf32, #tpu.memory_space<hbm>>
      %dma_start3A_46 = tpu.memref_slice %arg5[%mul3A_2] : memref<100096xf32, #tpu.memory_space<hbm>> -> memref<6256xf32, #tpu.memory_space<hbm>>
      tpu.enqueue_dma source(%dma_start3A_46 : memref<6256xf32, #tpu.memory_space<hbm>>) target(%arg19 : memref<6256xf32, #tpu.memory_space<vmem>>) target_semaphore(%run_scoped3A : memref<!tpu.dma_semaphore, #tpu.memory_space<semaphore_mem>>)
      %dma_wait3A_47 = tpu.memref_slice %arg5[%mul3A_2] : memref<100096xf32, #tpu.memory_space<hbm>> -> memref<6256xf32, #tpu.memory_space<hbm>>
      %dma_wait3A_48 = tpu.memref_slice %arg5[%mul3A_2] : memref<100096xf32, #tpu.memory_space<hbm>> -> memref<6256xf32, #tpu.memory_space<hbm>>
      tpu.wait_dma2 semaphore(%run_scoped3A : memref<!tpu.dma_semaphore, #tpu.memory_space<semaphore_mem>>) src(%dma_wait3A_48 : memref<6256xf32, #tpu.memory_space<hbm>>) dst(%arg19 : memref<6256xf32, #tpu.memory_space<vmem>>)
      tpu.yield
    }) : () -> ()
    "tpu.region"() ({
      %run_scoped3A = tpu.sem_alloc : memref<!tpu.dma_semaphore, #tpu.memory_space<semaphore_mem>>
      %dma_start3A_45 = tpu.memref_slice %arg10[%mul3A_2] : memref<100096xf32, #tpu.memory_space<vmem_shared>> -> memref<6256xf32, #tpu.memory_space<vmem_shared>>
      %dma_start3A_46 = tpu.memref_slice %arg10[%mul3A_2] : memref<100096xf32, #tpu.memory_space<vmem_shared>> -> memref<6256xf32, #tpu.memory_space<vmem_shared>>
      tpu.enqueue_dma source(%arg19 : memref<6256xf32, #tpu.memory_space<vmem>>) target(%dma_start3A_46 : memref<6256xf32, #tpu.memory_space<vmem_shared>>) target_semaphore(%run_scoped3A : memref<!tpu.dma_semaphore, #tpu.memory_space<semaphore_mem>>)
      %dma_wait3A_47 = tpu.memref_slice %arg10[%mul3A_2] : memref<100096xf32, #tpu.memory_space<vmem_shared>> -> memref<6256xf32, #tpu.memory_space<vmem_shared>>
      %dma_wait3A_48 = tpu.memref_slice %arg10[%mul3A_2] : memref<100096xf32, #tpu.memory_space<vmem_shared>> -> memref<6256xf32, #tpu.memory_space<vmem_shared>>
      tpu.wait_dma2 semaphore(%run_scoped3A : memref<!tpu.dma_semaphore, #tpu.memory_space<semaphore_mem>>) src(%arg19 : memref<6256xf32, #tpu.memory_space<vmem>>) dst(%dma_wait3A_48 : memref<6256xf32, #tpu.memory_space<vmem_shared>>)
      tpu.yield
    }) : () -> ()
    "tpu.region"() ({
      %run_scoped3A = tpu.sem_alloc : memref<!tpu.dma_semaphore, #tpu.memory_space<semaphore_mem>>
      %dma_start3A_45 = tpu.memref_slice %arg6[%mul3A_2] : memref<100096xf32, #tpu.memory_space<hbm>> -> memref<6256xf32, #tpu.memory_space<hbm>>
      %dma_start3A_46 = tpu.memref_slice %arg6[%mul3A_2] : memref<100096xf32, #tpu.memory_space<hbm>> -> memref<6256xf32, #tpu.memory_space<hbm>>
      tpu.enqueue_dma source(%dma_start3A_46 : memref<6256xf32, #tpu.memory_space<hbm>>) target(%arg19 : memref<6256xf32, #tpu.memory_space<vmem>>) target_semaphore(%run_scoped3A : memref<!tpu.dma_semaphore, #tpu.memory_space<semaphore_mem>>)
      %dma_wait3A_47 = tpu.memref_slice %arg6[%mul3A_2] : memref<100096xf32, #tpu.memory_space<hbm>> -> memref<6256xf32, #tpu.memory_space<hbm>>
      %dma_wait3A_48 = tpu.memref_slice %arg6[%mul3A_2] : memref<100096xf32, #tpu.memory_space<hbm>> -> memref<6256xf32, #tpu.memory_space<hbm>>
      tpu.wait_dma2 semaphore(%run_scoped3A : memref<!tpu.dma_semaphore, #tpu.memory_space<semaphore_mem>>) src(%dma_wait3A_48 : memref<6256xf32, #tpu.memory_space<hbm>>) dst(%arg19 : memref<6256xf32, #tpu.memory_space<vmem>>)
      tpu.yield
    }) : () -> ()
    "tpu.region"() ({
      %run_scoped3A = tpu.sem_alloc : memref<!tpu.dma_semaphore, #tpu.memory_space<semaphore_mem>>
      %dma_start3A_45 = tpu.memref_slice %arg11[%mul3A_2] : memref<100096xf32, #tpu.memory_space<vmem_shared>> -> memref<6256xf32, #tpu.memory_space<vmem_shared>>
      %dma_start3A_46 = tpu.memref_slice %arg11[%mul3A_2] : memref<100096xf32, #tpu.memory_space<vmem_shared>> -> memref<6256xf32, #tpu.memory_space<vmem_shared>>
      tpu.enqueue_dma source(%arg19 : memref<6256xf32, #tpu.memory_space<vmem>>) target(%dma_start3A_46 : memref<6256xf32, #tpu.memory_space<vmem_shared>>) target_semaphore(%run_scoped3A : memref<!tpu.dma_semaphore, #tpu.memory_space<semaphore_mem>>)
      %dma_wait3A_47 = tpu.memref_slice %arg11[%mul3A_2] : memref<100096xf32, #tpu.memory_space<vmem_shared>> -> memref<6256xf32, #tpu.memory_space<vmem_shared>>
      %dma_wait3A_48 = tpu.memref_slice %arg11[%mul3A_2] : memref<100096xf32, #tpu.memory_space<vmem_shared>> -> memref<6256xf32, #tpu.memory_space<vmem_shared>>
      tpu.wait_dma2 semaphore(%run_scoped3A : memref<!tpu.dma_semaphore, #tpu.memory_space<semaphore_mem>>) src(%arg19 : memref<6256xf32, #tpu.memory_space<vmem>>) dst(%dma_wait3A_48 : memref<6256xf32, #tpu.memory_space<vmem_shared>>)
      tpu.yield
    }) : () -> ()
    "tpu.region"() ({
      %run_scoped3A = tpu.sem_alloc : memref<!tpu.dma_semaphore, #tpu.memory_space<semaphore_mem>>
      %dma_start3A_45 = tpu.memref_slice %arg12[%mul3A_2] : memref<100096xf32, #tpu.memory_space<vmem_shared>> -> memref<6256xf32, #tpu.memory_space<vmem_shared>>
      %dma_start3A_46 = tpu.memref_slice %arg12[%mul3A_2] : memref<100096xf32, #tpu.memory_space<vmem_shared>> -> memref<6256xf32, #tpu.memory_space<vmem_shared>>
      tpu.enqueue_dma source(%arg19 : memref<6256xf32, #tpu.memory_space<vmem>>) target(%dma_start3A_46 : memref<6256xf32, #tpu.memory_space<vmem_shared>>) target_semaphore(%run_scoped3A : memref<!tpu.dma_semaphore, #tpu.memory_space<semaphore_mem>>)
      %dma_wait3A_47 = tpu.memref_slice %arg12[%mul3A_2] : memref<100096xf32, #tpu.memory_space<vmem_shared>> -> memref<6256xf32, #tpu.memory_space<vmem_shared>>
      %dma_wait3A_48 = tpu.memref_slice %arg12[%mul3A_2] : memref<100096xf32, #tpu.memory_space<vmem_shared>> -> memref<6256xf32, #tpu.memory_space<vmem_shared>>
      tpu.wait_dma2 semaphore(%run_scoped3A : memref<!tpu.dma_semaphore, #tpu.memory_space<semaphore_mem>>) src(%arg19 : memref<6256xf32, #tpu.memory_space<vmem>>) dst(%dma_wait3A_48 : memref<6256xf32, #tpu.memory_space<vmem_shared>>)
      tpu.yield
    }) : () -> ()
    %barrier3A = arith.constant 0 : index
    tpu.barrier barrier_id(%barrier3A)
    %scan3A = arith.constant 0 : i32
    %scan3A_8 = arith.constant 0 : i32
    %scan3A_9 = arith.constant 4 : i32
    %scan3A_10 = arith.addi %scan3A_8, %scan3A_9 : i32
    %scan3A_11 = arith.constant 1 : i32
    scf.for %scan3A_45 = %scan3A_8 to %scan3A_10 step %scan3A_11  : i32 {
      %mul3A_46 = arith.constant 20000 : i32
      %mul3A_47 = arith.muli %scan3A_45, %mul3A_46 : i32
      %add3A_48 = arith.addi %mul3A_4, %mul3A_47 : i32
      %add3A_49 = arith.constant 10000 : i32
      %add3A_50 = arith.addi %add3A_48, %add3A_49 : i32
      %dma_start3A_51 = tpu.memref_slice %arg2[%add3A_50] : memref<3200000xi32, #tpu.memory_space<hbm>> -> memref<10000xi32, #tpu.memory_space<hbm>>
      %dma_start3A_52 = tpu.memref_slice %arg2[%add3A_50] : memref<3200000xi32, #tpu.memory_space<hbm>> -> memref<10000xi32, #tpu.memory_space<hbm>>
      tpu.enqueue_dma source(%dma_start3A_52 : memref<10000xi32, #tpu.memory_space<hbm>>) target(%arg15 : memref<10000xi32, #tpu.memory_space<vmem>>) target_semaphore(%arg21 : memref<!tpu.dma_semaphore, #tpu.memory_space<semaphore_mem>>)
      %add3A_53 = arith.constant 10000 : i32
      %add3A_54 = arith.addi %add3A_48, %add3A_53 : i32
      %dma_start3A_55 = tpu.memref_slice %arg3[%add3A_54] : memref<3200000xi32, #tpu.memory_space<hbm>> -> memref<10000xi32, #tpu.memory_space<hbm>>
      %dma_start3A_56 = tpu.memref_slice %arg3[%add3A_54] : memref<3200000xi32, #tpu.memory_space<hbm>> -> memref<10000xi32, #tpu.memory_space<hbm>>
      tpu.enqueue_dma source(%dma_start3A_56 : memref<10000xi32, #tpu.memory_space<hbm>>) target(%arg16 : memref<10000xi32, #tpu.memory_space<vmem>>) target_semaphore(%arg21 : memref<!tpu.dma_semaphore, #tpu.memory_space<semaphore_mem>>)
      %dma_wait3A_57 = arith.constant 0 : i32
      %dma_wait3A_58 = tpu.memref_slice %arg2[%dma_wait3A_57] : memref<3200000xi32, #tpu.memory_space<hbm>> -> memref<10000xi32, #tpu.memory_space<hbm>>
      %dma_wait3A_59 = arith.constant 0 : i32
      %dma_wait3A_60 = tpu.memref_slice %arg2[%dma_wait3A_59] : memref<3200000xi32, #tpu.memory_space<hbm>> -> memref<10000xi32, #tpu.memory_space<hbm>>
      tpu.wait_dma2 semaphore(%arg20 : memref<!tpu.dma_semaphore, #tpu.memory_space<semaphore_mem>>) src(%dma_wait3A_60 : memref<10000xi32, #tpu.memory_space<hbm>>) dst(%arg13 : memref<10000xi32, #tpu.memory_space<vmem>>)
      %dma_wait3A_61 = arith.constant 0 : i32
      %dma_wait3A_62 = tpu.memref_slice %arg3[%dma_wait3A_61] : memref<3200000xi32, #tpu.memory_space<hbm>> -> memref<10000xi32, #tpu.memory_space<hbm>>
      %dma_wait3A_63 = arith.constant 0 : i32
      %dma_wait3A_64 = tpu.memref_slice %arg3[%dma_wait3A_63] : memref<3200000xi32, #tpu.memory_space<hbm>> -> memref<10000xi32, #tpu.memory_space<hbm>>
      tpu.wait_dma2 semaphore(%arg20 : memref<!tpu.dma_semaphore, #tpu.memory_space<semaphore_mem>>) src(%dma_wait3A_64 : memref<10000xi32, #tpu.memory_space<hbm>>) dst(%arg14 : memref<10000xi32, #tpu.memory_space<vmem>>)
      "tpu.region"() ({
        %run_scoped3A = tpu.sem_alloc : memref<!tpu.dma_semaphore, #tpu.memory_space<semaphore_mem>>
        %dma_start3A_81 = arith.constant 0 : i32
        %dma_start3A_82 = tpu.memref_slice %arg9[%dma_start3A_81] : memref<100096xf32, #tpu.memory_space<vmem_shared>> -> memref<100096xf32, #tpu.memory_space<vmem_shared>>
        tpu.enqueue_indirect_dma source(%dma_start3A_82 : memref<100096xf32, #tpu.memory_space<vmem_shared>>) target(%arg17 : memref<10000xf32, #tpu.memory_space<vmem>>) offsets(%arg13 : memref<10000xi32, #tpu.memory_space<vmem>>) semaphore(%run_scoped3A : memref<!tpu.dma_semaphore, #tpu.memory_space<semaphore_mem>>)
        %dma_wait3A_83 = arith.constant 0 : i32
        %dma_wait3A_84 = tpu.memref_slice %arg9[%dma_wait3A_83] : memref<100096xf32, #tpu.memory_space<vmem_shared>> -> memref<100096xf32, #tpu.memory_space<vmem_shared>>
        tpu.wait_indirect_dma semaphore(%run_scoped3A : memref<!tpu.dma_semaphore, #tpu.memory_space<semaphore_mem>>) src(%dma_wait3A_84 : memref<100096xf32, #tpu.memory_space<vmem_shared>>) dst(%arg17 : memref<10000xf32, #tpu.memory_space<vmem>>)
        tpu.yield
      }) : () -> ()
      "tpu.region"() ({
        %run_scoped3A = tpu.sem_alloc : memref<!tpu.dma_semaphore, #tpu.memory_space<semaphore_mem>>
        %dma_start3A_81 = arith.constant 0 : i32
        %dma_start3A_82 = tpu.memref_slice %arg10[%dma_start3A_81] : memref<100096xf32, #tpu.memory_space<vmem_shared>> -> memref<100096xf32, #tpu.memory_space<vmem_shared>>
        tpu.enqueue_indirect_dma source(%dma_start3A_82 : memref<100096xf32, #tpu.memory_space<vmem_shared>>) target(%arg18 : memref<10000xf32, #tpu.memory_space<vmem>>) offsets(%arg13 : memref<10000xi32, #tpu.memory_space<vmem>>) semaphore(%run_scoped3A : memref<!tpu.dma_semaphore, #tpu.memory_space<semaphore_mem>>)
        %dma_wait3A_83 = arith.constant 0 : i32
        %dma_wait3A_84 = tpu.memref_slice %arg10[%dma_wait3A_83] : memref<100096xf32, #tpu.memory_space<vmem_shared>> -> memref<100096xf32, #tpu.memory_space<vmem_shared>>
        tpu.wait_indirect_dma semaphore(%run_scoped3A : memref<!tpu.dma_semaphore, #tpu.memory_space<semaphore_mem>>) src(%dma_wait3A_84 : memref<100096xf32, #tpu.memory_space<vmem_shared>>) dst(%arg18 : memref<10000xf32, #tpu.memory_space<vmem>>)
        tpu.yield
      }) : () -> ()
      "tpu.region"() ({
        %run_scoped3A = tpu.sem_alloc : memref<!tpu.dma_semaphore, #tpu.memory_space<semaphore_mem>>
        %dma_start3A_81 = arith.constant 0 : i32
        %dma_start3A_82 = tpu.memref_slice %arg11[%dma_start3A_81] : memref<100096xf32, #tpu.memory_space<vmem_shared>> -> memref<100096xf32, #tpu.memory_space<vmem_shared>>
        tpu.enqueue_indirect_dma source(%arg17 : memref<10000xf32, #tpu.memory_space<vmem>>) target(%dma_start3A_82 : memref<100096xf32, #tpu.memory_space<vmem_shared>>) offsets(%arg14 : memref<10000xi32, #tpu.memory_space<vmem>>) semaphore(%run_scoped3A : memref<!tpu.dma_semaphore, #tpu.memory_space<semaphore_mem>>) {add = true}
        %dma_wait3A_83 = arith.constant 0 : i32
        %dma_wait3A_84 = tpu.memref_slice %arg11[%dma_wait3A_83] : memref<100096xf32, #tpu.memory_space<vmem_shared>> -> memref<100096xf32, #tpu.memory_space<vmem_shared>>
        tpu.wait_indirect_dma semaphore(%run_scoped3A : memref<!tpu.dma_semaphore, #tpu.memory_space<semaphore_mem>>) src(%arg17 : memref<10000xf32, #tpu.memory_space<vmem>>) dst(%dma_wait3A_84 : memref<100096xf32, #tpu.memory_space<vmem_shared>>)
        tpu.yield
      }) : () -> ()
      "tpu.region"() ({
        %run_scoped3A = tpu.sem_alloc : memref<!tpu.dma_semaphore, #tpu.memory_space<semaphore_mem>>
        %dma_start3A_81 = arith.constant 0 : i32
        %dma_start3A_82 = tpu.memref_slice %arg12[%dma_start3A_81] : memref<100096xf32, #tpu.memory_space<vmem_shared>> -> memref<100096xf32, #tpu.memory_space<vmem_shared>>
        tpu.enqueue_indirect_dma source(%arg18 : memref<10000xf32, #tpu.memory_space<vmem>>) target(%dma_start3A_82 : memref<100096xf32, #tpu.memory_space<vmem_shared>>) offsets(%arg14 : memref<10000xi32, #tpu.memory_space<vmem>>) semaphore(%run_scoped3A : memref<!tpu.dma_semaphore, #tpu.memory_space<semaphore_mem>>) {add = true}
        %dma_wait3A_83 = arith.constant 0 : i32
        %dma_wait3A_84 = tpu.memref_slice %arg12[%dma_wait3A_83] : memref<100096xf32, #tpu.memory_space<vmem_shared>> -> memref<100096xf32, #tpu.memory_space<vmem_shared>>
        tpu.wait_indirect_dma semaphore(%run_scoped3A : memref<!tpu.dma_semaphore, #tpu.memory_space<semaphore_mem>>) src(%arg18 : memref<10000xf32, #tpu.memory_space<vmem>>) dst(%dma_wait3A_84 : memref<100096xf32, #tpu.memory_space<vmem_shared>>)
        tpu.yield
      }) : () -> ()
      %add3A_65 = arith.constant 20000 : i32
      %add3A_66 = arith.addi %add3A_48, %add3A_65 : i32
      %dma_start3A_67 = tpu.memref_slice %arg2[%add3A_66] : memref<3200000xi32, #tpu.memory_space<hbm>> -> memref<10000xi32, #tpu.memory_space<hbm>>
      %dma_start3A_68 = tpu.memref_slice %arg2[%add3A_66] : memref<3200000xi32, #tpu.memory_space<hbm>> -> memref<10000xi32, #tpu.memory_space<hbm>>
      tpu.enqueue_dma source(%dma_start3A_68 : memref<10000xi32, #tpu.memory_space<hbm>>) target(%arg13 : memref<10000xi32, #tpu.memory_space<vmem>>) target_semaphore(%arg20 : memref<!tpu.dma_semaphore, #tpu.memory_space<semaphore_mem>>)
      %add3A_69 = arith.constant 20000 : i32
      %add3A_70 = arith.addi %add3A_48, %add3A_69 : i32
      %dma_start3A_71 = tpu.memref_slice %arg3[%add3A_70] : memref<3200000xi32, #tpu.memory_space<hbm>> -> memref<10000xi32, #tpu.memory_space<hbm>>
      %dma_start3A_72 = tpu.memref_slice %arg3[%add3A_70] : memref<3200000xi32, #tpu.memory_space<hbm>> -> memref<10000xi32, #tpu.memory_space<hbm>>
      tpu.enqueue_dma source(%dma_start3A_72 : memref<10000xi32, #tpu.memory_space<hbm>>) target(%arg14 : memref<10000xi32, #tpu.memory_space<vmem>>) target_semaphore(%arg20 : memref<!tpu.dma_semaphore, #tpu.memory_space<semaphore_mem>>)
      %dma_wait3A_73 = arith.constant 0 : i32
      %dma_wait3A_74 = tpu.memref_slice %arg2[%dma_wait3A_73] : memref<3200000xi32, #tpu.memory_space<hbm>> -> memref<10000xi32, #tpu.memory_space<hbm>>
      %dma_wait3A_75 = arith.constant 0 : i32
      %dma_wait3A_76 = tpu.memref_slice %arg2[%dma_wait3A_75] : memref<3200000xi32, #tpu.memory_space<hbm>> -> memref<10000xi32, #tpu.memory_space<hbm>>
      tpu.wait_dma2 semaphore(%arg21 : memref<!tpu.dma_semaphore, #tpu.memory_space<semaphore_mem>>) src(%dma_wait3A_76 : memref<10000xi32, #tpu.memory_space<hbm>>) dst(%arg15 : memref<10000xi32, #tpu.memory_space<vmem>>)
      %dma_wait3A_77 = arith.constant 0 : i32
      %dma_wait3A_78 = tpu.memref_slice %arg3[%dma_wait3A_77] : memref<3200000xi32, #tpu.memory_space<hbm>> -> memref<10000xi32, #tpu.memory_space<hbm>>
      %dma_wait3A_79 = arith.constant 0 : i32
      %dma_wait3A_80 = tpu.memref_slice %arg3[%dma_wait3A_79] : memref<3200000xi32, #tpu.memory_space<hbm>> -> memref<10000xi32, #tpu.memory_space<hbm>>
      tpu.wait_dma2 semaphore(%arg21 : memref<!tpu.dma_semaphore, #tpu.memory_space<semaphore_mem>>) src(%dma_wait3A_80 : memref<10000xi32, #tpu.memory_space<hbm>>) dst(%arg16 : memref<10000xi32, #tpu.memory_space<vmem>>)
      "tpu.region"() ({
        %run_scoped3A = tpu.sem_alloc : memref<!tpu.dma_semaphore, #tpu.memory_space<semaphore_mem>>
        %dma_start3A_81 = arith.constant 0 : i32
        %dma_start3A_82 = tpu.memref_slice %arg9[%dma_start3A_81] : memref<100096xf32, #tpu.memory_space<vmem_shared>> -> memref<100096xf32, #tpu.memory_space<vmem_shared>>
        tpu.enqueue_indirect_dma source(%dma_start3A_82 : memref<100096xf32, #tpu.memory_space<vmem_shared>>) target(%arg17 : memref<10000xf32, #tpu.memory_space<vmem>>) offsets(%arg15 : memref<10000xi32, #tpu.memory_space<vmem>>) semaphore(%run_scoped3A : memref<!tpu.dma_semaphore, #tpu.memory_space<semaphore_mem>>)
        %dma_wait3A_83 = arith.constant 0 : i32
        %dma_wait3A_84 = tpu.memref_slice %arg9[%dma_wait3A_83] : memref<100096xf32, #tpu.memory_space<vmem_shared>> -> memref<100096xf32, #tpu.memory_space<vmem_shared>>
        tpu.wait_indirect_dma semaphore(%run_scoped3A : memref<!tpu.dma_semaphore, #tpu.memory_space<semaphore_mem>>) src(%dma_wait3A_84 : memref<100096xf32, #tpu.memory_space<vmem_shared>>) dst(%arg17 : memref<10000xf32, #tpu.memory_space<vmem>>)
        tpu.yield
      }) : () -> ()
      "tpu.region"() ({
        %run_scoped3A = tpu.sem_alloc : memref<!tpu.dma_semaphore, #tpu.memory_space<semaphore_mem>>
        %dma_start3A_81 = arith.constant 0 : i32
        %dma_start3A_82 = tpu.memref_slice %arg10[%dma_start3A_81] : memref<100096xf32, #tpu.memory_space<vmem_shared>> -> memref<100096xf32, #tpu.memory_space<vmem_shared>>
        tpu.enqueue_indirect_dma source(%dma_start3A_82 : memref<100096xf32, #tpu.memory_space<vmem_shared>>) target(%arg18 : memref<10000xf32, #tpu.memory_space<vmem>>) offsets(%arg15 : memref<10000xi32, #tpu.memory_space<vmem>>) semaphore(%run_scoped3A : memref<!tpu.dma_semaphore, #tpu.memory_space<semaphore_mem>>)
        %dma_wait3A_83 = arith.constant 0 : i32
        %dma_wait3A_84 = tpu.memref_slice %arg10[%dma_wait3A_83] : memref<100096xf32, #tpu.memory_space<vmem_shared>> -> memref<100096xf32, #tpu.memory_space<vmem_shared>>
        tpu.wait_indirect_dma semaphore(%run_scoped3A : memref<!tpu.dma_semaphore, #tpu.memory_space<semaphore_mem>>) src(%dma_wait3A_84 : memref<100096xf32, #tpu.memory_space<vmem_shared>>) dst(%arg18 : memref<10000xf32, #tpu.memory_space<vmem>>)
        tpu.yield
      }) : () -> ()
      "tpu.region"() ({
        %run_scoped3A = tpu.sem_alloc : memref<!tpu.dma_semaphore, #tpu.memory_space<semaphore_mem>>
        %dma_start3A_81 = arith.constant 0 : i32
        %dma_start3A_82 = tpu.memref_slice %arg11[%dma_start3A_81] : memref<100096xf32, #tpu.memory_space<vmem_shared>> -> memref<100096xf32, #tpu.memory_space<vmem_shared>>
        tpu.enqueue_indirect_dma source(%arg17 : memref<10000xf32, #tpu.memory_space<vmem>>) target(%dma_start3A_82 : memref<100096xf32, #tpu.memory_space<vmem_shared>>) offsets(%arg16 : memref<10000xi32, #tpu.memory_space<vmem>>) semaphore(%run_scoped3A : memref<!tpu.dma_semaphore, #tpu.memory_space<semaphore_mem>>) {add = true}
        %dma_wait3A_83 = arith.constant 0 : i32
        %dma_wait3A_84 = tpu.memref_slice %arg11[%dma_wait3A_83] : memref<100096xf32, #tpu.memory_space<vmem_shared>> -> memref<100096xf32, #tpu.memory_space<vmem_shared>>
        tpu.wait_indirect_dma semaphore(%run_scoped3A : memref<!tpu.dma_semaphore, #tpu.memory_space<semaphore_mem>>) src(%arg17 : memref<10000xf32, #tpu.memory_space<vmem>>) dst(%dma_wait3A_84 : memref<100096xf32, #tpu.memory_space<vmem_shared>>)
        tpu.yield
      }) : () -> ()
      "tpu.region"() ({
        %run_scoped3A = tpu.sem_alloc : memref<!tpu.dma_semaphore, #tpu.memory_space<semaphore_mem>>
        %dma_start3A_81 = arith.constant 0 : i32
        %dma_start3A_82 = tpu.memref_slice %arg12[%dma_start3A_81] : memref<100096xf32, #tpu.memory_space<vmem_shared>> -> memref<100096xf32, #tpu.memory_space<vmem_shared>>
        tpu.enqueue_indirect_dma source(%arg18 : memref<10000xf32, #tpu.memory_space<vmem>>) target(%dma_start3A_82 : memref<100096xf32, #tpu.memory_space<vmem_shared>>) offsets(%arg16 : memref<10000xi32, #tpu.memory_space<vmem>>) semaphore(%run_scoped3A : memref<!tpu.dma_semaphore, #tpu.memory_space<semaphore_mem>>) {add = true}
        %dma_wait3A_83 = arith.constant 0 : i32
        %dma_wait3A_84 = tpu.memref_slice %arg12[%dma_wait3A_83] : memref<100096xf32, #tpu.memory_space<vmem_shared>> -> memref<100096xf32, #tpu.memory_space<vmem_shared>>
        tpu.wait_indirect_dma semaphore(%run_scoped3A : memref<!tpu.dma_semaphore, #tpu.memory_space<semaphore_mem>>) src(%arg18 : memref<10000xf32, #tpu.memory_space<vmem>>) dst(%dma_wait3A_84 : memref<100096xf32, #tpu.memory_space<vmem_shared>>)
        tpu.yield
      }) : () -> ()
    }
    %scan3A_12 = arith.constant 4 : i32
    %add3A_13 = arith.constant 90000 : i32
    %add3A_14 = arith.addi %mul3A_4, %add3A_13 : i32
    %dma_start3A_15 = tpu.memref_slice %arg2[%add3A_14] : memref<3200000xi32, #tpu.memory_space<hbm>> -> memref<10000xi32, #tpu.memory_space<hbm>>
    %dma_start3A_16 = tpu.memref_slice %arg2[%add3A_14] : memref<3200000xi32, #tpu.memory_space<hbm>> -> memref<10000xi32, #tpu.memory_space<hbm>>
    tpu.enqueue_dma source(%dma_start3A_16 : memref<10000xi32, #tpu.memory_space<hbm>>) target(%arg15 : memref<10000xi32, #tpu.memory_space<vmem>>) target_semaphore(%arg21 : memref<!tpu.dma_semaphore, #tpu.memory_space<semaphore_mem>>)
    %dma_start3A_17 = tpu.memref_slice %arg3[%add3A_14] : memref<3200000xi32, #tpu.memory_space<hbm>> -> memref<10000xi32, #tpu.memory_space<hbm>>
    %dma_start3A_18 = tpu.memref_slice %arg3[%add3A_14] : memref<3200000xi32, #tpu.memory_space<hbm>> -> memref<10000xi32, #tpu.memory_space<hbm>>
    tpu.enqueue_dma source(%dma_start3A_18 : memref<10000xi32, #tpu.memory_space<hbm>>) target(%arg16 : memref<10000xi32, #tpu.memory_space<vmem>>) target_semaphore(%arg21 : memref<!tpu.dma_semaphore, #tpu.memory_space<semaphore_mem>>)
    %dma_wait3A = arith.constant 0 : i32
    %dma_wait3A_19 = tpu.memref_slice %arg2[%dma_wait3A] : memref<3200000xi32, #tpu.memory_space<hbm>> -> memref<10000xi32, #tpu.memory_space<hbm>>
    %dma_wait3A_20 = arith.constant 0 : i32
    %dma_wait3A_21 = tpu.memref_slice %arg2[%dma_wait3A_20] : memref<3200000xi32, #tpu.memory_space<hbm>> -> memref<10000xi32, #tpu.memory_space<hbm>>
    tpu.wait_dma2 semaphore(%arg20 : memref<!tpu.dma_semaphore, #tpu.memory_space<semaphore_mem>>) src(%dma_wait3A_21 : memref<10000xi32, #tpu.memory_space<hbm>>) dst(%arg13 : memref<10000xi32, #tpu.memory_space<vmem>>)
    %dma_wait3A_22 = arith.constant 0 : i32
    %dma_wait3A_23 = tpu.memref_slice %arg3[%dma_wait3A_22] : memref<3200000xi32, #tpu.memory_space<hbm>> -> memref<10000xi32, #tpu.memory_space<hbm>>
    %dma_wait3A_24 = arith.constant 0 : i32
    %dma_wait3A_25 = tpu.memref_slice %arg3[%dma_wait3A_24] : memref<3200000xi32, #tpu.memory_space<hbm>> -> memref<10000xi32, #tpu.memory_space<hbm>>
    tpu.wait_dma2 semaphore(%arg20 : memref<!tpu.dma_semaphore, #tpu.memory_space<semaphore_mem>>) src(%dma_wait3A_25 : memref<10000xi32, #tpu.memory_space<hbm>>) dst(%arg14 : memref<10000xi32, #tpu.memory_space<vmem>>)
    "tpu.region"() ({
      %run_scoped3A = tpu.sem_alloc : memref<!tpu.dma_semaphore, #tpu.memory_space<semaphore_mem>>
      %dma_start3A_45 = arith.constant 0 : i32
      %dma_start3A_46 = tpu.memref_slice %arg9[%dma_start3A_45] : memref<100096xf32, #tpu.memory_space<vmem_shared>> -> memref<100096xf32, #tpu.memory_space<vmem_shared>>
      tpu.enqueue_indirect_dma source(%dma_start3A_46 : memref<100096xf32, #tpu.memory_space<vmem_shared>>) target(%arg17 : memref<10000xf32, #tpu.memory_space<vmem>>) offsets(%arg13 : memref<10000xi32, #tpu.memory_space<vmem>>) semaphore(%run_scoped3A : memref<!tpu.dma_semaphore, #tpu.memory_space<semaphore_mem>>)
      %dma_wait3A_47 = arith.constant 0 : i32
      %dma_wait3A_48 = tpu.memref_slice %arg9[%dma_wait3A_47] : memref<100096xf32, #tpu.memory_space<vmem_shared>> -> memref<100096xf32, #tpu.memory_space<vmem_shared>>
      tpu.wait_indirect_dma semaphore(%run_scoped3A : memref<!tpu.dma_semaphore, #tpu.memory_space<semaphore_mem>>) src(%dma_wait3A_48 : memref<100096xf32, #tpu.memory_space<vmem_shared>>) dst(%arg17 : memref<10000xf32, #tpu.memory_space<vmem>>)
      tpu.yield
    }) : () -> ()
    "tpu.region"() ({
      %run_scoped3A = tpu.sem_alloc : memref<!tpu.dma_semaphore, #tpu.memory_space<semaphore_mem>>
      %dma_start3A_45 = arith.constant 0 : i32
      %dma_start3A_46 = tpu.memref_slice %arg10[%dma_start3A_45] : memref<100096xf32, #tpu.memory_space<vmem_shared>> -> memref<100096xf32, #tpu.memory_space<vmem_shared>>
      tpu.enqueue_indirect_dma source(%dma_start3A_46 : memref<100096xf32, #tpu.memory_space<vmem_shared>>) target(%arg18 : memref<10000xf32, #tpu.memory_space<vmem>>) offsets(%arg13 : memref<10000xi32, #tpu.memory_space<vmem>>) semaphore(%run_scoped3A : memref<!tpu.dma_semaphore, #tpu.memory_space<semaphore_mem>>)
      %dma_wait3A_47 = arith.constant 0 : i32
      %dma_wait3A_48 = tpu.memref_slice %arg10[%dma_wait3A_47] : memref<100096xf32, #tpu.memory_space<vmem_shared>> -> memref<100096xf32, #tpu.memory_space<vmem_shared>>
      tpu.wait_indirect_dma semaphore(%run_scoped3A : memref<!tpu.dma_semaphore, #tpu.memory_space<semaphore_mem>>) src(%dma_wait3A_48 : memref<100096xf32, #tpu.memory_space<vmem_shared>>) dst(%arg18 : memref<10000xf32, #tpu.memory_space<vmem>>)
      tpu.yield
    }) : () -> ()
    "tpu.region"() ({
      %run_scoped3A = tpu.sem_alloc : memref<!tpu.dma_semaphore, #tpu.memory_space<semaphore_mem>>
      %dma_start3A_45 = arith.constant 0 : i32
      %dma_start3A_46 = tpu.memref_slice %arg11[%dma_start3A_45] : memref<100096xf32, #tpu.memory_space<vmem_shared>> -> memref<100096xf32, #tpu.memory_space<vmem_shared>>
      tpu.enqueue_indirect_dma source(%arg17 : memref<10000xf32, #tpu.memory_space<vmem>>) target(%dma_start3A_46 : memref<100096xf32, #tpu.memory_space<vmem_shared>>) offsets(%arg14 : memref<10000xi32, #tpu.memory_space<vmem>>) semaphore(%run_scoped3A : memref<!tpu.dma_semaphore, #tpu.memory_space<semaphore_mem>>) {add = true}
      %dma_wait3A_47 = arith.constant 0 : i32
      %dma_wait3A_48 = tpu.memref_slice %arg11[%dma_wait3A_47] : memref<100096xf32, #tpu.memory_space<vmem_shared>> -> memref<100096xf32, #tpu.memory_space<vmem_shared>>
      tpu.wait_indirect_dma semaphore(%run_scoped3A : memref<!tpu.dma_semaphore, #tpu.memory_space<semaphore_mem>>) src(%arg17 : memref<10000xf32, #tpu.memory_space<vmem>>) dst(%dma_wait3A_48 : memref<100096xf32, #tpu.memory_space<vmem_shared>>)
      tpu.yield
    }) : () -> ()
    "tpu.region"() ({
      %run_scoped3A = tpu.sem_alloc : memref<!tpu.dma_semaphore, #tpu.memory_space<semaphore_mem>>
      %dma_start3A_45 = arith.constant 0 : i32
      %dma_start3A_46 = tpu.memref_slice %arg12[%dma_start3A_45] : memref<100096xf32, #tpu.memory_space<vmem_shared>> -> memref<100096xf32, #tpu.memory_space<vmem_shared>>
      tpu.enqueue_indirect_dma source(%arg18 : memref<10000xf32, #tpu.memory_space<vmem>>) target(%dma_start3A_46 : memref<100096xf32, #tpu.memory_space<vmem_shared>>) offsets(%arg14 : memref<10000xi32, #tpu.memory_space<vmem>>) semaphore(%run_scoped3A : memref<!tpu.dma_semaphore, #tpu.memory_space<semaphore_mem>>) {add = true}
      %dma_wait3A_47 = arith.constant 0 : i32
      %dma_wait3A_48 = tpu.memref_slice %arg12[%dma_wait3A_47] : memref<100096xf32, #tpu.memory_space<vmem_shared>> -> memref<100096xf32, #tpu.memory_space<vmem_shared>>
      tpu.wait_indirect_dma semaphore(%run_scoped3A : memref<!tpu.dma_semaphore, #tpu.memory_space<semaphore_mem>>) src(%arg18 : memref<10000xf32, #tpu.memory_space<vmem>>) dst(%dma_wait3A_48 : memref<100096xf32, #tpu.memory_space<vmem_shared>>)
      tpu.yield
    }) : () -> ()
    %dma_wait3A_26 = arith.constant 0 : i32
    %dma_wait3A_27 = tpu.memref_slice %arg2[%dma_wait3A_26] : memref<3200000xi32, #tpu.memory_space<hbm>> -> memref<10000xi32, #tpu.memory_space<hbm>>
    %dma_wait3A_28 = arith.constant 0 : i32
    %dma_wait3A_29 = tpu.memref_slice %arg2[%dma_wait3A_28] : memref<3200000xi32, #tpu.memory_space<hbm>> -> memref<10000xi32, #tpu.memory_space<hbm>>
    tpu.wait_dma2 semaphore(%arg21 : memref<!tpu.dma_semaphore, #tpu.memory_space<semaphore_mem>>) src(%dma_wait3A_29 : memref<10000xi32, #tpu.memory_space<hbm>>) dst(%arg15 : memref<10000xi32, #tpu.memory_space<vmem>>)
    %dma_wait3A_30 = arith.constant 0 : i32
    %dma_wait3A_31 = tpu.memref_slice %arg3[%dma_wait3A_30] : memref<3200000xi32, #tpu.memory_space<hbm>> -> memref<10000xi32, #tpu.memory_space<hbm>>
    %dma_wait3A_32 = arith.constant 0 : i32
    %dma_wait3A_33 = tpu.memref_slice %arg3[%dma_wait3A_32] : memref<3200000xi32, #tpu.memory_space<hbm>> -> memref<10000xi32, #tpu.memory_space<hbm>>
    tpu.wait_dma2 semaphore(%arg21 : memref<!tpu.dma_semaphore, #tpu.memory_space<semaphore_mem>>) src(%dma_wait3A_33 : memref<10000xi32, #tpu.memory_space<hbm>>) dst(%arg16 : memref<10000xi32, #tpu.memory_space<vmem>>)
    "tpu.region"() ({
      %run_scoped3A = tpu.sem_alloc : memref<!tpu.dma_semaphore, #tpu.memory_space<semaphore_mem>>
      %dma_start3A_45 = arith.constant 0 : i32
      %dma_start3A_46 = tpu.memref_slice %arg9[%dma_start3A_45] : memref<100096xf32, #tpu.memory_space<vmem_shared>> -> memref<100096xf32, #tpu.memory_space<vmem_shared>>
      tpu.enqueue_indirect_dma source(%dma_start3A_46 : memref<100096xf32, #tpu.memory_space<vmem_shared>>) target(%arg17 : memref<10000xf32, #tpu.memory_space<vmem>>) offsets(%arg15 : memref<10000xi32, #tpu.memory_space<vmem>>) semaphore(%run_scoped3A : memref<!tpu.dma_semaphore, #tpu.memory_space<semaphore_mem>>)
      %dma_wait3A_47 = arith.constant 0 : i32
      %dma_wait3A_48 = tpu.memref_slice %arg9[%dma_wait3A_47] : memref<100096xf32, #tpu.memory_space<vmem_shared>> -> memref<100096xf32, #tpu.memory_space<vmem_shared>>
      tpu.wait_indirect_dma semaphore(%run_scoped3A : memref<!tpu.dma_semaphore, #tpu.memory_space<semaphore_mem>>) src(%dma_wait3A_48 : memref<100096xf32, #tpu.memory_space<vmem_shared>>) dst(%arg17 : memref<10000xf32, #tpu.memory_space<vmem>>)
      tpu.yield
    }) : () -> ()
    "tpu.region"() ({
      %run_scoped3A = tpu.sem_alloc : memref<!tpu.dma_semaphore, #tpu.memory_space<semaphore_mem>>
      %dma_start3A_45 = arith.constant 0 : i32
      %dma_start3A_46 = tpu.memref_slice %arg10[%dma_start3A_45] : memref<100096xf32, #tpu.memory_space<vmem_shared>> -> memref<100096xf32, #tpu.memory_space<vmem_shared>>
      tpu.enqueue_indirect_dma source(%dma_start3A_46 : memref<100096xf32, #tpu.memory_space<vmem_shared>>) target(%arg18 : memref<10000xf32, #tpu.memory_space<vmem>>) offsets(%arg15 : memref<10000xi32, #tpu.memory_space<vmem>>) semaphore(%run_scoped3A : memref<!tpu.dma_semaphore, #tpu.memory_space<semaphore_mem>>)
      %dma_wait3A_47 = arith.constant 0 : i32
      %dma_wait3A_48 = tpu.memref_slice %arg10[%dma_wait3A_47] : memref<100096xf32, #tpu.memory_space<vmem_shared>> -> memref<100096xf32, #tpu.memory_space<vmem_shared>>
      tpu.wait_indirect_dma semaphore(%run_scoped3A : memref<!tpu.dma_semaphore, #tpu.memory_space<semaphore_mem>>) src(%dma_wait3A_48 : memref<100096xf32, #tpu.memory_space<vmem_shared>>) dst(%arg18 : memref<10000xf32, #tpu.memory_space<vmem>>)
      tpu.yield
    }) : () -> ()
    "tpu.region"() ({
      %run_scoped3A = tpu.sem_alloc : memref<!tpu.dma_semaphore, #tpu.memory_space<semaphore_mem>>
      %dma_start3A_45 = arith.constant 0 : i32
      %dma_start3A_46 = tpu.memref_slice %arg11[%dma_start3A_45] : memref<100096xf32, #tpu.memory_space<vmem_shared>> -> memref<100096xf32, #tpu.memory_space<vmem_shared>>
      tpu.enqueue_indirect_dma source(%arg17 : memref<10000xf32, #tpu.memory_space<vmem>>) target(%dma_start3A_46 : memref<100096xf32, #tpu.memory_space<vmem_shared>>) offsets(%arg16 : memref<10000xi32, #tpu.memory_space<vmem>>) semaphore(%run_scoped3A : memref<!tpu.dma_semaphore, #tpu.memory_space<semaphore_mem>>) {add = true}
      %dma_wait3A_47 = arith.constant 0 : i32
      %dma_wait3A_48 = tpu.memref_slice %arg11[%dma_wait3A_47] : memref<100096xf32, #tpu.memory_space<vmem_shared>> -> memref<100096xf32, #tpu.memory_space<vmem_shared>>
      tpu.wait_indirect_dma semaphore(%run_scoped3A : memref<!tpu.dma_semaphore, #tpu.memory_space<semaphore_mem>>) src(%arg17 : memref<10000xf32, #tpu.memory_space<vmem>>) dst(%dma_wait3A_48 : memref<100096xf32, #tpu.memory_space<vmem_shared>>)
      tpu.yield
    }) : () -> ()
    "tpu.region"() ({
      %run_scoped3A = tpu.sem_alloc : memref<!tpu.dma_semaphore, #tpu.memory_space<semaphore_mem>>
      %dma_start3A_45 = arith.constant 0 : i32
      %dma_start3A_46 = tpu.memref_slice %arg12[%dma_start3A_45] : memref<100096xf32, #tpu.memory_space<vmem_shared>> -> memref<100096xf32, #tpu.memory_space<vmem_shared>>
      tpu.enqueue_indirect_dma source(%arg18 : memref<10000xf32, #tpu.memory_space<vmem>>) target(%dma_start3A_46 : memref<100096xf32, #tpu.memory_space<vmem_shared>>) offsets(%arg16 : memref<10000xi32, #tpu.memory_space<vmem>>) semaphore(%run_scoped3A : memref<!tpu.dma_semaphore, #tpu.memory_space<semaphore_mem>>) {add = true}
      %dma_wait3A_47 = arith.constant 0 : i32
      %dma_wait3A_48 = tpu.memref_slice %arg12[%dma_wait3A_47] : memref<100096xf32, #tpu.memory_space<vmem_shared>> -> memref<100096xf32, #tpu.memory_space<vmem_shared>>
      tpu.wait_indirect_dma semaphore(%run_scoped3A : memref<!tpu.dma_semaphore, #tpu.memory_space<semaphore_mem>>) src(%arg18 : memref<10000xf32, #tpu.memory_space<vmem>>) dst(%dma_wait3A_48 : memref<100096xf32, #tpu.memory_space<vmem_shared>>)
      tpu.yield
    }) : () -> ()
    %barrier3A_34 = arith.constant 0 : index
    tpu.barrier barrier_id(%barrier3A_34)
    "tpu.region"() ({
      %run_scoped3A = tpu.sem_alloc : memref<!tpu.dma_semaphore, #tpu.memory_space<semaphore_mem>>
      %dma_start3A_45 = tpu.memref_slice %arg11[%mul3A_2] : memref<100096xf32, #tpu.memory_space<vmem_shared>> -> memref<6256xf32, #tpu.memory_space<vmem_shared>>
      %dma_start3A_46 = tpu.memref_slice %arg11[%mul3A_2] : memref<100096xf32, #tpu.memory_space<vmem_shared>> -> memref<6256xf32, #tpu.memory_space<vmem_shared>>
      tpu.enqueue_dma source(%dma_start3A_46 : memref<6256xf32, #tpu.memory_space<vmem_shared>>) target(%arg19 : memref<6256xf32, #tpu.memory_space<vmem>>) target_semaphore(%run_scoped3A : memref<!tpu.dma_semaphore, #tpu.memory_space<semaphore_mem>>)
      %dma_wait3A_47 = tpu.memref_slice %arg11[%mul3A_2] : memref<100096xf32, #tpu.memory_space<vmem_shared>> -> memref<6256xf32, #tpu.memory_space<vmem_shared>>
      %dma_wait3A_48 = tpu.memref_slice %arg11[%mul3A_2] : memref<100096xf32, #tpu.memory_space<vmem_shared>> -> memref<6256xf32, #tpu.memory_space<vmem_shared>>
      tpu.wait_dma2 semaphore(%run_scoped3A : memref<!tpu.dma_semaphore, #tpu.memory_space<semaphore_mem>>) src(%dma_wait3A_48 : memref<6256xf32, #tpu.memory_space<vmem_shared>>) dst(%arg19 : memref<6256xf32, #tpu.memory_space<vmem>>)
      tpu.yield
    }) : () -> ()
    %mul3A_35 = arith.constant 100096 : i32
    %mul3A_36 = arith.muli %arg0, %mul3A_35 : i32
    %mul3A_37 = arith.constant 6256 : i32
    %mul3A_38 = arith.muli %arg1, %mul3A_37 : i32
    %add3A_39 = arith.addi %mul3A_36, %mul3A_38 : i32
    "tpu.region"() ({
      %run_scoped3A = tpu.sem_alloc : memref<!tpu.dma_semaphore, #tpu.memory_space<semaphore_mem>>
      %dma_start3A_45 = tpu.memref_slice %arg7[%add3A_39] : memref<200192xf32, #tpu.memory_space<hbm>> -> memref<6256xf32, #tpu.memory_space<hbm>>
      %dma_start3A_46 = tpu.memref_slice %arg7[%add3A_39] : memref<200192xf32, #tpu.memory_space<hbm>> -> memref<6256xf32, #tpu.memory_space<hbm>>
      tpu.enqueue_dma source(%arg19 : memref<6256xf32, #tpu.memory_space<vmem>>) target(%dma_start3A_46 : memref<6256xf32, #tpu.memory_space<hbm>>) target_semaphore(%run_scoped3A : memref<!tpu.dma_semaphore, #tpu.memory_space<semaphore_mem>>)
      %dma_wait3A_47 = tpu.memref_slice %arg7[%add3A_39] : memref<200192xf32, #tpu.memory_space<hbm>> -> memref<6256xf32, #tpu.memory_space<hbm>>
      %dma_wait3A_48 = tpu.memref_slice %arg7[%add3A_39] : memref<200192xf32, #tpu.memory_space<hbm>> -> memref<6256xf32, #tpu.memory_space<hbm>>
      tpu.wait_dma2 semaphore(%run_scoped3A : memref<!tpu.dma_semaphore, #tpu.memory_space<semaphore_mem>>) src(%arg19 : memref<6256xf32, #tpu.memory_space<vmem>>) dst(%dma_wait3A_48 : memref<6256xf32, #tpu.memory_space<hbm>>)
      tpu.yield
    }) : () -> ()
    "tpu.region"() ({
      %run_scoped3A = tpu.sem_alloc : memref<!tpu.dma_semaphore, #tpu.memory_space<semaphore_mem>>
      %dma_start3A_45 = tpu.memref_slice %arg12[%mul3A_2] : memref<100096xf32, #tpu.memory_space<vmem_shared>> -> memref<6256xf32, #tpu.memory_space<vmem_shared>>
      %dma_start3A_46 = tpu.memref_slice %arg12[%mul3A_2] : memref<100096xf32, #tpu.memory_space<vmem_shared>> -> memref<6256xf32, #tpu.memory_space<vmem_shared>>
      tpu.enqueue_dma source(%dma_start3A_46 : memref<6256xf32, #tpu.memory_space<vmem_shared>>) target(%arg19 : memref<6256xf32, #tpu.memory_space<vmem>>) target_semaphore(%run_scoped3A : memref<!tpu.dma_semaphore, #tpu.memory_space<semaphore_mem>>)
      %dma_wait3A_47 = tpu.memref_slice %arg12[%mul3A_2] : memref<100096xf32, #tpu.memory_space<vmem_shared>> -> memref<6256xf32, #tpu.memory_space<vmem_shared>>
      %dma_wait3A_48 = tpu.memref_slice %arg12[%mul3A_2] : memref<100096xf32, #tpu.memory_space<vmem_shared>> -> memref<6256xf32, #tpu.memory_space<vmem_shared>>
      tpu.wait_dma2 semaphore(%run_scoped3A : memref<!tpu.dma_semaphore, #tpu.memory_space<semaphore_mem>>) src(%dma_wait3A_48 : memref<6256xf32, #tpu.memory_space<vmem_shared>>) dst(%arg19 : memref<6256xf32, #tpu.memory_space<vmem>>)
      tpu.yield
    }) : () -> ()
    %mul3A_40 = arith.constant 100096 : i32
    %mul3A_41 = arith.muli %arg0, %mul3A_40 : i32
    %mul3A_42 = arith.constant 6256 : i32
    %mul3A_43 = arith.muli %arg1, %mul3A_42 : i32
    %add3A_44 = arith.addi %mul3A_41, %mul3A_43 : i32
    "tpu.region"() ({
      %run_scoped3A = tpu.sem_alloc : memref<!tpu.dma_semaphore, #tpu.memory_space<semaphore_mem>>
      %dma_start3A_45 = tpu.memref_slice %arg8[%add3A_44] : memref<200192xf32, #tpu.memory_space<hbm>> -> memref<6256xf32, #tpu.memory_space<hbm>>
      %dma_start3A_46 = tpu.memref_slice %arg8[%add3A_44] : memref<200192xf32, #tpu.memory_space<hbm>> -> memref<6256xf32, #tpu.memory_space<hbm>>
      tpu.enqueue_dma source(%arg19 : memref<6256xf32, #tpu.memory_space<vmem>>) target(%dma_start3A_46 : memref<6256xf32, #tpu.memory_space<hbm>>) target_semaphore(%run_scoped3A : memref<!tpu.dma_semaphore, #tpu.memory_space<semaphore_mem>>)
      %dma_wait3A_47 = tpu.memref_slice %arg8[%add3A_44] : memref<200192xf32, #tpu.memory_space<hbm>> -> memref<6256xf32, #tpu.memory_space<hbm>>
      %dma_wait3A_48 = tpu.memref_slice %arg8[%add3A_44] : memref<200192xf32, #tpu.memory_space<hbm>> -> memref<6256xf32, #tpu.memory_space<hbm>>
      tpu.wait_dma2 semaphore(%run_scoped3A : memref<!tpu.dma_semaphore, #tpu.memory_space<semaphore_mem>>) src(%arg19 : memref<6256xf32, #tpu.memory_space<vmem>>) dst(%dma_wait3A_48 : memref<6256xf32, #tpu.memory_space<hbm>>)
      tpu.yield
    }) : () -> ()
    return
  }
}

#map = affine_map<(d0, d1) -> (0)>
module attributes {stable_mosaic.version = 14 : i64} {
  func.func @_deg_body(%arg0: i32, %arg1: i32, %arg2: memref<3200000xi32, #tpu.memory_space<hbm>>, %arg3: memref<10000xf32, #tpu.memory_space<hbm>>, %arg4: memref<100096xf32, #tpu.memory_space<hbm>>, %arg5: memref<200192xf32, #tpu.memory_space<hbm>>, %arg6: memref<100096xf32, #tpu.memory_space<vmem_shared>>, %arg7: memref<10000xi32, #tpu.memory_space<vmem>>, %arg8: memref<10000xi32, #tpu.memory_space<vmem>>, %arg9: memref<10000xf32, #tpu.memory_space<vmem>>, %arg10: memref<6256xf32, #tpu.memory_space<vmem>>, %arg11: memref<!tpu.dma_semaphore, #tpu.memory_space<semaphore_mem>>, %arg12: memref<!tpu.dma_semaphore, #tpu.memory_space<semaphore_mem>>) attributes {dimension_semantics = [#tpu.dimension_semantics<core_parallel>, #tpu.dimension_semantics<subcore_parallel>], iteration_bounds = array<i64: 2, 16>, scalar_prefetch = 0 : i64, scratch_operands = 7 : i64, tpu.core_type = #tpu.core_type<sc_vector_subcore>, window_params = [{transform_indices = #map}, {transform_indices = #map}, {transform_indices = #map}, {transform_indices = #map}]} {
    %mul3A = arith.constant 16 : i32
    %mul3A_0 = arith.muli %arg0, %mul3A : i32
    %add3A = arith.addi %mul3A_0, %arg1 : i32
    %mul3A_1 = arith.constant 6256 : i32
    %mul3A_2 = arith.muli %arg1, %mul3A_1 : i32
    %mul3A_3 = arith.constant 100000 : i32
    %mul3A_4 = arith.muli %add3A, %mul3A_3 : i32
    %dma_start3A = tpu.memref_slice %arg2[%mul3A_4] : memref<3200000xi32, #tpu.memory_space<hbm>> -> memref<10000xi32, #tpu.memory_space<hbm>>
    %dma_start3A_5 = tpu.memref_slice %arg2[%mul3A_4] : memref<3200000xi32, #tpu.memory_space<hbm>> -> memref<10000xi32, #tpu.memory_space<hbm>>
    tpu.enqueue_dma source(%dma_start3A_5 : memref<10000xi32, #tpu.memory_space<hbm>>) target(%arg7 : memref<10000xi32, #tpu.memory_space<vmem>>) target_semaphore(%arg11 : memref<!tpu.dma_semaphore, #tpu.memory_space<semaphore_mem>>)
    "tpu.region"() ({
      %run_scoped3A = tpu.sem_alloc : memref<!tpu.dma_semaphore, #tpu.memory_space<semaphore_mem>>
      %dma_start3A_28 = tpu.memref_slice %arg4[%mul3A_2] : memref<100096xf32, #tpu.memory_space<hbm>> -> memref<6256xf32, #tpu.memory_space<hbm>>
      %dma_start3A_29 = tpu.memref_slice %arg4[%mul3A_2] : memref<100096xf32, #tpu.memory_space<hbm>> -> memref<6256xf32, #tpu.memory_space<hbm>>
      tpu.enqueue_dma source(%dma_start3A_29 : memref<6256xf32, #tpu.memory_space<hbm>>) target(%arg10 : memref<6256xf32, #tpu.memory_space<vmem>>) target_semaphore(%run_scoped3A : memref<!tpu.dma_semaphore, #tpu.memory_space<semaphore_mem>>)
      %dma_wait3A_30 = tpu.memref_slice %arg4[%mul3A_2] : memref<100096xf32, #tpu.memory_space<hbm>> -> memref<6256xf32, #tpu.memory_space<hbm>>
      %dma_wait3A_31 = tpu.memref_slice %arg4[%mul3A_2] : memref<100096xf32, #tpu.memory_space<hbm>> -> memref<6256xf32, #tpu.memory_space<hbm>>
      tpu.wait_dma2 semaphore(%run_scoped3A : memref<!tpu.dma_semaphore, #tpu.memory_space<semaphore_mem>>) src(%dma_wait3A_31 : memref<6256xf32, #tpu.memory_space<hbm>>) dst(%arg10 : memref<6256xf32, #tpu.memory_space<vmem>>)
      tpu.yield
    }) : () -> ()
    "tpu.region"() ({
      %run_scoped3A = tpu.sem_alloc : memref<!tpu.dma_semaphore, #tpu.memory_space<semaphore_mem>>
      %dma_start3A_28 = tpu.memref_slice %arg6[%mul3A_2] : memref<100096xf32, #tpu.memory_space<vmem_shared>> -> memref<6256xf32, #tpu.memory_space<vmem_shared>>
      %dma_start3A_29 = tpu.memref_slice %arg6[%mul3A_2] : memref<100096xf32, #tpu.memory_space<vmem_shared>> -> memref<6256xf32, #tpu.memory_space<vmem_shared>>
      tpu.enqueue_dma source(%arg10 : memref<6256xf32, #tpu.memory_space<vmem>>) target(%dma_start3A_29 : memref<6256xf32, #tpu.memory_space<vmem_shared>>) target_semaphore(%run_scoped3A : memref<!tpu.dma_semaphore, #tpu.memory_space<semaphore_mem>>)
      %dma_wait3A_30 = tpu.memref_slice %arg6[%mul3A_2] : memref<100096xf32, #tpu.memory_space<vmem_shared>> -> memref<6256xf32, #tpu.memory_space<vmem_shared>>
      %dma_wait3A_31 = tpu.memref_slice %arg6[%mul3A_2] : memref<100096xf32, #tpu.memory_space<vmem_shared>> -> memref<6256xf32, #tpu.memory_space<vmem_shared>>
      tpu.wait_dma2 semaphore(%run_scoped3A : memref<!tpu.dma_semaphore, #tpu.memory_space<semaphore_mem>>) src(%arg10 : memref<6256xf32, #tpu.memory_space<vmem>>) dst(%dma_wait3A_31 : memref<6256xf32, #tpu.memory_space<vmem_shared>>)
      tpu.yield
    }) : () -> ()
    "tpu.region"() ({
      %run_scoped3A = tpu.sem_alloc : memref<!tpu.dma_semaphore, #tpu.memory_space<semaphore_mem>>
      tpu.enqueue_dma source(%arg3 : memref<10000xf32, #tpu.memory_space<hbm>>) target(%arg9 : memref<10000xf32, #tpu.memory_space<vmem>>) target_semaphore(%run_scoped3A : memref<!tpu.dma_semaphore, #tpu.memory_space<semaphore_mem>>)
      tpu.wait_dma2 semaphore(%run_scoped3A : memref<!tpu.dma_semaphore, #tpu.memory_space<semaphore_mem>>) src(%arg3 : memref<10000xf32, #tpu.memory_space<hbm>>) dst(%arg9 : memref<10000xf32, #tpu.memory_space<vmem>>)
      tpu.yield
    }) : () -> ()
    %barrier3A = arith.constant 0 : index
    tpu.barrier barrier_id(%barrier3A)
    %scan3A = arith.constant 0 : i32
    %scan3A_6 = arith.constant 0 : i32
    %scan3A_7 = arith.constant 4 : i32
    %scan3A_8 = arith.addi %scan3A_6, %scan3A_7 : i32
    %scan3A_9 = arith.constant 1 : i32
    scf.for %scan3A_28 = %scan3A_6 to %scan3A_8 step %scan3A_9  : i32 {
      %mul3A_29 = arith.constant 20000 : i32
      %mul3A_30 = arith.muli %scan3A_28, %mul3A_29 : i32
      %add3A_31 = arith.addi %mul3A_4, %mul3A_30 : i32
      %add3A_32 = arith.constant 10000 : i32
      %add3A_33 = arith.addi %add3A_31, %add3A_32 : i32
      %dma_start3A_34 = tpu.memref_slice %arg2[%add3A_33] : memref<3200000xi32, #tpu.memory_space<hbm>> -> memref<10000xi32, #tpu.memory_space<hbm>>
      %dma_start3A_35 = tpu.memref_slice %arg2[%add3A_33] : memref<3200000xi32, #tpu.memory_space<hbm>> -> memref<10000xi32, #tpu.memory_space<hbm>>
      tpu.enqueue_dma source(%dma_start3A_35 : memref<10000xi32, #tpu.memory_space<hbm>>) target(%arg8 : memref<10000xi32, #tpu.memory_space<vmem>>) target_semaphore(%arg12 : memref<!tpu.dma_semaphore, #tpu.memory_space<semaphore_mem>>)
      %dma_wait3A_36 = arith.constant 0 : i32
      %dma_wait3A_37 = tpu.memref_slice %arg2[%dma_wait3A_36] : memref<3200000xi32, #tpu.memory_space<hbm>> -> memref<10000xi32, #tpu.memory_space<hbm>>
      %dma_wait3A_38 = arith.constant 0 : i32
      %dma_wait3A_39 = tpu.memref_slice %arg2[%dma_wait3A_38] : memref<3200000xi32, #tpu.memory_space<hbm>> -> memref<10000xi32, #tpu.memory_space<hbm>>
      tpu.wait_dma2 semaphore(%arg11 : memref<!tpu.dma_semaphore, #tpu.memory_space<semaphore_mem>>) src(%dma_wait3A_39 : memref<10000xi32, #tpu.memory_space<hbm>>) dst(%arg7 : memref<10000xi32, #tpu.memory_space<vmem>>)
      "tpu.region"() ({
        %run_scoped3A = tpu.sem_alloc : memref<!tpu.dma_semaphore, #tpu.memory_space<semaphore_mem>>
        %dma_start3A_48 = arith.constant 0 : i32
        %dma_start3A_49 = tpu.memref_slice %arg6[%dma_start3A_48] : memref<100096xf32, #tpu.memory_space<vmem_shared>> -> memref<100096xf32, #tpu.memory_space<vmem_shared>>
        tpu.enqueue_indirect_dma source(%arg9 : memref<10000xf32, #tpu.memory_space<vmem>>) target(%dma_start3A_49 : memref<100096xf32, #tpu.memory_space<vmem_shared>>) offsets(%arg7 : memref<10000xi32, #tpu.memory_space<vmem>>) semaphore(%run_scoped3A : memref<!tpu.dma_semaphore, #tpu.memory_space<semaphore_mem>>) {add = true}
        %dma_wait3A_50 = arith.constant 0 : i32
        %dma_wait3A_51 = tpu.memref_slice %arg6[%dma_wait3A_50] : memref<100096xf32, #tpu.memory_space<vmem_shared>> -> memref<100096xf32, #tpu.memory_space<vmem_shared>>
        tpu.wait_indirect_dma semaphore(%run_scoped3A : memref<!tpu.dma_semaphore, #tpu.memory_space<semaphore_mem>>) src(%arg9 : memref<10000xf32, #tpu.memory_space<vmem>>) dst(%dma_wait3A_51 : memref<100096xf32, #tpu.memory_space<vmem_shared>>)
        tpu.yield
      }) : () -> ()
      %add3A_40 = arith.constant 20000 : i32
      %add3A_41 = arith.addi %add3A_31, %add3A_40 : i32
      %dma_start3A_42 = tpu.memref_slice %arg2[%add3A_41] : memref<3200000xi32, #tpu.memory_space<hbm>> -> memref<10000xi32, #tpu.memory_space<hbm>>
      %dma_start3A_43 = tpu.memref_slice %arg2[%add3A_41] : memref<3200000xi32, #tpu.memory_space<hbm>> -> memref<10000xi32, #tpu.memory_space<hbm>>
      tpu.enqueue_dma source(%dma_start3A_43 : memref<10000xi32, #tpu.memory_space<hbm>>) target(%arg7 : memref<10000xi32, #tpu.memory_space<vmem>>) target_semaphore(%arg11 : memref<!tpu.dma_semaphore, #tpu.memory_space<semaphore_mem>>)
      %dma_wait3A_44 = arith.constant 0 : i32
      %dma_wait3A_45 = tpu.memref_slice %arg2[%dma_wait3A_44] : memref<3200000xi32, #tpu.memory_space<hbm>> -> memref<10000xi32, #tpu.memory_space<hbm>>
      %dma_wait3A_46 = arith.constant 0 : i32
      %dma_wait3A_47 = tpu.memref_slice %arg2[%dma_wait3A_46] : memref<3200000xi32, #tpu.memory_space<hbm>> -> memref<10000xi32, #tpu.memory_space<hbm>>
      tpu.wait_dma2 semaphore(%arg12 : memref<!tpu.dma_semaphore, #tpu.memory_space<semaphore_mem>>) src(%dma_wait3A_47 : memref<10000xi32, #tpu.memory_space<hbm>>) dst(%arg8 : memref<10000xi32, #tpu.memory_space<vmem>>)
      "tpu.region"() ({
        %run_scoped3A = tpu.sem_alloc : memref<!tpu.dma_semaphore, #tpu.memory_space<semaphore_mem>>
        %dma_start3A_48 = arith.constant 0 : i32
        %dma_start3A_49 = tpu.memref_slice %arg6[%dma_start3A_48] : memref<100096xf32, #tpu.memory_space<vmem_shared>> -> memref<100096xf32, #tpu.memory_space<vmem_shared>>
        tpu.enqueue_indirect_dma source(%arg9 : memref<10000xf32, #tpu.memory_space<vmem>>) target(%dma_start3A_49 : memref<100096xf32, #tpu.memory_space<vmem_shared>>) offsets(%arg8 : memref<10000xi32, #tpu.memory_space<vmem>>) semaphore(%run_scoped3A : memref<!tpu.dma_semaphore, #tpu.memory_space<semaphore_mem>>) {add = true}
        %dma_wait3A_50 = arith.constant 0 : i32
        %dma_wait3A_51 = tpu.memref_slice %arg6[%dma_wait3A_50] : memref<100096xf32, #tpu.memory_space<vmem_shared>> -> memref<100096xf32, #tpu.memory_space<vmem_shared>>
        tpu.wait_indirect_dma semaphore(%run_scoped3A : memref<!tpu.dma_semaphore, #tpu.memory_space<semaphore_mem>>) src(%arg9 : memref<10000xf32, #tpu.memory_space<vmem>>) dst(%dma_wait3A_51 : memref<100096xf32, #tpu.memory_space<vmem_shared>>)
        tpu.yield
      }) : () -> ()
    }
    %scan3A_10 = arith.constant 4 : i32
    %add3A_11 = arith.constant 90000 : i32
    %add3A_12 = arith.addi %mul3A_4, %add3A_11 : i32
    %dma_start3A_13 = tpu.memref_slice %arg2[%add3A_12] : memref<3200000xi32, #tpu.memory_space<hbm>> -> memref<10000xi32, #tpu.memory_space<hbm>>
    %dma_start3A_14 = tpu.memref_slice %arg2[%add3A_12] : memref<3200000xi32, #tpu.memory_space<hbm>> -> memref<10000xi32, #tpu.memory_space<hbm>>
    tpu.enqueue_dma source(%dma_start3A_14 : memref<10000xi32, #tpu.memory_space<hbm>>) target(%arg8 : memref<10000xi32, #tpu.memory_space<vmem>>) target_semaphore(%arg12 : memref<!tpu.dma_semaphore, #tpu.memory_space<semaphore_mem>>)
    %dma_wait3A = arith.constant 0 : i32
    %dma_wait3A_15 = tpu.memref_slice %arg2[%dma_wait3A] : memref<3200000xi32, #tpu.memory_space<hbm>> -> memref<10000xi32, #tpu.memory_space<hbm>>
    %dma_wait3A_16 = arith.constant 0 : i32
    %dma_wait3A_17 = tpu.memref_slice %arg2[%dma_wait3A_16] : memref<3200000xi32, #tpu.memory_space<hbm>> -> memref<10000xi32, #tpu.memory_space<hbm>>
    tpu.wait_dma2 semaphore(%arg11 : memref<!tpu.dma_semaphore, #tpu.memory_space<semaphore_mem>>) src(%dma_wait3A_17 : memref<10000xi32, #tpu.memory_space<hbm>>) dst(%arg7 : memref<10000xi32, #tpu.memory_space<vmem>>)
    "tpu.region"() ({
      %run_scoped3A = tpu.sem_alloc : memref<!tpu.dma_semaphore, #tpu.memory_space<semaphore_mem>>
      %dma_start3A_28 = arith.constant 0 : i32
      %dma_start3A_29 = tpu.memref_slice %arg6[%dma_start3A_28] : memref<100096xf32, #tpu.memory_space<vmem_shared>> -> memref<100096xf32, #tpu.memory_space<vmem_shared>>
      tpu.enqueue_indirect_dma source(%arg9 : memref<10000xf32, #tpu.memory_space<vmem>>) target(%dma_start3A_29 : memref<100096xf32, #tpu.memory_space<vmem_shared>>) offsets(%arg7 : memref<10000xi32, #tpu.memory_space<vmem>>) semaphore(%run_scoped3A : memref<!tpu.dma_semaphore, #tpu.memory_space<semaphore_mem>>) {add = true}
      %dma_wait3A_30 = arith.constant 0 : i32
      %dma_wait3A_31 = tpu.memref_slice %arg6[%dma_wait3A_30] : memref<100096xf32, #tpu.memory_space<vmem_shared>> -> memref<100096xf32, #tpu.memory_space<vmem_shared>>
      tpu.wait_indirect_dma semaphore(%run_scoped3A : memref<!tpu.dma_semaphore, #tpu.memory_space<semaphore_mem>>) src(%arg9 : memref<10000xf32, #tpu.memory_space<vmem>>) dst(%dma_wait3A_31 : memref<100096xf32, #tpu.memory_space<vmem_shared>>)
      tpu.yield
    }) : () -> ()
    %dma_wait3A_18 = arith.constant 0 : i32
    %dma_wait3A_19 = tpu.memref_slice %arg2[%dma_wait3A_18] : memref<3200000xi32, #tpu.memory_space<hbm>> -> memref<10000xi32, #tpu.memory_space<hbm>>
    %dma_wait3A_20 = arith.constant 0 : i32
    %dma_wait3A_21 = tpu.memref_slice %arg2[%dma_wait3A_20] : memref<3200000xi32, #tpu.memory_space<hbm>> -> memref<10000xi32, #tpu.memory_space<hbm>>
    tpu.wait_dma2 semaphore(%arg12 : memref<!tpu.dma_semaphore, #tpu.memory_space<semaphore_mem>>) src(%dma_wait3A_21 : memref<10000xi32, #tpu.memory_space<hbm>>) dst(%arg8 : memref<10000xi32, #tpu.memory_space<vmem>>)
    "tpu.region"() ({
      %run_scoped3A = tpu.sem_alloc : memref<!tpu.dma_semaphore, #tpu.memory_space<semaphore_mem>>
      %dma_start3A_28 = arith.constant 0 : i32
      %dma_start3A_29 = tpu.memref_slice %arg6[%dma_start3A_28] : memref<100096xf32, #tpu.memory_space<vmem_shared>> -> memref<100096xf32, #tpu.memory_space<vmem_shared>>
      tpu.enqueue_indirect_dma source(%arg9 : memref<10000xf32, #tpu.memory_space<vmem>>) target(%dma_start3A_29 : memref<100096xf32, #tpu.memory_space<vmem_shared>>) offsets(%arg8 : memref<10000xi32, #tpu.memory_space<vmem>>) semaphore(%run_scoped3A : memref<!tpu.dma_semaphore, #tpu.memory_space<semaphore_mem>>) {add = true}
      %dma_wait3A_30 = arith.constant 0 : i32
      %dma_wait3A_31 = tpu.memref_slice %arg6[%dma_wait3A_30] : memref<100096xf32, #tpu.memory_space<vmem_shared>> -> memref<100096xf32, #tpu.memory_space<vmem_shared>>
      tpu.wait_indirect_dma semaphore(%run_scoped3A : memref<!tpu.dma_semaphore, #tpu.memory_space<semaphore_mem>>) src(%arg9 : memref<10000xf32, #tpu.memory_space<vmem>>) dst(%dma_wait3A_31 : memref<100096xf32, #tpu.memory_space<vmem_shared>>)
      tpu.yield
    }) : () -> ()
    %barrier3A_22 = arith.constant 0 : index
    tpu.barrier barrier_id(%barrier3A_22)
    "tpu.region"() ({
      %run_scoped3A = tpu.sem_alloc : memref<!tpu.dma_semaphore, #tpu.memory_space<semaphore_mem>>
      %dma_start3A_28 = tpu.memref_slice %arg6[%mul3A_2] : memref<100096xf32, #tpu.memory_space<vmem_shared>> -> memref<6256xf32, #tpu.memory_space<vmem_shared>>
      %dma_start3A_29 = tpu.memref_slice %arg6[%mul3A_2] : memref<100096xf32, #tpu.memory_space<vmem_shared>> -> memref<6256xf32, #tpu.memory_space<vmem_shared>>
      tpu.enqueue_dma source(%dma_start3A_29 : memref<6256xf32, #tpu.memory_space<vmem_shared>>) target(%arg10 : memref<6256xf32, #tpu.memory_space<vmem>>) target_semaphore(%run_scoped3A : memref<!tpu.dma_semaphore, #tpu.memory_space<semaphore_mem>>)
      %dma_wait3A_30 = tpu.memref_slice %arg6[%mul3A_2] : memref<100096xf32, #tpu.memory_space<vmem_shared>> -> memref<6256xf32, #tpu.memory_space<vmem_shared>>
      %dma_wait3A_31 = tpu.memref_slice %arg6[%mul3A_2] : memref<100096xf32, #tpu.memory_space<vmem_shared>> -> memref<6256xf32, #tpu.memory_space<vmem_shared>>
      tpu.wait_dma2 semaphore(%run_scoped3A : memref<!tpu.dma_semaphore, #tpu.memory_space<semaphore_mem>>) src(%dma_wait3A_31 : memref<6256xf32, #tpu.memory_space<vmem_shared>>) dst(%arg10 : memref<6256xf32, #tpu.memory_space<vmem>>)
      tpu.yield
    }) : () -> ()
    %mul3A_23 = arith.constant 100096 : i32
    %mul3A_24 = arith.muli %arg0, %mul3A_23 : i32
    %mul3A_25 = arith.constant 6256 : i32
    %mul3A_26 = arith.muli %arg1, %mul3A_25 : i32
    %add3A_27 = arith.addi %mul3A_24, %mul3A_26 : i32
    "tpu.region"() ({
      %run_scoped3A = tpu.sem_alloc : memref<!tpu.dma_semaphore, #tpu.memory_space<semaphore_mem>>
      %dma_start3A_28 = tpu.memref_slice %arg5[%add3A_27] : memref<200192xf32, #tpu.memory_space<hbm>> -> memref<6256xf32, #tpu.memory_space<hbm>>
      %dma_start3A_29 = tpu.memref_slice %arg5[%add3A_27] : memref<200192xf32, #tpu.memory_space<hbm>> -> memref<6256xf32, #tpu.memory_space<hbm>>
      tpu.enqueue_dma source(%arg10 : memref<6256xf32, #tpu.memory_space<vmem>>) target(%dma_start3A_29 : memref<6256xf32, #tpu.memory_space<hbm>>) target_semaphore(%run_scoped3A : memref<!tpu.dma_semaphore, #tpu.memory_space<semaphore_mem>>)
      %dma_wait3A_30 = tpu.memref_slice %arg5[%add3A_27] : memref<200192xf32, #tpu.memory_space<hbm>> -> memref<6256xf32, #tpu.memory_space<hbm>>
      %dma_wait3A_31 = tpu.memref_slice %arg5[%add3A_27] : memref<200192xf32, #tpu.memory_space<hbm>> -> memref<6256xf32, #tpu.memory_space<hbm>>
      tpu.wait_dma2 semaphore(%run_scoped3A : memref<!tpu.dma_semaphore, #tpu.memory_space<semaphore_mem>>) src(%arg10 : memref<6256xf32, #tpu.memory_space<vmem>>) dst(%dma_wait3A_31 : memref<6256xf32, #tpu.memory_space<hbm>>)
      tpu.yield
    }) : () -> ()
    return
  }
}

module attributes {stable_mosaic.version = 14 : i64} {
  func.func @_prep_body(%arg0: memref<2x782x128xf32, #tpu.memory_space<vmem>>, %arg1: memref<782x128xf32, #tpu.memory_space<vmem>>, %arg2: memref<782x128xf32, #tpu.memory_space<vmem>>, %arg3: memref<782x128xf32, #tpu.memory_space<vmem>>) attributes {dimension_semantics = [], scalar_prefetch = 0 : i64, scratch_operands = 0 : i64, tpu.core_type = #tpu.core_type<tc>} {
    %get3A = arith.constant 0 : index
    %get3A_0 = arith.constant 0 : index
    %get3A_1 = arith.constant 0 : index
    %get3A_2 = vector.load %arg0[%get3A, %get3A_0, %get3A_1] : memref<2x782x128xf32, #tpu.memory_space<vmem>>, vector<1x782x128xf32>
    %get3A_3 = vector.shape_cast %get3A_2 : vector<1x782x128xf32> to vector<782x128xf32>
    %get3A_4 = arith.constant 1 : index
    %get3A_5 = arith.constant 0 : index
    %get3A_6 = arith.constant 0 : index
    %get3A_7 = vector.load %arg0[%get3A_4, %get3A_5, %get3A_6] : memref<2x782x128xf32, #tpu.memory_space<vmem>>, vector<1x782x128xf32>
    %get3A_8 = vector.shape_cast %get3A_7 : vector<1x782x128xf32> to vector<782x128xf32>
    %add3A = arith.addf %get3A_3, %get3A_8 : vector<782x128xf32>
    %add3A_9 = arith.constant 1.000000e+00 : f32
    %add3A_10 = vector.broadcast %add3A_9 : f32 to vector<782x128xf32>
    %add3A_11 = arith.addf %add3A, %add3A_10 : vector<782x128xf32>
    %rsqrt3A = math.rsqrt %add3A_11 : vector<782x128xf32>
    %swap3A = arith.constant 0 : index
    %swap3A_12 = arith.constant 0 : index
    %swap3A_13 = vector.load %arg2[%swap3A, %swap3A_12] : memref<782x128xf32, #tpu.memory_space<vmem>>, vector<782x128xf32>
    tpu.vector_store %arg2[%swap3A, %swap3A_12], %rsqrt3A {strides = array<i32>} : memref<782x128xf32, #tpu.memory_space<vmem>>, vector<782x128xf32>,
    %get3A_14 = arith.constant 0 : index
    %get3A_15 = arith.constant 0 : index
    %get3A_16 = vector.load %arg1[%get3A_14, %get3A_15] : memref<782x128xf32, #tpu.memory_space<vmem>>, vector<782x128xf32>
    %mul3A = arith.mulf %get3A_16, %rsqrt3A : vector<782x128xf32>
    %swap3A_17 = arith.constant 0 : index
    %swap3A_18 = arith.constant 0 : index
    %swap3A_19 = vector.load %arg3[%swap3A_17, %swap3A_18] : memref<782x128xf32, #tpu.memory_space<vmem>>, vector<782x128xf32>
    tpu.vector_store %arg3[%swap3A_17, %swap3A_18], %mul3A {strides = array<i32>} : memref<782x128xf32, #tpu.memory_space<vmem>>, vector<782x128xf32>,
    return
  }
}

module attributes {stable_mosaic.version = 14 : i64} {
  func.func @_mid_body(%arg0: memref<2x782x128xf32, #tpu.memory_space<vmem>>, %arg1: memref<782x128xf32, #tpu.memory_space<vmem>>, %arg2: memref<782x128xf32, #tpu.memory_space<vmem>>, %arg3: memref<1x16xf32, #tpu.memory_space<smem>>, %arg4: memref<1x16xf32, #tpu.memory_space<smem>>, %arg5: memref<16x2xf32, #tpu.memory_space<smem>>, %arg6: memref<2x782x128xf32, #tpu.memory_space<vmem>>) attributes {dimension_semantics = [], scalar_prefetch = 0 : i64, scratch_operands = 0 : i64, tpu.core_type = #tpu.core_type<tc>} {
    %get3A = arith.constant 0 : index
    %get3A_0 = arith.constant 0 : index
    %get3A_1 = vector.load %arg1[%get3A, %get3A_0] : memref<782x128xf32, #tpu.memory_space<vmem>>, vector<782x128xf32>
    %get3A_2 = arith.constant 0 : index
    %get3A_3 = arith.constant 0 : index
    %get3A_4 = arith.constant 0 : index
    %get3A_5 = vector.load %arg0[%get3A_2, %get3A_3, %get3A_4] : memref<2x782x128xf32, #tpu.memory_space<vmem>>, vector<1x782x128xf32>
    %get3A_6 = vector.shape_cast %get3A_5 : vector<1x782x128xf32> to vector<782x128xf32>
    %get3A_7 = arith.constant 1 : index
    %get3A_8 = arith.constant 0 : index
    %get3A_9 = arith.constant 0 : index
    %get3A_10 = vector.load %arg0[%get3A_7, %get3A_8, %get3A_9] : memref<2x782x128xf32, #tpu.memory_space<vmem>>, vector<1x782x128xf32>
    %get3A_11 = vector.shape_cast %get3A_10 : vector<1x782x128xf32> to vector<782x128xf32>
    %add3A = arith.addf %get3A_6, %get3A_11 : vector<782x128xf32>
    %get3A_12 = arith.constant 0 : index
    %get3A_13 = arith.constant 0 : index
    %get3A_14 = vector.load %arg2[%get3A_12, %get3A_13] : memref<782x128xf32, #tpu.memory_space<vmem>>, vector<782x128xf32>
    %add3A_15 = arith.addf %add3A, %get3A_14 : vector<782x128xf32>
    %mul3A = arith.mulf %get3A_1, %add3A_15 : vector<782x128xf32>
    %broadcast_in_dim3A = arith.constant 0.000000e+00 : f32
    %broadcast_in_dim3A_16 = vector.broadcast %broadcast_in_dim3A : f32 to vector<782x128xf32>
    %broadcast_in_dim3A_17 = arith.constant 0.000000e+00 : f32
    %broadcast_in_dim3A_18 = vector.broadcast %broadcast_in_dim3A_17 : f32 to vector<782x128xf32>
    %get3A_19 = arith.constant 0 : index
    %get3A_20 = arith.constant 0 : index
    %get3A_21 = memref.load %arg3[%get3A_19, %get3A_20] : memref<1x16xf32, #tpu.memory_space<smem>>
    %mul3A_22 = vector.broadcast %get3A_21 : f32 to vector<782x128xf32>
    %mul3A_23 = arith.mulf %mul3A, %mul3A_22 : vector<782x128xf32>
    %get3A_24 = arith.constant 0 : index
    %get3A_25 = arith.constant 0 : index
    %get3A_26 = memref.load %arg4[%get3A_24, %get3A_25] : memref<1x16xf32, #tpu.memory_space<smem>>
    %add3A_27 = vector.broadcast %get3A_26 : f32 to vector<782x128xf32>
    %add3A_28 = arith.addf %mul3A_23, %add3A_27 : vector<782x128xf32>
    %max3A = arith.constant 0.000000e+00 : f32
    %max3A_29 = vector.broadcast %max3A : f32 to vector<782x128xf32>
    %max3A_30 = arith.maximumf %add3A_28, %max3A_29 : vector<782x128xf32>
    %get3A_31 = arith.constant 0 : index
    %get3A_32 = arith.constant 0 : index
    %get3A_33 = memref.load %arg5[%get3A_31, %get3A_32] : memref<16x2xf32, #tpu.memory_space<smem>>
    %mul3A_34 = vector.broadcast %get3A_33 : f32 to vector<782x128xf32>
    %mul3A_35 = arith.mulf %max3A_30, %mul3A_34 : vector<782x128xf32>
    %add3A_36 = arith.addf %broadcast_in_dim3A_16, %mul3A_35 : vector<782x128xf32>
    %get3A_37 = arith.constant 0 : index
    %get3A_38 = arith.constant 1 : index
    %get3A_39 = memref.load %arg5[%get3A_37, %get3A_38] : memref<16x2xf32, #tpu.memory_space<smem>>
    %mul3A_40 = vector.broadcast %get3A_39 : f32 to vector<782x128xf32>
    %mul3A_41 = arith.mulf %max3A_30, %mul3A_40 : vector<782x128xf32>
    %add3A_42 = arith.addf %broadcast_in_dim3A_18, %mul3A_41 : vector<782x128xf32>
    %get3A_43 = arith.constant 0 : index
    %get3A_44 = arith.constant 1 : index
    %get3A_45 = memref.load %arg3[%get3A_43, %get3A_44] : memref<1x16xf32, #tpu.memory_space<smem>>
    %mul3A_46 = vector.broadcast %get3A_45 : f32 to vector<782x128xf32>
    %mul3A_47 = arith.mulf %mul3A, %mul3A_46 : vector<782x128xf32>
    %get3A_48 = arith.constant 0 : index
    %get3A_49 = arith.constant 1 : index
    %get3A_50 = memref.load %arg4[%get3A_48, %get3A_49] : memref<1x16xf32, #tpu.memory_space<smem>>
    %add3A_51 = vector.broadcast %get3A_50 : f32 to vector<782x128xf32>
    %add3A_52 = arith.addf %mul3A_47, %add3A_51 : vector<782x128xf32>
    %max3A_53 = arith.constant 0.000000e+00 : f32
    %max3A_54 = vector.broadcast %max3A_53 : f32 to vector<782x128xf32>
    %max3A_55 = arith.maximumf %add3A_52, %max3A_54 : vector<782x128xf32>
    %get3A_56 = arith.constant 1 : index
    %get3A_57 = arith.constant 0 : index
    %get3A_58 = memref.load %arg5[%get3A_56, %get3A_57] : memref<16x2xf32, #tpu.memory_space<smem>>
    %mul3A_59 = vector.broadcast %get3A_58 : f32 to vector<782x128xf32>
    %mul3A_60 = arith.mulf %max3A_55, %mul3A_59 : vector<782x128xf32>
    %add3A_61 = arith.addf %add3A_36, %mul3A_60 : vector<782x128xf32>
    %get3A_62 = arith.constant 1 : index
    %get3A_63 = arith.constant 1 : index
    %get3A_64 = memref.load %arg5[%get3A_62, %get3A_63] : memref<16x2xf32, #tpu.memory_space<smem>>
    %mul3A_65 = vector.broadcast %get3A_64 : f32 to vector<782x128xf32>
    %mul3A_66 = arith.mulf %max3A_55, %mul3A_65 : vector<782x128xf32>
    %add3A_67 = arith.addf %add3A_42, %mul3A_66 : vector<782x128xf32>
    %get3A_68 = arith.constant 0 : index
    %get3A_69 = arith.constant 2 : index
    %get3A_70 = memref.load %arg3[%get3A_68, %get3A_69] : memref<1x16xf32, #tpu.memory_space<smem>>
    %mul3A_71 = vector.broadcast %get3A_70 : f32 to vector<782x128xf32>
    %mul3A_72 = arith.mulf %mul3A, %mul3A_71 : vector<782x128xf32>
    %get3A_73 = arith.constant 0 : index
    %get3A_74 = arith.constant 2 : index
    %get3A_75 = memref.load %arg4[%get3A_73, %get3A_74] : memref<1x16xf32, #tpu.memory_space<smem>>
    %add3A_76 = vector.broadcast %get3A_75 : f32 to vector<782x128xf32>
    %add3A_77 = arith.addf %mul3A_72, %add3A_76 : vector<782x128xf32>
    %max3A_78 = arith.constant 0.000000e+00 : f32
    %max3A_79 = vector.broadcast %max3A_78 : f32 to vector<782x128xf32>
    %max3A_80 = arith.maximumf %add3A_77, %max3A_79 : vector<782x128xf32>
    %get3A_81 = arith.constant 2 : index
    %get3A_82 = arith.constant 0 : index
    %get3A_83 = memref.load %arg5[%get3A_81, %get3A_82] : memref<16x2xf32, #tpu.memory_space<smem>>
    %mul3A_84 = vector.broadcast %get3A_83 : f32 to vector<782x128xf32>
    %mul3A_85 = arith.mulf %max3A_80, %mul3A_84 : vector<782x128xf32>
    %add3A_86 = arith.addf %add3A_61, %mul3A_85 : vector<782x128xf32>
    %get3A_87 = arith.constant 2 : index
    %get3A_88 = arith.constant 1 : index
    %get3A_89 = memref.load %arg5[%get3A_87, %get3A_88] : memref<16x2xf32, #tpu.memory_space<smem>>
    %mul3A_90 = vector.broadcast %get3A_89 : f32 to vector<782x128xf32>
    %mul3A_91 = arith.mulf %max3A_80, %mul3A_90 : vector<782x128xf32>
    %add3A_92 = arith.addf %add3A_67, %mul3A_91 : vector<782x128xf32>
    %get3A_93 = arith.constant 0 : index
    %get3A_94 = arith.constant 3 : index
    %get3A_95 = memref.load %arg3[%get3A_93, %get3A_94] : memref<1x16xf32, #tpu.memory_space<smem>>
    %mul3A_96 = vector.broadcast %get3A_95 : f32 to vector<782x128xf32>
    %mul3A_97 = arith.mulf %mul3A, %mul3A_96 : vector<782x128xf32>
    %get3A_98 = arith.constant 0 : index
    %get3A_99 = arith.constant 3 : index
    %get3A_100 = memref.load %arg4[%get3A_98, %get3A_99] : memref<1x16xf32, #tpu.memory_space<smem>>
    %add3A_101 = vector.broadcast %get3A_100 : f32 to vector<782x128xf32>
    %add3A_102 = arith.addf %mul3A_97, %add3A_101 : vector<782x128xf32>
    %max3A_103 = arith.constant 0.000000e+00 : f32
    %max3A_104 = vector.broadcast %max3A_103 : f32 to vector<782x128xf32>
    %max3A_105 = arith.maximumf %add3A_102, %max3A_104 : vector<782x128xf32>
    %get3A_106 = arith.constant 3 : index
    %get3A_107 = arith.constant 0 : index
    %get3A_108 = memref.load %arg5[%get3A_106, %get3A_107] : memref<16x2xf32, #tpu.memory_space<smem>>
    %mul3A_109 = vector.broadcast %get3A_108 : f32 to vector<782x128xf32>
    %mul3A_110 = arith.mulf %max3A_105, %mul3A_109 : vector<782x128xf32>
    %add3A_111 = arith.addf %add3A_86, %mul3A_110 : vector<782x128xf32>
    %get3A_112 = arith.constant 3 : index
    %get3A_113 = arith.constant 1 : index
    %get3A_114 = memref.load %arg5[%get3A_112, %get3A_113] : memref<16x2xf32, #tpu.memory_space<smem>>
    %mul3A_115 = vector.broadcast %get3A_114 : f32 to vector<782x128xf32>
    %mul3A_116 = arith.mulf %max3A_105, %mul3A_115 : vector<782x128xf32>
    %add3A_117 = arith.addf %add3A_92, %mul3A_116 : vector<782x128xf32>
    %get3A_118 = arith.constant 0 : index
    %get3A_119 = arith.constant 4 : index
    %get3A_120 = memref.load %arg3[%get3A_118, %get3A_119] : memref<1x16xf32, #tpu.memory_space<smem>>
    %mul3A_121 = vector.broadcast %get3A_120 : f32 to vector<782x128xf32>
    %mul3A_122 = arith.mulf %mul3A, %mul3A_121 : vector<782x128xf32>
    %get3A_123 = arith.constant 0 : index
    %get3A_124 = arith.constant 4 : index
    %get3A_125 = memref.load %arg4[%get3A_123, %get3A_124] : memref<1x16xf32, #tpu.memory_space<smem>>
    %add3A_126 = vector.broadcast %get3A_125 : f32 to vector<782x128xf32>
    %add3A_127 = arith.addf %mul3A_122, %add3A_126 : vector<782x128xf32>
    %max3A_128 = arith.constant 0.000000e+00 : f32
    %max3A_129 = vector.broadcast %max3A_128 : f32 to vector<782x128xf32>
    %max3A_130 = arith.maximumf %add3A_127, %max3A_129 : vector<782x128xf32>
    %get3A_131 = arith.constant 4 : index
    %get3A_132 = arith.constant 0 : index
    %get3A_133 = memref.load %arg5[%get3A_131, %get3A_132] : memref<16x2xf32, #tpu.memory_space<smem>>
    %mul3A_134 = vector.broadcast %get3A_133 : f32 to vector<782x128xf32>
    %mul3A_135 = arith.mulf %max3A_130, %mul3A_134 : vector<782x128xf32>
    %add3A_136 = arith.addf %add3A_111, %mul3A_135 : vector<782x128xf32>
    %get3A_137 = arith.constant 4 : index
    %get3A_138 = arith.constant 1 : index
    %get3A_139 = memref.load %arg5[%get3A_137, %get3A_138] : memref<16x2xf32, #tpu.memory_space<smem>>
    %mul3A_140 = vector.broadcast %get3A_139 : f32 to vector<782x128xf32>
    %mul3A_141 = arith.mulf %max3A_130, %mul3A_140 : vector<782x128xf32>
    %add3A_142 = arith.addf %add3A_117, %mul3A_141 : vector<782x128xf32>
    %get3A_143 = arith.constant 0 : index
    %get3A_144 = arith.constant 5 : index
    %get3A_145 = memref.load %arg3[%get3A_143, %get3A_144] : memref<1x16xf32, #tpu.memory_space<smem>>
    %mul3A_146 = vector.broadcast %get3A_145 : f32 to vector<782x128xf32>
    %mul3A_147 = arith.mulf %mul3A, %mul3A_146 : vector<782x128xf32>
    %get3A_148 = arith.constant 0 : index
    %get3A_149 = arith.constant 5 : index
    %get3A_150 = memref.load %arg4[%get3A_148, %get3A_149] : memref<1x16xf32, #tpu.memory_space<smem>>
    %add3A_151 = vector.broadcast %get3A_150 : f32 to vector<782x128xf32>
    %add3A_152 = arith.addf %mul3A_147, %add3A_151 : vector<782x128xf32>
    %max3A_153 = arith.constant 0.000000e+00 : f32
    %max3A_154 = vector.broadcast %max3A_153 : f32 to vector<782x128xf32>
    %max3A_155 = arith.maximumf %add3A_152, %max3A_154 : vector<782x128xf32>
    %get3A_156 = arith.constant 5 : index
    %get3A_157 = arith.constant 0 : index
    %get3A_158 = memref.load %arg5[%get3A_156, %get3A_157] : memref<16x2xf32, #tpu.memory_space<smem>>
    %mul3A_159 = vector.broadcast %get3A_158 : f32 to vector<782x128xf32>
    %mul3A_160 = arith.mulf %max3A_155, %mul3A_159 : vector<782x128xf32>
    %add3A_161 = arith.addf %add3A_136, %mul3A_160 : vector<782x128xf32>
    %get3A_162 = arith.constant 5 : index
    %get3A_163 = arith.constant 1 : index
    %get3A_164 = memref.load %arg5[%get3A_162, %get3A_163] : memref<16x2xf32, #tpu.memory_space<smem>>
    %mul3A_165 = vector.broadcast %get3A_164 : f32 to vector<782x128xf32>
    %mul3A_166 = arith.mulf %max3A_155, %mul3A_165 : vector<782x128xf32>
    %add3A_167 = arith.addf %add3A_142, %mul3A_166 : vector<782x128xf32>
    %get3A_168 = arith.constant 0 : index
    %get3A_169 = arith.constant 6 : index
    %get3A_170 = memref.load %arg3[%get3A_168, %get3A_169] : memref<1x16xf32, #tpu.memory_space<smem>>
    %mul3A_171 = vector.broadcast %get3A_170 : f32 to vector<782x128xf32>
    %mul3A_172 = arith.mulf %mul3A, %mul3A_171 : vector<782x128xf32>
    %get3A_173 = arith.constant 0 : index
    %get3A_174 = arith.constant 6 : index
    %get3A_175 = memref.load %arg4[%get3A_173, %get3A_174] : memref<1x16xf32, #tpu.memory_space<smem>>
    %add3A_176 = vector.broadcast %get3A_175 : f32 to vector<782x128xf32>
    %add3A_177 = arith.addf %mul3A_172, %add3A_176 : vector<782x128xf32>
    %max3A_178 = arith.constant 0.000000e+00 : f32
    %max3A_179 = vector.broadcast %max3A_178 : f32 to vector<782x128xf32>
    %max3A_180 = arith.maximumf %add3A_177, %max3A_179 : vector<782x128xf32>
    %get3A_181 = arith.constant 6 : index
    %get3A_182 = arith.constant 0 : index
    %get3A_183 = memref.load %arg5[%get3A_181, %get3A_182] : memref<16x2xf32, #tpu.memory_space<smem>>
    %mul3A_184 = vector.broadcast %get3A_183 : f32 to vector<782x128xf32>
    %mul3A_185 = arith.mulf %max3A_180, %mul3A_184 : vector<782x128xf32>
    %add3A_186 = arith.addf %add3A_161, %mul3A_185 : vector<782x128xf32>
    %get3A_187 = arith.constant 6 : index
    %get3A_188 = arith.constant 1 : index
    %get3A_189 = memref.load %arg5[%get3A_187, %get3A_188] : memref<16x2xf32, #tpu.memory_space<smem>>
    %mul3A_190 = vector.broadcast %get3A_189 : f32 to vector<782x128xf32>
    %mul3A_191 = arith.mulf %max3A_180, %mul3A_190 : vector<782x128xf32>
    %add3A_192 = arith.addf %add3A_167, %mul3A_191 : vector<782x128xf32>
    %get3A_193 = arith.constant 0 : index
    %get3A_194 = arith.constant 7 : index
    %get3A_195 = memref.load %arg3[%get3A_193, %get3A_194] : memref<1x16xf32, #tpu.memory_space<smem>>
    %mul3A_196 = vector.broadcast %get3A_195 : f32 to vector<782x128xf32>
    %mul3A_197 = arith.mulf %mul3A, %mul3A_196 : vector<782x128xf32>
    %get3A_198 = arith.constant 0 : index
    %get3A_199 = arith.constant 7 : index
    %get3A_200 = memref.load %arg4[%get3A_198, %get3A_199] : memref<1x16xf32, #tpu.memory_space<smem>>
    %add3A_201 = vector.broadcast %get3A_200 : f32 to vector<782x128xf32>
    %add3A_202 = arith.addf %mul3A_197, %add3A_201 : vector<782x128xf32>
    %max3A_203 = arith.constant 0.000000e+00 : f32
    %max3A_204 = vector.broadcast %max3A_203 : f32 to vector<782x128xf32>
    %max3A_205 = arith.maximumf %add3A_202, %max3A_204 : vector<782x128xf32>
    %get3A_206 = arith.constant 7 : index
    %get3A_207 = arith.constant 0 : index
    %get3A_208 = memref.load %arg5[%get3A_206, %get3A_207] : memref<16x2xf32, #tpu.memory_space<smem>>
    %mul3A_209 = vector.broadcast %get3A_208 : f32 to vector<782x128xf32>
    %mul3A_210 = arith.mulf %max3A_205, %mul3A_209 : vector<782x128xf32>
    %add3A_211 = arith.addf %add3A_186, %mul3A_210 : vector<782x128xf32>
    %get3A_212 = arith.constant 7 : index
    %get3A_213 = arith.constant 1 : index
    %get3A_214 = memref.load %arg5[%get3A_212, %get3A_213] : memref<16x2xf32, #tpu.memory_space<smem>>
    %mul3A_215 = vector.broadcast %get3A_214 : f32 to vector<782x128xf32>
    %mul3A_216 = arith.mulf %max3A_205, %mul3A_215 : vector<782x128xf32>
    %add3A_217 = arith.addf %add3A_192, %mul3A_216 : vector<782x128xf32>
    %get3A_218 = arith.constant 0 : index
    %get3A_219 = arith.constant 8 : index
    %get3A_220 = memref.load %arg3[%get3A_218, %get3A_219] : memref<1x16xf32, #tpu.memory_space<smem>>
    %mul3A_221 = vector.broadcast %get3A_220 : f32 to vector<782x128xf32>
    %mul3A_222 = arith.mulf %mul3A, %mul3A_221 : vector<782x128xf32>
    %get3A_223 = arith.constant 0 : index
    %get3A_224 = arith.constant 8 : index
    %get3A_225 = memref.load %arg4[%get3A_223, %get3A_224] : memref<1x16xf32, #tpu.memory_space<smem>>
    %add3A_226 = vector.broadcast %get3A_225 : f32 to vector<782x128xf32>
    %add3A_227 = arith.addf %mul3A_222, %add3A_226 : vector<782x128xf32>
    %max3A_228 = arith.constant 0.000000e+00 : f32
    %max3A_229 = vector.broadcast %max3A_228 : f32 to vector<782x128xf32>
    %max3A_230 = arith.maximumf %add3A_227, %max3A_229 : vector<782x128xf32>
    %get3A_231 = arith.constant 8 : index
    %get3A_232 = arith.constant 0 : index
    %get3A_233 = memref.load %arg5[%get3A_231, %get3A_232] : memref<16x2xf32, #tpu.memory_space<smem>>
    %mul3A_234 = vector.broadcast %get3A_233 : f32 to vector<782x128xf32>
    %mul3A_235 = arith.mulf %max3A_230, %mul3A_234 : vector<782x128xf32>
    %add3A_236 = arith.addf %add3A_211, %mul3A_235 : vector<782x128xf32>
    %get3A_237 = arith.constant 8 : index
    %get3A_238 = arith.constant 1 : index
    %get3A_239 = memref.load %arg5[%get3A_237, %get3A_238] : memref<16x2xf32, #tpu.memory_space<smem>>
    %mul3A_240 = vector.broadcast %get3A_239 : f32 to vector<782x128xf32>
    %mul3A_241 = arith.mulf %max3A_230, %mul3A_240 : vector<782x128xf32>
    %add3A_242 = arith.addf %add3A_217, %mul3A_241 : vector<782x128xf32>
    %get3A_243 = arith.constant 0 : index
    %get3A_244 = arith.constant 9 : index
    %get3A_245 = memref.load %arg3[%get3A_243, %get3A_244] : memref<1x16xf32, #tpu.memory_space<smem>>
    %mul3A_246 = vector.broadcast %get3A_245 : f32 to vector<782x128xf32>
    %mul3A_247 = arith.mulf %mul3A, %mul3A_246 : vector<782x128xf32>
    %get3A_248 = arith.constant 0 : index
    %get3A_249 = arith.constant 9 : index
    %get3A_250 = memref.load %arg4[%get3A_248, %get3A_249] : memref<1x16xf32, #tpu.memory_space<smem>>
    %add3A_251 = vector.broadcast %get3A_250 : f32 to vector<782x128xf32>
    %add3A_252 = arith.addf %mul3A_247, %add3A_251 : vector<782x128xf32>
    %max3A_253 = arith.constant 0.000000e+00 : f32
    %max3A_254 = vector.broadcast %max3A_253 : f32 to vector<782x128xf32>
    %max3A_255 = arith.maximumf %add3A_252, %max3A_254 : vector<782x128xf32>
    %get3A_256 = arith.constant 9 : index
    %get3A_257 = arith.constant 0 : index
    %get3A_258 = memref.load %arg5[%get3A_256, %get3A_257] : memref<16x2xf32, #tpu.memory_space<smem>>
    %mul3A_259 = vector.broadcast %get3A_258 : f32 to vector<782x128xf32>
    %mul3A_260 = arith.mulf %max3A_255, %mul3A_259 : vector<782x128xf32>
    %add3A_261 = arith.addf %add3A_236, %mul3A_260 : vector<782x128xf32>
    %get3A_262 = arith.constant 9 : index
    %get3A_263 = arith.constant 1 : index
    %get3A_264 = memref.load %arg5[%get3A_262, %get3A_263] : memref<16x2xf32, #tpu.memory_space<smem>>
    %mul3A_265 = vector.broadcast %get3A_264 : f32 to vector<782x128xf32>
    %mul3A_266 = arith.mulf %max3A_255, %mul3A_265 : vector<782x128xf32>
    %add3A_267 = arith.addf %add3A_242, %mul3A_266 : vector<782x128xf32>
    %get3A_268 = arith.constant 0 : index
    %get3A_269 = arith.constant 10 : index
    %get3A_270 = memref.load %arg3[%get3A_268, %get3A_269] : memref<1x16xf32, #tpu.memory_space<smem>>
    %mul3A_271 = vector.broadcast %get3A_270 : f32 to vector<782x128xf32>
    %mul3A_272 = arith.mulf %mul3A, %mul3A_271 : vector<782x128xf32>
    %get3A_273 = arith.constant 0 : index
    %get3A_274 = arith.constant 10 : index
    %get3A_275 = memref.load %arg4[%get3A_273, %get3A_274] : memref<1x16xf32, #tpu.memory_space<smem>>
    %add3A_276 = vector.broadcast %get3A_275 : f32 to vector<782x128xf32>
    %add3A_277 = arith.addf %mul3A_272, %add3A_276 : vector<782x128xf32>
    %max3A_278 = arith.constant 0.000000e+00 : f32
    %max3A_279 = vector.broadcast %max3A_278 : f32 to vector<782x128xf32>
    %max3A_280 = arith.maximumf %add3A_277, %max3A_279 : vector<782x128xf32>
    %get3A_281 = arith.constant 10 : index
    %get3A_282 = arith.constant 0 : index
    %get3A_283 = memref.load %arg5[%get3A_281, %get3A_282] : memref<16x2xf32, #tpu.memory_space<smem>>
    %mul3A_284 = vector.broadcast %get3A_283 : f32 to vector<782x128xf32>
    %mul3A_285 = arith.mulf %max3A_280, %mul3A_284 : vector<782x128xf32>
    %add3A_286 = arith.addf %add3A_261, %mul3A_285 : vector<782x128xf32>
    %get3A_287 = arith.constant 10 : index
    %get3A_288 = arith.constant 1 : index
    %get3A_289 = memref.load %arg5[%get3A_287, %get3A_288] : memref<16x2xf32, #tpu.memory_space<smem>>
    %mul3A_290 = vector.broadcast %get3A_289 : f32 to vector<782x128xf32>
    %mul3A_291 = arith.mulf %max3A_280, %mul3A_290 : vector<782x128xf32>
    %add3A_292 = arith.addf %add3A_267, %mul3A_291 : vector<782x128xf32>
    %get3A_293 = arith.constant 0 : index
    %get3A_294 = arith.constant 11 : index
    %get3A_295 = memref.load %arg3[%get3A_293, %get3A_294] : memref<1x16xf32, #tpu.memory_space<smem>>
    %mul3A_296 = vector.broadcast %get3A_295 : f32 to vector<782x128xf32>
    %mul3A_297 = arith.mulf %mul3A, %mul3A_296 : vector<782x128xf32>
    %get3A_298 = arith.constant 0 : index
    %get3A_299 = arith.constant 11 : index
    %get3A_300 = memref.load %arg4[%get3A_298, %get3A_299] : memref<1x16xf32, #tpu.memory_space<smem>>
    %add3A_301 = vector.broadcast %get3A_300 : f32 to vector<782x128xf32>
    %add3A_302 = arith.addf %mul3A_297, %add3A_301 : vector<782x128xf32>
    %max3A_303 = arith.constant 0.000000e+00 : f32
    %max3A_304 = vector.broadcast %max3A_303 : f32 to vector<782x128xf32>
    %max3A_305 = arith.maximumf %add3A_302, %max3A_304 : vector<782x128xf32>
    %get3A_306 = arith.constant 11 : index
    %get3A_307 = arith.constant 0 : index
    %get3A_308 = memref.load %arg5[%get3A_306, %get3A_307] : memref<16x2xf32, #tpu.memory_space<smem>>
    %mul3A_309 = vector.broadcast %get3A_308 : f32 to vector<782x128xf32>
    %mul3A_310 = arith.mulf %max3A_305, %mul3A_309 : vector<782x128xf32>
    %add3A_311 = arith.addf %add3A_286, %mul3A_310 : vector<782x128xf32>
    %get3A_312 = arith.constant 11 : index
    %get3A_313 = arith.constant 1 : index
    %get3A_314 = memref.load %arg5[%get3A_312, %get3A_313] : memref<16x2xf32, #tpu.memory_space<smem>>
    %mul3A_315 = vector.broadcast %get3A_314 : f32 to vector<782x128xf32>
    %mul3A_316 = arith.mulf %max3A_305, %mul3A_315 : vector<782x128xf32>
    %add3A_317 = arith.addf %add3A_292, %mul3A_316 : vector<782x128xf32>
    %get3A_318 = arith.constant 0 : index
    %get3A_319 = arith.constant 12 : index
    %get3A_320 = memref.load %arg3[%get3A_318, %get3A_319] : memref<1x16xf32, #tpu.memory_space<smem>>
    %mul3A_321 = vector.broadcast %get3A_320 : f32 to vector<782x128xf32>
    %mul3A_322 = arith.mulf %mul3A, %mul3A_321 : vector<782x128xf32>
    %get3A_323 = arith.constant 0 : index
    %get3A_324 = arith.constant 12 : index
    %get3A_325 = memref.load %arg4[%get3A_323, %get3A_324] : memref<1x16xf32, #tpu.memory_space<smem>>
    %add3A_326 = vector.broadcast %get3A_325 : f32 to vector<782x128xf32>
    %add3A_327 = arith.addf %mul3A_322, %add3A_326 : vector<782x128xf32>
    %max3A_328 = arith.constant 0.000000e+00 : f32
    %max3A_329 = vector.broadcast %max3A_328 : f32 to vector<782x128xf32>
    %max3A_330 = arith.maximumf %add3A_327, %max3A_329 : vector<782x128xf32>
    %get3A_331 = arith.constant 12 : index
    %get3A_332 = arith.constant 0 : index
    %get3A_333 = memref.load %arg5[%get3A_331, %get3A_332] : memref<16x2xf32, #tpu.memory_space<smem>>
    %mul3A_334 = vector.broadcast %get3A_333 : f32 to vector<782x128xf32>
    %mul3A_335 = arith.mulf %max3A_330, %mul3A_334 : vector<782x128xf32>
    %add3A_336 = arith.addf %add3A_311, %mul3A_335 : vector<782x128xf32>
    %get3A_337 = arith.constant 12 : index
    %get3A_338 = arith.constant 1 : index
    %get3A_339 = memref.load %arg5[%get3A_337, %get3A_338] : memref<16x2xf32, #tpu.memory_space<smem>>
    %mul3A_340 = vector.broadcast %get3A_339 : f32 to vector<782x128xf32>
    %mul3A_341 = arith.mulf %max3A_330, %mul3A_340 : vector<782x128xf32>
    %add3A_342 = arith.addf %add3A_317, %mul3A_341 : vector<782x128xf32>
    %get3A_343 = arith.constant 0 : index
    %get3A_344 = arith.constant 13 : index
    %get3A_345 = memref.load %arg3[%get3A_343, %get3A_344] : memref<1x16xf32, #tpu.memory_space<smem>>
    %mul3A_346 = vector.broadcast %get3A_345 : f32 to vector<782x128xf32>
    %mul3A_347 = arith.mulf %mul3A, %mul3A_346 : vector<782x128xf32>
    %get3A_348 = arith.constant 0 : index
    %get3A_349 = arith.constant 13 : index
    %get3A_350 = memref.load %arg4[%get3A_348, %get3A_349] : memref<1x16xf32, #tpu.memory_space<smem>>
    %add3A_351 = vector.broadcast %get3A_350 : f32 to vector<782x128xf32>
    %add3A_352 = arith.addf %mul3A_347, %add3A_351 : vector<782x128xf32>
    %max3A_353 = arith.constant 0.000000e+00 : f32
    %max3A_354 = vector.broadcast %max3A_353 : f32 to vector<782x128xf32>
    %max3A_355 = arith.maximumf %add3A_352, %max3A_354 : vector<782x128xf32>
    %get3A_356 = arith.constant 13 : index
    %get3A_357 = arith.constant 0 : index
    %get3A_358 = memref.load %arg5[%get3A_356, %get3A_357] : memref<16x2xf32, #tpu.memory_space<smem>>
    %mul3A_359 = vector.broadcast %get3A_358 : f32 to vector<782x128xf32>
    %mul3A_360 = arith.mulf %max3A_355, %mul3A_359 : vector<782x128xf32>
    %add3A_361 = arith.addf %add3A_336, %mul3A_360 : vector<782x128xf32>
    %get3A_362 = arith.constant 13 : index
    %get3A_363 = arith.constant 1 : index
    %get3A_364 = memref.load %arg5[%get3A_362, %get3A_363] : memref<16x2xf32, #tpu.memory_space<smem>>
    %mul3A_365 = vector.broadcast %get3A_364 : f32 to vector<782x128xf32>
    %mul3A_366 = arith.mulf %max3A_355, %mul3A_365 : vector<782x128xf32>
    %add3A_367 = arith.addf %add3A_342, %mul3A_366 : vector<782x128xf32>
    %get3A_368 = arith.constant 0 : index
    %get3A_369 = arith.constant 14 : index
    %get3A_370 = memref.load %arg3[%get3A_368, %get3A_369] : memref<1x16xf32, #tpu.memory_space<smem>>
    %mul3A_371 = vector.broadcast %get3A_370 : f32 to vector<782x128xf32>
    %mul3A_372 = arith.mulf %mul3A, %mul3A_371 : vector<782x128xf32>
    %get3A_373 = arith.constant 0 : index
    %get3A_374 = arith.constant 14 : index
    %get3A_375 = memref.load %arg4[%get3A_373, %get3A_374] : memref<1x16xf32, #tpu.memory_space<smem>>
    %add3A_376 = vector.broadcast %get3A_375 : f32 to vector<782x128xf32>
    %add3A_377 = arith.addf %mul3A_372, %add3A_376 : vector<782x128xf32>
    %max3A_378 = arith.constant 0.000000e+00 : f32
    %max3A_379 = vector.broadcast %max3A_378 : f32 to vector<782x128xf32>
    %max3A_380 = arith.maximumf %add3A_377, %max3A_379 : vector<782x128xf32>
    %get3A_381 = arith.constant 14 : index
    %get3A_382 = arith.constant 0 : index
    %get3A_383 = memref.load %arg5[%get3A_381, %get3A_382] : memref<16x2xf32, #tpu.memory_space<smem>>
    %mul3A_384 = vector.broadcast %get3A_383 : f32 to vector<782x128xf32>
    %mul3A_385 = arith.mulf %max3A_380, %mul3A_384 : vector<782x128xf32>
    %add3A_386 = arith.addf %add3A_361, %mul3A_385 : vector<782x128xf32>
    %get3A_387 = arith.constant 14 : index
    %get3A_388 = arith.constant 1 : index
    %get3A_389 = memref.load %arg5[%get3A_387, %get3A_388] : memref<16x2xf32, #tpu.memory_space<smem>>
    %mul3A_390 = vector.broadcast %get3A_389 : f32 to vector<782x128xf32>
    %mul3A_391 = arith.mulf %max3A_380, %mul3A_390 : vector<782x128xf32>
    %add3A_392 = arith.addf %add3A_367, %mul3A_391 : vector<782x128xf32>
    %get3A_393 = arith.constant 0 : index
    %get3A_394 = arith.constant 15 : index
    %get3A_395 = memref.load %arg3[%get3A_393, %get3A_394] : memref<1x16xf32, #tpu.memory_space<smem>>
    %mul3A_396 = vector.broadcast %get3A_395 : f32 to vector<782x128xf32>
    %mul3A_397 = arith.mulf %mul3A, %mul3A_396 : vector<782x128xf32>
    %get3A_398 = arith.constant 0 : index
    %get3A_399 = arith.constant 15 : index
    %get3A_400 = memref.load %arg4[%get3A_398, %get3A_399] : memref<1x16xf32, #tpu.memory_space<smem>>
    %add3A_401 = vector.broadcast %get3A_400 : f32 to vector<782x128xf32>
    %add3A_402 = arith.addf %mul3A_397, %add3A_401 : vector<782x128xf32>
    %max3A_403 = arith.constant 0.000000e+00 : f32
    %max3A_404 = vector.broadcast %max3A_403 : f32 to vector<782x128xf32>
    %max3A_405 = arith.maximumf %add3A_402, %max3A_404 : vector<782x128xf32>
    %get3A_406 = arith.constant 15 : index
    %get3A_407 = arith.constant 0 : index
    %get3A_408 = memref.load %arg5[%get3A_406, %get3A_407] : memref<16x2xf32, #tpu.memory_space<smem>>
    %mul3A_409 = vector.broadcast %get3A_408 : f32 to vector<782x128xf32>
    %mul3A_410 = arith.mulf %max3A_405, %mul3A_409 : vector<782x128xf32>
    %add3A_411 = arith.addf %add3A_386, %mul3A_410 : vector<782x128xf32>
    %get3A_412 = arith.constant 15 : index
    %get3A_413 = arith.constant 1 : index
    %get3A_414 = memref.load %arg5[%get3A_412, %get3A_413] : memref<16x2xf32, #tpu.memory_space<smem>>
    %mul3A_415 = vector.broadcast %get3A_414 : f32 to vector<782x128xf32>
    %mul3A_416 = arith.mulf %max3A_405, %mul3A_415 : vector<782x128xf32>
    %add3A_417 = arith.addf %add3A_392, %mul3A_416 : vector<782x128xf32>
    %mul3A_418 = arith.mulf %add3A_411, %get3A_1 : vector<782x128xf32>
    %swap3A = arith.constant 0 : index
    %swap3A_419 = arith.constant 0 : index
    %swap3A_420 = arith.constant 0 : index
    %swap3A_421 = vector.load %arg6[%swap3A, %swap3A_419, %swap3A_420] : memref<2x782x128xf32, #tpu.memory_space<vmem>>, vector<1x782x128xf32>
    %swap3A_422 = vector.shape_cast %swap3A_421 : vector<1x782x128xf32> to vector<782x128xf32>
    %swap3A_423 = vector.shape_cast %mul3A_418 : vector<782x128xf32> to vector<1x782x128xf32>
    tpu.vector_store %arg6[%swap3A, %swap3A_419, %swap3A_420], %swap3A_423 {strides = array<i32>} : memref<2x782x128xf32, #tpu.memory_space<vmem>>, vector<1x782x128xf32>,
    %mul3A_424 = arith.mulf %add3A_417, %get3A_1 : vector<782x128xf32>
    %swap3A_425 = arith.constant 1 : index
    %swap3A_426 = arith.constant 0 : index
    %swap3A_427 = arith.constant 0 : index
    %swap3A_428 = vector.load %arg6[%swap3A_425, %swap3A_426, %swap3A_427] : memref<2x782x128xf32, #tpu.memory_space<vmem>>, vector<1x782x128xf32>
    %swap3A_429 = vector.shape_cast %swap3A_428 : vector<1x782x128xf32> to vector<782x128xf32>
    %swap3A_430 = vector.shape_cast %mul3A_424 : vector<782x128xf32> to vector<1x782x128xf32>
    tpu.vector_store %arg6[%swap3A_425, %swap3A_426, %swap3A_427], %swap3A_430 {strides = array<i32>} : memref<2x782x128xf32, #tpu.memory_space<vmem>>, vector<1x782x128xf32>,
    return
  }
}

module attributes {stable_mosaic.version = 14 : i64} {
  func.func @_final_body(%arg0: memref<2x2x782x128xf32, #tpu.memory_space<vmem>>, %arg1: memref<2x782x128xf32, #tpu.memory_space<vmem>>, %arg2: memref<782x128xf32, #tpu.memory_space<vmem>>, %arg3: memref<1x2xf32, #tpu.memory_space<smem>>, %arg4: memref<782x128xi32, #tpu.memory_space<vmem>>, %arg5: memref<64x2xf32, #tpu.memory_space<smem>>) attributes {dimension_semantics = [], scalar_prefetch = 0 : i64, scratch_operands = 0 : i64, tpu.core_type = #tpu.core_type<tc>} {
    %get3A = arith.constant 0 : index
    %get3A_0 = arith.constant 0 : index
    %get3A_1 = vector.load %arg2[%get3A, %get3A_0] : memref<782x128xf32, #tpu.memory_space<vmem>>, vector<782x128xf32>
    %get3A_2 = arith.constant 0 : index
    %get3A_3 = arith.constant 0 : index
    %get3A_4 = arith.constant 0 : index
    %get3A_5 = arith.constant 0 : index
    %get3A_6 = vector.load %arg0[%get3A_2, %get3A_3, %get3A_4, %get3A_5] : memref<2x2x782x128xf32, #tpu.memory_space<vmem>>, vector<1x1x782x128xf32>
    %get3A_7 = vector.shape_cast %get3A_6 : vector<1x1x782x128xf32> to vector<782x128xf32>
    %get3A_8 = arith.constant 1 : index
    %get3A_9 = arith.constant 0 : index
    %get3A_10 = arith.constant 0 : index
    %get3A_11 = arith.constant 0 : index
    %get3A_12 = vector.load %arg0[%get3A_8, %get3A_9, %get3A_10, %get3A_11] : memref<2x2x782x128xf32, #tpu.memory_space<vmem>>, vector<1x1x782x128xf32>
    %get3A_13 = vector.shape_cast %get3A_12 : vector<1x1x782x128xf32> to vector<782x128xf32>
    %add3A = arith.addf %get3A_7, %get3A_13 : vector<782x128xf32>
    %get3A_14 = arith.constant 0 : index
    %get3A_15 = arith.constant 0 : index
    %get3A_16 = arith.constant 0 : index
    %get3A_17 = vector.load %arg1[%get3A_14, %get3A_15, %get3A_16] : memref<2x782x128xf32, #tpu.memory_space<vmem>>, vector<1x782x128xf32>
    %get3A_18 = vector.shape_cast %get3A_17 : vector<1x782x128xf32> to vector<782x128xf32>
    %add3A_19 = arith.addf %add3A, %get3A_18 : vector<782x128xf32>
    %mul3A = arith.mulf %get3A_1, %add3A_19 : vector<782x128xf32>
    %get3A_20 = arith.constant 0 : index
    %get3A_21 = arith.constant 0 : index
    %get3A_22 = memref.load %arg3[%get3A_20, %get3A_21] : memref<1x2xf32, #tpu.memory_space<smem>>
    %add3A_23 = vector.broadcast %get3A_22 : f32 to vector<782x128xf32>
    %add3A_24 = arith.addf %mul3A, %add3A_23 : vector<782x128xf32>
    %max3A = arith.constant 0.000000e+00 : f32
    %max3A_25 = vector.broadcast %max3A : f32 to vector<782x128xf32>
    %max3A_26 = arith.maximumf %add3A_24, %max3A_25 : vector<782x128xf32>
    %get3A_27 = arith.constant 0 : index
    %get3A_28 = arith.constant 1 : index
    %get3A_29 = arith.constant 0 : index
    %get3A_30 = arith.constant 0 : index
    %get3A_31 = vector.load %arg0[%get3A_27, %get3A_28, %get3A_29, %get3A_30] : memref<2x2x782x128xf32, #tpu.memory_space<vmem>>, vector<1x1x782x128xf32>
    %get3A_32 = vector.shape_cast %get3A_31 : vector<1x1x782x128xf32> to vector<782x128xf32>
    %get3A_33 = arith.constant 1 : index
    %get3A_34 = arith.constant 1 : index
    %get3A_35 = arith.constant 0 : index
    %get3A_36 = arith.constant 0 : index
    %get3A_37 = vector.load %arg0[%get3A_33, %get3A_34, %get3A_35, %get3A_36] : memref<2x2x782x128xf32, #tpu.memory_space<vmem>>, vector<1x1x782x128xf32>
    %get3A_38 = vector.shape_cast %get3A_37 : vector<1x1x782x128xf32> to vector<782x128xf32>
    %add3A_39 = arith.addf %get3A_32, %get3A_38 : vector<782x128xf32>
    %get3A_40 = arith.constant 1 : index
    %get3A_41 = arith.constant 0 : index
    %get3A_42 = arith.constant 0 : index
    %get3A_43 = vector.load %arg1[%get3A_40, %get3A_41, %get3A_42] : memref<2x782x128xf32, #tpu.memory_space<vmem>>, vector<1x782x128xf32>
    %get3A_44 = vector.shape_cast %get3A_43 : vector<1x782x128xf32> to vector<782x128xf32>
    %add3A_45 = arith.addf %add3A_39, %get3A_44 : vector<782x128xf32>
    %mul3A_46 = arith.mulf %get3A_1, %add3A_45 : vector<782x128xf32>
    %get3A_47 = arith.constant 0 : index
    %get3A_48 = arith.constant 1 : index
    %get3A_49 = memref.load %arg3[%get3A_47, %get3A_48] : memref<1x2xf32, #tpu.memory_space<smem>>
    %add3A_50 = vector.broadcast %get3A_49 : f32 to vector<782x128xf32>
    %add3A_51 = arith.addf %mul3A_46, %add3A_50 : vector<782x128xf32>
    %max3A_52 = arith.constant 0.000000e+00 : f32
    %max3A_53 = vector.broadcast %max3A_52 : f32 to vector<782x128xf32>
    %max3A_54 = arith.maximumf %add3A_51, %max3A_53 : vector<782x128xf32>
    %get3A_55 = arith.constant 0 : index
    %get3A_56 = arith.constant 0 : index
    %get3A_57 = vector.load %arg4[%get3A_55, %get3A_56] : memref<782x128xi32, #tpu.memory_space<vmem>>, vector<782x128xi32>
    %eq3A = arith.constant 0 : i32
    %eq3A_58 = vector.broadcast %eq3A : i32 to vector<782x128xi32>
    %eq3A_59 = arith.cmpi eq, %get3A_57, %eq3A_58 : vector<782x128xi32>
    %convert_element_type3A = arith.extui %eq3A_59 : vector<782x128xi1> to vector<782x128xi32>
    %convert_element_type3A_60 = arith.sitofp %convert_element_type3A : vector<782x128xi32> to vector<782x128xf32>
    %reduce_sum3A = vector.shape_cast %convert_element_type3A_60 : vector<782x128xf32> to vector<1x782x128xf32>
    %reduce_sum3A_61 = arith.constant dense<0.000000e+00> : vector<1xf32>
    %reduce_sum3A_62 = vector.multi_reduction <add>, %reduce_sum3A, %reduce_sum3A_61 [1, 2] : vector<1x782x128xf32> to vector<1xf32>
    %reduce_sum3A_63 = vector.shape_cast %reduce_sum3A_62 : vector<1xf32> to vector<1x1x1xf32>
    %reduce_sum3A_64 = vector.extract %reduce_sum3A_63[0, 0, 0] : f32 from vector<1x1x1xf32>
    %max3A_65 = arith.constant 1.000000e+00 : f32
    %max3A_66 = arith.maximumf %reduce_sum3A_64, %max3A_65 : f32
    %mul3A_67 = arith.mulf %convert_element_type3A_60, %max3A_26 : vector<782x128xf32>
    %reduce_sum3A_68 = vector.shape_cast %mul3A_67 : vector<782x128xf32> to vector<1x782x128xf32>
    %reduce_sum3A_69 = arith.constant dense<0.000000e+00> : vector<1xf32>
    %reduce_sum3A_70 = vector.multi_reduction <add>, %reduce_sum3A_68, %reduce_sum3A_69 [1, 2] : vector<1x782x128xf32> to vector<1xf32>
    %reduce_sum3A_71 = vector.shape_cast %reduce_sum3A_70 : vector<1xf32> to vector<1x1x1xf32>
    %reduce_sum3A_72 = vector.extract %reduce_sum3A_71[0, 0, 0] : f32 from vector<1x1x1xf32>
    %div3A = arith.divf %reduce_sum3A_72, %max3A_66 : f32
    %mul3A_73 = arith.mulf %convert_element_type3A_60, %max3A_54 : vector<782x128xf32>
    %reduce_sum3A_74 = vector.shape_cast %mul3A_73 : vector<782x128xf32> to vector<1x782x128xf32>
    %reduce_sum3A_75 = arith.constant dense<0.000000e+00> : vector<1xf32>
    %reduce_sum3A_76 = vector.multi_reduction <add>, %reduce_sum3A_74, %reduce_sum3A_75 [1, 2] : vector<1x782x128xf32> to vector<1xf32>
    %reduce_sum3A_77 = vector.shape_cast %reduce_sum3A_76 : vector<1xf32> to vector<1x1x1xf32>
    %reduce_sum3A_78 = vector.extract %reduce_sum3A_77[0, 0, 0] : f32 from vector<1x1x1xf32>
    %div3A_79 = arith.divf %reduce_sum3A_78, %max3A_66 : f32
    %max3A_80 = arith.maximumf %div3A, %div3A_79 : f32
    %sub3A = arith.subf %div3A, %max3A_80 : f32
    %exp3A = math.exp %sub3A : f32
    %sub3A_81 = arith.subf %div3A_79, %max3A_80 : f32
    %exp3A_82 = math.exp %sub3A_81 : f32
    %add3A_83 = arith.addf %exp3A, %exp3A_82 : f32
    %log3A = math.log %add3A_83 : f32
    %add3A_84 = arith.addf %log3A, %max3A_80 : f32
    %sub3A_85 = arith.subf %div3A, %add3A_84 : f32
    %swap3A = arith.constant 0 : index
    %swap3A_86 = arith.constant 0 : index
    %swap3A_87 = memref.load %arg5[%swap3A, %swap3A_86] : memref<64x2xf32, #tpu.memory_space<smem>>
    memref.store %sub3A_85, %arg5[%swap3A, %swap3A_86] : memref<64x2xf32, #tpu.memory_space<smem>>
    %sub3A_88 = arith.subf %div3A_79, %add3A_84 : f32
    %swap3A_89 = arith.constant 0 : index
    %swap3A_90 = arith.constant 1 : index
    %swap3A_91 = memref.load %arg5[%swap3A_89, %swap3A_90] : memref<64x2xf32, #tpu.memory_space<smem>>
    memref.store %sub3A_88, %arg5[%swap3A_89, %swap3A_90] : memref<64x2xf32, #tpu.memory_space<smem>>
    %eq3A_92 = arith.constant 1 : i32
    %eq3A_93 = vector.broadcast %eq3A_92 : i32 to vector<782x128xi32>
    %eq3A_94 = arith.cmpi eq, %get3A_57, %eq3A_93 : vector<782x128xi32>
    %convert_element_type3A_95 = arith.extui %eq3A_94 : vector<782x128xi1> to vector<782x128xi32>
    %convert_element_type3A_96 = arith.sitofp %convert_element_type3A_95 : vector<782x128xi32> to vector<782x128xf32>
    %reduce_sum3A_97 = vector.shape_cast %convert_element_type3A_96 : vector<782x128xf32> to vector<1x782x128xf32>
    %reduce_sum3A_98 = arith.constant dense<0.000000e+00> : vector<1xf32>
    %reduce_sum3A_99 = vector.multi_reduction <add>, %reduce_sum3A_97, %reduce_sum3A_98 [1, 2] : vector<1x782x128xf32> to vector<1xf32>
    %reduce_sum3A_100 = vector.shape_cast %reduce_sum3A_99 : vector<1xf32> to vector<1x1x1xf32>
    %reduce_sum3A_101 = vector.extract %reduce_sum3A_100[0, 0, 0] : f32 from vector<1x1x1xf32>
    %max3A_102 = arith.constant 1.000000e+00 : f32
    %max3A_103 = arith.maximumf %reduce_sum3A_101, %max3A_102 : f32
    %mul3A_104 = arith.mulf %convert_element_type3A_96, %max3A_26 : vector<782x128xf32>
    %reduce_sum3A_105 = vector.shape_cast %mul3A_104 : vector<782x128xf32> to vector<1x782x128xf32>
    %reduce_sum3A_106 = arith.constant dense<0.000000e+00> : vector<1xf32>
    %reduce_sum3A_107 = vector.multi_reduction <add>, %reduce_sum3A_105, %reduce_sum3A_106 [1, 2] : vector<1x782x128xf32> to vector<1xf32>
    %reduce_sum3A_108 = vector.shape_cast %reduce_sum3A_107 : vector<1xf32> to vector<1x1x1xf32>
    %reduce_sum3A_109 = vector.extract %reduce_sum3A_108[0, 0, 0] : f32 from vector<1x1x1xf32>
    %div3A_110 = arith.divf %reduce_sum3A_109, %max3A_103 : f32
    %mul3A_111 = arith.mulf %convert_element_type3A_96, %max3A_54 : vector<782x128xf32>
    %reduce_sum3A_112 = vector.shape_cast %mul3A_111 : vector<782x128xf32> to vector<1x782x128xf32>
    %reduce_sum3A_113 = arith.constant dense<0.000000e+00> : vector<1xf32>
    %reduce_sum3A_114 = vector.multi_reduction <add>, %reduce_sum3A_112, %reduce_sum3A_113 [1, 2] : vector<1x782x128xf32> to vector<1xf32>
    %reduce_sum3A_115 = vector.shape_cast %reduce_sum3A_114 : vector<1xf32> to vector<1x1x1xf32>
    %reduce_sum3A_116 = vector.extract %reduce_sum3A_115[0, 0, 0] : f32 from vector<1x1x1xf32>
    %div3A_117 = arith.divf %reduce_sum3A_116, %max3A_103 : f32
    %max3A_118 = arith.maximumf %div3A_110, %div3A_117 : f32
    %sub3A_119 = arith.subf %div3A_110, %max3A_118 : f32
    %exp3A_120 = math.exp %sub3A_119 : f32
    %sub3A_121 = arith.subf %div3A_117, %max3A_118 : f32
    %exp3A_122 = math.exp %sub3A_121 : f32
    %add3A_123 = arith.addf %exp3A_120, %exp3A_122 : f32
    %log3A_124 = math.log %add3A_123 : f32
    %add3A_125 = arith.addf %log3A_124, %max3A_118 : f32
    %sub3A_126 = arith.subf %div3A_110, %add3A_125 : f32
    %swap3A_127 = arith.constant 1 : index
    %swap3A_128 = arith.constant 0 : index
    %swap3A_129 = memref.load %arg5[%swap3A_127, %swap3A_128] : memref<64x2xf32, #tpu.memory_space<smem>>
    memref.store %sub3A_126, %arg5[%swap3A_127, %swap3A_128] : memref<64x2xf32, #tpu.memory_space<smem>>
    %sub3A_130 = arith.subf %div3A_117, %add3A_125 : f32
    %swap3A_131 = arith.constant 1 : index
    %swap3A_132 = arith.constant 1 : index
    %swap3A_133 = memref.load %arg5[%swap3A_131, %swap3A_132] : memref<64x2xf32, #tpu.memory_space<smem>>
    memref.store %sub3A_130, %arg5[%swap3A_131, %swap3A_132] : memref<64x2xf32, #tpu.memory_space<smem>>
    %eq3A_134 = arith.constant 2 : i32
    %eq3A_135 = vector.broadcast %eq3A_134 : i32 to vector<782x128xi32>
    %eq3A_136 = arith.cmpi eq, %get3A_57, %eq3A_135 : vector<782x128xi32>
    %convert_element_type3A_137 = arith.extui %eq3A_136 : vector<782x128xi1> to vector<782x128xi32>
    %convert_element_type3A_138 = arith.sitofp %convert_element_type3A_137 : vector<782x128xi32> to vector<782x128xf32>
    %reduce_sum3A_139 = vector.shape_cast %convert_element_type3A_138 : vector<782x128xf32> to vector<1x782x128xf32>
    %reduce_sum3A_140 = arith.constant dense<0.000000e+00> : vector<1xf32>
    %reduce_sum3A_141 = vector.multi_reduction <add>, %reduce_sum3A_139, %reduce_sum3A_140 [1, 2] : vector<1x782x128xf32> to vector<1xf32>
    %reduce_sum3A_142 = vector.shape_cast %reduce_sum3A_141 : vector<1xf32> to vector<1x1x1xf32>
    %reduce_sum3A_143 = vector.extract %reduce_sum3A_142[0, 0, 0] : f32 from vector<1x1x1xf32>
    %max3A_144 = arith.constant 1.000000e+00 : f32
    %max3A_145 = arith.maximumf %reduce_sum3A_143, %max3A_144 : f32
    %mul3A_146 = arith.mulf %convert_element_type3A_138, %max3A_26 : vector<782x128xf32>
    %reduce_sum3A_147 = vector.shape_cast %mul3A_146 : vector<782x128xf32> to vector<1x782x128xf32>
    %reduce_sum3A_148 = arith.constant dense<0.000000e+00> : vector<1xf32>
    %reduce_sum3A_149 = vector.multi_reduction <add>, %reduce_sum3A_147, %reduce_sum3A_148 [1, 2] : vector<1x782x128xf32> to vector<1xf32>
    %reduce_sum3A_150 = vector.shape_cast %reduce_sum3A_149 : vector<1xf32> to vector<1x1x1xf32>
    %reduce_sum3A_151 = vector.extract %reduce_sum3A_150[0, 0, 0] : f32 from vector<1x1x1xf32>
    %div3A_152 = arith.divf %reduce_sum3A_151, %max3A_145 : f32
    %mul3A_153 = arith.mulf %convert_element_type3A_138, %max3A_54 : vector<782x128xf32>
    %reduce_sum3A_154 = vector.shape_cast %mul3A_153 : vector<782x128xf32> to vector<1x782x128xf32>
    %reduce_sum3A_155 = arith.constant dense<0.000000e+00> : vector<1xf32>
    %reduce_sum3A_156 = vector.multi_reduction <add>, %reduce_sum3A_154, %reduce_sum3A_155 [1, 2] : vector<1x782x128xf32> to vector<1xf32>
    %reduce_sum3A_157 = vector.shape_cast %reduce_sum3A_156 : vector<1xf32> to vector<1x1x1xf32>
    %reduce_sum3A_158 = vector.extract %reduce_sum3A_157[0, 0, 0] : f32 from vector<1x1x1xf32>
    %div3A_159 = arith.divf %reduce_sum3A_158, %max3A_145 : f32
    %max3A_160 = arith.maximumf %div3A_152, %div3A_159 : f32
    %sub3A_161 = arith.subf %div3A_152, %max3A_160 : f32
    %exp3A_162 = math.exp %sub3A_161 : f32
    %sub3A_163 = arith.subf %div3A_159, %max3A_160 : f32
    %exp3A_164 = math.exp %sub3A_163 : f32
    %add3A_165 = arith.addf %exp3A_162, %exp3A_164 : f32
    %log3A_166 = math.log %add3A_165 : f32
    %add3A_167 = arith.addf %log3A_166, %max3A_160 : f32
    %sub3A_168 = arith.subf %div3A_152, %add3A_167 : f32
    %swap3A_169 = arith.constant 2 : index
    %swap3A_170 = arith.constant 0 : index
    %swap3A_171 = memref.load %arg5[%swap3A_169, %swap3A_170] : memref<64x2xf32, #tpu.memory_space<smem>>
    memref.store %sub3A_168, %arg5[%swap3A_169, %swap3A_170] : memref<64x2xf32, #tpu.memory_space<smem>>
    %sub3A_172 = arith.subf %div3A_159, %add3A_167 : f32
    %swap3A_173 = arith.constant 2 : index
    %swap3A_174 = arith.constant 1 : index
    %swap3A_175 = memref.load %arg5[%swap3A_173, %swap3A_174] : memref<64x2xf32, #tpu.memory_space<smem>>
    memref.store %sub3A_172, %arg5[%swap3A_173, %swap3A_174] : memref<64x2xf32, #tpu.memory_space<smem>>
    %eq3A_176 = arith.constant 3 : i32
    %eq3A_177 = vector.broadcast %eq3A_176 : i32 to vector<782x128xi32>
    %eq3A_178 = arith.cmpi eq, %get3A_57, %eq3A_177 : vector<782x128xi32>
    %convert_element_type3A_179 = arith.extui %eq3A_178 : vector<782x128xi1> to vector<782x128xi32>
    %convert_element_type3A_180 = arith.sitofp %convert_element_type3A_179 : vector<782x128xi32> to vector<782x128xf32>
    %reduce_sum3A_181 = vector.shape_cast %convert_element_type3A_180 : vector<782x128xf32> to vector<1x782x128xf32>
    %reduce_sum3A_182 = arith.constant dense<0.000000e+00> : vector<1xf32>
    %reduce_sum3A_183 = vector.multi_reduction <add>, %reduce_sum3A_181, %reduce_sum3A_182 [1, 2] : vector<1x782x128xf32> to vector<1xf32>
    %reduce_sum3A_184 = vector.shape_cast %reduce_sum3A_183 : vector<1xf32> to vector<1x1x1xf32>
    %reduce_sum3A_185 = vector.extract %reduce_sum3A_184[0, 0, 0] : f32 from vector<1x1x1xf32>
    %max3A_186 = arith.constant 1.000000e+00 : f32
    %max3A_187 = arith.maximumf %reduce_sum3A_185, %max3A_186 : f32
    %mul3A_188 = arith.mulf %convert_element_type3A_180, %max3A_26 : vector<782x128xf32>
    %reduce_sum3A_189 = vector.shape_cast %mul3A_188 : vector<782x128xf32> to vector<1x782x128xf32>
    %reduce_sum3A_190 = arith.constant dense<0.000000e+00> : vector<1xf32>
    %reduce_sum3A_191 = vector.multi_reduction <add>, %reduce_sum3A_189, %reduce_sum3A_190 [1, 2] : vector<1x782x128xf32> to vector<1xf32>
    %reduce_sum3A_192 = vector.shape_cast %reduce_sum3A_191 : vector<1xf32> to vector<1x1x1xf32>
    %reduce_sum3A_193 = vector.extract %reduce_sum3A_192[0, 0, 0] : f32 from vector<1x1x1xf32>
    %div3A_194 = arith.divf %reduce_sum3A_193, %max3A_187 : f32
    %mul3A_195 = arith.mulf %convert_element_type3A_180, %max3A_54 : vector<782x128xf32>
    %reduce_sum3A_196 = vector.shape_cast %mul3A_195 : vector<782x128xf32> to vector<1x782x128xf32>
    %reduce_sum3A_197 = arith.constant dense<0.000000e+00> : vector<1xf32>
    %reduce_sum3A_198 = vector.multi_reduction <add>, %reduce_sum3A_196, %reduce_sum3A_197 [1, 2] : vector<1x782x128xf32> to vector<1xf32>
    %reduce_sum3A_199 = vector.shape_cast %reduce_sum3A_198 : vector<1xf32> to vector<1x1x1xf32>
    %reduce_sum3A_200 = vector.extract %reduce_sum3A_199[0, 0, 0] : f32 from vector<1x1x1xf32>
    %div3A_201 = arith.divf %reduce_sum3A_200, %max3A_187 : f32
    %max3A_202 = arith.maximumf %div3A_194, %div3A_201 : f32
    %sub3A_203 = arith.subf %div3A_194, %max3A_202 : f32
    %exp3A_204 = math.exp %sub3A_203 : f32
    %sub3A_205 = arith.subf %div3A_201, %max3A_202 : f32
    %exp3A_206 = math.exp %sub3A_205 : f32
    %add3A_207 = arith.addf %exp3A_204, %exp3A_206 : f32
    %log3A_208 = math.log %add3A_207 : f32
    %add3A_209 = arith.addf %log3A_208, %max3A_202 : f32
    %sub3A_210 = arith.subf %div3A_194, %add3A_209 : f32
    %swap3A_211 = arith.constant 3 : index
    %swap3A_212 = arith.constant 0 : index
    %swap3A_213 = memref.load %arg5[%swap3A_211, %swap3A_212] : memref<64x2xf32, #tpu.memory_space<smem>>
    memref.store %sub3A_210, %arg5[%swap3A_211, %swap3A_212] : memref<64x2xf32, #tpu.memory_space<smem>>
    %sub3A_214 = arith.subf %div3A_201, %add3A_209 : f32
    %swap3A_215 = arith.constant 3 : index
    %swap3A_216 = arith.constant 1 : index
    %swap3A_217 = memref.load %arg5[%swap3A_215, %swap3A_216] : memref<64x2xf32, #tpu.memory_space<smem>>
    memref.store %sub3A_214, %arg5[%swap3A_215, %swap3A_216] : memref<64x2xf32, #tpu.memory_space<smem>>
    %eq3A_218 = arith.constant 4 : i32
    %eq3A_219 = vector.broadcast %eq3A_218 : i32 to vector<782x128xi32>
    %eq3A_220 = arith.cmpi eq, %get3A_57, %eq3A_219 : vector<782x128xi32>
    %convert_element_type3A_221 = arith.extui %eq3A_220 : vector<782x128xi1> to vector<782x128xi32>
    %convert_element_type3A_222 = arith.sitofp %convert_element_type3A_221 : vector<782x128xi32> to vector<782x128xf32>
    %reduce_sum3A_223 = vector.shape_cast %convert_element_type3A_222 : vector<782x128xf32> to vector<1x782x128xf32>
    %reduce_sum3A_224 = arith.constant dense<0.000000e+00> : vector<1xf32>
    %reduce_sum3A_225 = vector.multi_reduction <add>, %reduce_sum3A_223, %reduce_sum3A_224 [1, 2] : vector<1x782x128xf32> to vector<1xf32>
    %reduce_sum3A_226 = vector.shape_cast %reduce_sum3A_225 : vector<1xf32> to vector<1x1x1xf32>
    %reduce_sum3A_227 = vector.extract %reduce_sum3A_226[0, 0, 0] : f32 from vector<1x1x1xf32>
    %max3A_228 = arith.constant 1.000000e+00 : f32
    %max3A_229 = arith.maximumf %reduce_sum3A_227, %max3A_228 : f32
    %mul3A_230 = arith.mulf %convert_element_type3A_222, %max3A_26 : vector<782x128xf32>
    %reduce_sum3A_231 = vector.shape_cast %mul3A_230 : vector<782x128xf32> to vector<1x782x128xf32>
    %reduce_sum3A_232 = arith.constant dense<0.000000e+00> : vector<1xf32>
    %reduce_sum3A_233 = vector.multi_reduction <add>, %reduce_sum3A_231, %reduce_sum3A_232 [1, 2] : vector<1x782x128xf32> to vector<1xf32>
    %reduce_sum3A_234 = vector.shape_cast %reduce_sum3A_233 : vector<1xf32> to vector<1x1x1xf32>
    %reduce_sum3A_235 = vector.extract %reduce_sum3A_234[0, 0, 0] : f32 from vector<1x1x1xf32>
    %div3A_236 = arith.divf %reduce_sum3A_235, %max3A_229 : f32
    %mul3A_237 = arith.mulf %convert_element_type3A_222, %max3A_54 : vector<782x128xf32>
    %reduce_sum3A_238 = vector.shape_cast %mul3A_237 : vector<782x128xf32> to vector<1x782x128xf32>
    %reduce_sum3A_239 = arith.constant dense<0.000000e+00> : vector<1xf32>
    %reduce_sum3A_240 = vector.multi_reduction <add>, %reduce_sum3A_238, %reduce_sum3A_239 [1, 2] : vector<1x782x128xf32> to vector<1xf32>
    %reduce_sum3A_241 = vector.shape_cast %reduce_sum3A_240 : vector<1xf32> to vector<1x1x1xf32>
    %reduce_sum3A_242 = vector.extract %reduce_sum3A_241[0, 0, 0] : f32 from vector<1x1x1xf32>
    %div3A_243 = arith.divf %reduce_sum3A_242, %max3A_229 : f32
    %max3A_244 = arith.maximumf %div3A_236, %div3A_243 : f32
    %sub3A_245 = arith.subf %div3A_236, %max3A_244 : f32
    %exp3A_246 = math.exp %sub3A_245 : f32
    %sub3A_247 = arith.subf %div3A_243, %max3A_244 : f32
    %exp3A_248 = math.exp %sub3A_247 : f32
    %add3A_249 = arith.addf %exp3A_246, %exp3A_248 : f32
    %log3A_250 = math.log %add3A_249 : f32
    %add3A_251 = arith.addf %log3A_250, %max3A_244 : f32
    %sub3A_252 = arith.subf %div3A_236, %add3A_251 : f32
    %swap3A_253 = arith.constant 4 : index
    %swap3A_254 = arith.constant 0 : index
    %swap3A_255 = memref.load %arg5[%swap3A_253, %swap3A_254] : memref<64x2xf32, #tpu.memory_space<smem>>
    memref.store %sub3A_252, %arg5[%swap3A_253, %swap3A_254] : memref<64x2xf32, #tpu.memory_space<smem>>
    %sub3A_256 = arith.subf %div3A_243, %add3A_251 : f32
    %swap3A_257 = arith.constant 4 : index
    %swap3A_258 = arith.constant 1 : index
    %swap3A_259 = memref.load %arg5[%swap3A_257, %swap3A_258] : memref<64x2xf32, #tpu.memory_space<smem>>
    memref.store %sub3A_256, %arg5[%swap3A_257, %swap3A_258] : memref<64x2xf32, #tpu.memory_space<smem>>
    %eq3A_260 = arith.constant 5 : i32
    %eq3A_261 = vector.broadcast %eq3A_260 : i32 to vector<782x128xi32>
    %eq3A_262 = arith.cmpi eq, %get3A_57, %eq3A_261 : vector<782x128xi32>
    %convert_element_type3A_263 = arith.extui %eq3A_262 : vector<782x128xi1> to vector<782x128xi32>
    %convert_element_type3A_264 = arith.sitofp %convert_element_type3A_263 : vector<782x128xi32> to vector<782x128xf32>
    %reduce_sum3A_265 = vector.shape_cast %convert_element_type3A_264 : vector<782x128xf32> to vector<1x782x128xf32>
    %reduce_sum3A_266 = arith.constant dense<0.000000e+00> : vector<1xf32>
    %reduce_sum3A_267 = vector.multi_reduction <add>, %reduce_sum3A_265, %reduce_sum3A_266 [1, 2] : vector<1x782x128xf32> to vector<1xf32>
    %reduce_sum3A_268 = vector.shape_cast %reduce_sum3A_267 : vector<1xf32> to vector<1x1x1xf32>
    %reduce_sum3A_269 = vector.extract %reduce_sum3A_268[0, 0, 0] : f32 from vector<1x1x1xf32>
    %max3A_270 = arith.constant 1.000000e+00 : f32
    %max3A_271 = arith.maximumf %reduce_sum3A_269, %max3A_270 : f32
    %mul3A_272 = arith.mulf %convert_element_type3A_264, %max3A_26 : vector<782x128xf32>
    %reduce_sum3A_273 = vector.shape_cast %mul3A_272 : vector<782x128xf32> to vector<1x782x128xf32>
    %reduce_sum3A_274 = arith.constant dense<0.000000e+00> : vector<1xf32>
    %reduce_sum3A_275 = vector.multi_reduction <add>, %reduce_sum3A_273, %reduce_sum3A_274 [1, 2] : vector<1x782x128xf32> to vector<1xf32>
    %reduce_sum3A_276 = vector.shape_cast %reduce_sum3A_275 : vector<1xf32> to vector<1x1x1xf32>
    %reduce_sum3A_277 = vector.extract %reduce_sum3A_276[0, 0, 0] : f32 from vector<1x1x1xf32>
    %div3A_278 = arith.divf %reduce_sum3A_277, %max3A_271 : f32
    %mul3A_279 = arith.mulf %convert_element_type3A_264, %max3A_54 : vector<782x128xf32>
    %reduce_sum3A_280 = vector.shape_cast %mul3A_279 : vector<782x128xf32> to vector<1x782x128xf32>
    %reduce_sum3A_281 = arith.constant dense<0.000000e+00> : vector<1xf32>
    %reduce_sum3A_282 = vector.multi_reduction <add>, %reduce_sum3A_280, %reduce_sum3A_281 [1, 2] : vector<1x782x128xf32> to vector<1xf32>
    %reduce_sum3A_283 = vector.shape_cast %reduce_sum3A_282 : vector<1xf32> to vector<1x1x1xf32>
    %reduce_sum3A_284 = vector.extract %reduce_sum3A_283[0, 0, 0] : f32 from vector<1x1x1xf32>
    %div3A_285 = arith.divf %reduce_sum3A_284, %max3A_271 : f32
    %max3A_286 = arith.maximumf %div3A_278, %div3A_285 : f32
    %sub3A_287 = arith.subf %div3A_278, %max3A_286 : f32
    %exp3A_288 = math.exp %sub3A_287 : f32
    %sub3A_289 = arith.subf %div3A_285, %max3A_286 : f32
    %exp3A_290 = math.exp %sub3A_289 : f32
    %add3A_291 = arith.addf %exp3A_288, %exp3A_290 : f32
    %log3A_292 = math.log %add3A_291 : f32
    %add3A_293 = arith.addf %log3A_292, %max3A_286 : f32
    %sub3A_294 = arith.subf %div3A_278, %add3A_293 : f32
    %swap3A_295 = arith.constant 5 : index
    %swap3A_296 = arith.constant 0 : index
    %swap3A_297 = memref.load %arg5[%swap3A_295, %swap3A_296] : memref<64x2xf32, #tpu.memory_space<smem>>
    memref.store %sub3A_294, %arg5[%swap3A_295, %swap3A_296] : memref<64x2xf32, #tpu.memory_space<smem>>
    %sub3A_298 = arith.subf %div3A_285, %add3A_293 : f32
    %swap3A_299 = arith.constant 5 : index
    %swap3A_300 = arith.constant 1 : index
    %swap3A_301 = memref.load %arg5[%swap3A_299, %swap3A_300] : memref<64x2xf32, #tpu.memory_space<smem>>
    memref.store %sub3A_298, %arg5[%swap3A_299, %swap3A_300] : memref<64x2xf32, #tpu.memory_space<smem>>
    %eq3A_302 = arith.constant 6 : i32
    %eq3A_303 = vector.broadcast %eq3A_302 : i32 to vector<782x128xi32>
    %eq3A_304 = arith.cmpi eq, %get3A_57, %eq3A_303 : vector<782x128xi32>
    %convert_element_type3A_305 = arith.extui %eq3A_304 : vector<782x128xi1> to vector<782x128xi32>
    %convert_element_type3A_306 = arith.sitofp %convert_element_type3A_305 : vector<782x128xi32> to vector<782x128xf32>
    %reduce_sum3A_307 = vector.shape_cast %convert_element_type3A_306 : vector<782x128xf32> to vector<1x782x128xf32>
    %reduce_sum3A_308 = arith.constant dense<0.000000e+00> : vector<1xf32>
    %reduce_sum3A_309 = vector.multi_reduction <add>, %reduce_sum3A_307, %reduce_sum3A_308 [1, 2] : vector<1x782x128xf32> to vector<1xf32>
    %reduce_sum3A_310 = vector.shape_cast %reduce_sum3A_309 : vector<1xf32> to vector<1x1x1xf32>
    %reduce_sum3A_311 = vector.extract %reduce_sum3A_310[0, 0, 0] : f32 from vector<1x1x1xf32>
    %max3A_312 = arith.constant 1.000000e+00 : f32
    %max3A_313 = arith.maximumf %reduce_sum3A_311, %max3A_312 : f32
    %mul3A_314 = arith.mulf %convert_element_type3A_306, %max3A_26 : vector<782x128xf32>
    %reduce_sum3A_315 = vector.shape_cast %mul3A_314 : vector<782x128xf32> to vector<1x782x128xf32>
    %reduce_sum3A_316 = arith.constant dense<0.000000e+00> : vector<1xf32>
    %reduce_sum3A_317 = vector.multi_reduction <add>, %reduce_sum3A_315, %reduce_sum3A_316 [1, 2] : vector<1x782x128xf32> to vector<1xf32>
    %reduce_sum3A_318 = vector.shape_cast %reduce_sum3A_317 : vector<1xf32> to vector<1x1x1xf32>
    %reduce_sum3A_319 = vector.extract %reduce_sum3A_318[0, 0, 0] : f32 from vector<1x1x1xf32>
    %div3A_320 = arith.divf %reduce_sum3A_319, %max3A_313 : f32
    %mul3A_321 = arith.mulf %convert_element_type3A_306, %max3A_54 : vector<782x128xf32>
    %reduce_sum3A_322 = vector.shape_cast %mul3A_321 : vector<782x128xf32> to vector<1x782x128xf32>
    %reduce_sum3A_323 = arith.constant dense<0.000000e+00> : vector<1xf32>
    %reduce_sum3A_324 = vector.multi_reduction <add>, %reduce_sum3A_322, %reduce_sum3A_323 [1, 2] : vector<1x782x128xf32> to vector<1xf32>
    %reduce_sum3A_325 = vector.shape_cast %reduce_sum3A_324 : vector<1xf32> to vector<1x1x1xf32>
    %reduce_sum3A_326 = vector.extract %reduce_sum3A_325[0, 0, 0] : f32 from vector<1x1x1xf32>
    %div3A_327 = arith.divf %reduce_sum3A_326, %max3A_313 : f32
    %max3A_328 = arith.maximumf %div3A_320, %div3A_327 : f32
    %sub3A_329 = arith.subf %div3A_320, %max3A_328 : f32
    %exp3A_330 = math.exp %sub3A_329 : f32
    %sub3A_331 = arith.subf %div3A_327, %max3A_328 : f32
    %exp3A_332 = math.exp %sub3A_331 : f32
    %add3A_333 = arith.addf %exp3A_330, %exp3A_332 : f32
    %log3A_334 = math.log %add3A_333 : f32
    %add3A_335 = arith.addf %log3A_334, %max3A_328 : f32
    %sub3A_336 = arith.subf %div3A_320, %add3A_335 : f32
    %swap3A_337 = arith.constant 6 : index
    %swap3A_338 = arith.constant 0 : index
    %swap3A_339 = memref.load %arg5[%swap3A_337, %swap3A_338] : memref<64x2xf32, #tpu.memory_space<smem>>
    memref.store %sub3A_336, %arg5[%swap3A_337, %swap3A_338] : memref<64x2xf32, #tpu.memory_space<smem>>
    %sub3A_340 = arith.subf %div3A_327, %add3A_335 : f32
    %swap3A_341 = arith.constant 6 : index
    %swap3A_342 = arith.constant 1 : index
    %swap3A_343 = memref.load %arg5[%swap3A_341, %swap3A_342] : memref<64x2xf32, #tpu.memory_space<smem>>
    memref.store %sub3A_340, %arg5[%swap3A_341, %swap3A_342] : memref<64x2xf32, #tpu.memory_space<smem>>
    %eq3A_344 = arith.constant 7 : i32
    %eq3A_345 = vector.broadcast %eq3A_344 : i32 to vector<782x128xi32>
    %eq3A_346 = arith.cmpi eq, %get3A_57, %eq3A_345 : vector<782x128xi32>
    %convert_element_type3A_347 = arith.extui %eq3A_346 : vector<782x128xi1> to vector<782x128xi32>
    %convert_element_type3A_348 = arith.sitofp %convert_element_type3A_347 : vector<782x128xi32> to vector<782x128xf32>
    %reduce_sum3A_349 = vector.shape_cast %convert_element_type3A_348 : vector<782x128xf32> to vector<1x782x128xf32>
    %reduce_sum3A_350 = arith.constant dense<0.000000e+00> : vector<1xf32>
    %reduce_sum3A_351 = vector.multi_reduction <add>, %reduce_sum3A_349, %reduce_sum3A_350 [1, 2] : vector<1x782x128xf32> to vector<1xf32>
    %reduce_sum3A_352 = vector.shape_cast %reduce_sum3A_351 : vector<1xf32> to vector<1x1x1xf32>
    %reduce_sum3A_353 = vector.extract %reduce_sum3A_352[0, 0, 0] : f32 from vector<1x1x1xf32>
    %max3A_354 = arith.constant 1.000000e+00 : f32
    %max3A_355 = arith.maximumf %reduce_sum3A_353, %max3A_354 : f32
    %mul3A_356 = arith.mulf %convert_element_type3A_348, %max3A_26 : vector<782x128xf32>
    %reduce_sum3A_357 = vector.shape_cast %mul3A_356 : vector<782x128xf32> to vector<1x782x128xf32>
    %reduce_sum3A_358 = arith.constant dense<0.000000e+00> : vector<1xf32>
    %reduce_sum3A_359 = vector.multi_reduction <add>, %reduce_sum3A_357, %reduce_sum3A_358 [1, 2] : vector<1x782x128xf32> to vector<1xf32>
    %reduce_sum3A_360 = vector.shape_cast %reduce_sum3A_359 : vector<1xf32> to vector<1x1x1xf32>
    %reduce_sum3A_361 = vector.extract %reduce_sum3A_360[0, 0, 0] : f32 from vector<1x1x1xf32>
    %div3A_362 = arith.divf %reduce_sum3A_361, %max3A_355 : f32
    %mul3A_363 = arith.mulf %convert_element_type3A_348, %max3A_54 : vector<782x128xf32>
    %reduce_sum3A_364 = vector.shape_cast %mul3A_363 : vector<782x128xf32> to vector<1x782x128xf32>
    %reduce_sum3A_365 = arith.constant dense<0.000000e+00> : vector<1xf32>
    %reduce_sum3A_366 = vector.multi_reduction <add>, %reduce_sum3A_364, %reduce_sum3A_365 [1, 2] : vector<1x782x128xf32> to vector<1xf32>
    %reduce_sum3A_367 = vector.shape_cast %reduce_sum3A_366 : vector<1xf32> to vector<1x1x1xf32>
    %reduce_sum3A_368 = vector.extract %reduce_sum3A_367[0, 0, 0] : f32 from vector<1x1x1xf32>
    %div3A_369 = arith.divf %reduce_sum3A_368, %max3A_355 : f32
    %max3A_370 = arith.maximumf %div3A_362, %div3A_369 : f32
    %sub3A_371 = arith.subf %div3A_362, %max3A_370 : f32
    %exp3A_372 = math.exp %sub3A_371 : f32
    %sub3A_373 = arith.subf %div3A_369, %max3A_370 : f32
    %exp3A_374 = math.exp %sub3A_373 : f32
    %add3A_375 = arith.addf %exp3A_372, %exp3A_374 : f32
    %log3A_376 = math.log %add3A_375 : f32
    %add3A_377 = arith.addf %log3A_376, %max3A_370 : f32
    %sub3A_378 = arith.subf %div3A_362, %add3A_377 : f32
    %swap3A_379 = arith.constant 7 : index
    %swap3A_380 = arith.constant 0 : index
    %swap3A_381 = memref.load %arg5[%swap3A_379, %swap3A_380] : memref<64x2xf32, #tpu.memory_space<smem>>
    memref.store %sub3A_378, %arg5[%swap3A_379, %swap3A_380] : memref<64x2xf32, #tpu.memory_space<smem>>
    %sub3A_382 = arith.subf %div3A_369, %add3A_377 : f32
    %swap3A_383 = arith.constant 7 : index
    %swap3A_384 = arith.constant 1 : index
    %swap3A_385 = memref.load %arg5[%swap3A_383, %swap3A_384] : memref<64x2xf32, #tpu.memory_space<smem>>
    memref.store %sub3A_382, %arg5[%swap3A_383, %swap3A_384] : memref<64x2xf32, #tpu.memory_space<smem>>
    %eq3A_386 = arith.constant 8 : i32
    %eq3A_387 = vector.broadcast %eq3A_386 : i32 to vector<782x128xi32>
    %eq3A_388 = arith.cmpi eq, %get3A_57, %eq3A_387 : vector<782x128xi32>
    %convert_element_type3A_389 = arith.extui %eq3A_388 : vector<782x128xi1> to vector<782x128xi32>
    %convert_element_type3A_390 = arith.sitofp %convert_element_type3A_389 : vector<782x128xi32> to vector<782x128xf32>
    %reduce_sum3A_391 = vector.shape_cast %convert_element_type3A_390 : vector<782x128xf32> to vector<1x782x128xf32>
    %reduce_sum3A_392 = arith.constant dense<0.000000e+00> : vector<1xf32>
    %reduce_sum3A_393 = vector.multi_reduction <add>, %reduce_sum3A_391, %reduce_sum3A_392 [1, 2] : vector<1x782x128xf32> to vector<1xf32>
    %reduce_sum3A_394 = vector.shape_cast %reduce_sum3A_393 : vector<1xf32> to vector<1x1x1xf32>
    %reduce_sum3A_395 = vector.extract %reduce_sum3A_394[0, 0, 0] : f32 from vector<1x1x1xf32>
    %max3A_396 = arith.constant 1.000000e+00 : f32
    %max3A_397 = arith.maximumf %reduce_sum3A_395, %max3A_396 : f32
    %mul3A_398 = arith.mulf %convert_element_type3A_390, %max3A_26 : vector<782x128xf32>
    %reduce_sum3A_399 = vector.shape_cast %mul3A_398 : vector<782x128xf32> to vector<1x782x128xf32>
    %reduce_sum3A_400 = arith.constant dense<0.000000e+00> : vector<1xf32>
    %reduce_sum3A_401 = vector.multi_reduction <add>, %reduce_sum3A_399, %reduce_sum3A_400 [1, 2] : vector<1x782x128xf32> to vector<1xf32>
    %reduce_sum3A_402 = vector.shape_cast %reduce_sum3A_401 : vector<1xf32> to vector<1x1x1xf32>
    %reduce_sum3A_403 = vector.extract %reduce_sum3A_402[0, 0, 0] : f32 from vector<1x1x1xf32>
    %div3A_404 = arith.divf %reduce_sum3A_403, %max3A_397 : f32
    %mul3A_405 = arith.mulf %convert_element_type3A_390, %max3A_54 : vector<782x128xf32>
    %reduce_sum3A_406 = vector.shape_cast %mul3A_405 : vector<782x128xf32> to vector<1x782x128xf32>
    %reduce_sum3A_407 = arith.constant dense<0.000000e+00> : vector<1xf32>
    %reduce_sum3A_408 = vector.multi_reduction <add>, %reduce_sum3A_406, %reduce_sum3A_407 [1, 2] : vector<1x782x128xf32> to vector<1xf32>
    %reduce_sum3A_409 = vector.shape_cast %reduce_sum3A_408 : vector<1xf32> to vector<1x1x1xf32>
    %reduce_sum3A_410 = vector.extract %reduce_sum3A_409[0, 0, 0] : f32 from vector<1x1x1xf32>
    %div3A_411 = arith.divf %reduce_sum3A_410, %max3A_397 : f32
    %max3A_412 = arith.maximumf %div3A_404, %div3A_411 : f32
    %sub3A_413 = arith.subf %div3A_404, %max3A_412 : f32
    %exp3A_414 = math.exp %sub3A_413 : f32
    %sub3A_415 = arith.subf %div3A_411, %max3A_412 : f32
    %exp3A_416 = math.exp %sub3A_415 : f32
    %add3A_417 = arith.addf %exp3A_414, %exp3A_416 : f32
    %log3A_418 = math.log %add3A_417 : f32
    %add3A_419 = arith.addf %log3A_418, %max3A_412 : f32
    %sub3A_420 = arith.subf %div3A_404, %add3A_419 : f32
    %swap3A_421 = arith.constant 8 : index
    %swap3A_422 = arith.constant 0 : index
    %swap3A_423 = memref.load %arg5[%swap3A_421, %swap3A_422] : memref<64x2xf32, #tpu.memory_space<smem>>
    memref.store %sub3A_420, %arg5[%swap3A_421, %swap3A_422] : memref<64x2xf32, #tpu.memory_space<smem>>
    %sub3A_424 = arith.subf %div3A_411, %add3A_419 : f32
    %swap3A_425 = arith.constant 8 : index
    %swap3A_426 = arith.constant 1 : index
    %swap3A_427 = memref.load %arg5[%swap3A_425, %swap3A_426] : memref<64x2xf32, #tpu.memory_space<smem>>
    memref.store %sub3A_424, %arg5[%swap3A_425, %swap3A_426] : memref<64x2xf32, #tpu.memory_space<smem>>
    %eq3A_428 = arith.constant 9 : i32
    %eq3A_429 = vector.broadcast %eq3A_428 : i32 to vector<782x128xi32>
    %eq3A_430 = arith.cmpi eq, %get3A_57, %eq3A_429 : vector<782x128xi32>
    %convert_element_type3A_431 = arith.extui %eq3A_430 : vector<782x128xi1> to vector<782x128xi32>
    %convert_element_type3A_432 = arith.sitofp %convert_element_type3A_431 : vector<782x128xi32> to vector<782x128xf32>
    %reduce_sum3A_433 = vector.shape_cast %convert_element_type3A_432 : vector<782x128xf32> to vector<1x782x128xf32>
    %reduce_sum3A_434 = arith.constant dense<0.000000e+00> : vector<1xf32>
    %reduce_sum3A_435 = vector.multi_reduction <add>, %reduce_sum3A_433, %reduce_sum3A_434 [1, 2] : vector<1x782x128xf32> to vector<1xf32>
    %reduce_sum3A_436 = vector.shape_cast %reduce_sum3A_435 : vector<1xf32> to vector<1x1x1xf32>
    %reduce_sum3A_437 = vector.extract %reduce_sum3A_436[0, 0, 0] : f32 from vector<1x1x1xf32>
    %max3A_438 = arith.constant 1.000000e+00 : f32
    %max3A_439 = arith.maximumf %reduce_sum3A_437, %max3A_438 : f32
    %mul3A_440 = arith.mulf %convert_element_type3A_432, %max3A_26 : vector<782x128xf32>
    %reduce_sum3A_441 = vector.shape_cast %mul3A_440 : vector<782x128xf32> to vector<1x782x128xf32>
    %reduce_sum3A_442 = arith.constant dense<0.000000e+00> : vector<1xf32>
    %reduce_sum3A_443 = vector.multi_reduction <add>, %reduce_sum3A_441, %reduce_sum3A_442 [1, 2] : vector<1x782x128xf32> to vector<1xf32>
    %reduce_sum3A_444 = vector.shape_cast %reduce_sum3A_443 : vector<1xf32> to vector<1x1x1xf32>
    %reduce_sum3A_445 = vector.extract %reduce_sum3A_444[0, 0, 0] : f32 from vector<1x1x1xf32>
    %div3A_446 = arith.divf %reduce_sum3A_445, %max3A_439 : f32
    %mul3A_447 = arith.mulf %convert_element_type3A_432, %max3A_54 : vector<782x128xf32>
    %reduce_sum3A_448 = vector.shape_cast %mul3A_447 : vector<782x128xf32> to vector<1x782x128xf32>
    %reduce_sum3A_449 = arith.constant dense<0.000000e+00> : vector<1xf32>
    %reduce_sum3A_450 = vector.multi_reduction <add>, %reduce_sum3A_448, %reduce_sum3A_449 [1, 2] : vector<1x782x128xf32> to vector<1xf32>
    %reduce_sum3A_451 = vector.shape_cast %reduce_sum3A_450 : vector<1xf32> to vector<1x1x1xf32>
    %reduce_sum3A_452 = vector.extract %reduce_sum3A_451[0, 0, 0] : f32 from vector<1x1x1xf32>
    %div3A_453 = arith.divf %reduce_sum3A_452, %max3A_439 : f32
    %max3A_454 = arith.maximumf %div3A_446, %div3A_453 : f32
    %sub3A_455 = arith.subf %div3A_446, %max3A_454 : f32
    %exp3A_456 = math.exp %sub3A_455 : f32
    %sub3A_457 = arith.subf %div3A_453, %max3A_454 : f32
    %exp3A_458 = math.exp %sub3A_457 : f32
    %add3A_459 = arith.addf %exp3A_456, %exp3A_458 : f32
    %log3A_460 = math.log %add3A_459 : f32
    %add3A_461 = arith.addf %log3A_460, %max3A_454 : f32
    %sub3A_462 = arith.subf %div3A_446, %add3A_461 : f32
    %swap3A_463 = arith.constant 9 : index
    %swap3A_464 = arith.constant 0 : index
    %swap3A_465 = memref.load %arg5[%swap3A_463, %swap3A_464] : memref<64x2xf32, #tpu.memory_space<smem>>
    memref.store %sub3A_462, %arg5[%swap3A_463, %swap3A_464] : memref<64x2xf32, #tpu.memory_space<smem>>
    %sub3A_466 = arith.subf %div3A_453, %add3A_461 : f32
    %swap3A_467 = arith.constant 9 : index
    %swap3A_468 = arith.constant 1 : index
    %swap3A_469 = memref.load %arg5[%swap3A_467, %swap3A_468] : memref<64x2xf32, #tpu.memory_space<smem>>
    memref.store %sub3A_466, %arg5[%swap3A_467, %swap3A_468] : memref<64x2xf32, #tpu.memory_space<smem>>
    %eq3A_470 = arith.constant 10 : i32
    %eq3A_471 = vector.broadcast %eq3A_470 : i32 to vector<782x128xi32>
    %eq3A_472 = arith.cmpi eq, %get3A_57, %eq3A_471 : vector<782x128xi32>
    %convert_element_type3A_473 = arith.extui %eq3A_472 : vector<782x128xi1> to vector<782x128xi32>
    %convert_element_type3A_474 = arith.sitofp %convert_element_type3A_473 : vector<782x128xi32> to vector<782x128xf32>
    %reduce_sum3A_475 = vector.shape_cast %convert_element_type3A_474 : vector<782x128xf32> to vector<1x782x128xf32>
    %reduce_sum3A_476 = arith.constant dense<0.000000e+00> : vector<1xf32>
    %reduce_sum3A_477 = vector.multi_reduction <add>, %reduce_sum3A_475, %reduce_sum3A_476 [1, 2] : vector<1x782x128xf32> to vector<1xf32>
    %reduce_sum3A_478 = vector.shape_cast %reduce_sum3A_477 : vector<1xf32> to vector<1x1x1xf32>
    %reduce_sum3A_479 = vector.extract %reduce_sum3A_478[0, 0, 0] : f32 from vector<1x1x1xf32>
    %max3A_480 = arith.constant 1.000000e+00 : f32
    %max3A_481 = arith.maximumf %reduce_sum3A_479, %max3A_480 : f32
    %mul3A_482 = arith.mulf %convert_element_type3A_474, %max3A_26 : vector<782x128xf32>
    %reduce_sum3A_483 = vector.shape_cast %mul3A_482 : vector<782x128xf32> to vector<1x782x128xf32>
    %reduce_sum3A_484 = arith.constant dense<0.000000e+00> : vector<1xf32>
    %reduce_sum3A_485 = vector.multi_reduction <add>, %reduce_sum3A_483, %reduce_sum3A_484 [1, 2] : vector<1x782x128xf32> to vector<1xf32>
    %reduce_sum3A_486 = vector.shape_cast %reduce_sum3A_485 : vector<1xf32> to vector<1x1x1xf32>
    %reduce_sum3A_487 = vector.extract %reduce_sum3A_486[0, 0, 0] : f32 from vector<1x1x1xf32>
    %div3A_488 = arith.divf %reduce_sum3A_487, %max3A_481 : f32
    %mul3A_489 = arith.mulf %convert_element_type3A_474, %max3A_54 : vector<782x128xf32>
    %reduce_sum3A_490 = vector.shape_cast %mul3A_489 : vector<782x128xf32> to vector<1x782x128xf32>
    %reduce_sum3A_491 = arith.constant dense<0.000000e+00> : vector<1xf32>
    %reduce_sum3A_492 = vector.multi_reduction <add>, %reduce_sum3A_490, %reduce_sum3A_491 [1, 2] : vector<1x782x128xf32> to vector<1xf32>
    %reduce_sum3A_493 = vector.shape_cast %reduce_sum3A_492 : vector<1xf32> to vector<1x1x1xf32>
    %reduce_sum3A_494 = vector.extract %reduce_sum3A_493[0, 0, 0] : f32 from vector<1x1x1xf32>
    %div3A_495 = arith.divf %reduce_sum3A_494, %max3A_481 : f32
    %max3A_496 = arith.maximumf %div3A_488, %div3A_495 : f32
    %sub3A_497 = arith.subf %div3A_488, %max3A_496 : f32
    %exp3A_498 = math.exp %sub3A_497 : f32
    %sub3A_499 = arith.subf %div3A_495, %max3A_496 : f32
    %exp3A_500 = math.exp %sub3A_499 : f32
    %add3A_501 = arith.addf %exp3A_498, %exp3A_500 : f32
    %log3A_502 = math.log %add3A_501 : f32
    %add3A_503 = arith.addf %log3A_502, %max3A_496 : f32
    %sub3A_504 = arith.subf %div3A_488, %add3A_503 : f32
    %swap3A_505 = arith.constant 10 : index
    %swap3A_506 = arith.constant 0 : index
    %swap3A_507 = memref.load %arg5[%swap3A_505, %swap3A_506] : memref<64x2xf32, #tpu.memory_space<smem>>
    memref.store %sub3A_504, %arg5[%swap3A_505, %swap3A_506] : memref<64x2xf32, #tpu.memory_space<smem>>
    %sub3A_508 = arith.subf %div3A_495, %add3A_503 : f32
    %swap3A_509 = arith.constant 10 : index
    %swap3A_510 = arith.constant 1 : index
    %swap3A_511 = memref.load %arg5[%swap3A_509, %swap3A_510] : memref<64x2xf32, #tpu.memory_space<smem>>
    memref.store %sub3A_508, %arg5[%swap3A_509, %swap3A_510] : memref<64x2xf32, #tpu.memory_space<smem>>
    %eq3A_512 = arith.constant 11 : i32
    %eq3A_513 = vector.broadcast %eq3A_512 : i32 to vector<782x128xi32>
    %eq3A_514 = arith.cmpi eq, %get3A_57, %eq3A_513 : vector<782x128xi32>
    %convert_element_type3A_515 = arith.extui %eq3A_514 : vector<782x128xi1> to vector<782x128xi32>
    %convert_element_type3A_516 = arith.sitofp %convert_element_type3A_515 : vector<782x128xi32> to vector<782x128xf32>
    %reduce_sum3A_517 = vector.shape_cast %convert_element_type3A_516 : vector<782x128xf32> to vector<1x782x128xf32>
    %reduce_sum3A_518 = arith.constant dense<0.000000e+00> : vector<1xf32>
    %reduce_sum3A_519 = vector.multi_reduction <add>, %reduce_sum3A_517, %reduce_sum3A_518 [1, 2] : vector<1x782x128xf32> to vector<1xf32>
    %reduce_sum3A_520 = vector.shape_cast %reduce_sum3A_519 : vector<1xf32> to vector<1x1x1xf32>
    %reduce_sum3A_521 = vector.extract %reduce_sum3A_520[0, 0, 0] : f32 from vector<1x1x1xf32>
    %max3A_522 = arith.constant 1.000000e+00 : f32
    %max3A_523 = arith.maximumf %reduce_sum3A_521, %max3A_522 : f32
    %mul3A_524 = arith.mulf %convert_element_type3A_516, %max3A_26 : vector<782x128xf32>
    %reduce_sum3A_525 = vector.shape_cast %mul3A_524 : vector<782x128xf32> to vector<1x782x128xf32>
    %reduce_sum3A_526 = arith.constant dense<0.000000e+00> : vector<1xf32>
    %reduce_sum3A_527 = vector.multi_reduction <add>, %reduce_sum3A_525, %reduce_sum3A_526 [1, 2] : vector<1x782x128xf32> to vector<1xf32>
    %reduce_sum3A_528 = vector.shape_cast %reduce_sum3A_527 : vector<1xf32> to vector<1x1x1xf32>
    %reduce_sum3A_529 = vector.extract %reduce_sum3A_528[0, 0, 0] : f32 from vector<1x1x1xf32>
    %div3A_530 = arith.divf %reduce_sum3A_529, %max3A_523 : f32
    %mul3A_531 = arith.mulf %convert_element_type3A_516, %max3A_54 : vector<782x128xf32>
    %reduce_sum3A_532 = vector.shape_cast %mul3A_531 : vector<782x128xf32> to vector<1x782x128xf32>
    %reduce_sum3A_533 = arith.constant dense<0.000000e+00> : vector<1xf32>
    %reduce_sum3A_534 = vector.multi_reduction <add>, %reduce_sum3A_532, %reduce_sum3A_533 [1, 2] : vector<1x782x128xf32> to vector<1xf32>
    %reduce_sum3A_535 = vector.shape_cast %reduce_sum3A_534 : vector<1xf32> to vector<1x1x1xf32>
    %reduce_sum3A_536 = vector.extract %reduce_sum3A_535[0, 0, 0] : f32 from vector<1x1x1xf32>
    %div3A_537 = arith.divf %reduce_sum3A_536, %max3A_523 : f32
    %max3A_538 = arith.maximumf %div3A_530, %div3A_537 : f32
    %sub3A_539 = arith.subf %div3A_530, %max3A_538 : f32
    %exp3A_540 = math.exp %sub3A_539 : f32
    %sub3A_541 = arith.subf %div3A_537, %max3A_538 : f32
    %exp3A_542 = math.exp %sub3A_541 : f32
    %add3A_543 = arith.addf %exp3A_540, %exp3A_542 : f32
    %log3A_544 = math.log %add3A_543 : f32
    %add3A_545 = arith.addf %log3A_544, %max3A_538 : f32
    %sub3A_546 = arith.subf %div3A_530, %add3A_545 : f32
    %swap3A_547 = arith.constant 11 : index
    %swap3A_548 = arith.constant 0 : index
    %swap3A_549 = memref.load %arg5[%swap3A_547, %swap3A_548] : memref<64x2xf32, #tpu.memory_space<smem>>
    memref.store %sub3A_546, %arg5[%swap3A_547, %swap3A_548] : memref<64x2xf32, #tpu.memory_space<smem>>
    %sub3A_550 = arith.subf %div3A_537, %add3A_545 : f32
    %swap3A_551 = arith.constant 11 : index
    %swap3A_552 = arith.constant 1 : index
    %swap3A_553 = memref.load %arg5[%swap3A_551, %swap3A_552] : memref<64x2xf32, #tpu.memory_space<smem>>
    memref.store %sub3A_550, %arg5[%swap3A_551, %swap3A_552] : memref<64x2xf32, #tpu.memory_space<smem>>
    %eq3A_554 = arith.constant 12 : i32
    %eq3A_555 = vector.broadcast %eq3A_554 : i32 to vector<782x128xi32>
    %eq3A_556 = arith.cmpi eq, %get3A_57, %eq3A_555 : vector<782x128xi32>
    %convert_element_type3A_557 = arith.extui %eq3A_556 : vector<782x128xi1> to vector<782x128xi32>
    %convert_element_type3A_558 = arith.sitofp %convert_element_type3A_557 : vector<782x128xi32> to vector<782x128xf32>
    %reduce_sum3A_559 = vector.shape_cast %convert_element_type3A_558 : vector<782x128xf32> to vector<1x782x128xf32>
    %reduce_sum3A_560 = arith.constant dense<0.000000e+00> : vector<1xf32>
    %reduce_sum3A_561 = vector.multi_reduction <add>, %reduce_sum3A_559, %reduce_sum3A_560 [1, 2] : vector<1x782x128xf32> to vector<1xf32>
    %reduce_sum3A_562 = vector.shape_cast %reduce_sum3A_561 : vector<1xf32> to vector<1x1x1xf32>
    %reduce_sum3A_563 = vector.extract %reduce_sum3A_562[0, 0, 0] : f32 from vector<1x1x1xf32>
    %max3A_564 = arith.constant 1.000000e+00 : f32
    %max3A_565 = arith.maximumf %reduce_sum3A_563, %max3A_564 : f32
    %mul3A_566 = arith.mulf %convert_element_type3A_558, %max3A_26 : vector<782x128xf32>
    %reduce_sum3A_567 = vector.shape_cast %mul3A_566 : vector<782x128xf32> to vector<1x782x128xf32>
    %reduce_sum3A_568 = arith.constant dense<0.000000e+00> : vector<1xf32>
    %reduce_sum3A_569 = vector.multi_reduction <add>, %reduce_sum3A_567, %reduce_sum3A_568 [1, 2] : vector<1x782x128xf32> to vector<1xf32>
    %reduce_sum3A_570 = vector.shape_cast %reduce_sum3A_569 : vector<1xf32> to vector<1x1x1xf32>
    %reduce_sum3A_571 = vector.extract %reduce_sum3A_570[0, 0, 0] : f32 from vector<1x1x1xf32>
    %div3A_572 = arith.divf %reduce_sum3A_571, %max3A_565 : f32
    %mul3A_573 = arith.mulf %convert_element_type3A_558, %max3A_54 : vector<782x128xf32>
    %reduce_sum3A_574 = vector.shape_cast %mul3A_573 : vector<782x128xf32> to vector<1x782x128xf32>
    %reduce_sum3A_575 = arith.constant dense<0.000000e+00> : vector<1xf32>
    %reduce_sum3A_576 = vector.multi_reduction <add>, %reduce_sum3A_574, %reduce_sum3A_575 [1, 2] : vector<1x782x128xf32> to vector<1xf32>
    %reduce_sum3A_577 = vector.shape_cast %reduce_sum3A_576 : vector<1xf32> to vector<1x1x1xf32>
    %reduce_sum3A_578 = vector.extract %reduce_sum3A_577[0, 0, 0] : f32 from vector<1x1x1xf32>
    %div3A_579 = arith.divf %reduce_sum3A_578, %max3A_565 : f32
    %max3A_580 = arith.maximumf %div3A_572, %div3A_579 : f32
    %sub3A_581 = arith.subf %div3A_572, %max3A_580 : f32
    %exp3A_582 = math.exp %sub3A_581 : f32
    %sub3A_583 = arith.subf %div3A_579, %max3A_580 : f32
    %exp3A_584 = math.exp %sub3A_583 : f32
    %add3A_585 = arith.addf %exp3A_582, %exp3A_584 : f32
    %log3A_586 = math.log %add3A_585 : f32
    %add3A_587 = arith.addf %log3A_586, %max3A_580 : f32
    %sub3A_588 = arith.subf %div3A_572, %add3A_587 : f32
    %swap3A_589 = arith.constant 12 : index
    %swap3A_590 = arith.constant 0 : index
    %swap3A_591 = memref.load %arg5[%swap3A_589, %swap3A_590] : memref<64x2xf32, #tpu.memory_space<smem>>
    memref.store %sub3A_588, %arg5[%swap3A_589, %swap3A_590] : memref<64x2xf32, #tpu.memory_space<smem>>
    %sub3A_592 = arith.subf %div3A_579, %add3A_587 : f32
    %swap3A_593 = arith.constant 12 : index
    %swap3A_594 = arith.constant 1 : index
    %swap3A_595 = memref.load %arg5[%swap3A_593, %swap3A_594] : memref<64x2xf32, #tpu.memory_space<smem>>
    memref.store %sub3A_592, %arg5[%swap3A_593, %swap3A_594] : memref<64x2xf32, #tpu.memory_space<smem>>
    %eq3A_596 = arith.constant 13 : i32
    %eq3A_597 = vector.broadcast %eq3A_596 : i32 to vector<782x128xi32>
    %eq3A_598 = arith.cmpi eq, %get3A_57, %eq3A_597 : vector<782x128xi32>
    %convert_element_type3A_599 = arith.extui %eq3A_598 : vector<782x128xi1> to vector<782x128xi32>
    %convert_element_type3A_600 = arith.sitofp %convert_element_type3A_599 : vector<782x128xi32> to vector<782x128xf32>
    %reduce_sum3A_601 = vector.shape_cast %convert_element_type3A_600 : vector<782x128xf32> to vector<1x782x128xf32>
    %reduce_sum3A_602 = arith.constant dense<0.000000e+00> : vector<1xf32>
    %reduce_sum3A_603 = vector.multi_reduction <add>, %reduce_sum3A_601, %reduce_sum3A_602 [1, 2] : vector<1x782x128xf32> to vector<1xf32>
    %reduce_sum3A_604 = vector.shape_cast %reduce_sum3A_603 : vector<1xf32> to vector<1x1x1xf32>
    %reduce_sum3A_605 = vector.extract %reduce_sum3A_604[0, 0, 0] : f32 from vector<1x1x1xf32>
    %max3A_606 = arith.constant 1.000000e+00 : f32
    %max3A_607 = arith.maximumf %reduce_sum3A_605, %max3A_606 : f32
    %mul3A_608 = arith.mulf %convert_element_type3A_600, %max3A_26 : vector<782x128xf32>
    %reduce_sum3A_609 = vector.shape_cast %mul3A_608 : vector<782x128xf32> to vector<1x782x128xf32>
    %reduce_sum3A_610 = arith.constant dense<0.000000e+00> : vector<1xf32>
    %reduce_sum3A_611 = vector.multi_reduction <add>, %reduce_sum3A_609, %reduce_sum3A_610 [1, 2] : vector<1x782x128xf32> to vector<1xf32>
    %reduce_sum3A_612 = vector.shape_cast %reduce_sum3A_611 : vector<1xf32> to vector<1x1x1xf32>
    %reduce_sum3A_613 = vector.extract %reduce_sum3A_612[0, 0, 0] : f32 from vector<1x1x1xf32>
    %div3A_614 = arith.divf %reduce_sum3A_613, %max3A_607 : f32
    %mul3A_615 = arith.mulf %convert_element_type3A_600, %max3A_54 : vector<782x128xf32>
    %reduce_sum3A_616 = vector.shape_cast %mul3A_615 : vector<782x128xf32> to vector<1x782x128xf32>
    %reduce_sum3A_617 = arith.constant dense<0.000000e+00> : vector<1xf32>
    %reduce_sum3A_618 = vector.multi_reduction <add>, %reduce_sum3A_616, %reduce_sum3A_617 [1, 2] : vector<1x782x128xf32> to vector<1xf32>
    %reduce_sum3A_619 = vector.shape_cast %reduce_sum3A_618 : vector<1xf32> to vector<1x1x1xf32>
    %reduce_sum3A_620 = vector.extract %reduce_sum3A_619[0, 0, 0] : f32 from vector<1x1x1xf32>
    %div3A_621 = arith.divf %reduce_sum3A_620, %max3A_607 : f32
    %max3A_622 = arith.maximumf %div3A_614, %div3A_621 : f32
    %sub3A_623 = arith.subf %div3A_614, %max3A_622 : f32
    %exp3A_624 = math.exp %sub3A_623 : f32
    %sub3A_625 = arith.subf %div3A_621, %max3A_622 : f32
    %exp3A_626 = math.exp %sub3A_625 : f32
    %add3A_627 = arith.addf %exp3A_624, %exp3A_626 : f32
    %log3A_628 = math.log %add3A_627 : f32
    %add3A_629 = arith.addf %log3A_628, %max3A_622 : f32
    %sub3A_630 = arith.subf %div3A_614, %add3A_629 : f32
    %swap3A_631 = arith.constant 13 : index
    %swap3A_632 = arith.constant 0 : index
    %swap3A_633 = memref.load %arg5[%swap3A_631, %swap3A_632] : memref<64x2xf32, #tpu.memory_space<smem>>
    memref.store %sub3A_630, %arg5[%swap3A_631, %swap3A_632] : memref<64x2xf32, #tpu.memory_space<smem>>
    %sub3A_634 = arith.subf %div3A_621, %add3A_629 : f32
    %swap3A_635 = arith.constant 13 : index
    %swap3A_636 = arith.constant 1 : index
    %swap3A_637 = memref.load %arg5[%swap3A_635, %swap3A_636] : memref<64x2xf32, #tpu.memory_space<smem>>
    memref.store %sub3A_634, %arg5[%swap3A_635, %swap3A_636] : memref<64x2xf32, #tpu.memory_space<smem>>
    %eq3A_638 = arith.constant 14 : i32
    %eq3A_639 = vector.broadcast %eq3A_638 : i32 to vector<782x128xi32>
    %eq3A_640 = arith.cmpi eq, %get3A_57, %eq3A_639 : vector<782x128xi32>
    %convert_element_type3A_641 = arith.extui %eq3A_640 : vector<782x128xi1> to vector<782x128xi32>
    %convert_element_type3A_642 = arith.sitofp %convert_element_type3A_641 : vector<782x128xi32> to vector<782x128xf32>
    %reduce_sum3A_643 = vector.shape_cast %convert_element_type3A_642 : vector<782x128xf32> to vector<1x782x128xf32>
    %reduce_sum3A_644 = arith.constant dense<0.000000e+00> : vector<1xf32>
    %reduce_sum3A_645 = vector.multi_reduction <add>, %reduce_sum3A_643, %reduce_sum3A_644 [1, 2] : vector<1x782x128xf32> to vector<1xf32>
    %reduce_sum3A_646 = vector.shape_cast %reduce_sum3A_645 : vector<1xf32> to vector<1x1x1xf32>
    %reduce_sum3A_647 = vector.extract %reduce_sum3A_646[0, 0, 0] : f32 from vector<1x1x1xf32>
    %max3A_648 = arith.constant 1.000000e+00 : f32
    %max3A_649 = arith.maximumf %reduce_sum3A_647, %max3A_648 : f32
    %mul3A_650 = arith.mulf %convert_element_type3A_642, %max3A_26 : vector<782x128xf32>
    %reduce_sum3A_651 = vector.shape_cast %mul3A_650 : vector<782x128xf32> to vector<1x782x128xf32>
    %reduce_sum3A_652 = arith.constant dense<0.000000e+00> : vector<1xf32>
    %reduce_sum3A_653 = vector.multi_reduction <add>, %reduce_sum3A_651, %reduce_sum3A_652 [1, 2] : vector<1x782x128xf32> to vector<1xf32>
    %reduce_sum3A_654 = vector.shape_cast %reduce_sum3A_653 : vector<1xf32> to vector<1x1x1xf32>
    %reduce_sum3A_655 = vector.extract %reduce_sum3A_654[0, 0, 0] : f32 from vector<1x1x1xf32>
    %div3A_656 = arith.divf %reduce_sum3A_655, %max3A_649 : f32
    %mul3A_657 = arith.mulf %convert_element_type3A_642, %max3A_54 : vector<782x128xf32>
    %reduce_sum3A_658 = vector.shape_cast %mul3A_657 : vector<782x128xf32> to vector<1x782x128xf32>
    %reduce_sum3A_659 = arith.constant dense<0.000000e+00> : vector<1xf32>
    %reduce_sum3A_660 = vector.multi_reduction <add>, %reduce_sum3A_658, %reduce_sum3A_659 [1, 2] : vector<1x782x128xf32> to vector<1xf32>
    %reduce_sum3A_661 = vector.shape_cast %reduce_sum3A_660 : vector<1xf32> to vector<1x1x1xf32>
    %reduce_sum3A_662 = vector.extract %reduce_sum3A_661[0, 0, 0] : f32 from vector<1x1x1xf32>
    %div3A_663 = arith.divf %reduce_sum3A_662, %max3A_649 : f32
    %max3A_664 = arith.maximumf %div3A_656, %div3A_663 : f32
    %sub3A_665 = arith.subf %div3A_656, %max3A_664 : f32
    %exp3A_666 = math.exp %sub3A_665 : f32
    %sub3A_667 = arith.subf %div3A_663, %max3A_664 : f32
    %exp3A_668 = math.exp %sub3A_667 : f32
    %add3A_669 = arith.addf %exp3A_666, %exp3A_668 : f32
    %log3A_670 = math.log %add3A_669 : f32
    %add3A_671 = arith.addf %log3A_670, %max3A_664 : f32
    %sub3A_672 = arith.subf %div3A_656, %add3A_671 : f32
    %swap3A_673 = arith.constant 14 : index
    %swap3A_674 = arith.constant 0 : index
    %swap3A_675 = memref.load %arg5[%swap3A_673, %swap3A_674] : memref<64x2xf32, #tpu.memory_space<smem>>
    memref.store %sub3A_672, %arg5[%swap3A_673, %swap3A_674] : memref<64x2xf32, #tpu.memory_space<smem>>
    %sub3A_676 = arith.subf %div3A_663, %add3A_671 : f32
    %swap3A_677 = arith.constant 14 : index
    %swap3A_678 = arith.constant 1 : index
    %swap3A_679 = memref.load %arg5[%swap3A_677, %swap3A_678] : memref<64x2xf32, #tpu.memory_space<smem>>
    memref.store %sub3A_676, %arg5[%swap3A_677, %swap3A_678] : memref<64x2xf32, #tpu.memory_space<smem>>
    %eq3A_680 = arith.constant 15 : i32
    %eq3A_681 = vector.broadcast %eq3A_680 : i32 to vector<782x128xi32>
    %eq3A_682 = arith.cmpi eq, %get3A_57, %eq3A_681 : vector<782x128xi32>
    %convert_element_type3A_683 = arith.extui %eq3A_682 : vector<782x128xi1> to vector<782x128xi32>
    %convert_element_type3A_684 = arith.sitofp %convert_element_type3A_683 : vector<782x128xi32> to vector<782x128xf32>
    %reduce_sum3A_685 = vector.shape_cast %convert_element_type3A_684 : vector<782x128xf32> to vector<1x782x128xf32>
    %reduce_sum3A_686 = arith.constant dense<0.000000e+00> : vector<1xf32>
    %reduce_sum3A_687 = vector.multi_reduction <add>, %reduce_sum3A_685, %reduce_sum3A_686 [1, 2] : vector<1x782x128xf32> to vector<1xf32>
    %reduce_sum3A_688 = vector.shape_cast %reduce_sum3A_687 : vector<1xf32> to vector<1x1x1xf32>
    %reduce_sum3A_689 = vector.extract %reduce_sum3A_688[0, 0, 0] : f32 from vector<1x1x1xf32>
    %max3A_690 = arith.constant 1.000000e+00 : f32
    %max3A_691 = arith.maximumf %reduce_sum3A_689, %max3A_690 : f32
    %mul3A_692 = arith.mulf %convert_element_type3A_684, %max3A_26 : vector<782x128xf32>
    %reduce_sum3A_693 = vector.shape_cast %mul3A_692 : vector<782x128xf32> to vector<1x782x128xf32>
    %reduce_sum3A_694 = arith.constant dense<0.000000e+00> : vector<1xf32>
    %reduce_sum3A_695 = vector.multi_reduction <add>, %reduce_sum3A_693, %reduce_sum3A_694 [1, 2] : vector<1x782x128xf32> to vector<1xf32>
    %reduce_sum3A_696 = vector.shape_cast %reduce_sum3A_695 : vector<1xf32> to vector<1x1x1xf32>
    %reduce_sum3A_697 = vector.extract %reduce_sum3A_696[0, 0, 0] : f32 from vector<1x1x1xf32>
    %div3A_698 = arith.divf %reduce_sum3A_697, %max3A_691 : f32
    %mul3A_699 = arith.mulf %convert_element_type3A_684, %max3A_54 : vector<782x128xf32>
    %reduce_sum3A_700 = vector.shape_cast %mul3A_699 : vector<782x128xf32> to vector<1x782x128xf32>
    %reduce_sum3A_701 = arith.constant dense<0.000000e+00> : vector<1xf32>
    %reduce_sum3A_702 = vector.multi_reduction <add>, %reduce_sum3A_700, %reduce_sum3A_701 [1, 2] : vector<1x782x128xf32> to vector<1xf32>
    %reduce_sum3A_703 = vector.shape_cast %reduce_sum3A_702 : vector<1xf32> to vector<1x1x1xf32>
    %reduce_sum3A_704 = vector.extract %reduce_sum3A_703[0, 0, 0] : f32 from vector<1x1x1xf32>
    %div3A_705 = arith.divf %reduce_sum3A_704, %max3A_691 : f32
    %max3A_706 = arith.maximumf %div3A_698, %div3A_705 : f32
    %sub3A_707 = arith.subf %div3A_698, %max3A_706 : f32
    %exp3A_708 = math.exp %sub3A_707 : f32
    %sub3A_709 = arith.subf %div3A_705, %max3A_706 : f32
    %exp3A_710 = math.exp %sub3A_709 : f32
    %add3A_711 = arith.addf %exp3A_708, %exp3A_710 : f32
    %log3A_712 = math.log %add3A_711 : f32
    %add3A_713 = arith.addf %log3A_712, %max3A_706 : f32
    %sub3A_714 = arith.subf %div3A_698, %add3A_713 : f32
    %swap3A_715 = arith.constant 15 : index
    %swap3A_716 = arith.constant 0 : index
    %swap3A_717 = memref.load %arg5[%swap3A_715, %swap3A_716] : memref<64x2xf32, #tpu.memory_space<smem>>
    memref.store %sub3A_714, %arg5[%swap3A_715, %swap3A_716] : memref<64x2xf32, #tpu.memory_space<smem>>
    %sub3A_718 = arith.subf %div3A_705, %add3A_713 : f32
    %swap3A_719 = arith.constant 15 : index
    %swap3A_720 = arith.constant 1 : index
    %swap3A_721 = memref.load %arg5[%swap3A_719, %swap3A_720] : memref<64x2xf32, #tpu.memory_space<smem>>
    memref.store %sub3A_718, %arg5[%swap3A_719, %swap3A_720] : memref<64x2xf32, #tpu.memory_space<smem>>
    %eq3A_722 = arith.constant 16 : i32
    %eq3A_723 = vector.broadcast %eq3A_722 : i32 to vector<782x128xi32>
    %eq3A_724 = arith.cmpi eq, %get3A_57, %eq3A_723 : vector<782x128xi32>
    %convert_element_type3A_725 = arith.extui %eq3A_724 : vector<782x128xi1> to vector<782x128xi32>
    %convert_element_type3A_726 = arith.sitofp %convert_element_type3A_725 : vector<782x128xi32> to vector<782x128xf32>
    %reduce_sum3A_727 = vector.shape_cast %convert_element_type3A_726 : vector<782x128xf32> to vector<1x782x128xf32>
    %reduce_sum3A_728 = arith.constant dense<0.000000e+00> : vector<1xf32>
    %reduce_sum3A_729 = vector.multi_reduction <add>, %reduce_sum3A_727, %reduce_sum3A_728 [1, 2] : vector<1x782x128xf32> to vector<1xf32>
    %reduce_sum3A_730 = vector.shape_cast %reduce_sum3A_729 : vector<1xf32> to vector<1x1x1xf32>
    %reduce_sum3A_731 = vector.extract %reduce_sum3A_730[0, 0, 0] : f32 from vector<1x1x1xf32>
    %max3A_732 = arith.constant 1.000000e+00 : f32
    %max3A_733 = arith.maximumf %reduce_sum3A_731, %max3A_732 : f32
    %mul3A_734 = arith.mulf %convert_element_type3A_726, %max3A_26 : vector<782x128xf32>
    %reduce_sum3A_735 = vector.shape_cast %mul3A_734 : vector<782x128xf32> to vector<1x782x128xf32>
    %reduce_sum3A_736 = arith.constant dense<0.000000e+00> : vector<1xf32>
    %reduce_sum3A_737 = vector.multi_reduction <add>, %reduce_sum3A_735, %reduce_sum3A_736 [1, 2] : vector<1x782x128xf32> to vector<1xf32>
    %reduce_sum3A_738 = vector.shape_cast %reduce_sum3A_737 : vector<1xf32> to vector<1x1x1xf32>
    %reduce_sum3A_739 = vector.extract %reduce_sum3A_738[0, 0, 0] : f32 from vector<1x1x1xf32>
    %div3A_740 = arith.divf %reduce_sum3A_739, %max3A_733 : f32
    %mul3A_741 = arith.mulf %convert_element_type3A_726, %max3A_54 : vector<782x128xf32>
    %reduce_sum3A_742 = vector.shape_cast %mul3A_741 : vector<782x128xf32> to vector<1x782x128xf32>
    %reduce_sum3A_743 = arith.constant dense<0.000000e+00> : vector<1xf32>
    %reduce_sum3A_744 = vector.multi_reduction <add>, %reduce_sum3A_742, %reduce_sum3A_743 [1, 2] : vector<1x782x128xf32> to vector<1xf32>
    %reduce_sum3A_745 = vector.shape_cast %reduce_sum3A_744 : vector<1xf32> to vector<1x1x1xf32>
    %reduce_sum3A_746 = vector.extract %reduce_sum3A_745[0, 0, 0] : f32 from vector<1x1x1xf32>
    %div3A_747 = arith.divf %reduce_sum3A_746, %max3A_733 : f32
    %max3A_748 = arith.maximumf %div3A_740, %div3A_747 : f32
    %sub3A_749 = arith.subf %div3A_740, %max3A_748 : f32
    %exp3A_750 = math.exp %sub3A_749 : f32
    %sub3A_751 = arith.subf %div3A_747, %max3A_748 : f32
    %exp3A_752 = math.exp %sub3A_751 : f32
    %add3A_753 = arith.addf %exp3A_750, %exp3A_752 : f32
    %log3A_754 = math.log %add3A_753 : f32
    %add3A_755 = arith.addf %log3A_754, %max3A_748 : f32
    %sub3A_756 = arith.subf %div3A_740, %add3A_755 : f32
    %swap3A_757 = arith.constant 16 : index
    %swap3A_758 = arith.constant 0 : index
    %swap3A_759 = memref.load %arg5[%swap3A_757, %swap3A_758] : memref<64x2xf32, #tpu.memory_space<smem>>
    memref.store %sub3A_756, %arg5[%swap3A_757, %swap3A_758] : memref<64x2xf32, #tpu.memory_space<smem>>
    %sub3A_760 = arith.subf %div3A_747, %add3A_755 : f32
    %swap3A_761 = arith.constant 16 : index
    %swap3A_762 = arith.constant 1 : index
    %swap3A_763 = memref.load %arg5[%swap3A_761, %swap3A_762] : memref<64x2xf32, #tpu.memory_space<smem>>
    memref.store %sub3A_760, %arg5[%swap3A_761, %swap3A_762] : memref<64x2xf32, #tpu.memory_space<smem>>
    %eq3A_764 = arith.constant 17 : i32
    %eq3A_765 = vector.broadcast %eq3A_764 : i32 to vector<782x128xi32>
    %eq3A_766 = arith.cmpi eq, %get3A_57, %eq3A_765 : vector<782x128xi32>
    %convert_element_type3A_767 = arith.extui %eq3A_766 : vector<782x128xi1> to vector<782x128xi32>
    %convert_element_type3A_768 = arith.sitofp %convert_element_type3A_767 : vector<782x128xi32> to vector<782x128xf32>
    %reduce_sum3A_769 = vector.shape_cast %convert_element_type3A_768 : vector<782x128xf32> to vector<1x782x128xf32>
    %reduce_sum3A_770 = arith.constant dense<0.000000e+00> : vector<1xf32>
    %reduce_sum3A_771 = vector.multi_reduction <add>, %reduce_sum3A_769, %reduce_sum3A_770 [1, 2] : vector<1x782x128xf32> to vector<1xf32>
    %reduce_sum3A_772 = vector.shape_cast %reduce_sum3A_771 : vector<1xf32> to vector<1x1x1xf32>
    %reduce_sum3A_773 = vector.extract %reduce_sum3A_772[0, 0, 0] : f32 from vector<1x1x1xf32>
    %max3A_774 = arith.constant 1.000000e+00 : f32
    %max3A_775 = arith.maximumf %reduce_sum3A_773, %max3A_774 : f32
    %mul3A_776 = arith.mulf %convert_element_type3A_768, %max3A_26 : vector<782x128xf32>
    %reduce_sum3A_777 = vector.shape_cast %mul3A_776 : vector<782x128xf32> to vector<1x782x128xf32>
    %reduce_sum3A_778 = arith.constant dense<0.000000e+00> : vector<1xf32>
    %reduce_sum3A_779 = vector.multi_reduction <add>, %reduce_sum3A_777, %reduce_sum3A_778 [1, 2] : vector<1x782x128xf32> to vector<1xf32>
    %reduce_sum3A_780 = vector.shape_cast %reduce_sum3A_779 : vector<1xf32> to vector<1x1x1xf32>
    %reduce_sum3A_781 = vector.extract %reduce_sum3A_780[0, 0, 0] : f32 from vector<1x1x1xf32>
    %div3A_782 = arith.divf %reduce_sum3A_781, %max3A_775 : f32
    %mul3A_783 = arith.mulf %convert_element_type3A_768, %max3A_54 : vector<782x128xf32>
    %reduce_sum3A_784 = vector.shape_cast %mul3A_783 : vector<782x128xf32> to vector<1x782x128xf32>
    %reduce_sum3A_785 = arith.constant dense<0.000000e+00> : vector<1xf32>
    %reduce_sum3A_786 = vector.multi_reduction <add>, %reduce_sum3A_784, %reduce_sum3A_785 [1, 2] : vector<1x782x128xf32> to vector<1xf32>
    %reduce_sum3A_787 = vector.shape_cast %reduce_sum3A_786 : vector<1xf32> to vector<1x1x1xf32>
    %reduce_sum3A_788 = vector.extract %reduce_sum3A_787[0, 0, 0] : f32 from vector<1x1x1xf32>
    %div3A_789 = arith.divf %reduce_sum3A_788, %max3A_775 : f32
    %max3A_790 = arith.maximumf %div3A_782, %div3A_789 : f32
    %sub3A_791 = arith.subf %div3A_782, %max3A_790 : f32
    %exp3A_792 = math.exp %sub3A_791 : f32
    %sub3A_793 = arith.subf %div3A_789, %max3A_790 : f32
    %exp3A_794 = math.exp %sub3A_793 : f32
    %add3A_795 = arith.addf %exp3A_792, %exp3A_794 : f32
    %log3A_796 = math.log %add3A_795 : f32
    %add3A_797 = arith.addf %log3A_796, %max3A_790 : f32
    %sub3A_798 = arith.subf %div3A_782, %add3A_797 : f32
    %swap3A_799 = arith.constant 17 : index
    %swap3A_800 = arith.constant 0 : index
    %swap3A_801 = memref.load %arg5[%swap3A_799, %swap3A_800] : memref<64x2xf32, #tpu.memory_space<smem>>
    memref.store %sub3A_798, %arg5[%swap3A_799, %swap3A_800] : memref<64x2xf32, #tpu.memory_space<smem>>
    %sub3A_802 = arith.subf %div3A_789, %add3A_797 : f32
    %swap3A_803 = arith.constant 17 : index
    %swap3A_804 = arith.constant 1 : index
    %swap3A_805 = memref.load %arg5[%swap3A_803, %swap3A_804] : memref<64x2xf32, #tpu.memory_space<smem>>
    memref.store %sub3A_802, %arg5[%swap3A_803, %swap3A_804] : memref<64x2xf32, #tpu.memory_space<smem>>
    %eq3A_806 = arith.constant 18 : i32
    %eq3A_807 = vector.broadcast %eq3A_806 : i32 to vector<782x128xi32>
    %eq3A_808 = arith.cmpi eq, %get3A_57, %eq3A_807 : vector<782x128xi32>
    %convert_element_type3A_809 = arith.extui %eq3A_808 : vector<782x128xi1> to vector<782x128xi32>
    %convert_element_type3A_810 = arith.sitofp %convert_element_type3A_809 : vector<782x128xi32> to vector<782x128xf32>
    %reduce_sum3A_811 = vector.shape_cast %convert_element_type3A_810 : vector<782x128xf32> to vector<1x782x128xf32>
    %reduce_sum3A_812 = arith.constant dense<0.000000e+00> : vector<1xf32>
    %reduce_sum3A_813 = vector.multi_reduction <add>, %reduce_sum3A_811, %reduce_sum3A_812 [1, 2] : vector<1x782x128xf32> to vector<1xf32>
    %reduce_sum3A_814 = vector.shape_cast %reduce_sum3A_813 : vector<1xf32> to vector<1x1x1xf32>
    %reduce_sum3A_815 = vector.extract %reduce_sum3A_814[0, 0, 0] : f32 from vector<1x1x1xf32>
    %max3A_816 = arith.constant 1.000000e+00 : f32
    %max3A_817 = arith.maximumf %reduce_sum3A_815, %max3A_816 : f32
    %mul3A_818 = arith.mulf %convert_element_type3A_810, %max3A_26 : vector<782x128xf32>
    %reduce_sum3A_819 = vector.shape_cast %mul3A_818 : vector<782x128xf32> to vector<1x782x128xf32>
    %reduce_sum3A_820 = arith.constant dense<0.000000e+00> : vector<1xf32>
    %reduce_sum3A_821 = vector.multi_reduction <add>, %reduce_sum3A_819, %reduce_sum3A_820 [1, 2] : vector<1x782x128xf32> to vector<1xf32>
    %reduce_sum3A_822 = vector.shape_cast %reduce_sum3A_821 : vector<1xf32> to vector<1x1x1xf32>
    %reduce_sum3A_823 = vector.extract %reduce_sum3A_822[0, 0, 0] : f32 from vector<1x1x1xf32>
    %div3A_824 = arith.divf %reduce_sum3A_823, %max3A_817 : f32
    %mul3A_825 = arith.mulf %convert_element_type3A_810, %max3A_54 : vector<782x128xf32>
    %reduce_sum3A_826 = vector.shape_cast %mul3A_825 : vector<782x128xf32> to vector<1x782x128xf32>
    %reduce_sum3A_827 = arith.constant dense<0.000000e+00> : vector<1xf32>
    %reduce_sum3A_828 = vector.multi_reduction <add>, %reduce_sum3A_826, %reduce_sum3A_827 [1, 2] : vector<1x782x128xf32> to vector<1xf32>
    %reduce_sum3A_829 = vector.shape_cast %reduce_sum3A_828 : vector<1xf32> to vector<1x1x1xf32>
    %reduce_sum3A_830 = vector.extract %reduce_sum3A_829[0, 0, 0] : f32 from vector<1x1x1xf32>
    %div3A_831 = arith.divf %reduce_sum3A_830, %max3A_817 : f32
    %max3A_832 = arith.maximumf %div3A_824, %div3A_831 : f32
    %sub3A_833 = arith.subf %div3A_824, %max3A_832 : f32
    %exp3A_834 = math.exp %sub3A_833 : f32
    %sub3A_835 = arith.subf %div3A_831, %max3A_832 : f32
    %exp3A_836 = math.exp %sub3A_835 : f32
    %add3A_837 = arith.addf %exp3A_834, %exp3A_836 : f32
    %log3A_838 = math.log %add3A_837 : f32
    %add3A_839 = arith.addf %log3A_838, %max3A_832 : f32
    %sub3A_840 = arith.subf %div3A_824, %add3A_839 : f32
    %swap3A_841 = arith.constant 18 : index
    %swap3A_842 = arith.constant 0 : index
    %swap3A_843 = memref.load %arg5[%swap3A_841, %swap3A_842] : memref<64x2xf32, #tpu.memory_space<smem>>
    memref.store %sub3A_840, %arg5[%swap3A_841, %swap3A_842] : memref<64x2xf32, #tpu.memory_space<smem>>
    %sub3A_844 = arith.subf %div3A_831, %add3A_839 : f32
    %swap3A_845 = arith.constant 18 : index
    %swap3A_846 = arith.constant 1 : index
    %swap3A_847 = memref.load %arg5[%swap3A_845, %swap3A_846] : memref<64x2xf32, #tpu.memory_space<smem>>
    memref.store %sub3A_844, %arg5[%swap3A_845, %swap3A_846] : memref<64x2xf32, #tpu.memory_space<smem>>
    %eq3A_848 = arith.constant 19 : i32
    %eq3A_849 = vector.broadcast %eq3A_848 : i32 to vector<782x128xi32>
    %eq3A_850 = arith.cmpi eq, %get3A_57, %eq3A_849 : vector<782x128xi32>
    %convert_element_type3A_851 = arith.extui %eq3A_850 : vector<782x128xi1> to vector<782x128xi32>
    %convert_element_type3A_852 = arith.sitofp %convert_element_type3A_851 : vector<782x128xi32> to vector<782x128xf32>
    %reduce_sum3A_853 = vector.shape_cast %convert_element_type3A_852 : vector<782x128xf32> to vector<1x782x128xf32>
    %reduce_sum3A_854 = arith.constant dense<0.000000e+00> : vector<1xf32>
    %reduce_sum3A_855 = vector.multi_reduction <add>, %reduce_sum3A_853, %reduce_sum3A_854 [1, 2] : vector<1x782x128xf32> to vector<1xf32>
    %reduce_sum3A_856 = vector.shape_cast %reduce_sum3A_855 : vector<1xf32> to vector<1x1x1xf32>
    %reduce_sum3A_857 = vector.extract %reduce_sum3A_856[0, 0, 0] : f32 from vector<1x1x1xf32>
    %max3A_858 = arith.constant 1.000000e+00 : f32
    %max3A_859 = arith.maximumf %reduce_sum3A_857, %max3A_858 : f32
    %mul3A_860 = arith.mulf %convert_element_type3A_852, %max3A_26 : vector<782x128xf32>
    %reduce_sum3A_861 = vector.shape_cast %mul3A_860 : vector<782x128xf32> to vector<1x782x128xf32>
    %reduce_sum3A_862 = arith.constant dense<0.000000e+00> : vector<1xf32>
    %reduce_sum3A_863 = vector.multi_reduction <add>, %reduce_sum3A_861, %reduce_sum3A_862 [1, 2] : vector<1x782x128xf32> to vector<1xf32>
    %reduce_sum3A_864 = vector.shape_cast %reduce_sum3A_863 : vector<1xf32> to vector<1x1x1xf32>
    %reduce_sum3A_865 = vector.extract %reduce_sum3A_864[0, 0, 0] : f32 from vector<1x1x1xf32>
    %div3A_866 = arith.divf %reduce_sum3A_865, %max3A_859 : f32
    %mul3A_867 = arith.mulf %convert_element_type3A_852, %max3A_54 : vector<782x128xf32>
    %reduce_sum3A_868 = vector.shape_cast %mul3A_867 : vector<782x128xf32> to vector<1x782x128xf32>
    %reduce_sum3A_869 = arith.constant dense<0.000000e+00> : vector<1xf32>
    %reduce_sum3A_870 = vector.multi_reduction <add>, %reduce_sum3A_868, %reduce_sum3A_869 [1, 2] : vector<1x782x128xf32> to vector<1xf32>
    %reduce_sum3A_871 = vector.shape_cast %reduce_sum3A_870 : vector<1xf32> to vector<1x1x1xf32>
    %reduce_sum3A_872 = vector.extract %reduce_sum3A_871[0, 0, 0] : f32 from vector<1x1x1xf32>
    %div3A_873 = arith.divf %reduce_sum3A_872, %max3A_859 : f32
    %max3A_874 = arith.maximumf %div3A_866, %div3A_873 : f32
    %sub3A_875 = arith.subf %div3A_866, %max3A_874 : f32
    %exp3A_876 = math.exp %sub3A_875 : f32
    %sub3A_877 = arith.subf %div3A_873, %max3A_874 : f32
    %exp3A_878 = math.exp %sub3A_877 : f32
    %add3A_879 = arith.addf %exp3A_876, %exp3A_878 : f32
    %log3A_880 = math.log %add3A_879 : f32
    %add3A_881 = arith.addf %log3A_880, %max3A_874 : f32
    %sub3A_882 = arith.subf %div3A_866, %add3A_881 : f32
    %swap3A_883 = arith.constant 19 : index
    %swap3A_884 = arith.constant 0 : index
    %swap3A_885 = memref.load %arg5[%swap3A_883, %swap3A_884] : memref<64x2xf32, #tpu.memory_space<smem>>
    memref.store %sub3A_882, %arg5[%swap3A_883, %swap3A_884] : memref<64x2xf32, #tpu.memory_space<smem>>
    %sub3A_886 = arith.subf %div3A_873, %add3A_881 : f32
    %swap3A_887 = arith.constant 19 : index
    %swap3A_888 = arith.constant 1 : index
    %swap3A_889 = memref.load %arg5[%swap3A_887, %swap3A_888] : memref<64x2xf32, #tpu.memory_space<smem>>
    memref.store %sub3A_886, %arg5[%swap3A_887, %swap3A_888] : memref<64x2xf32, #tpu.memory_space<smem>>
    %eq3A_890 = arith.constant 20 : i32
    %eq3A_891 = vector.broadcast %eq3A_890 : i32 to vector<782x128xi32>
    %eq3A_892 = arith.cmpi eq, %get3A_57, %eq3A_891 : vector<782x128xi32>
    %convert_element_type3A_893 = arith.extui %eq3A_892 : vector<782x128xi1> to vector<782x128xi32>
    %convert_element_type3A_894 = arith.sitofp %convert_element_type3A_893 : vector<782x128xi32> to vector<782x128xf32>
    %reduce_sum3A_895 = vector.shape_cast %convert_element_type3A_894 : vector<782x128xf32> to vector<1x782x128xf32>
    %reduce_sum3A_896 = arith.constant dense<0.000000e+00> : vector<1xf32>
    %reduce_sum3A_897 = vector.multi_reduction <add>, %reduce_sum3A_895, %reduce_sum3A_896 [1, 2] : vector<1x782x128xf32> to vector<1xf32>
    %reduce_sum3A_898 = vector.shape_cast %reduce_sum3A_897 : vector<1xf32> to vector<1x1x1xf32>
    %reduce_sum3A_899 = vector.extract %reduce_sum3A_898[0, 0, 0] : f32 from vector<1x1x1xf32>
    %max3A_900 = arith.constant 1.000000e+00 : f32
    %max3A_901 = arith.maximumf %reduce_sum3A_899, %max3A_900 : f32
    %mul3A_902 = arith.mulf %convert_element_type3A_894, %max3A_26 : vector<782x128xf32>
    %reduce_sum3A_903 = vector.shape_cast %mul3A_902 : vector<782x128xf32> to vector<1x782x128xf32>
    %reduce_sum3A_904 = arith.constant dense<0.000000e+00> : vector<1xf32>
    %reduce_sum3A_905 = vector.multi_reduction <add>, %reduce_sum3A_903, %reduce_sum3A_904 [1, 2] : vector<1x782x128xf32> to vector<1xf32>
    %reduce_sum3A_906 = vector.shape_cast %reduce_sum3A_905 : vector<1xf32> to vector<1x1x1xf32>
    %reduce_sum3A_907 = vector.extract %reduce_sum3A_906[0, 0, 0] : f32 from vector<1x1x1xf32>
    %div3A_908 = arith.divf %reduce_sum3A_907, %max3A_901 : f32
    %mul3A_909 = arith.mulf %convert_element_type3A_894, %max3A_54 : vector<782x128xf32>
    %reduce_sum3A_910 = vector.shape_cast %mul3A_909 : vector<782x128xf32> to vector<1x782x128xf32>
    %reduce_sum3A_911 = arith.constant dense<0.000000e+00> : vector<1xf32>
    %reduce_sum3A_912 = vector.multi_reduction <add>, %reduce_sum3A_910, %reduce_sum3A_911 [1, 2] : vector<1x782x128xf32> to vector<1xf32>
    %reduce_sum3A_913 = vector.shape_cast %reduce_sum3A_912 : vector<1xf32> to vector<1x1x1xf32>
    %reduce_sum3A_914 = vector.extract %reduce_sum3A_913[0, 0, 0] : f32 from vector<1x1x1xf32>
    %div3A_915 = arith.divf %reduce_sum3A_914, %max3A_901 : f32
    %max3A_916 = arith.maximumf %div3A_908, %div3A_915 : f32
    %sub3A_917 = arith.subf %div3A_908, %max3A_916 : f32
    %exp3A_918 = math.exp %sub3A_917 : f32
    %sub3A_919 = arith.subf %div3A_915, %max3A_916 : f32
    %exp3A_920 = math.exp %sub3A_919 : f32
    %add3A_921 = arith.addf %exp3A_918, %exp3A_920 : f32
    %log3A_922 = math.log %add3A_921 : f32
    %add3A_923 = arith.addf %log3A_922, %max3A_916 : f32
    %sub3A_924 = arith.subf %div3A_908, %add3A_923 : f32
    %swap3A_925 = arith.constant 20 : index
    %swap3A_926 = arith.constant 0 : index
    %swap3A_927 = memref.load %arg5[%swap3A_925, %swap3A_926] : memref<64x2xf32, #tpu.memory_space<smem>>
    memref.store %sub3A_924, %arg5[%swap3A_925, %swap3A_926] : memref<64x2xf32, #tpu.memory_space<smem>>
    %sub3A_928 = arith.subf %div3A_915, %add3A_923 : f32
    %swap3A_929 = arith.constant 20 : index
    %swap3A_930 = arith.constant 1 : index
    %swap3A_931 = memref.load %arg5[%swap3A_929, %swap3A_930] : memref<64x2xf32, #tpu.memory_space<smem>>
    memref.store %sub3A_928, %arg5[%swap3A_929, %swap3A_930] : memref<64x2xf32, #tpu.memory_space<smem>>
    %eq3A_932 = arith.constant 21 : i32
    %eq3A_933 = vector.broadcast %eq3A_932 : i32 to vector<782x128xi32>
    %eq3A_934 = arith.cmpi eq, %get3A_57, %eq3A_933 : vector<782x128xi32>
    %convert_element_type3A_935 = arith.extui %eq3A_934 : vector<782x128xi1> to vector<782x128xi32>
    %convert_element_type3A_936 = arith.sitofp %convert_element_type3A_935 : vector<782x128xi32> to vector<782x128xf32>
    %reduce_sum3A_937 = vector.shape_cast %convert_element_type3A_936 : vector<782x128xf32> to vector<1x782x128xf32>
    %reduce_sum3A_938 = arith.constant dense<0.000000e+00> : vector<1xf32>
    %reduce_sum3A_939 = vector.multi_reduction <add>, %reduce_sum3A_937, %reduce_sum3A_938 [1, 2] : vector<1x782x128xf32> to vector<1xf32>
    %reduce_sum3A_940 = vector.shape_cast %reduce_sum3A_939 : vector<1xf32> to vector<1x1x1xf32>
    %reduce_sum3A_941 = vector.extract %reduce_sum3A_940[0, 0, 0] : f32 from vector<1x1x1xf32>
    %max3A_942 = arith.constant 1.000000e+00 : f32
    %max3A_943 = arith.maximumf %reduce_sum3A_941, %max3A_942 : f32
    %mul3A_944 = arith.mulf %convert_element_type3A_936, %max3A_26 : vector<782x128xf32>
    %reduce_sum3A_945 = vector.shape_cast %mul3A_944 : vector<782x128xf32> to vector<1x782x128xf32>
    %reduce_sum3A_946 = arith.constant dense<0.000000e+00> : vector<1xf32>
    %reduce_sum3A_947 = vector.multi_reduction <add>, %reduce_sum3A_945, %reduce_sum3A_946 [1, 2] : vector<1x782x128xf32> to vector<1xf32>
    %reduce_sum3A_948 = vector.shape_cast %reduce_sum3A_947 : vector<1xf32> to vector<1x1x1xf32>
    %reduce_sum3A_949 = vector.extract %reduce_sum3A_948[0, 0, 0] : f32 from vector<1x1x1xf32>
    %div3A_950 = arith.divf %reduce_sum3A_949, %max3A_943 : f32
    %mul3A_951 = arith.mulf %convert_element_type3A_936, %max3A_54 : vector<782x128xf32>
    %reduce_sum3A_952 = vector.shape_cast %mul3A_951 : vector<782x128xf32> to vector<1x782x128xf32>
    %reduce_sum3A_953 = arith.constant dense<0.000000e+00> : vector<1xf32>
    %reduce_sum3A_954 = vector.multi_reduction <add>, %reduce_sum3A_952, %reduce_sum3A_953 [1, 2] : vector<1x782x128xf32> to vector<1xf32>
    %reduce_sum3A_955 = vector.shape_cast %reduce_sum3A_954 : vector<1xf32> to vector<1x1x1xf32>
    %reduce_sum3A_956 = vector.extract %reduce_sum3A_955[0, 0, 0] : f32 from vector<1x1x1xf32>
    %div3A_957 = arith.divf %reduce_sum3A_956, %max3A_943 : f32
    %max3A_958 = arith.maximumf %div3A_950, %div3A_957 : f32
    %sub3A_959 = arith.subf %div3A_950, %max3A_958 : f32
    %exp3A_960 = math.exp %sub3A_959 : f32
    %sub3A_961 = arith.subf %div3A_957, %max3A_958 : f32
    %exp3A_962 = math.exp %sub3A_961 : f32
    %add3A_963 = arith.addf %exp3A_960, %exp3A_962 : f32
    %log3A_964 = math.log %add3A_963 : f32
    %add3A_965 = arith.addf %log3A_964, %max3A_958 : f32
    %sub3A_966 = arith.subf %div3A_950, %add3A_965 : f32
    %swap3A_967 = arith.constant 21 : index
    %swap3A_968 = arith.constant 0 : index
    %swap3A_969 = memref.load %arg5[%swap3A_967, %swap3A_968] : memref<64x2xf32, #tpu.memory_space<smem>>
    memref.store %sub3A_966, %arg5[%swap3A_967, %swap3A_968] : memref<64x2xf32, #tpu.memory_space<smem>>
    %sub3A_970 = arith.subf %div3A_957, %add3A_965 : f32
    %swap3A_971 = arith.constant 21 : index
    %swap3A_972 = arith.constant 1 : index
    %swap3A_973 = memref.load %arg5[%swap3A_971, %swap3A_972] : memref<64x2xf32, #tpu.memory_space<smem>>
    memref.store %sub3A_970, %arg5[%swap3A_971, %swap3A_972] : memref<64x2xf32, #tpu.memory_space<smem>>
    %eq3A_974 = arith.constant 22 : i32
    %eq3A_975 = vector.broadcast %eq3A_974 : i32 to vector<782x128xi32>
    %eq3A_976 = arith.cmpi eq, %get3A_57, %eq3A_975 : vector<782x128xi32>
    %convert_element_type3A_977 = arith.extui %eq3A_976 : vector<782x128xi1> to vector<782x128xi32>
    %convert_element_type3A_978 = arith.sitofp %convert_element_type3A_977 : vector<782x128xi32> to vector<782x128xf32>
    %reduce_sum3A_979 = vector.shape_cast %convert_element_type3A_978 : vector<782x128xf32> to vector<1x782x128xf32>
    %reduce_sum3A_980 = arith.constant dense<0.000000e+00> : vector<1xf32>
    %reduce_sum3A_981 = vector.multi_reduction <add>, %reduce_sum3A_979, %reduce_sum3A_980 [1, 2] : vector<1x782x128xf32> to vector<1xf32>
    %reduce_sum3A_982 = vector.shape_cast %reduce_sum3A_981 : vector<1xf32> to vector<1x1x1xf32>
    %reduce_sum3A_983 = vector.extract %reduce_sum3A_982[0, 0, 0] : f32 from vector<1x1x1xf32>
    %max3A_984 = arith.constant 1.000000e+00 : f32
    %max3A_985 = arith.maximumf %reduce_sum3A_983, %max3A_984 : f32
    %mul3A_986 = arith.mulf %convert_element_type3A_978, %max3A_26 : vector<782x128xf32>
    %reduce_sum3A_987 = vector.shape_cast %mul3A_986 : vector<782x128xf32> to vector<1x782x128xf32>
    %reduce_sum3A_988 = arith.constant dense<0.000000e+00> : vector<1xf32>
    %reduce_sum3A_989 = vector.multi_reduction <add>, %reduce_sum3A_987, %reduce_sum3A_988 [1, 2] : vector<1x782x128xf32> to vector<1xf32>
    %reduce_sum3A_990 = vector.shape_cast %reduce_sum3A_989 : vector<1xf32> to vector<1x1x1xf32>
    %reduce_sum3A_991 = vector.extract %reduce_sum3A_990[0, 0, 0] : f32 from vector<1x1x1xf32>
    %div3A_992 = arith.divf %reduce_sum3A_991, %max3A_985 : f32
    %mul3A_993 = arith.mulf %convert_element_type3A_978, %max3A_54 : vector<782x128xf32>
    %reduce_sum3A_994 = vector.shape_cast %mul3A_993 : vector<782x128xf32> to vector<1x782x128xf32>
    %reduce_sum3A_995 = arith.constant dense<0.000000e+00> : vector<1xf32>
    %reduce_sum3A_996 = vector.multi_reduction <add>, %reduce_sum3A_994, %reduce_sum3A_995 [1, 2] : vector<1x782x128xf32> to vector<1xf32>
    %reduce_sum3A_997 = vector.shape_cast %reduce_sum3A_996 : vector<1xf32> to vector<1x1x1xf32>
    %reduce_sum3A_998 = vector.extract %reduce_sum3A_997[0, 0, 0] : f32 from vector<1x1x1xf32>
    %div3A_999 = arith.divf %reduce_sum3A_998, %max3A_985 : f32
    %max3A_1000 = arith.maximumf %div3A_992, %div3A_999 : f32
    %sub3A_1001 = arith.subf %div3A_992, %max3A_1000 : f32
    %exp3A_1002 = math.exp %sub3A_1001 : f32
    %sub3A_1003 = arith.subf %div3A_999, %max3A_1000 : f32
    %exp3A_1004 = math.exp %sub3A_1003 : f32
    %add3A_1005 = arith.addf %exp3A_1002, %exp3A_1004 : f32
    %log3A_1006 = math.log %add3A_1005 : f32
    %add3A_1007 = arith.addf %log3A_1006, %max3A_1000 : f32
    %sub3A_1008 = arith.subf %div3A_992, %add3A_1007 : f32
    %swap3A_1009 = arith.constant 22 : index
    %swap3A_1010 = arith.constant 0 : index
    %swap3A_1011 = memref.load %arg5[%swap3A_1009, %swap3A_1010] : memref<64x2xf32, #tpu.memory_space<smem>>
    memref.store %sub3A_1008, %arg5[%swap3A_1009, %swap3A_1010] : memref<64x2xf32, #tpu.memory_space<smem>>
    %sub3A_1012 = arith.subf %div3A_999, %add3A_1007 : f32
    %swap3A_1013 = arith.constant 22 : index
    %swap3A_1014 = arith.constant 1 : index
    %swap3A_1015 = memref.load %arg5[%swap3A_1013, %swap3A_1014] : memref<64x2xf32, #tpu.memory_space<smem>>
    memref.store %sub3A_1012, %arg5[%swap3A_1013, %swap3A_1014] : memref<64x2xf32, #tpu.memory_space<smem>>
    %eq3A_1016 = arith.constant 23 : i32
    %eq3A_1017 = vector.broadcast %eq3A_1016 : i32 to vector<782x128xi32>
    %eq3A_1018 = arith.cmpi eq, %get3A_57, %eq3A_1017 : vector<782x128xi32>
    %convert_element_type3A_1019 = arith.extui %eq3A_1018 : vector<782x128xi1> to vector<782x128xi32>
    %convert_element_type3A_1020 = arith.sitofp %convert_element_type3A_1019 : vector<782x128xi32> to vector<782x128xf32>
    %reduce_sum3A_1021 = vector.shape_cast %convert_element_type3A_1020 : vector<782x128xf32> to vector<1x782x128xf32>
    %reduce_sum3A_1022 = arith.constant dense<0.000000e+00> : vector<1xf32>
    %reduce_sum3A_1023 = vector.multi_reduction <add>, %reduce_sum3A_1021, %reduce_sum3A_1022 [1, 2] : vector<1x782x128xf32> to vector<1xf32>
    %reduce_sum3A_1024 = vector.shape_cast %reduce_sum3A_1023 : vector<1xf32> to vector<1x1x1xf32>
    %reduce_sum3A_1025 = vector.extract %reduce_sum3A_1024[0, 0, 0] : f32 from vector<1x1x1xf32>
    %max3A_1026 = arith.constant 1.000000e+00 : f32
    %max3A_1027 = arith.maximumf %reduce_sum3A_1025, %max3A_1026 : f32
    %mul3A_1028 = arith.mulf %convert_element_type3A_1020, %max3A_26 : vector<782x128xf32>
    %reduce_sum3A_1029 = vector.shape_cast %mul3A_1028 : vector<782x128xf32> to vector<1x782x128xf32>
    %reduce_sum3A_1030 = arith.constant dense<0.000000e+00> : vector<1xf32>
    %reduce_sum3A_1031 = vector.multi_reduction <add>, %reduce_sum3A_1029, %reduce_sum3A_1030 [1, 2] : vector<1x782x128xf32> to vector<1xf32>
    %reduce_sum3A_1032 = vector.shape_cast %reduce_sum3A_1031 : vector<1xf32> to vector<1x1x1xf32>
    %reduce_sum3A_1033 = vector.extract %reduce_sum3A_1032[0, 0, 0] : f32 from vector<1x1x1xf32>
    %div3A_1034 = arith.divf %reduce_sum3A_1033, %max3A_1027 : f32
    %mul3A_1035 = arith.mulf %convert_element_type3A_1020, %max3A_54 : vector<782x128xf32>
    %reduce_sum3A_1036 = vector.shape_cast %mul3A_1035 : vector<782x128xf32> to vector<1x782x128xf32>
    %reduce_sum3A_1037 = arith.constant dense<0.000000e+00> : vector<1xf32>
    %reduce_sum3A_1038 = vector.multi_reduction <add>, %reduce_sum3A_1036, %reduce_sum3A_1037 [1, 2] : vector<1x782x128xf32> to vector<1xf32>
    %reduce_sum3A_1039 = vector.shape_cast %reduce_sum3A_1038 : vector<1xf32> to vector<1x1x1xf32>
    %reduce_sum3A_1040 = vector.extract %reduce_sum3A_1039[0, 0, 0] : f32 from vector<1x1x1xf32>
    %div3A_1041 = arith.divf %reduce_sum3A_1040, %max3A_1027 : f32
    %max3A_1042 = arith.maximumf %div3A_1034, %div3A_1041 : f32
    %sub3A_1043 = arith.subf %div3A_1034, %max3A_1042 : f32
    %exp3A_1044 = math.exp %sub3A_1043 : f32
    %sub3A_1045 = arith.subf %div3A_1041, %max3A_1042 : f32
    %exp3A_1046 = math.exp %sub3A_1045 : f32
    %add3A_1047 = arith.addf %exp3A_1044, %exp3A_1046 : f32
    %log3A_1048 = math.log %add3A_1047 : f32
    %add3A_1049 = arith.addf %log3A_1048, %max3A_1042 : f32
    %sub3A_1050 = arith.subf %div3A_1034, %add3A_1049 : f32
    %swap3A_1051 = arith.constant 23 : index
    %swap3A_1052 = arith.constant 0 : index
    %swap3A_1053 = memref.load %arg5[%swap3A_1051, %swap3A_1052] : memref<64x2xf32, #tpu.memory_space<smem>>
    memref.store %sub3A_1050, %arg5[%swap3A_1051, %swap3A_1052] : memref<64x2xf32, #tpu.memory_space<smem>>
    %sub3A_1054 = arith.subf %div3A_1041, %add3A_1049 : f32
    %swap3A_1055 = arith.constant 23 : index
    %swap3A_1056 = arith.constant 1 : index
    %swap3A_1057 = memref.load %arg5[%swap3A_1055, %swap3A_1056] : memref<64x2xf32, #tpu.memory_space<smem>>
    memref.store %sub3A_1054, %arg5[%swap3A_1055, %swap3A_1056] : memref<64x2xf32, #tpu.memory_space<smem>>
    %eq3A_1058 = arith.constant 24 : i32
    %eq3A_1059 = vector.broadcast %eq3A_1058 : i32 to vector<782x128xi32>
    %eq3A_1060 = arith.cmpi eq, %get3A_57, %eq3A_1059 : vector<782x128xi32>
    %convert_element_type3A_1061 = arith.extui %eq3A_1060 : vector<782x128xi1> to vector<782x128xi32>
    %convert_element_type3A_1062 = arith.sitofp %convert_element_type3A_1061 : vector<782x128xi32> to vector<782x128xf32>
    %reduce_sum3A_1063 = vector.shape_cast %convert_element_type3A_1062 : vector<782x128xf32> to vector<1x782x128xf32>
    %reduce_sum3A_1064 = arith.constant dense<0.000000e+00> : vector<1xf32>
    %reduce_sum3A_1065 = vector.multi_reduction <add>, %reduce_sum3A_1063, %reduce_sum3A_1064 [1, 2] : vector<1x782x128xf32> to vector<1xf32>
    %reduce_sum3A_1066 = vector.shape_cast %reduce_sum3A_1065 : vector<1xf32> to vector<1x1x1xf32>
    %reduce_sum3A_1067 = vector.extract %reduce_sum3A_1066[0, 0, 0] : f32 from vector<1x1x1xf32>
    %max3A_1068 = arith.constant 1.000000e+00 : f32
    %max3A_1069 = arith.maximumf %reduce_sum3A_1067, %max3A_1068 : f32
    %mul3A_1070 = arith.mulf %convert_element_type3A_1062, %max3A_26 : vector<782x128xf32>
    %reduce_sum3A_1071 = vector.shape_cast %mul3A_1070 : vector<782x128xf32> to vector<1x782x128xf32>
    %reduce_sum3A_1072 = arith.constant dense<0.000000e+00> : vector<1xf32>
    %reduce_sum3A_1073 = vector.multi_reduction <add>, %reduce_sum3A_1071, %reduce_sum3A_1072 [1, 2] : vector<1x782x128xf32> to vector<1xf32>
    %reduce_sum3A_1074 = vector.shape_cast %reduce_sum3A_1073 : vector<1xf32> to vector<1x1x1xf32>
    %reduce_sum3A_1075 = vector.extract %reduce_sum3A_1074[0, 0, 0] : f32 from vector<1x1x1xf32>
    %div3A_1076 = arith.divf %reduce_sum3A_1075, %max3A_1069 : f32
    %mul3A_1077 = arith.mulf %convert_element_type3A_1062, %max3A_54 : vector<782x128xf32>
    %reduce_sum3A_1078 = vector.shape_cast %mul3A_1077 : vector<782x128xf32> to vector<1x782x128xf32>
    %reduce_sum3A_1079 = arith.constant dense<0.000000e+00> : vector<1xf32>
    %reduce_sum3A_1080 = vector.multi_reduction <add>, %reduce_sum3A_1078, %reduce_sum3A_1079 [1, 2] : vector<1x782x128xf32> to vector<1xf32>
    %reduce_sum3A_1081 = vector.shape_cast %reduce_sum3A_1080 : vector<1xf32> to vector<1x1x1xf32>
    %reduce_sum3A_1082 = vector.extract %reduce_sum3A_1081[0, 0, 0] : f32 from vector<1x1x1xf32>
    %div3A_1083 = arith.divf %reduce_sum3A_1082, %max3A_1069 : f32
    %max3A_1084 = arith.maximumf %div3A_1076, %div3A_1083 : f32
    %sub3A_1085 = arith.subf %div3A_1076, %max3A_1084 : f32
    %exp3A_1086 = math.exp %sub3A_1085 : f32
    %sub3A_1087 = arith.subf %div3A_1083, %max3A_1084 : f32
    %exp3A_1088 = math.exp %sub3A_1087 : f32
    %add3A_1089 = arith.addf %exp3A_1086, %exp3A_1088 : f32
    %log3A_1090 = math.log %add3A_1089 : f32
    %add3A_1091 = arith.addf %log3A_1090, %max3A_1084 : f32
    %sub3A_1092 = arith.subf %div3A_1076, %add3A_1091 : f32
    %swap3A_1093 = arith.constant 24 : index
    %swap3A_1094 = arith.constant 0 : index
    %swap3A_1095 = memref.load %arg5[%swap3A_1093, %swap3A_1094] : memref<64x2xf32, #tpu.memory_space<smem>>
    memref.store %sub3A_1092, %arg5[%swap3A_1093, %swap3A_1094] : memref<64x2xf32, #tpu.memory_space<smem>>
    %sub3A_1096 = arith.subf %div3A_1083, %add3A_1091 : f32
    %swap3A_1097 = arith.constant 24 : index
    %swap3A_1098 = arith.constant 1 : index
    %swap3A_1099 = memref.load %arg5[%swap3A_1097, %swap3A_1098] : memref<64x2xf32, #tpu.memory_space<smem>>
    memref.store %sub3A_1096, %arg5[%swap3A_1097, %swap3A_1098] : memref<64x2xf32, #tpu.memory_space<smem>>
    %eq3A_1100 = arith.constant 25 : i32
    %eq3A_1101 = vector.broadcast %eq3A_1100 : i32 to vector<782x128xi32>
    %eq3A_1102 = arith.cmpi eq, %get3A_57, %eq3A_1101 : vector<782x128xi32>
    %convert_element_type3A_1103 = arith.extui %eq3A_1102 : vector<782x128xi1> to vector<782x128xi32>
    %convert_element_type3A_1104 = arith.sitofp %convert_element_type3A_1103 : vector<782x128xi32> to vector<782x128xf32>
    %reduce_sum3A_1105 = vector.shape_cast %convert_element_type3A_1104 : vector<782x128xf32> to vector<1x782x128xf32>
    %reduce_sum3A_1106 = arith.constant dense<0.000000e+00> : vector<1xf32>
    %reduce_sum3A_1107 = vector.multi_reduction <add>, %reduce_sum3A_1105, %reduce_sum3A_1106 [1, 2] : vector<1x782x128xf32> to vector<1xf32>
    %reduce_sum3A_1108 = vector.shape_cast %reduce_sum3A_1107 : vector<1xf32> to vector<1x1x1xf32>
    %reduce_sum3A_1109 = vector.extract %reduce_sum3A_1108[0, 0, 0] : f32 from vector<1x1x1xf32>
    %max3A_1110 = arith.constant 1.000000e+00 : f32
    %max3A_1111 = arith.maximumf %reduce_sum3A_1109, %max3A_1110 : f32
    %mul3A_1112 = arith.mulf %convert_element_type3A_1104, %max3A_26 : vector<782x128xf32>
    %reduce_sum3A_1113 = vector.shape_cast %mul3A_1112 : vector<782x128xf32> to vector<1x782x128xf32>
    %reduce_sum3A_1114 = arith.constant dense<0.000000e+00> : vector<1xf32>
    %reduce_sum3A_1115 = vector.multi_reduction <add>, %reduce_sum3A_1113, %reduce_sum3A_1114 [1, 2] : vector<1x782x128xf32> to vector<1xf32>
    %reduce_sum3A_1116 = vector.shape_cast %reduce_sum3A_1115 : vector<1xf32> to vector<1x1x1xf32>
    %reduce_sum3A_1117 = vector.extract %reduce_sum3A_1116[0, 0, 0] : f32 from vector<1x1x1xf32>
    %div3A_1118 = arith.divf %reduce_sum3A_1117, %max3A_1111 : f32
    %mul3A_1119 = arith.mulf %convert_element_type3A_1104, %max3A_54 : vector<782x128xf32>
    %reduce_sum3A_1120 = vector.shape_cast %mul3A_1119 : vector<782x128xf32> to vector<1x782x128xf32>
    %reduce_sum3A_1121 = arith.constant dense<0.000000e+00> : vector<1xf32>
    %reduce_sum3A_1122 = vector.multi_reduction <add>, %reduce_sum3A_1120, %reduce_sum3A_1121 [1, 2] : vector<1x782x128xf32> to vector<1xf32>
    %reduce_sum3A_1123 = vector.shape_cast %reduce_sum3A_1122 : vector<1xf32> to vector<1x1x1xf32>
    %reduce_sum3A_1124 = vector.extract %reduce_sum3A_1123[0, 0, 0] : f32 from vector<1x1x1xf32>
    %div3A_1125 = arith.divf %reduce_sum3A_1124, %max3A_1111 : f32
    %max3A_1126 = arith.maximumf %div3A_1118, %div3A_1125 : f32
    %sub3A_1127 = arith.subf %div3A_1118, %max3A_1126 : f32
    %exp3A_1128 = math.exp %sub3A_1127 : f32
    %sub3A_1129 = arith.subf %div3A_1125, %max3A_1126 : f32
    %exp3A_1130 = math.exp %sub3A_1129 : f32
    %add3A_1131 = arith.addf %exp3A_1128, %exp3A_1130 : f32
    %log3A_1132 = math.log %add3A_1131 : f32
    %add3A_1133 = arith.addf %log3A_1132, %max3A_1126 : f32
    %sub3A_1134 = arith.subf %div3A_1118, %add3A_1133 : f32
    %swap3A_1135 = arith.constant 25 : index
    %swap3A_1136 = arith.constant 0 : index
    %swap3A_1137 = memref.load %arg5[%swap3A_1135, %swap3A_1136] : memref<64x2xf32, #tpu.memory_space<smem>>
    memref.store %sub3A_1134, %arg5[%swap3A_1135, %swap3A_1136] : memref<64x2xf32, #tpu.memory_space<smem>>
    %sub3A_1138 = arith.subf %div3A_1125, %add3A_1133 : f32
    %swap3A_1139 = arith.constant 25 : index
    %swap3A_1140 = arith.constant 1 : index
    %swap3A_1141 = memref.load %arg5[%swap3A_1139, %swap3A_1140] : memref<64x2xf32, #tpu.memory_space<smem>>
    memref.store %sub3A_1138, %arg5[%swap3A_1139, %swap3A_1140] : memref<64x2xf32, #tpu.memory_space<smem>>
    %eq3A_1142 = arith.constant 26 : i32
    %eq3A_1143 = vector.broadcast %eq3A_1142 : i32 to vector<782x128xi32>
    %eq3A_1144 = arith.cmpi eq, %get3A_57, %eq3A_1143 : vector<782x128xi32>
    %convert_element_type3A_1145 = arith.extui %eq3A_1144 : vector<782x128xi1> to vector<782x128xi32>
    %convert_element_type3A_1146 = arith.sitofp %convert_element_type3A_1145 : vector<782x128xi32> to vector<782x128xf32>
    %reduce_sum3A_1147 = vector.shape_cast %convert_element_type3A_1146 : vector<782x128xf32> to vector<1x782x128xf32>
    %reduce_sum3A_1148 = arith.constant dense<0.000000e+00> : vector<1xf32>
    %reduce_sum3A_1149 = vector.multi_reduction <add>, %reduce_sum3A_1147, %reduce_sum3A_1148 [1, 2] : vector<1x782x128xf32> to vector<1xf32>
    %reduce_sum3A_1150 = vector.shape_cast %reduce_sum3A_1149 : vector<1xf32> to vector<1x1x1xf32>
    %reduce_sum3A_1151 = vector.extract %reduce_sum3A_1150[0, 0, 0] : f32 from vector<1x1x1xf32>
    %max3A_1152 = arith.constant 1.000000e+00 : f32
    %max3A_1153 = arith.maximumf %reduce_sum3A_1151, %max3A_1152 : f32
    %mul3A_1154 = arith.mulf %convert_element_type3A_1146, %max3A_26 : vector<782x128xf32>
    %reduce_sum3A_1155 = vector.shape_cast %mul3A_1154 : vector<782x128xf32> to vector<1x782x128xf32>
    %reduce_sum3A_1156 = arith.constant dense<0.000000e+00> : vector<1xf32>
    %reduce_sum3A_1157 = vector.multi_reduction <add>, %reduce_sum3A_1155, %reduce_sum3A_1156 [1, 2] : vector<1x782x128xf32> to vector<1xf32>
    %reduce_sum3A_1158 = vector.shape_cast %reduce_sum3A_1157 : vector<1xf32> to vector<1x1x1xf32>
    %reduce_sum3A_1159 = vector.extract %reduce_sum3A_1158[0, 0, 0] : f32 from vector<1x1x1xf32>
    %div3A_1160 = arith.divf %reduce_sum3A_1159, %max3A_1153 : f32
    %mul3A_1161 = arith.mulf %convert_element_type3A_1146, %max3A_54 : vector<782x128xf32>
    %reduce_sum3A_1162 = vector.shape_cast %mul3A_1161 : vector<782x128xf32> to vector<1x782x128xf32>
    %reduce_sum3A_1163 = arith.constant dense<0.000000e+00> : vector<1xf32>
    %reduce_sum3A_1164 = vector.multi_reduction <add>, %reduce_sum3A_1162, %reduce_sum3A_1163 [1, 2] : vector<1x782x128xf32> to vector<1xf32>
    %reduce_sum3A_1165 = vector.shape_cast %reduce_sum3A_1164 : vector<1xf32> to vector<1x1x1xf32>
    %reduce_sum3A_1166 = vector.extract %reduce_sum3A_1165[0, 0, 0] : f32 from vector<1x1x1xf32>
    %div3A_1167 = arith.divf %reduce_sum3A_1166, %max3A_1153 : f32
    %max3A_1168 = arith.maximumf %div3A_1160, %div3A_1167 : f32
    %sub3A_1169 = arith.subf %div3A_1160, %max3A_1168 : f32
    %exp3A_1170 = math.exp %sub3A_1169 : f32
    %sub3A_1171 = arith.subf %div3A_1167, %max3A_1168 : f32
    %exp3A_1172 = math.exp %sub3A_1171 : f32
    %add3A_1173 = arith.addf %exp3A_1170, %exp3A_1172 : f32
    %log3A_1174 = math.log %add3A_1173 : f32
    %add3A_1175 = arith.addf %log3A_1174, %max3A_1168 : f32
    %sub3A_1176 = arith.subf %div3A_1160, %add3A_1175 : f32
    %swap3A_1177 = arith.constant 26 : index
    %swap3A_1178 = arith.constant 0 : index
    %swap3A_1179 = memref.load %arg5[%swap3A_1177, %swap3A_1178] : memref<64x2xf32, #tpu.memory_space<smem>>
    memref.store %sub3A_1176, %arg5[%swap3A_1177, %swap3A_1178] : memref<64x2xf32, #tpu.memory_space<smem>>
    %sub3A_1180 = arith.subf %div3A_1167, %add3A_1175 : f32
    %swap3A_1181 = arith.constant 26 : index
    %swap3A_1182 = arith.constant 1 : index
    %swap3A_1183 = memref.load %arg5[%swap3A_1181, %swap3A_1182] : memref<64x2xf32, #tpu.memory_space<smem>>
    memref.store %sub3A_1180, %arg5[%swap3A_1181, %swap3A_1182] : memref<64x2xf32, #tpu.memory_space<smem>>
    %eq3A_1184 = arith.constant 27 : i32
    %eq3A_1185 = vector.broadcast %eq3A_1184 : i32 to vector<782x128xi32>
    %eq3A_1186 = arith.cmpi eq, %get3A_57, %eq3A_1185 : vector<782x128xi32>
    %convert_element_type3A_1187 = arith.extui %eq3A_1186 : vector<782x128xi1> to vector<782x128xi32>
    %convert_element_type3A_1188 = arith.sitofp %convert_element_type3A_1187 : vector<782x128xi32> to vector<782x128xf32>
    %reduce_sum3A_1189 = vector.shape_cast %convert_element_type3A_1188 : vector<782x128xf32> to vector<1x782x128xf32>
    %reduce_sum3A_1190 = arith.constant dense<0.000000e+00> : vector<1xf32>
    %reduce_sum3A_1191 = vector.multi_reduction <add>, %reduce_sum3A_1189, %reduce_sum3A_1190 [1, 2] : vector<1x782x128xf32> to vector<1xf32>
    %reduce_sum3A_1192 = vector.shape_cast %reduce_sum3A_1191 : vector<1xf32> to vector<1x1x1xf32>
    %reduce_sum3A_1193 = vector.extract %reduce_sum3A_1192[0, 0, 0] : f32 from vector<1x1x1xf32>
    %max3A_1194 = arith.constant 1.000000e+00 : f32
    %max3A_1195 = arith.maximumf %reduce_sum3A_1193, %max3A_1194 : f32
    %mul3A_1196 = arith.mulf %convert_element_type3A_1188, %max3A_26 : vector<782x128xf32>
    %reduce_sum3A_1197 = vector.shape_cast %mul3A_1196 : vector<782x128xf32> to vector<1x782x128xf32>
    %reduce_sum3A_1198 = arith.constant dense<0.000000e+00> : vector<1xf32>
    %reduce_sum3A_1199 = vector.multi_reduction <add>, %reduce_sum3A_1197, %reduce_sum3A_1198 [1, 2] : vector<1x782x128xf32> to vector<1xf32>
    %reduce_sum3A_1200 = vector.shape_cast %reduce_sum3A_1199 : vector<1xf32> to vector<1x1x1xf32>
    %reduce_sum3A_1201 = vector.extract %reduce_sum3A_1200[0, 0, 0] : f32 from vector<1x1x1xf32>
    %div3A_1202 = arith.divf %reduce_sum3A_1201, %max3A_1195 : f32
    %mul3A_1203 = arith.mulf %convert_element_type3A_1188, %max3A_54 : vector<782x128xf32>
    %reduce_sum3A_1204 = vector.shape_cast %mul3A_1203 : vector<782x128xf32> to vector<1x782x128xf32>
    %reduce_sum3A_1205 = arith.constant dense<0.000000e+00> : vector<1xf32>
    %reduce_sum3A_1206 = vector.multi_reduction <add>, %reduce_sum3A_1204, %reduce_sum3A_1205 [1, 2] : vector<1x782x128xf32> to vector<1xf32>
    %reduce_sum3A_1207 = vector.shape_cast %reduce_sum3A_1206 : vector<1xf32> to vector<1x1x1xf32>
    %reduce_sum3A_1208 = vector.extract %reduce_sum3A_1207[0, 0, 0] : f32 from vector<1x1x1xf32>
    %div3A_1209 = arith.divf %reduce_sum3A_1208, %max3A_1195 : f32
    %max3A_1210 = arith.maximumf %div3A_1202, %div3A_1209 : f32
    %sub3A_1211 = arith.subf %div3A_1202, %max3A_1210 : f32
    %exp3A_1212 = math.exp %sub3A_1211 : f32
    %sub3A_1213 = arith.subf %div3A_1209, %max3A_1210 : f32
    %exp3A_1214 = math.exp %sub3A_1213 : f32
    %add3A_1215 = arith.addf %exp3A_1212, %exp3A_1214 : f32
    %log3A_1216 = math.log %add3A_1215 : f32
    %add3A_1217 = arith.addf %log3A_1216, %max3A_1210 : f32
    %sub3A_1218 = arith.subf %div3A_1202, %add3A_1217 : f32
    %swap3A_1219 = arith.constant 27 : index
    %swap3A_1220 = arith.constant 0 : index
    %swap3A_1221 = memref.load %arg5[%swap3A_1219, %swap3A_1220] : memref<64x2xf32, #tpu.memory_space<smem>>
    memref.store %sub3A_1218, %arg5[%swap3A_1219, %swap3A_1220] : memref<64x2xf32, #tpu.memory_space<smem>>
    %sub3A_1222 = arith.subf %div3A_1209, %add3A_1217 : f32
    %swap3A_1223 = arith.constant 27 : index
    %swap3A_1224 = arith.constant 1 : index
    %swap3A_1225 = memref.load %arg5[%swap3A_1223, %swap3A_1224] : memref<64x2xf32, #tpu.memory_space<smem>>
    memref.store %sub3A_1222, %arg5[%swap3A_1223, %swap3A_1224] : memref<64x2xf32, #tpu.memory_space<smem>>
    %eq3A_1226 = arith.constant 28 : i32
    %eq3A_1227 = vector.broadcast %eq3A_1226 : i32 to vector<782x128xi32>
    %eq3A_1228 = arith.cmpi eq, %get3A_57, %eq3A_1227 : vector<782x128xi32>
    %convert_element_type3A_1229 = arith.extui %eq3A_1228 : vector<782x128xi1> to vector<782x128xi32>
    %convert_element_type3A_1230 = arith.sitofp %convert_element_type3A_1229 : vector<782x128xi32> to vector<782x128xf32>
    %reduce_sum3A_1231 = vector.shape_cast %convert_element_type3A_1230 : vector<782x128xf32> to vector<1x782x128xf32>
    %reduce_sum3A_1232 = arith.constant dense<0.000000e+00> : vector<1xf32>
    %reduce_sum3A_1233 = vector.multi_reduction <add>, %reduce_sum3A_1231, %reduce_sum3A_1232 [1, 2] : vector<1x782x128xf32> to vector<1xf32>
    %reduce_sum3A_1234 = vector.shape_cast %reduce_sum3A_1233 : vector<1xf32> to vector<1x1x1xf32>
    %reduce_sum3A_1235 = vector.extract %reduce_sum3A_1234[0, 0, 0] : f32 from vector<1x1x1xf32>
    %max3A_1236 = arith.constant 1.000000e+00 : f32
    %max3A_1237 = arith.maximumf %reduce_sum3A_1235, %max3A_1236 : f32
    %mul3A_1238 = arith.mulf %convert_element_type3A_1230, %max3A_26 : vector<782x128xf32>
    %reduce_sum3A_1239 = vector.shape_cast %mul3A_1238 : vector<782x128xf32> to vector<1x782x128xf32>
    %reduce_sum3A_1240 = arith.constant dense<0.000000e+00> : vector<1xf32>
    %reduce_sum3A_1241 = vector.multi_reduction <add>, %reduce_sum3A_1239, %reduce_sum3A_1240 [1, 2] : vector<1x782x128xf32> to vector<1xf32>
    %reduce_sum3A_1242 = vector.shape_cast %reduce_sum3A_1241 : vector<1xf32> to vector<1x1x1xf32>
    %reduce_sum3A_1243 = vector.extract %reduce_sum3A_1242[0, 0, 0] : f32 from vector<1x1x1xf32>
    %div3A_1244 = arith.divf %reduce_sum3A_1243, %max3A_1237 : f32
    %mul3A_1245 = arith.mulf %convert_element_type3A_1230, %max3A_54 : vector<782x128xf32>
    %reduce_sum3A_1246 = vector.shape_cast %mul3A_1245 : vector<782x128xf32> to vector<1x782x128xf32>
    %reduce_sum3A_1247 = arith.constant dense<0.000000e+00> : vector<1xf32>
    %reduce_sum3A_1248 = vector.multi_reduction <add>, %reduce_sum3A_1246, %reduce_sum3A_1247 [1, 2] : vector<1x782x128xf32> to vector<1xf32>
    %reduce_sum3A_1249 = vector.shape_cast %reduce_sum3A_1248 : vector<1xf32> to vector<1x1x1xf32>
    %reduce_sum3A_1250 = vector.extract %reduce_sum3A_1249[0, 0, 0] : f32 from vector<1x1x1xf32>
    %div3A_1251 = arith.divf %reduce_sum3A_1250, %max3A_1237 : f32
    %max3A_1252 = arith.maximumf %div3A_1244, %div3A_1251 : f32
    %sub3A_1253 = arith.subf %div3A_1244, %max3A_1252 : f32
    %exp3A_1254 = math.exp %sub3A_1253 : f32
    %sub3A_1255 = arith.subf %div3A_1251, %max3A_1252 : f32
    %exp3A_1256 = math.exp %sub3A_1255 : f32
    %add3A_1257 = arith.addf %exp3A_1254, %exp3A_1256 : f32
    %log3A_1258 = math.log %add3A_1257 : f32
    %add3A_1259 = arith.addf %log3A_1258, %max3A_1252 : f32
    %sub3A_1260 = arith.subf %div3A_1244, %add3A_1259 : f32
    %swap3A_1261 = arith.constant 28 : index
    %swap3A_1262 = arith.constant 0 : index
    %swap3A_1263 = memref.load %arg5[%swap3A_1261, %swap3A_1262] : memref<64x2xf32, #tpu.memory_space<smem>>
    memref.store %sub3A_1260, %arg5[%swap3A_1261, %swap3A_1262] : memref<64x2xf32, #tpu.memory_space<smem>>
    %sub3A_1264 = arith.subf %div3A_1251, %add3A_1259 : f32
    %swap3A_1265 = arith.constant 28 : index
    %swap3A_1266 = arith.constant 1 : index
    %swap3A_1267 = memref.load %arg5[%swap3A_1265, %swap3A_1266] : memref<64x2xf32, #tpu.memory_space<smem>>
    memref.store %sub3A_1264, %arg5[%swap3A_1265, %swap3A_1266] : memref<64x2xf32, #tpu.memory_space<smem>>
    %eq3A_1268 = arith.constant 29 : i32
    %eq3A_1269 = vector.broadcast %eq3A_1268 : i32 to vector<782x128xi32>
    %eq3A_1270 = arith.cmpi eq, %get3A_57, %eq3A_1269 : vector<782x128xi32>
    %convert_element_type3A_1271 = arith.extui %eq3A_1270 : vector<782x128xi1> to vector<782x128xi32>
    %convert_element_type3A_1272 = arith.sitofp %convert_element_type3A_1271 : vector<782x128xi32> to vector<782x128xf32>
    %reduce_sum3A_1273 = vector.shape_cast %convert_element_type3A_1272 : vector<782x128xf32> to vector<1x782x128xf32>
    %reduce_sum3A_1274 = arith.constant dense<0.000000e+00> : vector<1xf32>
    %reduce_sum3A_1275 = vector.multi_reduction <add>, %reduce_sum3A_1273, %reduce_sum3A_1274 [1, 2] : vector<1x782x128xf32> to vector<1xf32>
    %reduce_sum3A_1276 = vector.shape_cast %reduce_sum3A_1275 : vector<1xf32> to vector<1x1x1xf32>
    %reduce_sum3A_1277 = vector.extract %reduce_sum3A_1276[0, 0, 0] : f32 from vector<1x1x1xf32>
    %max3A_1278 = arith.constant 1.000000e+00 : f32
    %max3A_1279 = arith.maximumf %reduce_sum3A_1277, %max3A_1278 : f32
    %mul3A_1280 = arith.mulf %convert_element_type3A_1272, %max3A_26 : vector<782x128xf32>
    %reduce_sum3A_1281 = vector.shape_cast %mul3A_1280 : vector<782x128xf32> to vector<1x782x128xf32>
    %reduce_sum3A_1282 = arith.constant dense<0.000000e+00> : vector<1xf32>
    %reduce_sum3A_1283 = vector.multi_reduction <add>, %reduce_sum3A_1281, %reduce_sum3A_1282 [1, 2] : vector<1x782x128xf32> to vector<1xf32>
    %reduce_sum3A_1284 = vector.shape_cast %reduce_sum3A_1283 : vector<1xf32> to vector<1x1x1xf32>
    %reduce_sum3A_1285 = vector.extract %reduce_sum3A_1284[0, 0, 0] : f32 from vector<1x1x1xf32>
    %div3A_1286 = arith.divf %reduce_sum3A_1285, %max3A_1279 : f32
    %mul3A_1287 = arith.mulf %convert_element_type3A_1272, %max3A_54 : vector<782x128xf32>
    %reduce_sum3A_1288 = vector.shape_cast %mul3A_1287 : vector<782x128xf32> to vector<1x782x128xf32>
    %reduce_sum3A_1289 = arith.constant dense<0.000000e+00> : vector<1xf32>
    %reduce_sum3A_1290 = vector.multi_reduction <add>, %reduce_sum3A_1288, %reduce_sum3A_1289 [1, 2] : vector<1x782x128xf32> to vector<1xf32>
    %reduce_sum3A_1291 = vector.shape_cast %reduce_sum3A_1290 : vector<1xf32> to vector<1x1x1xf32>
    %reduce_sum3A_1292 = vector.extract %reduce_sum3A_1291[0, 0, 0] : f32 from vector<1x1x1xf32>
    %div3A_1293 = arith.divf %reduce_sum3A_1292, %max3A_1279 : f32
    %max3A_1294 = arith.maximumf %div3A_1286, %div3A_1293 : f32
    %sub3A_1295 = arith.subf %div3A_1286, %max3A_1294 : f32
    %exp3A_1296 = math.exp %sub3A_1295 : f32
    %sub3A_1297 = arith.subf %div3A_1293, %max3A_1294 : f32
    %exp3A_1298 = math.exp %sub3A_1297 : f32
    %add3A_1299 = arith.addf %exp3A_1296, %exp3A_1298 : f32
    %log3A_1300 = math.log %add3A_1299 : f32
    %add3A_1301 = arith.addf %log3A_1300, %max3A_1294 : f32
    %sub3A_1302 = arith.subf %div3A_1286, %add3A_1301 : f32
    %swap3A_1303 = arith.constant 29 : index
    %swap3A_1304 = arith.constant 0 : index
    %swap3A_1305 = memref.load %arg5[%swap3A_1303, %swap3A_1304] : memref<64x2xf32, #tpu.memory_space<smem>>
    memref.store %sub3A_1302, %arg5[%swap3A_1303, %swap3A_1304] : memref<64x2xf32, #tpu.memory_space<smem>>
    %sub3A_1306 = arith.subf %div3A_1293, %add3A_1301 : f32
    %swap3A_1307 = arith.constant 29 : index
    %swap3A_1308 = arith.constant 1 : index
    %swap3A_1309 = memref.load %arg5[%swap3A_1307, %swap3A_1308] : memref<64x2xf32, #tpu.memory_space<smem>>
    memref.store %sub3A_1306, %arg5[%swap3A_1307, %swap3A_1308] : memref<64x2xf32, #tpu.memory_space<smem>>
    %eq3A_1310 = arith.constant 30 : i32
    %eq3A_1311 = vector.broadcast %eq3A_1310 : i32 to vector<782x128xi32>
    %eq3A_1312 = arith.cmpi eq, %get3A_57, %eq3A_1311 : vector<782x128xi32>
    %convert_element_type3A_1313 = arith.extui %eq3A_1312 : vector<782x128xi1> to vector<782x128xi32>
    %convert_element_type3A_1314 = arith.sitofp %convert_element_type3A_1313 : vector<782x128xi32> to vector<782x128xf32>
    %reduce_sum3A_1315 = vector.shape_cast %convert_element_type3A_1314 : vector<782x128xf32> to vector<1x782x128xf32>
    %reduce_sum3A_1316 = arith.constant dense<0.000000e+00> : vector<1xf32>
    %reduce_sum3A_1317 = vector.multi_reduction <add>, %reduce_sum3A_1315, %reduce_sum3A_1316 [1, 2] : vector<1x782x128xf32> to vector<1xf32>
    %reduce_sum3A_1318 = vector.shape_cast %reduce_sum3A_1317 : vector<1xf32> to vector<1x1x1xf32>
    %reduce_sum3A_1319 = vector.extract %reduce_sum3A_1318[0, 0, 0] : f32 from vector<1x1x1xf32>
    %max3A_1320 = arith.constant 1.000000e+00 : f32
    %max3A_1321 = arith.maximumf %reduce_sum3A_1319, %max3A_1320 : f32
    %mul3A_1322 = arith.mulf %convert_element_type3A_1314, %max3A_26 : vector<782x128xf32>
    %reduce_sum3A_1323 = vector.shape_cast %mul3A_1322 : vector<782x128xf32> to vector<1x782x128xf32>
    %reduce_sum3A_1324 = arith.constant dense<0.000000e+00> : vector<1xf32>
    %reduce_sum3A_1325 = vector.multi_reduction <add>, %reduce_sum3A_1323, %reduce_sum3A_1324 [1, 2] : vector<1x782x128xf32> to vector<1xf32>
    %reduce_sum3A_1326 = vector.shape_cast %reduce_sum3A_1325 : vector<1xf32> to vector<1x1x1xf32>
    %reduce_sum3A_1327 = vector.extract %reduce_sum3A_1326[0, 0, 0] : f32 from vector<1x1x1xf32>
    %div3A_1328 = arith.divf %reduce_sum3A_1327, %max3A_1321 : f32
    %mul3A_1329 = arith.mulf %convert_element_type3A_1314, %max3A_54 : vector<782x128xf32>
    %reduce_sum3A_1330 = vector.shape_cast %mul3A_1329 : vector<782x128xf32> to vector<1x782x128xf32>
    %reduce_sum3A_1331 = arith.constant dense<0.000000e+00> : vector<1xf32>
    %reduce_sum3A_1332 = vector.multi_reduction <add>, %reduce_sum3A_1330, %reduce_sum3A_1331 [1, 2] : vector<1x782x128xf32> to vector<1xf32>
    %reduce_sum3A_1333 = vector.shape_cast %reduce_sum3A_1332 : vector<1xf32> to vector<1x1x1xf32>
    %reduce_sum3A_1334 = vector.extract %reduce_sum3A_1333[0, 0, 0] : f32 from vector<1x1x1xf32>
    %div3A_1335 = arith.divf %reduce_sum3A_1334, %max3A_1321 : f32
    %max3A_1336 = arith.maximumf %div3A_1328, %div3A_1335 : f32
    %sub3A_1337 = arith.subf %div3A_1328, %max3A_1336 : f32
    %exp3A_1338 = math.exp %sub3A_1337 : f32
    %sub3A_1339 = arith.subf %div3A_1335, %max3A_1336 : f32
    %exp3A_1340 = math.exp %sub3A_1339 : f32
    %add3A_1341 = arith.addf %exp3A_1338, %exp3A_1340 : f32
    %log3A_1342 = math.log %add3A_1341 : f32
    %add3A_1343 = arith.addf %log3A_1342, %max3A_1336 : f32
    %sub3A_1344 = arith.subf %div3A_1328, %add3A_1343 : f32
    %swap3A_1345 = arith.constant 30 : index
    %swap3A_1346 = arith.constant 0 : index
    %swap3A_1347 = memref.load %arg5[%swap3A_1345, %swap3A_1346] : memref<64x2xf32, #tpu.memory_space<smem>>
    memref.store %sub3A_1344, %arg5[%swap3A_1345, %swap3A_1346] : memref<64x2xf32, #tpu.memory_space<smem>>
    %sub3A_1348 = arith.subf %div3A_1335, %add3A_1343 : f32
    %swap3A_1349 = arith.constant 30 : index
    %swap3A_1350 = arith.constant 1 : index
    %swap3A_1351 = memref.load %arg5[%swap3A_1349, %swap3A_1350] : memref<64x2xf32, #tpu.memory_space<smem>>
    memref.store %sub3A_1348, %arg5[%swap3A_1349, %swap3A_1350] : memref<64x2xf32, #tpu.memory_space<smem>>
    %eq3A_1352 = arith.constant 31 : i32
    %eq3A_1353 = vector.broadcast %eq3A_1352 : i32 to vector<782x128xi32>
    %eq3A_1354 = arith.cmpi eq, %get3A_57, %eq3A_1353 : vector<782x128xi32>
    %convert_element_type3A_1355 = arith.extui %eq3A_1354 : vector<782x128xi1> to vector<782x128xi32>
    %convert_element_type3A_1356 = arith.sitofp %convert_element_type3A_1355 : vector<782x128xi32> to vector<782x128xf32>
    %reduce_sum3A_1357 = vector.shape_cast %convert_element_type3A_1356 : vector<782x128xf32> to vector<1x782x128xf32>
    %reduce_sum3A_1358 = arith.constant dense<0.000000e+00> : vector<1xf32>
    %reduce_sum3A_1359 = vector.multi_reduction <add>, %reduce_sum3A_1357, %reduce_sum3A_1358 [1, 2] : vector<1x782x128xf32> to vector<1xf32>
    %reduce_sum3A_1360 = vector.shape_cast %reduce_sum3A_1359 : vector<1xf32> to vector<1x1x1xf32>
    %reduce_sum3A_1361 = vector.extract %reduce_sum3A_1360[0, 0, 0] : f32 from vector<1x1x1xf32>
    %max3A_1362 = arith.constant 1.000000e+00 : f32
    %max3A_1363 = arith.maximumf %reduce_sum3A_1361, %max3A_1362 : f32
    %mul3A_1364 = arith.mulf %convert_element_type3A_1356, %max3A_26 : vector<782x128xf32>
    %reduce_sum3A_1365 = vector.shape_cast %mul3A_1364 : vector<782x128xf32> to vector<1x782x128xf32>
    %reduce_sum3A_1366 = arith.constant dense<0.000000e+00> : vector<1xf32>
    %reduce_sum3A_1367 = vector.multi_reduction <add>, %reduce_sum3A_1365, %reduce_sum3A_1366 [1, 2] : vector<1x782x128xf32> to vector<1xf32>
    %reduce_sum3A_1368 = vector.shape_cast %reduce_sum3A_1367 : vector<1xf32> to vector<1x1x1xf32>
    %reduce_sum3A_1369 = vector.extract %reduce_sum3A_1368[0, 0, 0] : f32 from vector<1x1x1xf32>
    %div3A_1370 = arith.divf %reduce_sum3A_1369, %max3A_1363 : f32
    %mul3A_1371 = arith.mulf %convert_element_type3A_1356, %max3A_54 : vector<782x128xf32>
    %reduce_sum3A_1372 = vector.shape_cast %mul3A_1371 : vector<782x128xf32> to vector<1x782x128xf32>
    %reduce_sum3A_1373 = arith.constant dense<0.000000e+00> : vector<1xf32>
    %reduce_sum3A_1374 = vector.multi_reduction <add>, %reduce_sum3A_1372, %reduce_sum3A_1373 [1, 2] : vector<1x782x128xf32> to vector<1xf32>
    %reduce_sum3A_1375 = vector.shape_cast %reduce_sum3A_1374 : vector<1xf32> to vector<1x1x1xf32>
    %reduce_sum3A_1376 = vector.extract %reduce_sum3A_1375[0, 0, 0] : f32 from vector<1x1x1xf32>
    %div3A_1377 = arith.divf %reduce_sum3A_1376, %max3A_1363 : f32
    %max3A_1378 = arith.maximumf %div3A_1370, %div3A_1377 : f32
    %sub3A_1379 = arith.subf %div3A_1370, %max3A_1378 : f32
    %exp3A_1380 = math.exp %sub3A_1379 : f32
    %sub3A_1381 = arith.subf %div3A_1377, %max3A_1378 : f32
    %exp3A_1382 = math.exp %sub3A_1381 : f32
    %add3A_1383 = arith.addf %exp3A_1380, %exp3A_1382 : f32
    %log3A_1384 = math.log %add3A_1383 : f32
    %add3A_1385 = arith.addf %log3A_1384, %max3A_1378 : f32
    %sub3A_1386 = arith.subf %div3A_1370, %add3A_1385 : f32
    %swap3A_1387 = arith.constant 31 : index
    %swap3A_1388 = arith.constant 0 : index
    %swap3A_1389 = memref.load %arg5[%swap3A_1387, %swap3A_1388] : memref<64x2xf32, #tpu.memory_space<smem>>
    memref.store %sub3A_1386, %arg5[%swap3A_1387, %swap3A_1388] : memref<64x2xf32, #tpu.memory_space<smem>>
    %sub3A_1390 = arith.subf %div3A_1377, %add3A_1385 : f32
    %swap3A_1391 = arith.constant 31 : index
    %swap3A_1392 = arith.constant 1 : index
    %swap3A_1393 = memref.load %arg5[%swap3A_1391, %swap3A_1392] : memref<64x2xf32, #tpu.memory_space<smem>>
    memref.store %sub3A_1390, %arg5[%swap3A_1391, %swap3A_1392] : memref<64x2xf32, #tpu.memory_space<smem>>
    %eq3A_1394 = arith.constant 32 : i32
    %eq3A_1395 = vector.broadcast %eq3A_1394 : i32 to vector<782x128xi32>
    %eq3A_1396 = arith.cmpi eq, %get3A_57, %eq3A_1395 : vector<782x128xi32>
    %convert_element_type3A_1397 = arith.extui %eq3A_1396 : vector<782x128xi1> to vector<782x128xi32>
    %convert_element_type3A_1398 = arith.sitofp %convert_element_type3A_1397 : vector<782x128xi32> to vector<782x128xf32>
    %reduce_sum3A_1399 = vector.shape_cast %convert_element_type3A_1398 : vector<782x128xf32> to vector<1x782x128xf32>
    %reduce_sum3A_1400 = arith.constant dense<0.000000e+00> : vector<1xf32>
    %reduce_sum3A_1401 = vector.multi_reduction <add>, %reduce_sum3A_1399, %reduce_sum3A_1400 [1, 2] : vector<1x782x128xf32> to vector<1xf32>
    %reduce_sum3A_1402 = vector.shape_cast %reduce_sum3A_1401 : vector<1xf32> to vector<1x1x1xf32>
    %reduce_sum3A_1403 = vector.extract %reduce_sum3A_1402[0, 0, 0] : f32 from vector<1x1x1xf32>
    %max3A_1404 = arith.constant 1.000000e+00 : f32
    %max3A_1405 = arith.maximumf %reduce_sum3A_1403, %max3A_1404 : f32
    %mul3A_1406 = arith.mulf %convert_element_type3A_1398, %max3A_26 : vector<782x128xf32>
    %reduce_sum3A_1407 = vector.shape_cast %mul3A_1406 : vector<782x128xf32> to vector<1x782x128xf32>
    %reduce_sum3A_1408 = arith.constant dense<0.000000e+00> : vector<1xf32>
    %reduce_sum3A_1409 = vector.multi_reduction <add>, %reduce_sum3A_1407, %reduce_sum3A_1408 [1, 2] : vector<1x782x128xf32> to vector<1xf32>
    %reduce_sum3A_1410 = vector.shape_cast %reduce_sum3A_1409 : vector<1xf32> to vector<1x1x1xf32>
    %reduce_sum3A_1411 = vector.extract %reduce_sum3A_1410[0, 0, 0] : f32 from vector<1x1x1xf32>
    %div3A_1412 = arith.divf %reduce_sum3A_1411, %max3A_1405 : f32
    %mul3A_1413 = arith.mulf %convert_element_type3A_1398, %max3A_54 : vector<782x128xf32>
    %reduce_sum3A_1414 = vector.shape_cast %mul3A_1413 : vector<782x128xf32> to vector<1x782x128xf32>
    %reduce_sum3A_1415 = arith.constant dense<0.000000e+00> : vector<1xf32>
    %reduce_sum3A_1416 = vector.multi_reduction <add>, %reduce_sum3A_1414, %reduce_sum3A_1415 [1, 2] : vector<1x782x128xf32> to vector<1xf32>
    %reduce_sum3A_1417 = vector.shape_cast %reduce_sum3A_1416 : vector<1xf32> to vector<1x1x1xf32>
    %reduce_sum3A_1418 = vector.extract %reduce_sum3A_1417[0, 0, 0] : f32 from vector<1x1x1xf32>
    %div3A_1419 = arith.divf %reduce_sum3A_1418, %max3A_1405 : f32
    %max3A_1420 = arith.maximumf %div3A_1412, %div3A_1419 : f32
    %sub3A_1421 = arith.subf %div3A_1412, %max3A_1420 : f32
    %exp3A_1422 = math.exp %sub3A_1421 : f32
    %sub3A_1423 = arith.subf %div3A_1419, %max3A_1420 : f32
    %exp3A_1424 = math.exp %sub3A_1423 : f32
    %add3A_1425 = arith.addf %exp3A_1422, %exp3A_1424 : f32
    %log3A_1426 = math.log %add3A_1425 : f32
    %add3A_1427 = arith.addf %log3A_1426, %max3A_1420 : f32
    %sub3A_1428 = arith.subf %div3A_1412, %add3A_1427 : f32
    %swap3A_1429 = arith.constant 32 : index
    %swap3A_1430 = arith.constant 0 : index
    %swap3A_1431 = memref.load %arg5[%swap3A_1429, %swap3A_1430] : memref<64x2xf32, #tpu.memory_space<smem>>
    memref.store %sub3A_1428, %arg5[%swap3A_1429, %swap3A_1430] : memref<64x2xf32, #tpu.memory_space<smem>>
    %sub3A_1432 = arith.subf %div3A_1419, %add3A_1427 : f32
    %swap3A_1433 = arith.constant 32 : index
    %swap3A_1434 = arith.constant 1 : index
    %swap3A_1435 = memref.load %arg5[%swap3A_1433, %swap3A_1434] : memref<64x2xf32, #tpu.memory_space<smem>>
    memref.store %sub3A_1432, %arg5[%swap3A_1433, %swap3A_1434] : memref<64x2xf32, #tpu.memory_space<smem>>
    %eq3A_1436 = arith.constant 33 : i32
    %eq3A_1437 = vector.broadcast %eq3A_1436 : i32 to vector<782x128xi32>
    %eq3A_1438 = arith.cmpi eq, %get3A_57, %eq3A_1437 : vector<782x128xi32>
    %convert_element_type3A_1439 = arith.extui %eq3A_1438 : vector<782x128xi1> to vector<782x128xi32>
    %convert_element_type3A_1440 = arith.sitofp %convert_element_type3A_1439 : vector<782x128xi32> to vector<782x128xf32>
    %reduce_sum3A_1441 = vector.shape_cast %convert_element_type3A_1440 : vector<782x128xf32> to vector<1x782x128xf32>
    %reduce_sum3A_1442 = arith.constant dense<0.000000e+00> : vector<1xf32>
    %reduce_sum3A_1443 = vector.multi_reduction <add>, %reduce_sum3A_1441, %reduce_sum3A_1442 [1, 2] : vector<1x782x128xf32> to vector<1xf32>
    %reduce_sum3A_1444 = vector.shape_cast %reduce_sum3A_1443 : vector<1xf32> to vector<1x1x1xf32>
    %reduce_sum3A_1445 = vector.extract %reduce_sum3A_1444[0, 0, 0] : f32 from vector<1x1x1xf32>
    %max3A_1446 = arith.constant 1.000000e+00 : f32
    %max3A_1447 = arith.maximumf %reduce_sum3A_1445, %max3A_1446 : f32
    %mul3A_1448 = arith.mulf %convert_element_type3A_1440, %max3A_26 : vector<782x128xf32>
    %reduce_sum3A_1449 = vector.shape_cast %mul3A_1448 : vector<782x128xf32> to vector<1x782x128xf32>
    %reduce_sum3A_1450 = arith.constant dense<0.000000e+00> : vector<1xf32>
    %reduce_sum3A_1451 = vector.multi_reduction <add>, %reduce_sum3A_1449, %reduce_sum3A_1450 [1, 2] : vector<1x782x128xf32> to vector<1xf32>
    %reduce_sum3A_1452 = vector.shape_cast %reduce_sum3A_1451 : vector<1xf32> to vector<1x1x1xf32>
    %reduce_sum3A_1453 = vector.extract %reduce_sum3A_1452[0, 0, 0] : f32 from vector<1x1x1xf32>
    %div3A_1454 = arith.divf %reduce_sum3A_1453, %max3A_1447 : f32
    %mul3A_1455 = arith.mulf %convert_element_type3A_1440, %max3A_54 : vector<782x128xf32>
    %reduce_sum3A_1456 = vector.shape_cast %mul3A_1455 : vector<782x128xf32> to vector<1x782x128xf32>
    %reduce_sum3A_1457 = arith.constant dense<0.000000e+00> : vector<1xf32>
    %reduce_sum3A_1458 = vector.multi_reduction <add>, %reduce_sum3A_1456, %reduce_sum3A_1457 [1, 2] : vector<1x782x128xf32> to vector<1xf32>
    %reduce_sum3A_1459 = vector.shape_cast %reduce_sum3A_1458 : vector<1xf32> to vector<1x1x1xf32>
    %reduce_sum3A_1460 = vector.extract %reduce_sum3A_1459[0, 0, 0] : f32 from vector<1x1x1xf32>
    %div3A_1461 = arith.divf %reduce_sum3A_1460, %max3A_1447 : f32
    %max3A_1462 = arith.maximumf %div3A_1454, %div3A_1461 : f32
    %sub3A_1463 = arith.subf %div3A_1454, %max3A_1462 : f32
    %exp3A_1464 = math.exp %sub3A_1463 : f32
    %sub3A_1465 = arith.subf %div3A_1461, %max3A_1462 : f32
    %exp3A_1466 = math.exp %sub3A_1465 : f32
    %add3A_1467 = arith.addf %exp3A_1464, %exp3A_1466 : f32
    %log3A_1468 = math.log %add3A_1467 : f32
    %add3A_1469 = arith.addf %log3A_1468, %max3A_1462 : f32
    %sub3A_1470 = arith.subf %div3A_1454, %add3A_1469 : f32
    %swap3A_1471 = arith.constant 33 : index
    %swap3A_1472 = arith.constant 0 : index
    %swap3A_1473 = memref.load %arg5[%swap3A_1471, %swap3A_1472] : memref<64x2xf32, #tpu.memory_space<smem>>
    memref.store %sub3A_1470, %arg5[%swap3A_1471, %swap3A_1472] : memref<64x2xf32, #tpu.memory_space<smem>>
    %sub3A_1474 = arith.subf %div3A_1461, %add3A_1469 : f32
    %swap3A_1475 = arith.constant 33 : index
    %swap3A_1476 = arith.constant 1 : index
    %swap3A_1477 = memref.load %arg5[%swap3A_1475, %swap3A_1476] : memref<64x2xf32, #tpu.memory_space<smem>>
    memref.store %sub3A_1474, %arg5[%swap3A_1475, %swap3A_1476] : memref<64x2xf32, #tpu.memory_space<smem>>
    %eq3A_1478 = arith.constant 34 : i32
    %eq3A_1479 = vector.broadcast %eq3A_1478 : i32 to vector<782x128xi32>
    %eq3A_1480 = arith.cmpi eq, %get3A_57, %eq3A_1479 : vector<782x128xi32>
    %convert_element_type3A_1481 = arith.extui %eq3A_1480 : vector<782x128xi1> to vector<782x128xi32>
    %convert_element_type3A_1482 = arith.sitofp %convert_element_type3A_1481 : vector<782x128xi32> to vector<782x128xf32>
    %reduce_sum3A_1483 = vector.shape_cast %convert_element_type3A_1482 : vector<782x128xf32> to vector<1x782x128xf32>
    %reduce_sum3A_1484 = arith.constant dense<0.000000e+00> : vector<1xf32>
    %reduce_sum3A_1485 = vector.multi_reduction <add>, %reduce_sum3A_1483, %reduce_sum3A_1484 [1, 2] : vector<1x782x128xf32> to vector<1xf32>
    %reduce_sum3A_1486 = vector.shape_cast %reduce_sum3A_1485 : vector<1xf32> to vector<1x1x1xf32>
    %reduce_sum3A_1487 = vector.extract %reduce_sum3A_1486[0, 0, 0] : f32 from vector<1x1x1xf32>
    %max3A_1488 = arith.constant 1.000000e+00 : f32
    %max3A_1489 = arith.maximumf %reduce_sum3A_1487, %max3A_1488 : f32
    %mul3A_1490 = arith.mulf %convert_element_type3A_1482, %max3A_26 : vector<782x128xf32>
    %reduce_sum3A_1491 = vector.shape_cast %mul3A_1490 : vector<782x128xf32> to vector<1x782x128xf32>
    %reduce_sum3A_1492 = arith.constant dense<0.000000e+00> : vector<1xf32>
    %reduce_sum3A_1493 = vector.multi_reduction <add>, %reduce_sum3A_1491, %reduce_sum3A_1492 [1, 2] : vector<1x782x128xf32> to vector<1xf32>
    %reduce_sum3A_1494 = vector.shape_cast %reduce_sum3A_1493 : vector<1xf32> to vector<1x1x1xf32>
    %reduce_sum3A_1495 = vector.extract %reduce_sum3A_1494[0, 0, 0] : f32 from vector<1x1x1xf32>
    %div3A_1496 = arith.divf %reduce_sum3A_1495, %max3A_1489 : f32
    %mul3A_1497 = arith.mulf %convert_element_type3A_1482, %max3A_54 : vector<782x128xf32>
    %reduce_sum3A_1498 = vector.shape_cast %mul3A_1497 : vector<782x128xf32> to vector<1x782x128xf32>
    %reduce_sum3A_1499 = arith.constant dense<0.000000e+00> : vector<1xf32>
    %reduce_sum3A_1500 = vector.multi_reduction <add>, %reduce_sum3A_1498, %reduce_sum3A_1499 [1, 2] : vector<1x782x128xf32> to vector<1xf32>
    %reduce_sum3A_1501 = vector.shape_cast %reduce_sum3A_1500 : vector<1xf32> to vector<1x1x1xf32>
    %reduce_sum3A_1502 = vector.extract %reduce_sum3A_1501[0, 0, 0] : f32 from vector<1x1x1xf32>
    %div3A_1503 = arith.divf %reduce_sum3A_1502, %max3A_1489 : f32
    %max3A_1504 = arith.maximumf %div3A_1496, %div3A_1503 : f32
    %sub3A_1505 = arith.subf %div3A_1496, %max3A_1504 : f32
    %exp3A_1506 = math.exp %sub3A_1505 : f32
    %sub3A_1507 = arith.subf %div3A_1503, %max3A_1504 : f32
    %exp3A_1508 = math.exp %sub3A_1507 : f32
    %add3A_1509 = arith.addf %exp3A_1506, %exp3A_1508 : f32
    %log3A_1510 = math.log %add3A_1509 : f32
    %add3A_1511 = arith.addf %log3A_1510, %max3A_1504 : f32
    %sub3A_1512 = arith.subf %div3A_1496, %add3A_1511 : f32
    %swap3A_1513 = arith.constant 34 : index
    %swap3A_1514 = arith.constant 0 : index
    %swap3A_1515 = memref.load %arg5[%swap3A_1513, %swap3A_1514] : memref<64x2xf32, #tpu.memory_space<smem>>
    memref.store %sub3A_1512, %arg5[%swap3A_1513, %swap3A_1514] : memref<64x2xf32, #tpu.memory_space<smem>>
    %sub3A_1516 = arith.subf %div3A_1503, %add3A_1511 : f32
    %swap3A_1517 = arith.constant 34 : index
    %swap3A_1518 = arith.constant 1 : index
    %swap3A_1519 = memref.load %arg5[%swap3A_1517, %swap3A_1518] : memref<64x2xf32, #tpu.memory_space<smem>>
    memref.store %sub3A_1516, %arg5[%swap3A_1517, %swap3A_1518] : memref<64x2xf32, #tpu.memory_space<smem>>
    %eq3A_1520 = arith.constant 35 : i32
    %eq3A_1521 = vector.broadcast %eq3A_1520 : i32 to vector<782x128xi32>
    %eq3A_1522 = arith.cmpi eq, %get3A_57, %eq3A_1521 : vector<782x128xi32>
    %convert_element_type3A_1523 = arith.extui %eq3A_1522 : vector<782x128xi1> to vector<782x128xi32>
    %convert_element_type3A_1524 = arith.sitofp %convert_element_type3A_1523 : vector<782x128xi32> to vector<782x128xf32>
    %reduce_sum3A_1525 = vector.shape_cast %convert_element_type3A_1524 : vector<782x128xf32> to vector<1x782x128xf32>
    %reduce_sum3A_1526 = arith.constant dense<0.000000e+00> : vector<1xf32>
    %reduce_sum3A_1527 = vector.multi_reduction <add>, %reduce_sum3A_1525, %reduce_sum3A_1526 [1, 2] : vector<1x782x128xf32> to vector<1xf32>
    %reduce_sum3A_1528 = vector.shape_cast %reduce_sum3A_1527 : vector<1xf32> to vector<1x1x1xf32>
    %reduce_sum3A_1529 = vector.extract %reduce_sum3A_1528[0, 0, 0] : f32 from vector<1x1x1xf32>
    %max3A_1530 = arith.constant 1.000000e+00 : f32
    %max3A_1531 = arith.maximumf %reduce_sum3A_1529, %max3A_1530 : f32
    %mul3A_1532 = arith.mulf %convert_element_type3A_1524, %max3A_26 : vector<782x128xf32>
    %reduce_sum3A_1533 = vector.shape_cast %mul3A_1532 : vector<782x128xf32> to vector<1x782x128xf32>
    %reduce_sum3A_1534 = arith.constant dense<0.000000e+00> : vector<1xf32>
    %reduce_sum3A_1535 = vector.multi_reduction <add>, %reduce_sum3A_1533, %reduce_sum3A_1534 [1, 2] : vector<1x782x128xf32> to vector<1xf32>
    %reduce_sum3A_1536 = vector.shape_cast %reduce_sum3A_1535 : vector<1xf32> to vector<1x1x1xf32>
    %reduce_sum3A_1537 = vector.extract %reduce_sum3A_1536[0, 0, 0] : f32 from vector<1x1x1xf32>
    %div3A_1538 = arith.divf %reduce_sum3A_1537, %max3A_1531 : f32
    %mul3A_1539 = arith.mulf %convert_element_type3A_1524, %max3A_54 : vector<782x128xf32>
    %reduce_sum3A_1540 = vector.shape_cast %mul3A_1539 : vector<782x128xf32> to vector<1x782x128xf32>
    %reduce_sum3A_1541 = arith.constant dense<0.000000e+00> : vector<1xf32>
    %reduce_sum3A_1542 = vector.multi_reduction <add>, %reduce_sum3A_1540, %reduce_sum3A_1541 [1, 2] : vector<1x782x128xf32> to vector<1xf32>
    %reduce_sum3A_1543 = vector.shape_cast %reduce_sum3A_1542 : vector<1xf32> to vector<1x1x1xf32>
    %reduce_sum3A_1544 = vector.extract %reduce_sum3A_1543[0, 0, 0] : f32 from vector<1x1x1xf32>
    %div3A_1545 = arith.divf %reduce_sum3A_1544, %max3A_1531 : f32
    %max3A_1546 = arith.maximumf %div3A_1538, %div3A_1545 : f32
    %sub3A_1547 = arith.subf %div3A_1538, %max3A_1546 : f32
    %exp3A_1548 = math.exp %sub3A_1547 : f32
    %sub3A_1549 = arith.subf %div3A_1545, %max3A_1546 : f32
    %exp3A_1550 = math.exp %sub3A_1549 : f32
    %add3A_1551 = arith.addf %exp3A_1548, %exp3A_1550 : f32
    %log3A_1552 = math.log %add3A_1551 : f32
    %add3A_1553 = arith.addf %log3A_1552, %max3A_1546 : f32
    %sub3A_1554 = arith.subf %div3A_1538, %add3A_1553 : f32
    %swap3A_1555 = arith.constant 35 : index
    %swap3A_1556 = arith.constant 0 : index
    %swap3A_1557 = memref.load %arg5[%swap3A_1555, %swap3A_1556] : memref<64x2xf32, #tpu.memory_space<smem>>
    memref.store %sub3A_1554, %arg5[%swap3A_1555, %swap3A_1556] : memref<64x2xf32, #tpu.memory_space<smem>>
    %sub3A_1558 = arith.subf %div3A_1545, %add3A_1553 : f32
    %swap3A_1559 = arith.constant 35 : index
    %swap3A_1560 = arith.constant 1 : index
    %swap3A_1561 = memref.load %arg5[%swap3A_1559, %swap3A_1560] : memref<64x2xf32, #tpu.memory_space<smem>>
    memref.store %sub3A_1558, %arg5[%swap3A_1559, %swap3A_1560] : memref<64x2xf32, #tpu.memory_space<smem>>
    %eq3A_1562 = arith.constant 36 : i32
    %eq3A_1563 = vector.broadcast %eq3A_1562 : i32 to vector<782x128xi32>
    %eq3A_1564 = arith.cmpi eq, %get3A_57, %eq3A_1563 : vector<782x128xi32>
    %convert_element_type3A_1565 = arith.extui %eq3A_1564 : vector<782x128xi1> to vector<782x128xi32>
    %convert_element_type3A_1566 = arith.sitofp %convert_element_type3A_1565 : vector<782x128xi32> to vector<782x128xf32>
    %reduce_sum3A_1567 = vector.shape_cast %convert_element_type3A_1566 : vector<782x128xf32> to vector<1x782x128xf32>
    %reduce_sum3A_1568 = arith.constant dense<0.000000e+00> : vector<1xf32>
    %reduce_sum3A_1569 = vector.multi_reduction <add>, %reduce_sum3A_1567, %reduce_sum3A_1568 [1, 2] : vector<1x782x128xf32> to vector<1xf32>
    %reduce_sum3A_1570 = vector.shape_cast %reduce_sum3A_1569 : vector<1xf32> to vector<1x1x1xf32>
    %reduce_sum3A_1571 = vector.extract %reduce_sum3A_1570[0, 0, 0] : f32 from vector<1x1x1xf32>
    %max3A_1572 = arith.constant 1.000000e+00 : f32
    %max3A_1573 = arith.maximumf %reduce_sum3A_1571, %max3A_1572 : f32
    %mul3A_1574 = arith.mulf %convert_element_type3A_1566, %max3A_26 : vector<782x128xf32>
    %reduce_sum3A_1575 = vector.shape_cast %mul3A_1574 : vector<782x128xf32> to vector<1x782x128xf32>
    %reduce_sum3A_1576 = arith.constant dense<0.000000e+00> : vector<1xf32>
    %reduce_sum3A_1577 = vector.multi_reduction <add>, %reduce_sum3A_1575, %reduce_sum3A_1576 [1, 2] : vector<1x782x128xf32> to vector<1xf32>
    %reduce_sum3A_1578 = vector.shape_cast %reduce_sum3A_1577 : vector<1xf32> to vector<1x1x1xf32>
    %reduce_sum3A_1579 = vector.extract %reduce_sum3A_1578[0, 0, 0] : f32 from vector<1x1x1xf32>
    %div3A_1580 = arith.divf %reduce_sum3A_1579, %max3A_1573 : f32
    %mul3A_1581 = arith.mulf %convert_element_type3A_1566, %max3A_54 : vector<782x128xf32>
    %reduce_sum3A_1582 = vector.shape_cast %mul3A_1581 : vector<782x128xf32> to vector<1x782x128xf32>
    %reduce_sum3A_1583 = arith.constant dense<0.000000e+00> : vector<1xf32>
    %reduce_sum3A_1584 = vector.multi_reduction <add>, %reduce_sum3A_1582, %reduce_sum3A_1583 [1, 2] : vector<1x782x128xf32> to vector<1xf32>
    %reduce_sum3A_1585 = vector.shape_cast %reduce_sum3A_1584 : vector<1xf32> to vector<1x1x1xf32>
    %reduce_sum3A_1586 = vector.extract %reduce_sum3A_1585[0, 0, 0] : f32 from vector<1x1x1xf32>
    %div3A_1587 = arith.divf %reduce_sum3A_1586, %max3A_1573 : f32
    %max3A_1588 = arith.maximumf %div3A_1580, %div3A_1587 : f32
    %sub3A_1589 = arith.subf %div3A_1580, %max3A_1588 : f32
    %exp3A_1590 = math.exp %sub3A_1589 : f32
    %sub3A_1591 = arith.subf %div3A_1587, %max3A_1588 : f32
    %exp3A_1592 = math.exp %sub3A_1591 : f32
    %add3A_1593 = arith.addf %exp3A_1590, %exp3A_1592 : f32
    %log3A_1594 = math.log %add3A_1593 : f32
    %add3A_1595 = arith.addf %log3A_1594, %max3A_1588 : f32
    %sub3A_1596 = arith.subf %div3A_1580, %add3A_1595 : f32
    %swap3A_1597 = arith.constant 36 : index
    %swap3A_1598 = arith.constant 0 : index
    %swap3A_1599 = memref.load %arg5[%swap3A_1597, %swap3A_1598] : memref<64x2xf32, #tpu.memory_space<smem>>
    memref.store %sub3A_1596, %arg5[%swap3A_1597, %swap3A_1598] : memref<64x2xf32, #tpu.memory_space<smem>>
    %sub3A_1600 = arith.subf %div3A_1587, %add3A_1595 : f32
    %swap3A_1601 = arith.constant 36 : index
    %swap3A_1602 = arith.constant 1 : index
    %swap3A_1603 = memref.load %arg5[%swap3A_1601, %swap3A_1602] : memref<64x2xf32, #tpu.memory_space<smem>>
    memref.store %sub3A_1600, %arg5[%swap3A_1601, %swap3A_1602] : memref<64x2xf32, #tpu.memory_space<smem>>
    %eq3A_1604 = arith.constant 37 : i32
    %eq3A_1605 = vector.broadcast %eq3A_1604 : i32 to vector<782x128xi32>
    %eq3A_1606 = arith.cmpi eq, %get3A_57, %eq3A_1605 : vector<782x128xi32>
    %convert_element_type3A_1607 = arith.extui %eq3A_1606 : vector<782x128xi1> to vector<782x128xi32>
    %convert_element_type3A_1608 = arith.sitofp %convert_element_type3A_1607 : vector<782x128xi32> to vector<782x128xf32>
    %reduce_sum3A_1609 = vector.shape_cast %convert_element_type3A_1608 : vector<782x128xf32> to vector<1x782x128xf32>
    %reduce_sum3A_1610 = arith.constant dense<0.000000e+00> : vector<1xf32>
    %reduce_sum3A_1611 = vector.multi_reduction <add>, %reduce_sum3A_1609, %reduce_sum3A_1610 [1, 2] : vector<1x782x128xf32> to vector<1xf32>
    %reduce_sum3A_1612 = vector.shape_cast %reduce_sum3A_1611 : vector<1xf32> to vector<1x1x1xf32>
    %reduce_sum3A_1613 = vector.extract %reduce_sum3A_1612[0, 0, 0] : f32 from vector<1x1x1xf32>
    %max3A_1614 = arith.constant 1.000000e+00 : f32
    %max3A_1615 = arith.maximumf %reduce_sum3A_1613, %max3A_1614 : f32
    %mul3A_1616 = arith.mulf %convert_element_type3A_1608, %max3A_26 : vector<782x128xf32>
    %reduce_sum3A_1617 = vector.shape_cast %mul3A_1616 : vector<782x128xf32> to vector<1x782x128xf32>
    %reduce_sum3A_1618 = arith.constant dense<0.000000e+00> : vector<1xf32>
    %reduce_sum3A_1619 = vector.multi_reduction <add>, %reduce_sum3A_1617, %reduce_sum3A_1618 [1, 2] : vector<1x782x128xf32> to vector<1xf32>
    %reduce_sum3A_1620 = vector.shape_cast %reduce_sum3A_1619 : vector<1xf32> to vector<1x1x1xf32>
    %reduce_sum3A_1621 = vector.extract %reduce_sum3A_1620[0, 0, 0] : f32 from vector<1x1x1xf32>
    %div3A_1622 = arith.divf %reduce_sum3A_1621, %max3A_1615 : f32
    %mul3A_1623 = arith.mulf %convert_element_type3A_1608, %max3A_54 : vector<782x128xf32>
    %reduce_sum3A_1624 = vector.shape_cast %mul3A_1623 : vector<782x128xf32> to vector<1x782x128xf32>
    %reduce_sum3A_1625 = arith.constant dense<0.000000e+00> : vector<1xf32>
    %reduce_sum3A_1626 = vector.multi_reduction <add>, %reduce_sum3A_1624, %reduce_sum3A_1625 [1, 2] : vector<1x782x128xf32> to vector<1xf32>
    %reduce_sum3A_1627 = vector.shape_cast %reduce_sum3A_1626 : vector<1xf32> to vector<1x1x1xf32>
    %reduce_sum3A_1628 = vector.extract %reduce_sum3A_1627[0, 0, 0] : f32 from vector<1x1x1xf32>
    %div3A_1629 = arith.divf %reduce_sum3A_1628, %max3A_1615 : f32
    %max3A_1630 = arith.maximumf %div3A_1622, %div3A_1629 : f32
    %sub3A_1631 = arith.subf %div3A_1622, %max3A_1630 : f32
    %exp3A_1632 = math.exp %sub3A_1631 : f32
    %sub3A_1633 = arith.subf %div3A_1629, %max3A_1630 : f32
    %exp3A_1634 = math.exp %sub3A_1633 : f32
    %add3A_1635 = arith.addf %exp3A_1632, %exp3A_1634 : f32
    %log3A_1636 = math.log %add3A_1635 : f32
    %add3A_1637 = arith.addf %log3A_1636, %max3A_1630 : f32
    %sub3A_1638 = arith.subf %div3A_1622, %add3A_1637 : f32
    %swap3A_1639 = arith.constant 37 : index
    %swap3A_1640 = arith.constant 0 : index
    %swap3A_1641 = memref.load %arg5[%swap3A_1639, %swap3A_1640] : memref<64x2xf32, #tpu.memory_space<smem>>
    memref.store %sub3A_1638, %arg5[%swap3A_1639, %swap3A_1640] : memref<64x2xf32, #tpu.memory_space<smem>>
    %sub3A_1642 = arith.subf %div3A_1629, %add3A_1637 : f32
    %swap3A_1643 = arith.constant 37 : index
    %swap3A_1644 = arith.constant 1 : index
    %swap3A_1645 = memref.load %arg5[%swap3A_1643, %swap3A_1644] : memref<64x2xf32, #tpu.memory_space<smem>>
    memref.store %sub3A_1642, %arg5[%swap3A_1643, %swap3A_1644] : memref<64x2xf32, #tpu.memory_space<smem>>
    %eq3A_1646 = arith.constant 38 : i32
    %eq3A_1647 = vector.broadcast %eq3A_1646 : i32 to vector<782x128xi32>
    %eq3A_1648 = arith.cmpi eq, %get3A_57, %eq3A_1647 : vector<782x128xi32>
    %convert_element_type3A_1649 = arith.extui %eq3A_1648 : vector<782x128xi1> to vector<782x128xi32>
    %convert_element_type3A_1650 = arith.sitofp %convert_element_type3A_1649 : vector<782x128xi32> to vector<782x128xf32>
    %reduce_sum3A_1651 = vector.shape_cast %convert_element_type3A_1650 : vector<782x128xf32> to vector<1x782x128xf32>
    %reduce_sum3A_1652 = arith.constant dense<0.000000e+00> : vector<1xf32>
    %reduce_sum3A_1653 = vector.multi_reduction <add>, %reduce_sum3A_1651, %reduce_sum3A_1652 [1, 2] : vector<1x782x128xf32> to vector<1xf32>
    %reduce_sum3A_1654 = vector.shape_cast %reduce_sum3A_1653 : vector<1xf32> to vector<1x1x1xf32>
    %reduce_sum3A_1655 = vector.extract %reduce_sum3A_1654[0, 0, 0] : f32 from vector<1x1x1xf32>
    %max3A_1656 = arith.constant 1.000000e+00 : f32
    %max3A_1657 = arith.maximumf %reduce_sum3A_1655, %max3A_1656 : f32
    %mul3A_1658 = arith.mulf %convert_element_type3A_1650, %max3A_26 : vector<782x128xf32>
    %reduce_sum3A_1659 = vector.shape_cast %mul3A_1658 : vector<782x128xf32> to vector<1x782x128xf32>
    %reduce_sum3A_1660 = arith.constant dense<0.000000e+00> : vector<1xf32>
    %reduce_sum3A_1661 = vector.multi_reduction <add>, %reduce_sum3A_1659, %reduce_sum3A_1660 [1, 2] : vector<1x782x128xf32> to vector<1xf32>
    %reduce_sum3A_1662 = vector.shape_cast %reduce_sum3A_1661 : vector<1xf32> to vector<1x1x1xf32>
    %reduce_sum3A_1663 = vector.extract %reduce_sum3A_1662[0, 0, 0] : f32 from vector<1x1x1xf32>
    %div3A_1664 = arith.divf %reduce_sum3A_1663, %max3A_1657 : f32
    %mul3A_1665 = arith.mulf %convert_element_type3A_1650, %max3A_54 : vector<782x128xf32>
    %reduce_sum3A_1666 = vector.shape_cast %mul3A_1665 : vector<782x128xf32> to vector<1x782x128xf32>
    %reduce_sum3A_1667 = arith.constant dense<0.000000e+00> : vector<1xf32>
    %reduce_sum3A_1668 = vector.multi_reduction <add>, %reduce_sum3A_1666, %reduce_sum3A_1667 [1, 2] : vector<1x782x128xf32> to vector<1xf32>
    %reduce_sum3A_1669 = vector.shape_cast %reduce_sum3A_1668 : vector<1xf32> to vector<1x1x1xf32>
    %reduce_sum3A_1670 = vector.extract %reduce_sum3A_1669[0, 0, 0] : f32 from vector<1x1x1xf32>
    %div3A_1671 = arith.divf %reduce_sum3A_1670, %max3A_1657 : f32
    %max3A_1672 = arith.maximumf %div3A_1664, %div3A_1671 : f32
    %sub3A_1673 = arith.subf %div3A_1664, %max3A_1672 : f32
    %exp3A_1674 = math.exp %sub3A_1673 : f32
    %sub3A_1675 = arith.subf %div3A_1671, %max3A_1672 : f32
    %exp3A_1676 = math.exp %sub3A_1675 : f32
    %add3A_1677 = arith.addf %exp3A_1674, %exp3A_1676 : f32
    %log3A_1678 = math.log %add3A_1677 : f32
    %add3A_1679 = arith.addf %log3A_1678, %max3A_1672 : f32
    %sub3A_1680 = arith.subf %div3A_1664, %add3A_1679 : f32
    %swap3A_1681 = arith.constant 38 : index
    %swap3A_1682 = arith.constant 0 : index
    %swap3A_1683 = memref.load %arg5[%swap3A_1681, %swap3A_1682] : memref<64x2xf32, #tpu.memory_space<smem>>
    memref.store %sub3A_1680, %arg5[%swap3A_1681, %swap3A_1682] : memref<64x2xf32, #tpu.memory_space<smem>>
    %sub3A_1684 = arith.subf %div3A_1671, %add3A_1679 : f32
    %swap3A_1685 = arith.constant 38 : index
    %swap3A_1686 = arith.constant 1 : index
    %swap3A_1687 = memref.load %arg5[%swap3A_1685, %swap3A_1686] : memref<64x2xf32, #tpu.memory_space<smem>>
    memref.store %sub3A_1684, %arg5[%swap3A_1685, %swap3A_1686] : memref<64x2xf32, #tpu.memory_space<smem>>
    %eq3A_1688 = arith.constant 39 : i32
    %eq3A_1689 = vector.broadcast %eq3A_1688 : i32 to vector<782x128xi32>
    %eq3A_1690 = arith.cmpi eq, %get3A_57, %eq3A_1689 : vector<782x128xi32>
    %convert_element_type3A_1691 = arith.extui %eq3A_1690 : vector<782x128xi1> to vector<782x128xi32>
    %convert_element_type3A_1692 = arith.sitofp %convert_element_type3A_1691 : vector<782x128xi32> to vector<782x128xf32>
    %reduce_sum3A_1693 = vector.shape_cast %convert_element_type3A_1692 : vector<782x128xf32> to vector<1x782x128xf32>
    %reduce_sum3A_1694 = arith.constant dense<0.000000e+00> : vector<1xf32>
    %reduce_sum3A_1695 = vector.multi_reduction <add>, %reduce_sum3A_1693, %reduce_sum3A_1694 [1, 2] : vector<1x782x128xf32> to vector<1xf32>
    %reduce_sum3A_1696 = vector.shape_cast %reduce_sum3A_1695 : vector<1xf32> to vector<1x1x1xf32>
    %reduce_sum3A_1697 = vector.extract %reduce_sum3A_1696[0, 0, 0] : f32 from vector<1x1x1xf32>
    %max3A_1698 = arith.constant 1.000000e+00 : f32
    %max3A_1699 = arith.maximumf %reduce_sum3A_1697, %max3A_1698 : f32
    %mul3A_1700 = arith.mulf %convert_element_type3A_1692, %max3A_26 : vector<782x128xf32>
    %reduce_sum3A_1701 = vector.shape_cast %mul3A_1700 : vector<782x128xf32> to vector<1x782x128xf32>
    %reduce_sum3A_1702 = arith.constant dense<0.000000e+00> : vector<1xf32>
    %reduce_sum3A_1703 = vector.multi_reduction <add>, %reduce_sum3A_1701, %reduce_sum3A_1702 [1, 2] : vector<1x782x128xf32> to vector<1xf32>
    %reduce_sum3A_1704 = vector.shape_cast %reduce_sum3A_1703 : vector<1xf32> to vector<1x1x1xf32>
    %reduce_sum3A_1705 = vector.extract %reduce_sum3A_1704[0, 0, 0] : f32 from vector<1x1x1xf32>
    %div3A_1706 = arith.divf %reduce_sum3A_1705, %max3A_1699 : f32
    %mul3A_1707 = arith.mulf %convert_element_type3A_1692, %max3A_54 : vector<782x128xf32>
    %reduce_sum3A_1708 = vector.shape_cast %mul3A_1707 : vector<782x128xf32> to vector<1x782x128xf32>
    %reduce_sum3A_1709 = arith.constant dense<0.000000e+00> : vector<1xf32>
    %reduce_sum3A_1710 = vector.multi_reduction <add>, %reduce_sum3A_1708, %reduce_sum3A_1709 [1, 2] : vector<1x782x128xf32> to vector<1xf32>
    %reduce_sum3A_1711 = vector.shape_cast %reduce_sum3A_1710 : vector<1xf32> to vector<1x1x1xf32>
    %reduce_sum3A_1712 = vector.extract %reduce_sum3A_1711[0, 0, 0] : f32 from vector<1x1x1xf32>
    %div3A_1713 = arith.divf %reduce_sum3A_1712, %max3A_1699 : f32
    %max3A_1714 = arith.maximumf %div3A_1706, %div3A_1713 : f32
    %sub3A_1715 = arith.subf %div3A_1706, %max3A_1714 : f32
    %exp3A_1716 = math.exp %sub3A_1715 : f32
    %sub3A_1717 = arith.subf %div3A_1713, %max3A_1714 : f32
    %exp3A_1718 = math.exp %sub3A_1717 : f32
    %add3A_1719 = arith.addf %exp3A_1716, %exp3A_1718 : f32
    %log3A_1720 = math.log %add3A_1719 : f32
    %add3A_1721 = arith.addf %log3A_1720, %max3A_1714 : f32
    %sub3A_1722 = arith.subf %div3A_1706, %add3A_1721 : f32
    %swap3A_1723 = arith.constant 39 : index
    %swap3A_1724 = arith.constant 0 : index
    %swap3A_1725 = memref.load %arg5[%swap3A_1723, %swap3A_1724] : memref<64x2xf32, #tpu.memory_space<smem>>
    memref.store %sub3A_1722, %arg5[%swap3A_1723, %swap3A_1724] : memref<64x2xf32, #tpu.memory_space<smem>>
    %sub3A_1726 = arith.subf %div3A_1713, %add3A_1721 : f32
    %swap3A_1727 = arith.constant 39 : index
    %swap3A_1728 = arith.constant 1 : index
    %swap3A_1729 = memref.load %arg5[%swap3A_1727, %swap3A_1728] : memref<64x2xf32, #tpu.memory_space<smem>>
    memref.store %sub3A_1726, %arg5[%swap3A_1727, %swap3A_1728] : memref<64x2xf32, #tpu.memory_space<smem>>
    %eq3A_1730 = arith.constant 40 : i32
    %eq3A_1731 = vector.broadcast %eq3A_1730 : i32 to vector<782x128xi32>
    %eq3A_1732 = arith.cmpi eq, %get3A_57, %eq3A_1731 : vector<782x128xi32>
    %convert_element_type3A_1733 = arith.extui %eq3A_1732 : vector<782x128xi1> to vector<782x128xi32>
    %convert_element_type3A_1734 = arith.sitofp %convert_element_type3A_1733 : vector<782x128xi32> to vector<782x128xf32>
    %reduce_sum3A_1735 = vector.shape_cast %convert_element_type3A_1734 : vector<782x128xf32> to vector<1x782x128xf32>
    %reduce_sum3A_1736 = arith.constant dense<0.000000e+00> : vector<1xf32>
    %reduce_sum3A_1737 = vector.multi_reduction <add>, %reduce_sum3A_1735, %reduce_sum3A_1736 [1, 2] : vector<1x782x128xf32> to vector<1xf32>
    %reduce_sum3A_1738 = vector.shape_cast %reduce_sum3A_1737 : vector<1xf32> to vector<1x1x1xf32>
    %reduce_sum3A_1739 = vector.extract %reduce_sum3A_1738[0, 0, 0] : f32 from vector<1x1x1xf32>
    %max3A_1740 = arith.constant 1.000000e+00 : f32
    %max3A_1741 = arith.maximumf %reduce_sum3A_1739, %max3A_1740 : f32
    %mul3A_1742 = arith.mulf %convert_element_type3A_1734, %max3A_26 : vector<782x128xf32>
    %reduce_sum3A_1743 = vector.shape_cast %mul3A_1742 : vector<782x128xf32> to vector<1x782x128xf32>
    %reduce_sum3A_1744 = arith.constant dense<0.000000e+00> : vector<1xf32>
    %reduce_sum3A_1745 = vector.multi_reduction <add>, %reduce_sum3A_1743, %reduce_sum3A_1744 [1, 2] : vector<1x782x128xf32> to vector<1xf32>
    %reduce_sum3A_1746 = vector.shape_cast %reduce_sum3A_1745 : vector<1xf32> to vector<1x1x1xf32>
    %reduce_sum3A_1747 = vector.extract %reduce_sum3A_1746[0, 0, 0] : f32 from vector<1x1x1xf32>
    %div3A_1748 = arith.divf %reduce_sum3A_1747, %max3A_1741 : f32
    %mul3A_1749 = arith.mulf %convert_element_type3A_1734, %max3A_54 : vector<782x128xf32>
    %reduce_sum3A_1750 = vector.shape_cast %mul3A_1749 : vector<782x128xf32> to vector<1x782x128xf32>
    %reduce_sum3A_1751 = arith.constant dense<0.000000e+00> : vector<1xf32>
    %reduce_sum3A_1752 = vector.multi_reduction <add>, %reduce_sum3A_1750, %reduce_sum3A_1751 [1, 2] : vector<1x782x128xf32> to vector<1xf32>
    %reduce_sum3A_1753 = vector.shape_cast %reduce_sum3A_1752 : vector<1xf32> to vector<1x1x1xf32>
    %reduce_sum3A_1754 = vector.extract %reduce_sum3A_1753[0, 0, 0] : f32 from vector<1x1x1xf32>
    %div3A_1755 = arith.divf %reduce_sum3A_1754, %max3A_1741 : f32
    %max3A_1756 = arith.maximumf %div3A_1748, %div3A_1755 : f32
    %sub3A_1757 = arith.subf %div3A_1748, %max3A_1756 : f32
    %exp3A_1758 = math.exp %sub3A_1757 : f32
    %sub3A_1759 = arith.subf %div3A_1755, %max3A_1756 : f32
    %exp3A_1760 = math.exp %sub3A_1759 : f32
    %add3A_1761 = arith.addf %exp3A_1758, %exp3A_1760 : f32
    %log3A_1762 = math.log %add3A_1761 : f32
    %add3A_1763 = arith.addf %log3A_1762, %max3A_1756 : f32
    %sub3A_1764 = arith.subf %div3A_1748, %add3A_1763 : f32
    %swap3A_1765 = arith.constant 40 : index
    %swap3A_1766 = arith.constant 0 : index
    %swap3A_1767 = memref.load %arg5[%swap3A_1765, %swap3A_1766] : memref<64x2xf32, #tpu.memory_space<smem>>
    memref.store %sub3A_1764, %arg5[%swap3A_1765, %swap3A_1766] : memref<64x2xf32, #tpu.memory_space<smem>>
    %sub3A_1768 = arith.subf %div3A_1755, %add3A_1763 : f32
    %swap3A_1769 = arith.constant 40 : index
    %swap3A_1770 = arith.constant 1 : index
    %swap3A_1771 = memref.load %arg5[%swap3A_1769, %swap3A_1770] : memref<64x2xf32, #tpu.memory_space<smem>>
    memref.store %sub3A_1768, %arg5[%swap3A_1769, %swap3A_1770] : memref<64x2xf32, #tpu.memory_space<smem>>
    %eq3A_1772 = arith.constant 41 : i32
    %eq3A_1773 = vector.broadcast %eq3A_1772 : i32 to vector<782x128xi32>
    %eq3A_1774 = arith.cmpi eq, %get3A_57, %eq3A_1773 : vector<782x128xi32>
    %convert_element_type3A_1775 = arith.extui %eq3A_1774 : vector<782x128xi1> to vector<782x128xi32>
    %convert_element_type3A_1776 = arith.sitofp %convert_element_type3A_1775 : vector<782x128xi32> to vector<782x128xf32>
    %reduce_sum3A_1777 = vector.shape_cast %convert_element_type3A_1776 : vector<782x128xf32> to vector<1x782x128xf32>
    %reduce_sum3A_1778 = arith.constant dense<0.000000e+00> : vector<1xf32>
    %reduce_sum3A_1779 = vector.multi_reduction <add>, %reduce_sum3A_1777, %reduce_sum3A_1778 [1, 2] : vector<1x782x128xf32> to vector<1xf32>
    %reduce_sum3A_1780 = vector.shape_cast %reduce_sum3A_1779 : vector<1xf32> to vector<1x1x1xf32>
    %reduce_sum3A_1781 = vector.extract %reduce_sum3A_1780[0, 0, 0] : f32 from vector<1x1x1xf32>
    %max3A_1782 = arith.constant 1.000000e+00 : f32
    %max3A_1783 = arith.maximumf %reduce_sum3A_1781, %max3A_1782 : f32
    %mul3A_1784 = arith.mulf %convert_element_type3A_1776, %max3A_26 : vector<782x128xf32>
    %reduce_sum3A_1785 = vector.shape_cast %mul3A_1784 : vector<782x128xf32> to vector<1x782x128xf32>
    %reduce_sum3A_1786 = arith.constant dense<0.000000e+00> : vector<1xf32>
    %reduce_sum3A_1787 = vector.multi_reduction <add>, %reduce_sum3A_1785, %reduce_sum3A_1786 [1, 2] : vector<1x782x128xf32> to vector<1xf32>
    %reduce_sum3A_1788 = vector.shape_cast %reduce_sum3A_1787 : vector<1xf32> to vector<1x1x1xf32>
    %reduce_sum3A_1789 = vector.extract %reduce_sum3A_1788[0, 0, 0] : f32 from vector<1x1x1xf32>
    %div3A_1790 = arith.divf %reduce_sum3A_1789, %max3A_1783 : f32
    %mul3A_1791 = arith.mulf %convert_element_type3A_1776, %max3A_54 : vector<782x128xf32>
    %reduce_sum3A_1792 = vector.shape_cast %mul3A_1791 : vector<782x128xf32> to vector<1x782x128xf32>
    %reduce_sum3A_1793 = arith.constant dense<0.000000e+00> : vector<1xf32>
    %reduce_sum3A_1794 = vector.multi_reduction <add>, %reduce_sum3A_1792, %reduce_sum3A_1793 [1, 2] : vector<1x782x128xf32> to vector<1xf32>
    %reduce_sum3A_1795 = vector.shape_cast %reduce_sum3A_1794 : vector<1xf32> to vector<1x1x1xf32>
    %reduce_sum3A_1796 = vector.extract %reduce_sum3A_1795[0, 0, 0] : f32 from vector<1x1x1xf32>
    %div3A_1797 = arith.divf %reduce_sum3A_1796, %max3A_1783 : f32
    %max3A_1798 = arith.maximumf %div3A_1790, %div3A_1797 : f32
    %sub3A_1799 = arith.subf %div3A_1790, %max3A_1798 : f32
    %exp3A_1800 = math.exp %sub3A_1799 : f32
    %sub3A_1801 = arith.subf %div3A_1797, %max3A_1798 : f32
    %exp3A_1802 = math.exp %sub3A_1801 : f32
    %add3A_1803 = arith.addf %exp3A_1800, %exp3A_1802 : f32
    %log3A_1804 = math.log %add3A_1803 : f32
    %add3A_1805 = arith.addf %log3A_1804, %max3A_1798 : f32
    %sub3A_1806 = arith.subf %div3A_1790, %add3A_1805 : f32
    %swap3A_1807 = arith.constant 41 : index
    %swap3A_1808 = arith.constant 0 : index
    %swap3A_1809 = memref.load %arg5[%swap3A_1807, %swap3A_1808] : memref<64x2xf32, #tpu.memory_space<smem>>
    memref.store %sub3A_1806, %arg5[%swap3A_1807, %swap3A_1808] : memref<64x2xf32, #tpu.memory_space<smem>>
    %sub3A_1810 = arith.subf %div3A_1797, %add3A_1805 : f32
    %swap3A_1811 = arith.constant 41 : index
    %swap3A_1812 = arith.constant 1 : index
    %swap3A_1813 = memref.load %arg5[%swap3A_1811, %swap3A_1812] : memref<64x2xf32, #tpu.memory_space<smem>>
    memref.store %sub3A_1810, %arg5[%swap3A_1811, %swap3A_1812] : memref<64x2xf32, #tpu.memory_space<smem>>
    %eq3A_1814 = arith.constant 42 : i32
    %eq3A_1815 = vector.broadcast %eq3A_1814 : i32 to vector<782x128xi32>
    %eq3A_1816 = arith.cmpi eq, %get3A_57, %eq3A_1815 : vector<782x128xi32>
    %convert_element_type3A_1817 = arith.extui %eq3A_1816 : vector<782x128xi1> to vector<782x128xi32>
    %convert_element_type3A_1818 = arith.sitofp %convert_element_type3A_1817 : vector<782x128xi32> to vector<782x128xf32>
    %reduce_sum3A_1819 = vector.shape_cast %convert_element_type3A_1818 : vector<782x128xf32> to vector<1x782x128xf32>
    %reduce_sum3A_1820 = arith.constant dense<0.000000e+00> : vector<1xf32>
    %reduce_sum3A_1821 = vector.multi_reduction <add>, %reduce_sum3A_1819, %reduce_sum3A_1820 [1, 2] : vector<1x782x128xf32> to vector<1xf32>
    %reduce_sum3A_1822 = vector.shape_cast %reduce_sum3A_1821 : vector<1xf32> to vector<1x1x1xf32>
    %reduce_sum3A_1823 = vector.extract %reduce_sum3A_1822[0, 0, 0] : f32 from vector<1x1x1xf32>
    %max3A_1824 = arith.constant 1.000000e+00 : f32
    %max3A_1825 = arith.maximumf %reduce_sum3A_1823, %max3A_1824 : f32
    %mul3A_1826 = arith.mulf %convert_element_type3A_1818, %max3A_26 : vector<782x128xf32>
    %reduce_sum3A_1827 = vector.shape_cast %mul3A_1826 : vector<782x128xf32> to vector<1x782x128xf32>
    %reduce_sum3A_1828 = arith.constant dense<0.000000e+00> : vector<1xf32>
    %reduce_sum3A_1829 = vector.multi_reduction <add>, %reduce_sum3A_1827, %reduce_sum3A_1828 [1, 2] : vector<1x782x128xf32> to vector<1xf32>
    %reduce_sum3A_1830 = vector.shape_cast %reduce_sum3A_1829 : vector<1xf32> to vector<1x1x1xf32>
    %reduce_sum3A_1831 = vector.extract %reduce_sum3A_1830[0, 0, 0] : f32 from vector<1x1x1xf32>
    %div3A_1832 = arith.divf %reduce_sum3A_1831, %max3A_1825 : f32
    %mul3A_1833 = arith.mulf %convert_element_type3A_1818, %max3A_54 : vector<782x128xf32>
    %reduce_sum3A_1834 = vector.shape_cast %mul3A_1833 : vector<782x128xf32> to vector<1x782x128xf32>
    %reduce_sum3A_1835 = arith.constant dense<0.000000e+00> : vector<1xf32>
    %reduce_sum3A_1836 = vector.multi_reduction <add>, %reduce_sum3A_1834, %reduce_sum3A_1835 [1, 2] : vector<1x782x128xf32> to vector<1xf32>
    %reduce_sum3A_1837 = vector.shape_cast %reduce_sum3A_1836 : vector<1xf32> to vector<1x1x1xf32>
    %reduce_sum3A_1838 = vector.extract %reduce_sum3A_1837[0, 0, 0] : f32 from vector<1x1x1xf32>
    %div3A_1839 = arith.divf %reduce_sum3A_1838, %max3A_1825 : f32
    %max3A_1840 = arith.maximumf %div3A_1832, %div3A_1839 : f32
    %sub3A_1841 = arith.subf %div3A_1832, %max3A_1840 : f32
    %exp3A_1842 = math.exp %sub3A_1841 : f32
    %sub3A_1843 = arith.subf %div3A_1839, %max3A_1840 : f32
    %exp3A_1844 = math.exp %sub3A_1843 : f32
    %add3A_1845 = arith.addf %exp3A_1842, %exp3A_1844 : f32
    %log3A_1846 = math.log %add3A_1845 : f32
    %add3A_1847 = arith.addf %log3A_1846, %max3A_1840 : f32
    %sub3A_1848 = arith.subf %div3A_1832, %add3A_1847 : f32
    %swap3A_1849 = arith.constant 42 : index
    %swap3A_1850 = arith.constant 0 : index
    %swap3A_1851 = memref.load %arg5[%swap3A_1849, %swap3A_1850] : memref<64x2xf32, #tpu.memory_space<smem>>
    memref.store %sub3A_1848, %arg5[%swap3A_1849, %swap3A_1850] : memref<64x2xf32, #tpu.memory_space<smem>>
    %sub3A_1852 = arith.subf %div3A_1839, %add3A_1847 : f32
    %swap3A_1853 = arith.constant 42 : index
    %swap3A_1854 = arith.constant 1 : index
    %swap3A_1855 = memref.load %arg5[%swap3A_1853, %swap3A_1854] : memref<64x2xf32, #tpu.memory_space<smem>>
    memref.store %sub3A_1852, %arg5[%swap3A_1853, %swap3A_1854] : memref<64x2xf32, #tpu.memory_space<smem>>
    %eq3A_1856 = arith.constant 43 : i32
    %eq3A_1857 = vector.broadcast %eq3A_1856 : i32 to vector<782x128xi32>
    %eq3A_1858 = arith.cmpi eq, %get3A_57, %eq3A_1857 : vector<782x128xi32>
    %convert_element_type3A_1859 = arith.extui %eq3A_1858 : vector<782x128xi1> to vector<782x128xi32>
    %convert_element_type3A_1860 = arith.sitofp %convert_element_type3A_1859 : vector<782x128xi32> to vector<782x128xf32>
    %reduce_sum3A_1861 = vector.shape_cast %convert_element_type3A_1860 : vector<782x128xf32> to vector<1x782x128xf32>
    %reduce_sum3A_1862 = arith.constant dense<0.000000e+00> : vector<1xf32>
    %reduce_sum3A_1863 = vector.multi_reduction <add>, %reduce_sum3A_1861, %reduce_sum3A_1862 [1, 2] : vector<1x782x128xf32> to vector<1xf32>
    %reduce_sum3A_1864 = vector.shape_cast %reduce_sum3A_1863 : vector<1xf32> to vector<1x1x1xf32>
    %reduce_sum3A_1865 = vector.extract %reduce_sum3A_1864[0, 0, 0] : f32 from vector<1x1x1xf32>
    %max3A_1866 = arith.constant 1.000000e+00 : f32
    %max3A_1867 = arith.maximumf %reduce_sum3A_1865, %max3A_1866 : f32
    %mul3A_1868 = arith.mulf %convert_element_type3A_1860, %max3A_26 : vector<782x128xf32>
    %reduce_sum3A_1869 = vector.shape_cast %mul3A_1868 : vector<782x128xf32> to vector<1x782x128xf32>
    %reduce_sum3A_1870 = arith.constant dense<0.000000e+00> : vector<1xf32>
    %reduce_sum3A_1871 = vector.multi_reduction <add>, %reduce_sum3A_1869, %reduce_sum3A_1870 [1, 2] : vector<1x782x128xf32> to vector<1xf32>
    %reduce_sum3A_1872 = vector.shape_cast %reduce_sum3A_1871 : vector<1xf32> to vector<1x1x1xf32>
    %reduce_sum3A_1873 = vector.extract %reduce_sum3A_1872[0, 0, 0] : f32 from vector<1x1x1xf32>
    %div3A_1874 = arith.divf %reduce_sum3A_1873, %max3A_1867 : f32
    %mul3A_1875 = arith.mulf %convert_element_type3A_1860, %max3A_54 : vector<782x128xf32>
    %reduce_sum3A_1876 = vector.shape_cast %mul3A_1875 : vector<782x128xf32> to vector<1x782x128xf32>
    %reduce_sum3A_1877 = arith.constant dense<0.000000e+00> : vector<1xf32>
    %reduce_sum3A_1878 = vector.multi_reduction <add>, %reduce_sum3A_1876, %reduce_sum3A_1877 [1, 2] : vector<1x782x128xf32> to vector<1xf32>
    %reduce_sum3A_1879 = vector.shape_cast %reduce_sum3A_1878 : vector<1xf32> to vector<1x1x1xf32>
    %reduce_sum3A_1880 = vector.extract %reduce_sum3A_1879[0, 0, 0] : f32 from vector<1x1x1xf32>
    %div3A_1881 = arith.divf %reduce_sum3A_1880, %max3A_1867 : f32
    %max3A_1882 = arith.maximumf %div3A_1874, %div3A_1881 : f32
    %sub3A_1883 = arith.subf %div3A_1874, %max3A_1882 : f32
    %exp3A_1884 = math.exp %sub3A_1883 : f32
    %sub3A_1885 = arith.subf %div3A_1881, %max3A_1882 : f32
    %exp3A_1886 = math.exp %sub3A_1885 : f32
    %add3A_1887 = arith.addf %exp3A_1884, %exp3A_1886 : f32
    %log3A_1888 = math.log %add3A_1887 : f32
    %add3A_1889 = arith.addf %log3A_1888, %max3A_1882 : f32
    %sub3A_1890 = arith.subf %div3A_1874, %add3A_1889 : f32
    %swap3A_1891 = arith.constant 43 : index
    %swap3A_1892 = arith.constant 0 : index
    %swap3A_1893 = memref.load %arg5[%swap3A_1891, %swap3A_1892] : memref<64x2xf32, #tpu.memory_space<smem>>
    memref.store %sub3A_1890, %arg5[%swap3A_1891, %swap3A_1892] : memref<64x2xf32, #tpu.memory_space<smem>>
    %sub3A_1894 = arith.subf %div3A_1881, %add3A_1889 : f32
    %swap3A_1895 = arith.constant 43 : index
    %swap3A_1896 = arith.constant 1 : index
    %swap3A_1897 = memref.load %arg5[%swap3A_1895, %swap3A_1896] : memref<64x2xf32, #tpu.memory_space<smem>>
    memref.store %sub3A_1894, %arg5[%swap3A_1895, %swap3A_1896] : memref<64x2xf32, #tpu.memory_space<smem>>
    %eq3A_1898 = arith.constant 44 : i32
    %eq3A_1899 = vector.broadcast %eq3A_1898 : i32 to vector<782x128xi32>
    %eq3A_1900 = arith.cmpi eq, %get3A_57, %eq3A_1899 : vector<782x128xi32>
    %convert_element_type3A_1901 = arith.extui %eq3A_1900 : vector<782x128xi1> to vector<782x128xi32>
    %convert_element_type3A_1902 = arith.sitofp %convert_element_type3A_1901 : vector<782x128xi32> to vector<782x128xf32>
    %reduce_sum3A_1903 = vector.shape_cast %convert_element_type3A_1902 : vector<782x128xf32> to vector<1x782x128xf32>
    %reduce_sum3A_1904 = arith.constant dense<0.000000e+00> : vector<1xf32>
    %reduce_sum3A_1905 = vector.multi_reduction <add>, %reduce_sum3A_1903, %reduce_sum3A_1904 [1, 2] : vector<1x782x128xf32> to vector<1xf32>
    %reduce_sum3A_1906 = vector.shape_cast %reduce_sum3A_1905 : vector<1xf32> to vector<1x1x1xf32>
    %reduce_sum3A_1907 = vector.extract %reduce_sum3A_1906[0, 0, 0] : f32 from vector<1x1x1xf32>
    %max3A_1908 = arith.constant 1.000000e+00 : f32
    %max3A_1909 = arith.maximumf %reduce_sum3A_1907, %max3A_1908 : f32
    %mul3A_1910 = arith.mulf %convert_element_type3A_1902, %max3A_26 : vector<782x128xf32>
    %reduce_sum3A_1911 = vector.shape_cast %mul3A_1910 : vector<782x128xf32> to vector<1x782x128xf32>
    %reduce_sum3A_1912 = arith.constant dense<0.000000e+00> : vector<1xf32>
    %reduce_sum3A_1913 = vector.multi_reduction <add>, %reduce_sum3A_1911, %reduce_sum3A_1912 [1, 2] : vector<1x782x128xf32> to vector<1xf32>
    %reduce_sum3A_1914 = vector.shape_cast %reduce_sum3A_1913 : vector<1xf32> to vector<1x1x1xf32>
    %reduce_sum3A_1915 = vector.extract %reduce_sum3A_1914[0, 0, 0] : f32 from vector<1x1x1xf32>
    %div3A_1916 = arith.divf %reduce_sum3A_1915, %max3A_1909 : f32
    %mul3A_1917 = arith.mulf %convert_element_type3A_1902, %max3A_54 : vector<782x128xf32>
    %reduce_sum3A_1918 = vector.shape_cast %mul3A_1917 : vector<782x128xf32> to vector<1x782x128xf32>
    %reduce_sum3A_1919 = arith.constant dense<0.000000e+00> : vector<1xf32>
    %reduce_sum3A_1920 = vector.multi_reduction <add>, %reduce_sum3A_1918, %reduce_sum3A_1919 [1, 2] : vector<1x782x128xf32> to vector<1xf32>
    %reduce_sum3A_1921 = vector.shape_cast %reduce_sum3A_1920 : vector<1xf32> to vector<1x1x1xf32>
    %reduce_sum3A_1922 = vector.extract %reduce_sum3A_1921[0, 0, 0] : f32 from vector<1x1x1xf32>
    %div3A_1923 = arith.divf %reduce_sum3A_1922, %max3A_1909 : f32
    %max3A_1924 = arith.maximumf %div3A_1916, %div3A_1923 : f32
    %sub3A_1925 = arith.subf %div3A_1916, %max3A_1924 : f32
    %exp3A_1926 = math.exp %sub3A_1925 : f32
    %sub3A_1927 = arith.subf %div3A_1923, %max3A_1924 : f32
    %exp3A_1928 = math.exp %sub3A_1927 : f32
    %add3A_1929 = arith.addf %exp3A_1926, %exp3A_1928 : f32
    %log3A_1930 = math.log %add3A_1929 : f32
    %add3A_1931 = arith.addf %log3A_1930, %max3A_1924 : f32
    %sub3A_1932 = arith.subf %div3A_1916, %add3A_1931 : f32
    %swap3A_1933 = arith.constant 44 : index
    %swap3A_1934 = arith.constant 0 : index
    %swap3A_1935 = memref.load %arg5[%swap3A_1933, %swap3A_1934] : memref<64x2xf32, #tpu.memory_space<smem>>
    memref.store %sub3A_1932, %arg5[%swap3A_1933, %swap3A_1934] : memref<64x2xf32, #tpu.memory_space<smem>>
    %sub3A_1936 = arith.subf %div3A_1923, %add3A_1931 : f32
    %swap3A_1937 = arith.constant 44 : index
    %swap3A_1938 = arith.constant 1 : index
    %swap3A_1939 = memref.load %arg5[%swap3A_1937, %swap3A_1938] : memref<64x2xf32, #tpu.memory_space<smem>>
    memref.store %sub3A_1936, %arg5[%swap3A_1937, %swap3A_1938] : memref<64x2xf32, #tpu.memory_space<smem>>
    %eq3A_1940 = arith.constant 45 : i32
    %eq3A_1941 = vector.broadcast %eq3A_1940 : i32 to vector<782x128xi32>
    %eq3A_1942 = arith.cmpi eq, %get3A_57, %eq3A_1941 : vector<782x128xi32>
    %convert_element_type3A_1943 = arith.extui %eq3A_1942 : vector<782x128xi1> to vector<782x128xi32>
    %convert_element_type3A_1944 = arith.sitofp %convert_element_type3A_1943 : vector<782x128xi32> to vector<782x128xf32>
    %reduce_sum3A_1945 = vector.shape_cast %convert_element_type3A_1944 : vector<782x128xf32> to vector<1x782x128xf32>
    %reduce_sum3A_1946 = arith.constant dense<0.000000e+00> : vector<1xf32>
    %reduce_sum3A_1947 = vector.multi_reduction <add>, %reduce_sum3A_1945, %reduce_sum3A_1946 [1, 2] : vector<1x782x128xf32> to vector<1xf32>
    %reduce_sum3A_1948 = vector.shape_cast %reduce_sum3A_1947 : vector<1xf32> to vector<1x1x1xf32>
    %reduce_sum3A_1949 = vector.extract %reduce_sum3A_1948[0, 0, 0] : f32 from vector<1x1x1xf32>
    %max3A_1950 = arith.constant 1.000000e+00 : f32
    %max3A_1951 = arith.maximumf %reduce_sum3A_1949, %max3A_1950 : f32
    %mul3A_1952 = arith.mulf %convert_element_type3A_1944, %max3A_26 : vector<782x128xf32>
    %reduce_sum3A_1953 = vector.shape_cast %mul3A_1952 : vector<782x128xf32> to vector<1x782x128xf32>
    %reduce_sum3A_1954 = arith.constant dense<0.000000e+00> : vector<1xf32>
    %reduce_sum3A_1955 = vector.multi_reduction <add>, %reduce_sum3A_1953, %reduce_sum3A_1954 [1, 2] : vector<1x782x128xf32> to vector<1xf32>
    %reduce_sum3A_1956 = vector.shape_cast %reduce_sum3A_1955 : vector<1xf32> to vector<1x1x1xf32>
    %reduce_sum3A_1957 = vector.extract %reduce_sum3A_1956[0, 0, 0] : f32 from vector<1x1x1xf32>
    %div3A_1958 = arith.divf %reduce_sum3A_1957, %max3A_1951 : f32
    %mul3A_1959 = arith.mulf %convert_element_type3A_1944, %max3A_54 : vector<782x128xf32>
    %reduce_sum3A_1960 = vector.shape_cast %mul3A_1959 : vector<782x128xf32> to vector<1x782x128xf32>
    %reduce_sum3A_1961 = arith.constant dense<0.000000e+00> : vector<1xf32>
    %reduce_sum3A_1962 = vector.multi_reduction <add>, %reduce_sum3A_1960, %reduce_sum3A_1961 [1, 2] : vector<1x782x128xf32> to vector<1xf32>
    %reduce_sum3A_1963 = vector.shape_cast %reduce_sum3A_1962 : vector<1xf32> to vector<1x1x1xf32>
    %reduce_sum3A_1964 = vector.extract %reduce_sum3A_1963[0, 0, 0] : f32 from vector<1x1x1xf32>
    %div3A_1965 = arith.divf %reduce_sum3A_1964, %max3A_1951 : f32
    %max3A_1966 = arith.maximumf %div3A_1958, %div3A_1965 : f32
    %sub3A_1967 = arith.subf %div3A_1958, %max3A_1966 : f32
    %exp3A_1968 = math.exp %sub3A_1967 : f32
    %sub3A_1969 = arith.subf %div3A_1965, %max3A_1966 : f32
    %exp3A_1970 = math.exp %sub3A_1969 : f32
    %add3A_1971 = arith.addf %exp3A_1968, %exp3A_1970 : f32
    %log3A_1972 = math.log %add3A_1971 : f32
    %add3A_1973 = arith.addf %log3A_1972, %max3A_1966 : f32
    %sub3A_1974 = arith.subf %div3A_1958, %add3A_1973 : f32
    %swap3A_1975 = arith.constant 45 : index
    %swap3A_1976 = arith.constant 0 : index
    %swap3A_1977 = memref.load %arg5[%swap3A_1975, %swap3A_1976] : memref<64x2xf32, #tpu.memory_space<smem>>
    memref.store %sub3A_1974, %arg5[%swap3A_1975, %swap3A_1976] : memref<64x2xf32, #tpu.memory_space<smem>>
    %sub3A_1978 = arith.subf %div3A_1965, %add3A_1973 : f32
    %swap3A_1979 = arith.constant 45 : index
    %swap3A_1980 = arith.constant 1 : index
    %swap3A_1981 = memref.load %arg5[%swap3A_1979, %swap3A_1980] : memref<64x2xf32, #tpu.memory_space<smem>>
    memref.store %sub3A_1978, %arg5[%swap3A_1979, %swap3A_1980] : memref<64x2xf32, #tpu.memory_space<smem>>
    %eq3A_1982 = arith.constant 46 : i32
    %eq3A_1983 = vector.broadcast %eq3A_1982 : i32 to vector<782x128xi32>
    %eq3A_1984 = arith.cmpi eq, %get3A_57, %eq3A_1983 : vector<782x128xi32>
    %convert_element_type3A_1985 = arith.extui %eq3A_1984 : vector<782x128xi1> to vector<782x128xi32>
    %convert_element_type3A_1986 = arith.sitofp %convert_element_type3A_1985 : vector<782x128xi32> to vector<782x128xf32>
    %reduce_sum3A_1987 = vector.shape_cast %convert_element_type3A_1986 : vector<782x128xf32> to vector<1x782x128xf32>
    %reduce_sum3A_1988 = arith.constant dense<0.000000e+00> : vector<1xf32>
    %reduce_sum3A_1989 = vector.multi_reduction <add>, %reduce_sum3A_1987, %reduce_sum3A_1988 [1, 2] : vector<1x782x128xf32> to vector<1xf32>
    %reduce_sum3A_1990 = vector.shape_cast %reduce_sum3A_1989 : vector<1xf32> to vector<1x1x1xf32>
    %reduce_sum3A_1991 = vector.extract %reduce_sum3A_1990[0, 0, 0] : f32 from vector<1x1x1xf32>
    %max3A_1992 = arith.constant 1.000000e+00 : f32
    %max3A_1993 = arith.maximumf %reduce_sum3A_1991, %max3A_1992 : f32
    %mul3A_1994 = arith.mulf %convert_element_type3A_1986, %max3A_26 : vector<782x128xf32>
    %reduce_sum3A_1995 = vector.shape_cast %mul3A_1994 : vector<782x128xf32> to vector<1x782x128xf32>
    %reduce_sum3A_1996 = arith.constant dense<0.000000e+00> : vector<1xf32>
    %reduce_sum3A_1997 = vector.multi_reduction <add>, %reduce_sum3A_1995, %reduce_sum3A_1996 [1, 2] : vector<1x782x128xf32> to vector<1xf32>
    %reduce_sum3A_1998 = vector.shape_cast %reduce_sum3A_1997 : vector<1xf32> to vector<1x1x1xf32>
    %reduce_sum3A_1999 = vector.extract %reduce_sum3A_1998[0, 0, 0] : f32 from vector<1x1x1xf32>
    %div3A_2000 = arith.divf %reduce_sum3A_1999, %max3A_1993 : f32
    %mul3A_2001 = arith.mulf %convert_element_type3A_1986, %max3A_54 : vector<782x128xf32>
    %reduce_sum3A_2002 = vector.shape_cast %mul3A_2001 : vector<782x128xf32> to vector<1x782x128xf32>
    %reduce_sum3A_2003 = arith.constant dense<0.000000e+00> : vector<1xf32>
    %reduce_sum3A_2004 = vector.multi_reduction <add>, %reduce_sum3A_2002, %reduce_sum3A_2003 [1, 2] : vector<1x782x128xf32> to vector<1xf32>
    %reduce_sum3A_2005 = vector.shape_cast %reduce_sum3A_2004 : vector<1xf32> to vector<1x1x1xf32>
    %reduce_sum3A_2006 = vector.extract %reduce_sum3A_2005[0, 0, 0] : f32 from vector<1x1x1xf32>
    %div3A_2007 = arith.divf %reduce_sum3A_2006, %max3A_1993 : f32
    %max3A_2008 = arith.maximumf %div3A_2000, %div3A_2007 : f32
    %sub3A_2009 = arith.subf %div3A_2000, %max3A_2008 : f32
    %exp3A_2010 = math.exp %sub3A_2009 : f32
    %sub3A_2011 = arith.subf %div3A_2007, %max3A_2008 : f32
    %exp3A_2012 = math.exp %sub3A_2011 : f32
    %add3A_2013 = arith.addf %exp3A_2010, %exp3A_2012 : f32
    %log3A_2014 = math.log %add3A_2013 : f32
    %add3A_2015 = arith.addf %log3A_2014, %max3A_2008 : f32
    %sub3A_2016 = arith.subf %div3A_2000, %add3A_2015 : f32
    %swap3A_2017 = arith.constant 46 : index
    %swap3A_2018 = arith.constant 0 : index
    %swap3A_2019 = memref.load %arg5[%swap3A_2017, %swap3A_2018] : memref<64x2xf32, #tpu.memory_space<smem>>
    memref.store %sub3A_2016, %arg5[%swap3A_2017, %swap3A_2018] : memref<64x2xf32, #tpu.memory_space<smem>>
    %sub3A_2020 = arith.subf %div3A_2007, %add3A_2015 : f32
    %swap3A_2021 = arith.constant 46 : index
    %swap3A_2022 = arith.constant 1 : index
    %swap3A_2023 = memref.load %arg5[%swap3A_2021, %swap3A_2022] : memref<64x2xf32, #tpu.memory_space<smem>>
    memref.store %sub3A_2020, %arg5[%swap3A_2021, %swap3A_2022] : memref<64x2xf32, #tpu.memory_space<smem>>
    %eq3A_2024 = arith.constant 47 : i32
    %eq3A_2025 = vector.broadcast %eq3A_2024 : i32 to vector<782x128xi32>
    %eq3A_2026 = arith.cmpi eq, %get3A_57, %eq3A_2025 : vector<782x128xi32>
    %convert_element_type3A_2027 = arith.extui %eq3A_2026 : vector<782x128xi1> to vector<782x128xi32>
    %convert_element_type3A_2028 = arith.sitofp %convert_element_type3A_2027 : vector<782x128xi32> to vector<782x128xf32>
    %reduce_sum3A_2029 = vector.shape_cast %convert_element_type3A_2028 : vector<782x128xf32> to vector<1x782x128xf32>
    %reduce_sum3A_2030 = arith.constant dense<0.000000e+00> : vector<1xf32>
    %reduce_sum3A_2031 = vector.multi_reduction <add>, %reduce_sum3A_2029, %reduce_sum3A_2030 [1, 2] : vector<1x782x128xf32> to vector<1xf32>
    %reduce_sum3A_2032 = vector.shape_cast %reduce_sum3A_2031 : vector<1xf32> to vector<1x1x1xf32>
    %reduce_sum3A_2033 = vector.extract %reduce_sum3A_2032[0, 0, 0] : f32 from vector<1x1x1xf32>
    %max3A_2034 = arith.constant 1.000000e+00 : f32
    %max3A_2035 = arith.maximumf %reduce_sum3A_2033, %max3A_2034 : f32
    %mul3A_2036 = arith.mulf %convert_element_type3A_2028, %max3A_26 : vector<782x128xf32>
    %reduce_sum3A_2037 = vector.shape_cast %mul3A_2036 : vector<782x128xf32> to vector<1x782x128xf32>
    %reduce_sum3A_2038 = arith.constant dense<0.000000e+00> : vector<1xf32>
    %reduce_sum3A_2039 = vector.multi_reduction <add>, %reduce_sum3A_2037, %reduce_sum3A_2038 [1, 2] : vector<1x782x128xf32> to vector<1xf32>
    %reduce_sum3A_2040 = vector.shape_cast %reduce_sum3A_2039 : vector<1xf32> to vector<1x1x1xf32>
    %reduce_sum3A_2041 = vector.extract %reduce_sum3A_2040[0, 0, 0] : f32 from vector<1x1x1xf32>
    %div3A_2042 = arith.divf %reduce_sum3A_2041, %max3A_2035 : f32
    %mul3A_2043 = arith.mulf %convert_element_type3A_2028, %max3A_54 : vector<782x128xf32>
    %reduce_sum3A_2044 = vector.shape_cast %mul3A_2043 : vector<782x128xf32> to vector<1x782x128xf32>
    %reduce_sum3A_2045 = arith.constant dense<0.000000e+00> : vector<1xf32>
    %reduce_sum3A_2046 = vector.multi_reduction <add>, %reduce_sum3A_2044, %reduce_sum3A_2045 [1, 2] : vector<1x782x128xf32> to vector<1xf32>
    %reduce_sum3A_2047 = vector.shape_cast %reduce_sum3A_2046 : vector<1xf32> to vector<1x1x1xf32>
    %reduce_sum3A_2048 = vector.extract %reduce_sum3A_2047[0, 0, 0] : f32 from vector<1x1x1xf32>
    %div3A_2049 = arith.divf %reduce_sum3A_2048, %max3A_2035 : f32
    %max3A_2050 = arith.maximumf %div3A_2042, %div3A_2049 : f32
    %sub3A_2051 = arith.subf %div3A_2042, %max3A_2050 : f32
    %exp3A_2052 = math.exp %sub3A_2051 : f32
    %sub3A_2053 = arith.subf %div3A_2049, %max3A_2050 : f32
    %exp3A_2054 = math.exp %sub3A_2053 : f32
    %add3A_2055 = arith.addf %exp3A_2052, %exp3A_2054 : f32
    %log3A_2056 = math.log %add3A_2055 : f32
    %add3A_2057 = arith.addf %log3A_2056, %max3A_2050 : f32
    %sub3A_2058 = arith.subf %div3A_2042, %add3A_2057 : f32
    %swap3A_2059 = arith.constant 47 : index
    %swap3A_2060 = arith.constant 0 : index
    %swap3A_2061 = memref.load %arg5[%swap3A_2059, %swap3A_2060] : memref<64x2xf32, #tpu.memory_space<smem>>
    memref.store %sub3A_2058, %arg5[%swap3A_2059, %swap3A_2060] : memref<64x2xf32, #tpu.memory_space<smem>>
    %sub3A_2062 = arith.subf %div3A_2049, %add3A_2057 : f32
    %swap3A_2063 = arith.constant 47 : index
    %swap3A_2064 = arith.constant 1 : index
    %swap3A_2065 = memref.load %arg5[%swap3A_2063, %swap3A_2064] : memref<64x2xf32, #tpu.memory_space<smem>>
    memref.store %sub3A_2062, %arg5[%swap3A_2063, %swap3A_2064] : memref<64x2xf32, #tpu.memory_space<smem>>
    %eq3A_2066 = arith.constant 48 : i32
    %eq3A_2067 = vector.broadcast %eq3A_2066 : i32 to vector<782x128xi32>
    %eq3A_2068 = arith.cmpi eq, %get3A_57, %eq3A_2067 : vector<782x128xi32>
    %convert_element_type3A_2069 = arith.extui %eq3A_2068 : vector<782x128xi1> to vector<782x128xi32>
    %convert_element_type3A_2070 = arith.sitofp %convert_element_type3A_2069 : vector<782x128xi32> to vector<782x128xf32>
    %reduce_sum3A_2071 = vector.shape_cast %convert_element_type3A_2070 : vector<782x128xf32> to vector<1x782x128xf32>
    %reduce_sum3A_2072 = arith.constant dense<0.000000e+00> : vector<1xf32>
    %reduce_sum3A_2073 = vector.multi_reduction <add>, %reduce_sum3A_2071, %reduce_sum3A_2072 [1, 2] : vector<1x782x128xf32> to vector<1xf32>
    %reduce_sum3A_2074 = vector.shape_cast %reduce_sum3A_2073 : vector<1xf32> to vector<1x1x1xf32>
    %reduce_sum3A_2075 = vector.extract %reduce_sum3A_2074[0, 0, 0] : f32 from vector<1x1x1xf32>
    %max3A_2076 = arith.constant 1.000000e+00 : f32
    %max3A_2077 = arith.maximumf %reduce_sum3A_2075, %max3A_2076 : f32
    %mul3A_2078 = arith.mulf %convert_element_type3A_2070, %max3A_26 : vector<782x128xf32>
    %reduce_sum3A_2079 = vector.shape_cast %mul3A_2078 : vector<782x128xf32> to vector<1x782x128xf32>
    %reduce_sum3A_2080 = arith.constant dense<0.000000e+00> : vector<1xf32>
    %reduce_sum3A_2081 = vector.multi_reduction <add>, %reduce_sum3A_2079, %reduce_sum3A_2080 [1, 2] : vector<1x782x128xf32> to vector<1xf32>
    %reduce_sum3A_2082 = vector.shape_cast %reduce_sum3A_2081 : vector<1xf32> to vector<1x1x1xf32>
    %reduce_sum3A_2083 = vector.extract %reduce_sum3A_2082[0, 0, 0] : f32 from vector<1x1x1xf32>
    %div3A_2084 = arith.divf %reduce_sum3A_2083, %max3A_2077 : f32
    %mul3A_2085 = arith.mulf %convert_element_type3A_2070, %max3A_54 : vector<782x128xf32>
    %reduce_sum3A_2086 = vector.shape_cast %mul3A_2085 : vector<782x128xf32> to vector<1x782x128xf32>
    %reduce_sum3A_2087 = arith.constant dense<0.000000e+00> : vector<1xf32>
    %reduce_sum3A_2088 = vector.multi_reduction <add>, %reduce_sum3A_2086, %reduce_sum3A_2087 [1, 2] : vector<1x782x128xf32> to vector<1xf32>
    %reduce_sum3A_2089 = vector.shape_cast %reduce_sum3A_2088 : vector<1xf32> to vector<1x1x1xf32>
    %reduce_sum3A_2090 = vector.extract %reduce_sum3A_2089[0, 0, 0] : f32 from vector<1x1x1xf32>
    %div3A_2091 = arith.divf %reduce_sum3A_2090, %max3A_2077 : f32
    %max3A_2092 = arith.maximumf %div3A_2084, %div3A_2091 : f32
    %sub3A_2093 = arith.subf %div3A_2084, %max3A_2092 : f32
    %exp3A_2094 = math.exp %sub3A_2093 : f32
    %sub3A_2095 = arith.subf %div3A_2091, %max3A_2092 : f32
    %exp3A_2096 = math.exp %sub3A_2095 : f32
    %add3A_2097 = arith.addf %exp3A_2094, %exp3A_2096 : f32
    %log3A_2098 = math.log %add3A_2097 : f32
    %add3A_2099 = arith.addf %log3A_2098, %max3A_2092 : f32
    %sub3A_2100 = arith.subf %div3A_2084, %add3A_2099 : f32
    %swap3A_2101 = arith.constant 48 : index
    %swap3A_2102 = arith.constant 0 : index
    %swap3A_2103 = memref.load %arg5[%swap3A_2101, %swap3A_2102] : memref<64x2xf32, #tpu.memory_space<smem>>
    memref.store %sub3A_2100, %arg5[%swap3A_2101, %swap3A_2102] : memref<64x2xf32, #tpu.memory_space<smem>>
    %sub3A_2104 = arith.subf %div3A_2091, %add3A_2099 : f32
    %swap3A_2105 = arith.constant 48 : index
    %swap3A_2106 = arith.constant 1 : index
    %swap3A_2107 = memref.load %arg5[%swap3A_2105, %swap3A_2106] : memref<64x2xf32, #tpu.memory_space<smem>>
    memref.store %sub3A_2104, %arg5[%swap3A_2105, %swap3A_2106] : memref<64x2xf32, #tpu.memory_space<smem>>
    %eq3A_2108 = arith.constant 49 : i32
    %eq3A_2109 = vector.broadcast %eq3A_2108 : i32 to vector<782x128xi32>
    %eq3A_2110 = arith.cmpi eq, %get3A_57, %eq3A_2109 : vector<782x128xi32>
    %convert_element_type3A_2111 = arith.extui %eq3A_2110 : vector<782x128xi1> to vector<782x128xi32>
    %convert_element_type3A_2112 = arith.sitofp %convert_element_type3A_2111 : vector<782x128xi32> to vector<782x128xf32>
    %reduce_sum3A_2113 = vector.shape_cast %convert_element_type3A_2112 : vector<782x128xf32> to vector<1x782x128xf32>
    %reduce_sum3A_2114 = arith.constant dense<0.000000e+00> : vector<1xf32>
    %reduce_sum3A_2115 = vector.multi_reduction <add>, %reduce_sum3A_2113, %reduce_sum3A_2114 [1, 2] : vector<1x782x128xf32> to vector<1xf32>
    %reduce_sum3A_2116 = vector.shape_cast %reduce_sum3A_2115 : vector<1xf32> to vector<1x1x1xf32>
    %reduce_sum3A_2117 = vector.extract %reduce_sum3A_2116[0, 0, 0] : f32 from vector<1x1x1xf32>
    %max3A_2118 = arith.constant 1.000000e+00 : f32
    %max3A_2119 = arith.maximumf %reduce_sum3A_2117, %max3A_2118 : f32
    %mul3A_2120 = arith.mulf %convert_element_type3A_2112, %max3A_26 : vector<782x128xf32>
    %reduce_sum3A_2121 = vector.shape_cast %mul3A_2120 : vector<782x128xf32> to vector<1x782x128xf32>
    %reduce_sum3A_2122 = arith.constant dense<0.000000e+00> : vector<1xf32>
    %reduce_sum3A_2123 = vector.multi_reduction <add>, %reduce_sum3A_2121, %reduce_sum3A_2122 [1, 2] : vector<1x782x128xf32> to vector<1xf32>
    %reduce_sum3A_2124 = vector.shape_cast %reduce_sum3A_2123 : vector<1xf32> to vector<1x1x1xf32>
    %reduce_sum3A_2125 = vector.extract %reduce_sum3A_2124[0, 0, 0] : f32 from vector<1x1x1xf32>
    %div3A_2126 = arith.divf %reduce_sum3A_2125, %max3A_2119 : f32
    %mul3A_2127 = arith.mulf %convert_element_type3A_2112, %max3A_54 : vector<782x128xf32>
    %reduce_sum3A_2128 = vector.shape_cast %mul3A_2127 : vector<782x128xf32> to vector<1x782x128xf32>
    %reduce_sum3A_2129 = arith.constant dense<0.000000e+00> : vector<1xf32>
    %reduce_sum3A_2130 = vector.multi_reduction <add>, %reduce_sum3A_2128, %reduce_sum3A_2129 [1, 2] : vector<1x782x128xf32> to vector<1xf32>
    %reduce_sum3A_2131 = vector.shape_cast %reduce_sum3A_2130 : vector<1xf32> to vector<1x1x1xf32>
    %reduce_sum3A_2132 = vector.extract %reduce_sum3A_2131[0, 0, 0] : f32 from vector<1x1x1xf32>
    %div3A_2133 = arith.divf %reduce_sum3A_2132, %max3A_2119 : f32
    %max3A_2134 = arith.maximumf %div3A_2126, %div3A_2133 : f32
    %sub3A_2135 = arith.subf %div3A_2126, %max3A_2134 : f32
    %exp3A_2136 = math.exp %sub3A_2135 : f32
    %sub3A_2137 = arith.subf %div3A_2133, %max3A_2134 : f32
    %exp3A_2138 = math.exp %sub3A_2137 : f32
    %add3A_2139 = arith.addf %exp3A_2136, %exp3A_2138 : f32
    %log3A_2140 = math.log %add3A_2139 : f32
    %add3A_2141 = arith.addf %log3A_2140, %max3A_2134 : f32
    %sub3A_2142 = arith.subf %div3A_2126, %add3A_2141 : f32
    %swap3A_2143 = arith.constant 49 : index
    %swap3A_2144 = arith.constant 0 : index
    %swap3A_2145 = memref.load %arg5[%swap3A_2143, %swap3A_2144] : memref<64x2xf32, #tpu.memory_space<smem>>
    memref.store %sub3A_2142, %arg5[%swap3A_2143, %swap3A_2144] : memref<64x2xf32, #tpu.memory_space<smem>>
    %sub3A_2146 = arith.subf %div3A_2133, %add3A_2141 : f32
    %swap3A_2147 = arith.constant 49 : index
    %swap3A_2148 = arith.constant 1 : index
    %swap3A_2149 = memref.load %arg5[%swap3A_2147, %swap3A_2148] : memref<64x2xf32, #tpu.memory_space<smem>>
    memref.store %sub3A_2146, %arg5[%swap3A_2147, %swap3A_2148] : memref<64x2xf32, #tpu.memory_space<smem>>
    %eq3A_2150 = arith.constant 50 : i32
    %eq3A_2151 = vector.broadcast %eq3A_2150 : i32 to vector<782x128xi32>
    %eq3A_2152 = arith.cmpi eq, %get3A_57, %eq3A_2151 : vector<782x128xi32>
    %convert_element_type3A_2153 = arith.extui %eq3A_2152 : vector<782x128xi1> to vector<782x128xi32>
    %convert_element_type3A_2154 = arith.sitofp %convert_element_type3A_2153 : vector<782x128xi32> to vector<782x128xf32>
    %reduce_sum3A_2155 = vector.shape_cast %convert_element_type3A_2154 : vector<782x128xf32> to vector<1x782x128xf32>
    %reduce_sum3A_2156 = arith.constant dense<0.000000e+00> : vector<1xf32>
    %reduce_sum3A_2157 = vector.multi_reduction <add>, %reduce_sum3A_2155, %reduce_sum3A_2156 [1, 2] : vector<1x782x128xf32> to vector<1xf32>
    %reduce_sum3A_2158 = vector.shape_cast %reduce_sum3A_2157 : vector<1xf32> to vector<1x1x1xf32>
    %reduce_sum3A_2159 = vector.extract %reduce_sum3A_2158[0, 0, 0] : f32 from vector<1x1x1xf32>
    %max3A_2160 = arith.constant 1.000000e+00 : f32
    %max3A_2161 = arith.maximumf %reduce_sum3A_2159, %max3A_2160 : f32
    %mul3A_2162 = arith.mulf %convert_element_type3A_2154, %max3A_26 : vector<782x128xf32>
    %reduce_sum3A_2163 = vector.shape_cast %mul3A_2162 : vector<782x128xf32> to vector<1x782x128xf32>
    %reduce_sum3A_2164 = arith.constant dense<0.000000e+00> : vector<1xf32>
    %reduce_sum3A_2165 = vector.multi_reduction <add>, %reduce_sum3A_2163, %reduce_sum3A_2164 [1, 2] : vector<1x782x128xf32> to vector<1xf32>
    %reduce_sum3A_2166 = vector.shape_cast %reduce_sum3A_2165 : vector<1xf32> to vector<1x1x1xf32>
    %reduce_sum3A_2167 = vector.extract %reduce_sum3A_2166[0, 0, 0] : f32 from vector<1x1x1xf32>
    %div3A_2168 = arith.divf %reduce_sum3A_2167, %max3A_2161 : f32
    %mul3A_2169 = arith.mulf %convert_element_type3A_2154, %max3A_54 : vector<782x128xf32>
    %reduce_sum3A_2170 = vector.shape_cast %mul3A_2169 : vector<782x128xf32> to vector<1x782x128xf32>
    %reduce_sum3A_2171 = arith.constant dense<0.000000e+00> : vector<1xf32>
    %reduce_sum3A_2172 = vector.multi_reduction <add>, %reduce_sum3A_2170, %reduce_sum3A_2171 [1, 2] : vector<1x782x128xf32> to vector<1xf32>
    %reduce_sum3A_2173 = vector.shape_cast %reduce_sum3A_2172 : vector<1xf32> to vector<1x1x1xf32>
    %reduce_sum3A_2174 = vector.extract %reduce_sum3A_2173[0, 0, 0] : f32 from vector<1x1x1xf32>
    %div3A_2175 = arith.divf %reduce_sum3A_2174, %max3A_2161 : f32
    %max3A_2176 = arith.maximumf %div3A_2168, %div3A_2175 : f32
    %sub3A_2177 = arith.subf %div3A_2168, %max3A_2176 : f32
    %exp3A_2178 = math.exp %sub3A_2177 : f32
    %sub3A_2179 = arith.subf %div3A_2175, %max3A_2176 : f32
    %exp3A_2180 = math.exp %sub3A_2179 : f32
    %add3A_2181 = arith.addf %exp3A_2178, %exp3A_2180 : f32
    %log3A_2182 = math.log %add3A_2181 : f32
    %add3A_2183 = arith.addf %log3A_2182, %max3A_2176 : f32
    %sub3A_2184 = arith.subf %div3A_2168, %add3A_2183 : f32
    %swap3A_2185 = arith.constant 50 : index
    %swap3A_2186 = arith.constant 0 : index
    %swap3A_2187 = memref.load %arg5[%swap3A_2185, %swap3A_2186] : memref<64x2xf32, #tpu.memory_space<smem>>
    memref.store %sub3A_2184, %arg5[%swap3A_2185, %swap3A_2186] : memref<64x2xf32, #tpu.memory_space<smem>>
    %sub3A_2188 = arith.subf %div3A_2175, %add3A_2183 : f32
    %swap3A_2189 = arith.constant 50 : index
    %swap3A_2190 = arith.constant 1 : index
    %swap3A_2191 = memref.load %arg5[%swap3A_2189, %swap3A_2190] : memref<64x2xf32, #tpu.memory_space<smem>>
    memref.store %sub3A_2188, %arg5[%swap3A_2189, %swap3A_2190] : memref<64x2xf32, #tpu.memory_space<smem>>
    %eq3A_2192 = arith.constant 51 : i32
    %eq3A_2193 = vector.broadcast %eq3A_2192 : i32 to vector<782x128xi32>
    %eq3A_2194 = arith.cmpi eq, %get3A_57, %eq3A_2193 : vector<782x128xi32>
    %convert_element_type3A_2195 = arith.extui %eq3A_2194 : vector<782x128xi1> to vector<782x128xi32>
    %convert_element_type3A_2196 = arith.sitofp %convert_element_type3A_2195 : vector<782x128xi32> to vector<782x128xf32>
    %reduce_sum3A_2197 = vector.shape_cast %convert_element_type3A_2196 : vector<782x128xf32> to vector<1x782x128xf32>
    %reduce_sum3A_2198 = arith.constant dense<0.000000e+00> : vector<1xf32>
    %reduce_sum3A_2199 = vector.multi_reduction <add>, %reduce_sum3A_2197, %reduce_sum3A_2198 [1, 2] : vector<1x782x128xf32> to vector<1xf32>
    %reduce_sum3A_2200 = vector.shape_cast %reduce_sum3A_2199 : vector<1xf32> to vector<1x1x1xf32>
    %reduce_sum3A_2201 = vector.extract %reduce_sum3A_2200[0, 0, 0] : f32 from vector<1x1x1xf32>
    %max3A_2202 = arith.constant 1.000000e+00 : f32
    %max3A_2203 = arith.maximumf %reduce_sum3A_2201, %max3A_2202 : f32
    %mul3A_2204 = arith.mulf %convert_element_type3A_2196, %max3A_26 : vector<782x128xf32>
    %reduce_sum3A_2205 = vector.shape_cast %mul3A_2204 : vector<782x128xf32> to vector<1x782x128xf32>
    %reduce_sum3A_2206 = arith.constant dense<0.000000e+00> : vector<1xf32>
    %reduce_sum3A_2207 = vector.multi_reduction <add>, %reduce_sum3A_2205, %reduce_sum3A_2206 [1, 2] : vector<1x782x128xf32> to vector<1xf32>
    %reduce_sum3A_2208 = vector.shape_cast %reduce_sum3A_2207 : vector<1xf32> to vector<1x1x1xf32>
    %reduce_sum3A_2209 = vector.extract %reduce_sum3A_2208[0, 0, 0] : f32 from vector<1x1x1xf32>
    %div3A_2210 = arith.divf %reduce_sum3A_2209, %max3A_2203 : f32
    %mul3A_2211 = arith.mulf %convert_element_type3A_2196, %max3A_54 : vector<782x128xf32>
    %reduce_sum3A_2212 = vector.shape_cast %mul3A_2211 : vector<782x128xf32> to vector<1x782x128xf32>
    %reduce_sum3A_2213 = arith.constant dense<0.000000e+00> : vector<1xf32>
    %reduce_sum3A_2214 = vector.multi_reduction <add>, %reduce_sum3A_2212, %reduce_sum3A_2213 [1, 2] : vector<1x782x128xf32> to vector<1xf32>
    %reduce_sum3A_2215 = vector.shape_cast %reduce_sum3A_2214 : vector<1xf32> to vector<1x1x1xf32>
    %reduce_sum3A_2216 = vector.extract %reduce_sum3A_2215[0, 0, 0] : f32 from vector<1x1x1xf32>
    %div3A_2217 = arith.divf %reduce_sum3A_2216, %max3A_2203 : f32
    %max3A_2218 = arith.maximumf %div3A_2210, %div3A_2217 : f32
    %sub3A_2219 = arith.subf %div3A_2210, %max3A_2218 : f32
    %exp3A_2220 = math.exp %sub3A_2219 : f32
    %sub3A_2221 = arith.subf %div3A_2217, %max3A_2218 : f32
    %exp3A_2222 = math.exp %sub3A_2221 : f32
    %add3A_2223 = arith.addf %exp3A_2220, %exp3A_2222 : f32
    %log3A_2224 = math.log %add3A_2223 : f32
    %add3A_2225 = arith.addf %log3A_2224, %max3A_2218 : f32
    %sub3A_2226 = arith.subf %div3A_2210, %add3A_2225 : f32
    %swap3A_2227 = arith.constant 51 : index
    %swap3A_2228 = arith.constant 0 : index
    %swap3A_2229 = memref.load %arg5[%swap3A_2227, %swap3A_2228] : memref<64x2xf32, #tpu.memory_space<smem>>
    memref.store %sub3A_2226, %arg5[%swap3A_2227, %swap3A_2228] : memref<64x2xf32, #tpu.memory_space<smem>>
    %sub3A_2230 = arith.subf %div3A_2217, %add3A_2225 : f32
    %swap3A_2231 = arith.constant 51 : index
    %swap3A_2232 = arith.constant 1 : index
    %swap3A_2233 = memref.load %arg5[%swap3A_2231, %swap3A_2232] : memref<64x2xf32, #tpu.memory_space<smem>>
    memref.store %sub3A_2230, %arg5[%swap3A_2231, %swap3A_2232] : memref<64x2xf32, #tpu.memory_space<smem>>
    %eq3A_2234 = arith.constant 52 : i32
    %eq3A_2235 = vector.broadcast %eq3A_2234 : i32 to vector<782x128xi32>
    %eq3A_2236 = arith.cmpi eq, %get3A_57, %eq3A_2235 : vector<782x128xi32>
    %convert_element_type3A_2237 = arith.extui %eq3A_2236 : vector<782x128xi1> to vector<782x128xi32>
    %convert_element_type3A_2238 = arith.sitofp %convert_element_type3A_2237 : vector<782x128xi32> to vector<782x128xf32>
    %reduce_sum3A_2239 = vector.shape_cast %convert_element_type3A_2238 : vector<782x128xf32> to vector<1x782x128xf32>
    %reduce_sum3A_2240 = arith.constant dense<0.000000e+00> : vector<1xf32>
    %reduce_sum3A_2241 = vector.multi_reduction <add>, %reduce_sum3A_2239, %reduce_sum3A_2240 [1, 2] : vector<1x782x128xf32> to vector<1xf32>
    %reduce_sum3A_2242 = vector.shape_cast %reduce_sum3A_2241 : vector<1xf32> to vector<1x1x1xf32>
    %reduce_sum3A_2243 = vector.extract %reduce_sum3A_2242[0, 0, 0] : f32 from vector<1x1x1xf32>
    %max3A_2244 = arith.constant 1.000000e+00 : f32
    %max3A_2245 = arith.maximumf %reduce_sum3A_2243, %max3A_2244 : f32
    %mul3A_2246 = arith.mulf %convert_element_type3A_2238, %max3A_26 : vector<782x128xf32>
    %reduce_sum3A_2247 = vector.shape_cast %mul3A_2246 : vector<782x128xf32> to vector<1x782x128xf32>
    %reduce_sum3A_2248 = arith.constant dense<0.000000e+00> : vector<1xf32>
    %reduce_sum3A_2249 = vector.multi_reduction <add>, %reduce_sum3A_2247, %reduce_sum3A_2248 [1, 2] : vector<1x782x128xf32> to vector<1xf32>
    %reduce_sum3A_2250 = vector.shape_cast %reduce_sum3A_2249 : vector<1xf32> to vector<1x1x1xf32>
    %reduce_sum3A_2251 = vector.extract %reduce_sum3A_2250[0, 0, 0] : f32 from vector<1x1x1xf32>
    %div3A_2252 = arith.divf %reduce_sum3A_2251, %max3A_2245 : f32
    %mul3A_2253 = arith.mulf %convert_element_type3A_2238, %max3A_54 : vector<782x128xf32>
    %reduce_sum3A_2254 = vector.shape_cast %mul3A_2253 : vector<782x128xf32> to vector<1x782x128xf32>
    %reduce_sum3A_2255 = arith.constant dense<0.000000e+00> : vector<1xf32>
    %reduce_sum3A_2256 = vector.multi_reduction <add>, %reduce_sum3A_2254, %reduce_sum3A_2255 [1, 2] : vector<1x782x128xf32> to vector<1xf32>
    %reduce_sum3A_2257 = vector.shape_cast %reduce_sum3A_2256 : vector<1xf32> to vector<1x1x1xf32>
    %reduce_sum3A_2258 = vector.extract %reduce_sum3A_2257[0, 0, 0] : f32 from vector<1x1x1xf32>
    %div3A_2259 = arith.divf %reduce_sum3A_2258, %max3A_2245 : f32
    %max3A_2260 = arith.maximumf %div3A_2252, %div3A_2259 : f32
    %sub3A_2261 = arith.subf %div3A_2252, %max3A_2260 : f32
    %exp3A_2262 = math.exp %sub3A_2261 : f32
    %sub3A_2263 = arith.subf %div3A_2259, %max3A_2260 : f32
    %exp3A_2264 = math.exp %sub3A_2263 : f32
    %add3A_2265 = arith.addf %exp3A_2262, %exp3A_2264 : f32
    %log3A_2266 = math.log %add3A_2265 : f32
    %add3A_2267 = arith.addf %log3A_2266, %max3A_2260 : f32
    %sub3A_2268 = arith.subf %div3A_2252, %add3A_2267 : f32
    %swap3A_2269 = arith.constant 52 : index
    %swap3A_2270 = arith.constant 0 : index
    %swap3A_2271 = memref.load %arg5[%swap3A_2269, %swap3A_2270] : memref<64x2xf32, #tpu.memory_space<smem>>
    memref.store %sub3A_2268, %arg5[%swap3A_2269, %swap3A_2270] : memref<64x2xf32, #tpu.memory_space<smem>>
    %sub3A_2272 = arith.subf %div3A_2259, %add3A_2267 : f32
    %swap3A_2273 = arith.constant 52 : index
    %swap3A_2274 = arith.constant 1 : index
    %swap3A_2275 = memref.load %arg5[%swap3A_2273, %swap3A_2274] : memref<64x2xf32, #tpu.memory_space<smem>>
    memref.store %sub3A_2272, %arg5[%swap3A_2273, %swap3A_2274] : memref<64x2xf32, #tpu.memory_space<smem>>
    %eq3A_2276 = arith.constant 53 : i32
    %eq3A_2277 = vector.broadcast %eq3A_2276 : i32 to vector<782x128xi32>
    %eq3A_2278 = arith.cmpi eq, %get3A_57, %eq3A_2277 : vector<782x128xi32>
    %convert_element_type3A_2279 = arith.extui %eq3A_2278 : vector<782x128xi1> to vector<782x128xi32>
    %convert_element_type3A_2280 = arith.sitofp %convert_element_type3A_2279 : vector<782x128xi32> to vector<782x128xf32>
    %reduce_sum3A_2281 = vector.shape_cast %convert_element_type3A_2280 : vector<782x128xf32> to vector<1x782x128xf32>
    %reduce_sum3A_2282 = arith.constant dense<0.000000e+00> : vector<1xf32>
    %reduce_sum3A_2283 = vector.multi_reduction <add>, %reduce_sum3A_2281, %reduce_sum3A_2282 [1, 2] : vector<1x782x128xf32> to vector<1xf32>
    %reduce_sum3A_2284 = vector.shape_cast %reduce_sum3A_2283 : vector<1xf32> to vector<1x1x1xf32>
    %reduce_sum3A_2285 = vector.extract %reduce_sum3A_2284[0, 0, 0] : f32 from vector<1x1x1xf32>
    %max3A_2286 = arith.constant 1.000000e+00 : f32
    %max3A_2287 = arith.maximumf %reduce_sum3A_2285, %max3A_2286 : f32
    %mul3A_2288 = arith.mulf %convert_element_type3A_2280, %max3A_26 : vector<782x128xf32>
    %reduce_sum3A_2289 = vector.shape_cast %mul3A_2288 : vector<782x128xf32> to vector<1x782x128xf32>
    %reduce_sum3A_2290 = arith.constant dense<0.000000e+00> : vector<1xf32>
    %reduce_sum3A_2291 = vector.multi_reduction <add>, %reduce_sum3A_2289, %reduce_sum3A_2290 [1, 2] : vector<1x782x128xf32> to vector<1xf32>
    %reduce_sum3A_2292 = vector.shape_cast %reduce_sum3A_2291 : vector<1xf32> to vector<1x1x1xf32>
    %reduce_sum3A_2293 = vector.extract %reduce_sum3A_2292[0, 0, 0] : f32 from vector<1x1x1xf32>
    %div3A_2294 = arith.divf %reduce_sum3A_2293, %max3A_2287 : f32
    %mul3A_2295 = arith.mulf %convert_element_type3A_2280, %max3A_54 : vector<782x128xf32>
    %reduce_sum3A_2296 = vector.shape_cast %mul3A_2295 : vector<782x128xf32> to vector<1x782x128xf32>
    %reduce_sum3A_2297 = arith.constant dense<0.000000e+00> : vector<1xf32>
    %reduce_sum3A_2298 = vector.multi_reduction <add>, %reduce_sum3A_2296, %reduce_sum3A_2297 [1, 2] : vector<1x782x128xf32> to vector<1xf32>
    %reduce_sum3A_2299 = vector.shape_cast %reduce_sum3A_2298 : vector<1xf32> to vector<1x1x1xf32>
    %reduce_sum3A_2300 = vector.extract %reduce_sum3A_2299[0, 0, 0] : f32 from vector<1x1x1xf32>
    %div3A_2301 = arith.divf %reduce_sum3A_2300, %max3A_2287 : f32
    %max3A_2302 = arith.maximumf %div3A_2294, %div3A_2301 : f32
    %sub3A_2303 = arith.subf %div3A_2294, %max3A_2302 : f32
    %exp3A_2304 = math.exp %sub3A_2303 : f32
    %sub3A_2305 = arith.subf %div3A_2301, %max3A_2302 : f32
    %exp3A_2306 = math.exp %sub3A_2305 : f32
    %add3A_2307 = arith.addf %exp3A_2304, %exp3A_2306 : f32
    %log3A_2308 = math.log %add3A_2307 : f32
    %add3A_2309 = arith.addf %log3A_2308, %max3A_2302 : f32
    %sub3A_2310 = arith.subf %div3A_2294, %add3A_2309 : f32
    %swap3A_2311 = arith.constant 53 : index
    %swap3A_2312 = arith.constant 0 : index
    %swap3A_2313 = memref.load %arg5[%swap3A_2311, %swap3A_2312] : memref<64x2xf32, #tpu.memory_space<smem>>
    memref.store %sub3A_2310, %arg5[%swap3A_2311, %swap3A_2312] : memref<64x2xf32, #tpu.memory_space<smem>>
    %sub3A_2314 = arith.subf %div3A_2301, %add3A_2309 : f32
    %swap3A_2315 = arith.constant 53 : index
    %swap3A_2316 = arith.constant 1 : index
    %swap3A_2317 = memref.load %arg5[%swap3A_2315, %swap3A_2316] : memref<64x2xf32, #tpu.memory_space<smem>>
    memref.store %sub3A_2314, %arg5[%swap3A_2315, %swap3A_2316] : memref<64x2xf32, #tpu.memory_space<smem>>
    %eq3A_2318 = arith.constant 54 : i32
    %eq3A_2319 = vector.broadcast %eq3A_2318 : i32 to vector<782x128xi32>
    %eq3A_2320 = arith.cmpi eq, %get3A_57, %eq3A_2319 : vector<782x128xi32>
    %convert_element_type3A_2321 = arith.extui %eq3A_2320 : vector<782x128xi1> to vector<782x128xi32>
    %convert_element_type3A_2322 = arith.sitofp %convert_element_type3A_2321 : vector<782x128xi32> to vector<782x128xf32>
    %reduce_sum3A_2323 = vector.shape_cast %convert_element_type3A_2322 : vector<782x128xf32> to vector<1x782x128xf32>
    %reduce_sum3A_2324 = arith.constant dense<0.000000e+00> : vector<1xf32>
    %reduce_sum3A_2325 = vector.multi_reduction <add>, %reduce_sum3A_2323, %reduce_sum3A_2324 [1, 2] : vector<1x782x128xf32> to vector<1xf32>
    %reduce_sum3A_2326 = vector.shape_cast %reduce_sum3A_2325 : vector<1xf32> to vector<1x1x1xf32>
    %reduce_sum3A_2327 = vector.extract %reduce_sum3A_2326[0, 0, 0] : f32 from vector<1x1x1xf32>
    %max3A_2328 = arith.constant 1.000000e+00 : f32
    %max3A_2329 = arith.maximumf %reduce_sum3A_2327, %max3A_2328 : f32
    %mul3A_2330 = arith.mulf %convert_element_type3A_2322, %max3A_26 : vector<782x128xf32>
    %reduce_sum3A_2331 = vector.shape_cast %mul3A_2330 : vector<782x128xf32> to vector<1x782x128xf32>
    %reduce_sum3A_2332 = arith.constant dense<0.000000e+00> : vector<1xf32>
    %reduce_sum3A_2333 = vector.multi_reduction <add>, %reduce_sum3A_2331, %reduce_sum3A_2332 [1, 2] : vector<1x782x128xf32> to vector<1xf32>
    %reduce_sum3A_2334 = vector.shape_cast %reduce_sum3A_2333 : vector<1xf32> to vector<1x1x1xf32>
    %reduce_sum3A_2335 = vector.extract %reduce_sum3A_2334[0, 0, 0] : f32 from vector<1x1x1xf32>
    %div3A_2336 = arith.divf %reduce_sum3A_2335, %max3A_2329 : f32
    %mul3A_2337 = arith.mulf %convert_element_type3A_2322, %max3A_54 : vector<782x128xf32>
    %reduce_sum3A_2338 = vector.shape_cast %mul3A_2337 : vector<782x128xf32> to vector<1x782x128xf32>
    %reduce_sum3A_2339 = arith.constant dense<0.000000e+00> : vector<1xf32>
    %reduce_sum3A_2340 = vector.multi_reduction <add>, %reduce_sum3A_2338, %reduce_sum3A_2339 [1, 2] : vector<1x782x128xf32> to vector<1xf32>
    %reduce_sum3A_2341 = vector.shape_cast %reduce_sum3A_2340 : vector<1xf32> to vector<1x1x1xf32>
    %reduce_sum3A_2342 = vector.extract %reduce_sum3A_2341[0, 0, 0] : f32 from vector<1x1x1xf32>
    %div3A_2343 = arith.divf %reduce_sum3A_2342, %max3A_2329 : f32
    %max3A_2344 = arith.maximumf %div3A_2336, %div3A_2343 : f32
    %sub3A_2345 = arith.subf %div3A_2336, %max3A_2344 : f32
    %exp3A_2346 = math.exp %sub3A_2345 : f32
    %sub3A_2347 = arith.subf %div3A_2343, %max3A_2344 : f32
    %exp3A_2348 = math.exp %sub3A_2347 : f32
    %add3A_2349 = arith.addf %exp3A_2346, %exp3A_2348 : f32
    %log3A_2350 = math.log %add3A_2349 : f32
    %add3A_2351 = arith.addf %log3A_2350, %max3A_2344 : f32
    %sub3A_2352 = arith.subf %div3A_2336, %add3A_2351 : f32
    %swap3A_2353 = arith.constant 54 : index
    %swap3A_2354 = arith.constant 0 : index
    %swap3A_2355 = memref.load %arg5[%swap3A_2353, %swap3A_2354] : memref<64x2xf32, #tpu.memory_space<smem>>
    memref.store %sub3A_2352, %arg5[%swap3A_2353, %swap3A_2354] : memref<64x2xf32, #tpu.memory_space<smem>>
    %sub3A_2356 = arith.subf %div3A_2343, %add3A_2351 : f32
    %swap3A_2357 = arith.constant 54 : index
    %swap3A_2358 = arith.constant 1 : index
    %swap3A_2359 = memref.load %arg5[%swap3A_2357, %swap3A_2358] : memref<64x2xf32, #tpu.memory_space<smem>>
    memref.store %sub3A_2356, %arg5[%swap3A_2357, %swap3A_2358] : memref<64x2xf32, #tpu.memory_space<smem>>
    %eq3A_2360 = arith.constant 55 : i32
    %eq3A_2361 = vector.broadcast %eq3A_2360 : i32 to vector<782x128xi32>
    %eq3A_2362 = arith.cmpi eq, %get3A_57, %eq3A_2361 : vector<782x128xi32>
    %convert_element_type3A_2363 = arith.extui %eq3A_2362 : vector<782x128xi1> to vector<782x128xi32>
    %convert_element_type3A_2364 = arith.sitofp %convert_element_type3A_2363 : vector<782x128xi32> to vector<782x128xf32>
    %reduce_sum3A_2365 = vector.shape_cast %convert_element_type3A_2364 : vector<782x128xf32> to vector<1x782x128xf32>
    %reduce_sum3A_2366 = arith.constant dense<0.000000e+00> : vector<1xf32>
    %reduce_sum3A_2367 = vector.multi_reduction <add>, %reduce_sum3A_2365, %reduce_sum3A_2366 [1, 2] : vector<1x782x128xf32> to vector<1xf32>
    %reduce_sum3A_2368 = vector.shape_cast %reduce_sum3A_2367 : vector<1xf32> to vector<1x1x1xf32>
    %reduce_sum3A_2369 = vector.extract %reduce_sum3A_2368[0, 0, 0] : f32 from vector<1x1x1xf32>
    %max3A_2370 = arith.constant 1.000000e+00 : f32
    %max3A_2371 = arith.maximumf %reduce_sum3A_2369, %max3A_2370 : f32
    %mul3A_2372 = arith.mulf %convert_element_type3A_2364, %max3A_26 : vector<782x128xf32>
    %reduce_sum3A_2373 = vector.shape_cast %mul3A_2372 : vector<782x128xf32> to vector<1x782x128xf32>
    %reduce_sum3A_2374 = arith.constant dense<0.000000e+00> : vector<1xf32>
    %reduce_sum3A_2375 = vector.multi_reduction <add>, %reduce_sum3A_2373, %reduce_sum3A_2374 [1, 2] : vector<1x782x128xf32> to vector<1xf32>
    %reduce_sum3A_2376 = vector.shape_cast %reduce_sum3A_2375 : vector<1xf32> to vector<1x1x1xf32>
    %reduce_sum3A_2377 = vector.extract %reduce_sum3A_2376[0, 0, 0] : f32 from vector<1x1x1xf32>
    %div3A_2378 = arith.divf %reduce_sum3A_2377, %max3A_2371 : f32
    %mul3A_2379 = arith.mulf %convert_element_type3A_2364, %max3A_54 : vector<782x128xf32>
    %reduce_sum3A_2380 = vector.shape_cast %mul3A_2379 : vector<782x128xf32> to vector<1x782x128xf32>
    %reduce_sum3A_2381 = arith.constant dense<0.000000e+00> : vector<1xf32>
    %reduce_sum3A_2382 = vector.multi_reduction <add>, %reduce_sum3A_2380, %reduce_sum3A_2381 [1, 2] : vector<1x782x128xf32> to vector<1xf32>
    %reduce_sum3A_2383 = vector.shape_cast %reduce_sum3A_2382 : vector<1xf32> to vector<1x1x1xf32>
    %reduce_sum3A_2384 = vector.extract %reduce_sum3A_2383[0, 0, 0] : f32 from vector<1x1x1xf32>
    %div3A_2385 = arith.divf %reduce_sum3A_2384, %max3A_2371 : f32
    %max3A_2386 = arith.maximumf %div3A_2378, %div3A_2385 : f32
    %sub3A_2387 = arith.subf %div3A_2378, %max3A_2386 : f32
    %exp3A_2388 = math.exp %sub3A_2387 : f32
    %sub3A_2389 = arith.subf %div3A_2385, %max3A_2386 : f32
    %exp3A_2390 = math.exp %sub3A_2389 : f32
    %add3A_2391 = arith.addf %exp3A_2388, %exp3A_2390 : f32
    %log3A_2392 = math.log %add3A_2391 : f32
    %add3A_2393 = arith.addf %log3A_2392, %max3A_2386 : f32
    %sub3A_2394 = arith.subf %div3A_2378, %add3A_2393 : f32
    %swap3A_2395 = arith.constant 55 : index
    %swap3A_2396 = arith.constant 0 : index
    %swap3A_2397 = memref.load %arg5[%swap3A_2395, %swap3A_2396] : memref<64x2xf32, #tpu.memory_space<smem>>
    memref.store %sub3A_2394, %arg5[%swap3A_2395, %swap3A_2396] : memref<64x2xf32, #tpu.memory_space<smem>>
    %sub3A_2398 = arith.subf %div3A_2385, %add3A_2393 : f32
    %swap3A_2399 = arith.constant 55 : index
    %swap3A_2400 = arith.constant 1 : index
    %swap3A_2401 = memref.load %arg5[%swap3A_2399, %swap3A_2400] : memref<64x2xf32, #tpu.memory_space<smem>>
    memref.store %sub3A_2398, %arg5[%swap3A_2399, %swap3A_2400] : memref<64x2xf32, #tpu.memory_space<smem>>
    %eq3A_2402 = arith.constant 56 : i32
    %eq3A_2403 = vector.broadcast %eq3A_2402 : i32 to vector<782x128xi32>
    %eq3A_2404 = arith.cmpi eq, %get3A_57, %eq3A_2403 : vector<782x128xi32>
    %convert_element_type3A_2405 = arith.extui %eq3A_2404 : vector<782x128xi1> to vector<782x128xi32>
    %convert_element_type3A_2406 = arith.sitofp %convert_element_type3A_2405 : vector<782x128xi32> to vector<782x128xf32>
    %reduce_sum3A_2407 = vector.shape_cast %convert_element_type3A_2406 : vector<782x128xf32> to vector<1x782x128xf32>
    %reduce_sum3A_2408 = arith.constant dense<0.000000e+00> : vector<1xf32>
    %reduce_sum3A_2409 = vector.multi_reduction <add>, %reduce_sum3A_2407, %reduce_sum3A_2408 [1, 2] : vector<1x782x128xf32> to vector<1xf32>
    %reduce_sum3A_2410 = vector.shape_cast %reduce_sum3A_2409 : vector<1xf32> to vector<1x1x1xf32>
    %reduce_sum3A_2411 = vector.extract %reduce_sum3A_2410[0, 0, 0] : f32 from vector<1x1x1xf32>
    %max3A_2412 = arith.constant 1.000000e+00 : f32
    %max3A_2413 = arith.maximumf %reduce_sum3A_2411, %max3A_2412 : f32
    %mul3A_2414 = arith.mulf %convert_element_type3A_2406, %max3A_26 : vector<782x128xf32>
    %reduce_sum3A_2415 = vector.shape_cast %mul3A_2414 : vector<782x128xf32> to vector<1x782x128xf32>
    %reduce_sum3A_2416 = arith.constant dense<0.000000e+00> : vector<1xf32>
    %reduce_sum3A_2417 = vector.multi_reduction <add>, %reduce_sum3A_2415, %reduce_sum3A_2416 [1, 2] : vector<1x782x128xf32> to vector<1xf32>
    %reduce_sum3A_2418 = vector.shape_cast %reduce_sum3A_2417 : vector<1xf32> to vector<1x1x1xf32>
    %reduce_sum3A_2419 = vector.extract %reduce_sum3A_2418[0, 0, 0] : f32 from vector<1x1x1xf32>
    %div3A_2420 = arith.divf %reduce_sum3A_2419, %max3A_2413 : f32
    %mul3A_2421 = arith.mulf %convert_element_type3A_2406, %max3A_54 : vector<782x128xf32>
    %reduce_sum3A_2422 = vector.shape_cast %mul3A_2421 : vector<782x128xf32> to vector<1x782x128xf32>
    %reduce_sum3A_2423 = arith.constant dense<0.000000e+00> : vector<1xf32>
    %reduce_sum3A_2424 = vector.multi_reduction <add>, %reduce_sum3A_2422, %reduce_sum3A_2423 [1, 2] : vector<1x782x128xf32> to vector<1xf32>
    %reduce_sum3A_2425 = vector.shape_cast %reduce_sum3A_2424 : vector<1xf32> to vector<1x1x1xf32>
    %reduce_sum3A_2426 = vector.extract %reduce_sum3A_2425[0, 0, 0] : f32 from vector<1x1x1xf32>
    %div3A_2427 = arith.divf %reduce_sum3A_2426, %max3A_2413 : f32
    %max3A_2428 = arith.maximumf %div3A_2420, %div3A_2427 : f32
    %sub3A_2429 = arith.subf %div3A_2420, %max3A_2428 : f32
    %exp3A_2430 = math.exp %sub3A_2429 : f32
    %sub3A_2431 = arith.subf %div3A_2427, %max3A_2428 : f32
    %exp3A_2432 = math.exp %sub3A_2431 : f32
    %add3A_2433 = arith.addf %exp3A_2430, %exp3A_2432 : f32
    %log3A_2434 = math.log %add3A_2433 : f32
    %add3A_2435 = arith.addf %log3A_2434, %max3A_2428 : f32
    %sub3A_2436 = arith.subf %div3A_2420, %add3A_2435 : f32
    %swap3A_2437 = arith.constant 56 : index
    %swap3A_2438 = arith.constant 0 : index
    %swap3A_2439 = memref.load %arg5[%swap3A_2437, %swap3A_2438] : memref<64x2xf32, #tpu.memory_space<smem>>
    memref.store %sub3A_2436, %arg5[%swap3A_2437, %swap3A_2438] : memref<64x2xf32, #tpu.memory_space<smem>>
    %sub3A_2440 = arith.subf %div3A_2427, %add3A_2435 : f32
    %swap3A_2441 = arith.constant 56 : index
    %swap3A_2442 = arith.constant 1 : index
    %swap3A_2443 = memref.load %arg5[%swap3A_2441, %swap3A_2442] : memref<64x2xf32, #tpu.memory_space<smem>>
    memref.store %sub3A_2440, %arg5[%swap3A_2441, %swap3A_2442] : memref<64x2xf32, #tpu.memory_space<smem>>
    %eq3A_2444 = arith.constant 57 : i32
    %eq3A_2445 = vector.broadcast %eq3A_2444 : i32 to vector<782x128xi32>
    %eq3A_2446 = arith.cmpi eq, %get3A_57, %eq3A_2445 : vector<782x128xi32>
    %convert_element_type3A_2447 = arith.extui %eq3A_2446 : vector<782x128xi1> to vector<782x128xi32>
    %convert_element_type3A_2448 = arith.sitofp %convert_element_type3A_2447 : vector<782x128xi32> to vector<782x128xf32>
    %reduce_sum3A_2449 = vector.shape_cast %convert_element_type3A_2448 : vector<782x128xf32> to vector<1x782x128xf32>
    %reduce_sum3A_2450 = arith.constant dense<0.000000e+00> : vector<1xf32>
    %reduce_sum3A_2451 = vector.multi_reduction <add>, %reduce_sum3A_2449, %reduce_sum3A_2450 [1, 2] : vector<1x782x128xf32> to vector<1xf32>
    %reduce_sum3A_2452 = vector.shape_cast %reduce_sum3A_2451 : vector<1xf32> to vector<1x1x1xf32>
    %reduce_sum3A_2453 = vector.extract %reduce_sum3A_2452[0, 0, 0] : f32 from vector<1x1x1xf32>
    %max3A_2454 = arith.constant 1.000000e+00 : f32
    %max3A_2455 = arith.maximumf %reduce_sum3A_2453, %max3A_2454 : f32
    %mul3A_2456 = arith.mulf %convert_element_type3A_2448, %max3A_26 : vector<782x128xf32>
    %reduce_sum3A_2457 = vector.shape_cast %mul3A_2456 : vector<782x128xf32> to vector<1x782x128xf32>
    %reduce_sum3A_2458 = arith.constant dense<0.000000e+00> : vector<1xf32>
    %reduce_sum3A_2459 = vector.multi_reduction <add>, %reduce_sum3A_2457, %reduce_sum3A_2458 [1, 2] : vector<1x782x128xf32> to vector<1xf32>
    %reduce_sum3A_2460 = vector.shape_cast %reduce_sum3A_2459 : vector<1xf32> to vector<1x1x1xf32>
    %reduce_sum3A_2461 = vector.extract %reduce_sum3A_2460[0, 0, 0] : f32 from vector<1x1x1xf32>
    %div3A_2462 = arith.divf %reduce_sum3A_2461, %max3A_2455 : f32
    %mul3A_2463 = arith.mulf %convert_element_type3A_2448, %max3A_54 : vector<782x128xf32>
    %reduce_sum3A_2464 = vector.shape_cast %mul3A_2463 : vector<782x128xf32> to vector<1x782x128xf32>
    %reduce_sum3A_2465 = arith.constant dense<0.000000e+00> : vector<1xf32>
    %reduce_sum3A_2466 = vector.multi_reduction <add>, %reduce_sum3A_2464, %reduce_sum3A_2465 [1, 2] : vector<1x782x128xf32> to vector<1xf32>
    %reduce_sum3A_2467 = vector.shape_cast %reduce_sum3A_2466 : vector<1xf32> to vector<1x1x1xf32>
    %reduce_sum3A_2468 = vector.extract %reduce_sum3A_2467[0, 0, 0] : f32 from vector<1x1x1xf32>
    %div3A_2469 = arith.divf %reduce_sum3A_2468, %max3A_2455 : f32
    %max3A_2470 = arith.maximumf %div3A_2462, %div3A_2469 : f32
    %sub3A_2471 = arith.subf %div3A_2462, %max3A_2470 : f32
    %exp3A_2472 = math.exp %sub3A_2471 : f32
    %sub3A_2473 = arith.subf %div3A_2469, %max3A_2470 : f32
    %exp3A_2474 = math.exp %sub3A_2473 : f32
    %add3A_2475 = arith.addf %exp3A_2472, %exp3A_2474 : f32
    %log3A_2476 = math.log %add3A_2475 : f32
    %add3A_2477 = arith.addf %log3A_2476, %max3A_2470 : f32
    %sub3A_2478 = arith.subf %div3A_2462, %add3A_2477 : f32
    %swap3A_2479 = arith.constant 57 : index
    %swap3A_2480 = arith.constant 0 : index
    %swap3A_2481 = memref.load %arg5[%swap3A_2479, %swap3A_2480] : memref<64x2xf32, #tpu.memory_space<smem>>
    memref.store %sub3A_2478, %arg5[%swap3A_2479, %swap3A_2480] : memref<64x2xf32, #tpu.memory_space<smem>>
    %sub3A_2482 = arith.subf %div3A_2469, %add3A_2477 : f32
    %swap3A_2483 = arith.constant 57 : index
    %swap3A_2484 = arith.constant 1 : index
    %swap3A_2485 = memref.load %arg5[%swap3A_2483, %swap3A_2484] : memref<64x2xf32, #tpu.memory_space<smem>>
    memref.store %sub3A_2482, %arg5[%swap3A_2483, %swap3A_2484] : memref<64x2xf32, #tpu.memory_space<smem>>
    %eq3A_2486 = arith.constant 58 : i32
    %eq3A_2487 = vector.broadcast %eq3A_2486 : i32 to vector<782x128xi32>
    %eq3A_2488 = arith.cmpi eq, %get3A_57, %eq3A_2487 : vector<782x128xi32>
    %convert_element_type3A_2489 = arith.extui %eq3A_2488 : vector<782x128xi1> to vector<782x128xi32>
    %convert_element_type3A_2490 = arith.sitofp %convert_element_type3A_2489 : vector<782x128xi32> to vector<782x128xf32>
    %reduce_sum3A_2491 = vector.shape_cast %convert_element_type3A_2490 : vector<782x128xf32> to vector<1x782x128xf32>
    %reduce_sum3A_2492 = arith.constant dense<0.000000e+00> : vector<1xf32>
    %reduce_sum3A_2493 = vector.multi_reduction <add>, %reduce_sum3A_2491, %reduce_sum3A_2492 [1, 2] : vector<1x782x128xf32> to vector<1xf32>
    %reduce_sum3A_2494 = vector.shape_cast %reduce_sum3A_2493 : vector<1xf32> to vector<1x1x1xf32>
    %reduce_sum3A_2495 = vector.extract %reduce_sum3A_2494[0, 0, 0] : f32 from vector<1x1x1xf32>
    %max3A_2496 = arith.constant 1.000000e+00 : f32
    %max3A_2497 = arith.maximumf %reduce_sum3A_2495, %max3A_2496 : f32
    %mul3A_2498 = arith.mulf %convert_element_type3A_2490, %max3A_26 : vector<782x128xf32>
    %reduce_sum3A_2499 = vector.shape_cast %mul3A_2498 : vector<782x128xf32> to vector<1x782x128xf32>
    %reduce_sum3A_2500 = arith.constant dense<0.000000e+00> : vector<1xf32>
    %reduce_sum3A_2501 = vector.multi_reduction <add>, %reduce_sum3A_2499, %reduce_sum3A_2500 [1, 2] : vector<1x782x128xf32> to vector<1xf32>
    %reduce_sum3A_2502 = vector.shape_cast %reduce_sum3A_2501 : vector<1xf32> to vector<1x1x1xf32>
    %reduce_sum3A_2503 = vector.extract %reduce_sum3A_2502[0, 0, 0] : f32 from vector<1x1x1xf32>
    %div3A_2504 = arith.divf %reduce_sum3A_2503, %max3A_2497 : f32
    %mul3A_2505 = arith.mulf %convert_element_type3A_2490, %max3A_54 : vector<782x128xf32>
    %reduce_sum3A_2506 = vector.shape_cast %mul3A_2505 : vector<782x128xf32> to vector<1x782x128xf32>
    %reduce_sum3A_2507 = arith.constant dense<0.000000e+00> : vector<1xf32>
    %reduce_sum3A_2508 = vector.multi_reduction <add>, %reduce_sum3A_2506, %reduce_sum3A_2507 [1, 2] : vector<1x782x128xf32> to vector<1xf32>
    %reduce_sum3A_2509 = vector.shape_cast %reduce_sum3A_2508 : vector<1xf32> to vector<1x1x1xf32>
    %reduce_sum3A_2510 = vector.extract %reduce_sum3A_2509[0, 0, 0] : f32 from vector<1x1x1xf32>
    %div3A_2511 = arith.divf %reduce_sum3A_2510, %max3A_2497 : f32
    %max3A_2512 = arith.maximumf %div3A_2504, %div3A_2511 : f32
    %sub3A_2513 = arith.subf %div3A_2504, %max3A_2512 : f32
    %exp3A_2514 = math.exp %sub3A_2513 : f32
    %sub3A_2515 = arith.subf %div3A_2511, %max3A_2512 : f32
    %exp3A_2516 = math.exp %sub3A_2515 : f32
    %add3A_2517 = arith.addf %exp3A_2514, %exp3A_2516 : f32
    %log3A_2518 = math.log %add3A_2517 : f32
    %add3A_2519 = arith.addf %log3A_2518, %max3A_2512 : f32
    %sub3A_2520 = arith.subf %div3A_2504, %add3A_2519 : f32
    %swap3A_2521 = arith.constant 58 : index
    %swap3A_2522 = arith.constant 0 : index
    %swap3A_2523 = memref.load %arg5[%swap3A_2521, %swap3A_2522] : memref<64x2xf32, #tpu.memory_space<smem>>
    memref.store %sub3A_2520, %arg5[%swap3A_2521, %swap3A_2522] : memref<64x2xf32, #tpu.memory_space<smem>>
    %sub3A_2524 = arith.subf %div3A_2511, %add3A_2519 : f32
    %swap3A_2525 = arith.constant 58 : index
    %swap3A_2526 = arith.constant 1 : index
    %swap3A_2527 = memref.load %arg5[%swap3A_2525, %swap3A_2526] : memref<64x2xf32, #tpu.memory_space<smem>>
    memref.store %sub3A_2524, %arg5[%swap3A_2525, %swap3A_2526] : memref<64x2xf32, #tpu.memory_space<smem>>
    %eq3A_2528 = arith.constant 59 : i32
    %eq3A_2529 = vector.broadcast %eq3A_2528 : i32 to vector<782x128xi32>
    %eq3A_2530 = arith.cmpi eq, %get3A_57, %eq3A_2529 : vector<782x128xi32>
    %convert_element_type3A_2531 = arith.extui %eq3A_2530 : vector<782x128xi1> to vector<782x128xi32>
    %convert_element_type3A_2532 = arith.sitofp %convert_element_type3A_2531 : vector<782x128xi32> to vector<782x128xf32>
    %reduce_sum3A_2533 = vector.shape_cast %convert_element_type3A_2532 : vector<782x128xf32> to vector<1x782x128xf32>
    %reduce_sum3A_2534 = arith.constant dense<0.000000e+00> : vector<1xf32>
    %reduce_sum3A_2535 = vector.multi_reduction <add>, %reduce_sum3A_2533, %reduce_sum3A_2534 [1, 2] : vector<1x782x128xf32> to vector<1xf32>
    %reduce_sum3A_2536 = vector.shape_cast %reduce_sum3A_2535 : vector<1xf32> to vector<1x1x1xf32>
    %reduce_sum3A_2537 = vector.extract %reduce_sum3A_2536[0, 0, 0] : f32 from vector<1x1x1xf32>
    %max3A_2538 = arith.constant 1.000000e+00 : f32
    %max3A_2539 = arith.maximumf %reduce_sum3A_2537, %max3A_2538 : f32
    %mul3A_2540 = arith.mulf %convert_element_type3A_2532, %max3A_26 : vector<782x128xf32>
    %reduce_sum3A_2541 = vector.shape_cast %mul3A_2540 : vector<782x128xf32> to vector<1x782x128xf32>
    %reduce_sum3A_2542 = arith.constant dense<0.000000e+00> : vector<1xf32>
    %reduce_sum3A_2543 = vector.multi_reduction <add>, %reduce_sum3A_2541, %reduce_sum3A_2542 [1, 2] : vector<1x782x128xf32> to vector<1xf32>
    %reduce_sum3A_2544 = vector.shape_cast %reduce_sum3A_2543 : vector<1xf32> to vector<1x1x1xf32>
    %reduce_sum3A_2545 = vector.extract %reduce_sum3A_2544[0, 0, 0] : f32 from vector<1x1x1xf32>
    %div3A_2546 = arith.divf %reduce_sum3A_2545, %max3A_2539 : f32
    %mul3A_2547 = arith.mulf %convert_element_type3A_2532, %max3A_54 : vector<782x128xf32>
    %reduce_sum3A_2548 = vector.shape_cast %mul3A_2547 : vector<782x128xf32> to vector<1x782x128xf32>
    %reduce_sum3A_2549 = arith.constant dense<0.000000e+00> : vector<1xf32>
    %reduce_sum3A_2550 = vector.multi_reduction <add>, %reduce_sum3A_2548, %reduce_sum3A_2549 [1, 2] : vector<1x782x128xf32> to vector<1xf32>
    %reduce_sum3A_2551 = vector.shape_cast %reduce_sum3A_2550 : vector<1xf32> to vector<1x1x1xf32>
    %reduce_sum3A_2552 = vector.extract %reduce_sum3A_2551[0, 0, 0] : f32 from vector<1x1x1xf32>
    %div3A_2553 = arith.divf %reduce_sum3A_2552, %max3A_2539 : f32
    %max3A_2554 = arith.maximumf %div3A_2546, %div3A_2553 : f32
    %sub3A_2555 = arith.subf %div3A_2546, %max3A_2554 : f32
    %exp3A_2556 = math.exp %sub3A_2555 : f32
    %sub3A_2557 = arith.subf %div3A_2553, %max3A_2554 : f32
    %exp3A_2558 = math.exp %sub3A_2557 : f32
    %add3A_2559 = arith.addf %exp3A_2556, %exp3A_2558 : f32
    %log3A_2560 = math.log %add3A_2559 : f32
    %add3A_2561 = arith.addf %log3A_2560, %max3A_2554 : f32
    %sub3A_2562 = arith.subf %div3A_2546, %add3A_2561 : f32
    %swap3A_2563 = arith.constant 59 : index
    %swap3A_2564 = arith.constant 0 : index
    %swap3A_2565 = memref.load %arg5[%swap3A_2563, %swap3A_2564] : memref<64x2xf32, #tpu.memory_space<smem>>
    memref.store %sub3A_2562, %arg5[%swap3A_2563, %swap3A_2564] : memref<64x2xf32, #tpu.memory_space<smem>>
    %sub3A_2566 = arith.subf %div3A_2553, %add3A_2561 : f32
    %swap3A_2567 = arith.constant 59 : index
    %swap3A_2568 = arith.constant 1 : index
    %swap3A_2569 = memref.load %arg5[%swap3A_2567, %swap3A_2568] : memref<64x2xf32, #tpu.memory_space<smem>>
    memref.store %sub3A_2566, %arg5[%swap3A_2567, %swap3A_2568] : memref<64x2xf32, #tpu.memory_space<smem>>
    %eq3A_2570 = arith.constant 60 : i32
    %eq3A_2571 = vector.broadcast %eq3A_2570 : i32 to vector<782x128xi32>
    %eq3A_2572 = arith.cmpi eq, %get3A_57, %eq3A_2571 : vector<782x128xi32>
    %convert_element_type3A_2573 = arith.extui %eq3A_2572 : vector<782x128xi1> to vector<782x128xi32>
    %convert_element_type3A_2574 = arith.sitofp %convert_element_type3A_2573 : vector<782x128xi32> to vector<782x128xf32>
    %reduce_sum3A_2575 = vector.shape_cast %convert_element_type3A_2574 : vector<782x128xf32> to vector<1x782x128xf32>
    %reduce_sum3A_2576 = arith.constant dense<0.000000e+00> : vector<1xf32>
    %reduce_sum3A_2577 = vector.multi_reduction <add>, %reduce_sum3A_2575, %reduce_sum3A_2576 [1, 2] : vector<1x782x128xf32> to vector<1xf32>
    %reduce_sum3A_2578 = vector.shape_cast %reduce_sum3A_2577 : vector<1xf32> to vector<1x1x1xf32>
    %reduce_sum3A_2579 = vector.extract %reduce_sum3A_2578[0, 0, 0] : f32 from vector<1x1x1xf32>
    %max3A_2580 = arith.constant 1.000000e+00 : f32
    %max3A_2581 = arith.maximumf %reduce_sum3A_2579, %max3A_2580 : f32
    %mul3A_2582 = arith.mulf %convert_element_type3A_2574, %max3A_26 : vector<782x128xf32>
    %reduce_sum3A_2583 = vector.shape_cast %mul3A_2582 : vector<782x128xf32> to vector<1x782x128xf32>
    %reduce_sum3A_2584 = arith.constant dense<0.000000e+00> : vector<1xf32>
    %reduce_sum3A_2585 = vector.multi_reduction <add>, %reduce_sum3A_2583, %reduce_sum3A_2584 [1, 2] : vector<1x782x128xf32> to vector<1xf32>
    %reduce_sum3A_2586 = vector.shape_cast %reduce_sum3A_2585 : vector<1xf32> to vector<1x1x1xf32>
    %reduce_sum3A_2587 = vector.extract %reduce_sum3A_2586[0, 0, 0] : f32 from vector<1x1x1xf32>
    %div3A_2588 = arith.divf %reduce_sum3A_2587, %max3A_2581 : f32
    %mul3A_2589 = arith.mulf %convert_element_type3A_2574, %max3A_54 : vector<782x128xf32>
    %reduce_sum3A_2590 = vector.shape_cast %mul3A_2589 : vector<782x128xf32> to vector<1x782x128xf32>
    %reduce_sum3A_2591 = arith.constant dense<0.000000e+00> : vector<1xf32>
    %reduce_sum3A_2592 = vector.multi_reduction <add>, %reduce_sum3A_2590, %reduce_sum3A_2591 [1, 2] : vector<1x782x128xf32> to vector<1xf32>
    %reduce_sum3A_2593 = vector.shape_cast %reduce_sum3A_2592 : vector<1xf32> to vector<1x1x1xf32>
    %reduce_sum3A_2594 = vector.extract %reduce_sum3A_2593[0, 0, 0] : f32 from vector<1x1x1xf32>
    %div3A_2595 = arith.divf %reduce_sum3A_2594, %max3A_2581 : f32
    %max3A_2596 = arith.maximumf %div3A_2588, %div3A_2595 : f32
    %sub3A_2597 = arith.subf %div3A_2588, %max3A_2596 : f32
    %exp3A_2598 = math.exp %sub3A_2597 : f32
    %sub3A_2599 = arith.subf %div3A_2595, %max3A_2596 : f32
    %exp3A_2600 = math.exp %sub3A_2599 : f32
    %add3A_2601 = arith.addf %exp3A_2598, %exp3A_2600 : f32
    %log3A_2602 = math.log %add3A_2601 : f32
    %add3A_2603 = arith.addf %log3A_2602, %max3A_2596 : f32
    %sub3A_2604 = arith.subf %div3A_2588, %add3A_2603 : f32
    %swap3A_2605 = arith.constant 60 : index
    %swap3A_2606 = arith.constant 0 : index
    %swap3A_2607 = memref.load %arg5[%swap3A_2605, %swap3A_2606] : memref<64x2xf32, #tpu.memory_space<smem>>
    memref.store %sub3A_2604, %arg5[%swap3A_2605, %swap3A_2606] : memref<64x2xf32, #tpu.memory_space<smem>>
    %sub3A_2608 = arith.subf %div3A_2595, %add3A_2603 : f32
    %swap3A_2609 = arith.constant 60 : index
    %swap3A_2610 = arith.constant 1 : index
    %swap3A_2611 = memref.load %arg5[%swap3A_2609, %swap3A_2610] : memref<64x2xf32, #tpu.memory_space<smem>>
    memref.store %sub3A_2608, %arg5[%swap3A_2609, %swap3A_2610] : memref<64x2xf32, #tpu.memory_space<smem>>
    %eq3A_2612 = arith.constant 61 : i32
    %eq3A_2613 = vector.broadcast %eq3A_2612 : i32 to vector<782x128xi32>
    %eq3A_2614 = arith.cmpi eq, %get3A_57, %eq3A_2613 : vector<782x128xi32>
    %convert_element_type3A_2615 = arith.extui %eq3A_2614 : vector<782x128xi1> to vector<782x128xi32>
    %convert_element_type3A_2616 = arith.sitofp %convert_element_type3A_2615 : vector<782x128xi32> to vector<782x128xf32>
    %reduce_sum3A_2617 = vector.shape_cast %convert_element_type3A_2616 : vector<782x128xf32> to vector<1x782x128xf32>
    %reduce_sum3A_2618 = arith.constant dense<0.000000e+00> : vector<1xf32>
    %reduce_sum3A_2619 = vector.multi_reduction <add>, %reduce_sum3A_2617, %reduce_sum3A_2618 [1, 2] : vector<1x782x128xf32> to vector<1xf32>
    %reduce_sum3A_2620 = vector.shape_cast %reduce_sum3A_2619 : vector<1xf32> to vector<1x1x1xf32>
    %reduce_sum3A_2621 = vector.extract %reduce_sum3A_2620[0, 0, 0] : f32 from vector<1x1x1xf32>
    %max3A_2622 = arith.constant 1.000000e+00 : f32
    %max3A_2623 = arith.maximumf %reduce_sum3A_2621, %max3A_2622 : f32
    %mul3A_2624 = arith.mulf %convert_element_type3A_2616, %max3A_26 : vector<782x128xf32>
    %reduce_sum3A_2625 = vector.shape_cast %mul3A_2624 : vector<782x128xf32> to vector<1x782x128xf32>
    %reduce_sum3A_2626 = arith.constant dense<0.000000e+00> : vector<1xf32>
    %reduce_sum3A_2627 = vector.multi_reduction <add>, %reduce_sum3A_2625, %reduce_sum3A_2626 [1, 2] : vector<1x782x128xf32> to vector<1xf32>
    %reduce_sum3A_2628 = vector.shape_cast %reduce_sum3A_2627 : vector<1xf32> to vector<1x1x1xf32>
    %reduce_sum3A_2629 = vector.extract %reduce_sum3A_2628[0, 0, 0] : f32 from vector<1x1x1xf32>
    %div3A_2630 = arith.divf %reduce_sum3A_2629, %max3A_2623 : f32
    %mul3A_2631 = arith.mulf %convert_element_type3A_2616, %max3A_54 : vector<782x128xf32>
    %reduce_sum3A_2632 = vector.shape_cast %mul3A_2631 : vector<782x128xf32> to vector<1x782x128xf32>
    %reduce_sum3A_2633 = arith.constant dense<0.000000e+00> : vector<1xf32>
    %reduce_sum3A_2634 = vector.multi_reduction <add>, %reduce_sum3A_2632, %reduce_sum3A_2633 [1, 2] : vector<1x782x128xf32> to vector<1xf32>
    %reduce_sum3A_2635 = vector.shape_cast %reduce_sum3A_2634 : vector<1xf32> to vector<1x1x1xf32>
    %reduce_sum3A_2636 = vector.extract %reduce_sum3A_2635[0, 0, 0] : f32 from vector<1x1x1xf32>
    %div3A_2637 = arith.divf %reduce_sum3A_2636, %max3A_2623 : f32
    %max3A_2638 = arith.maximumf %div3A_2630, %div3A_2637 : f32
    %sub3A_2639 = arith.subf %div3A_2630, %max3A_2638 : f32
    %exp3A_2640 = math.exp %sub3A_2639 : f32
    %sub3A_2641 = arith.subf %div3A_2637, %max3A_2638 : f32
    %exp3A_2642 = math.exp %sub3A_2641 : f32
    %add3A_2643 = arith.addf %exp3A_2640, %exp3A_2642 : f32
    %log3A_2644 = math.log %add3A_2643 : f32
    %add3A_2645 = arith.addf %log3A_2644, %max3A_2638 : f32
    %sub3A_2646 = arith.subf %div3A_2630, %add3A_2645 : f32
    %swap3A_2647 = arith.constant 61 : index
    %swap3A_2648 = arith.constant 0 : index
    %swap3A_2649 = memref.load %arg5[%swap3A_2647, %swap3A_2648] : memref<64x2xf32, #tpu.memory_space<smem>>
    memref.store %sub3A_2646, %arg5[%swap3A_2647, %swap3A_2648] : memref<64x2xf32, #tpu.memory_space<smem>>
    %sub3A_2650 = arith.subf %div3A_2637, %add3A_2645 : f32
    %swap3A_2651 = arith.constant 61 : index
    %swap3A_2652 = arith.constant 1 : index
    %swap3A_2653 = memref.load %arg5[%swap3A_2651, %swap3A_2652] : memref<64x2xf32, #tpu.memory_space<smem>>
    memref.store %sub3A_2650, %arg5[%swap3A_2651, %swap3A_2652] : memref<64x2xf32, #tpu.memory_space<smem>>
    %eq3A_2654 = arith.constant 62 : i32
    %eq3A_2655 = vector.broadcast %eq3A_2654 : i32 to vector<782x128xi32>
    %eq3A_2656 = arith.cmpi eq, %get3A_57, %eq3A_2655 : vector<782x128xi32>
    %convert_element_type3A_2657 = arith.extui %eq3A_2656 : vector<782x128xi1> to vector<782x128xi32>
    %convert_element_type3A_2658 = arith.sitofp %convert_element_type3A_2657 : vector<782x128xi32> to vector<782x128xf32>
    %reduce_sum3A_2659 = vector.shape_cast %convert_element_type3A_2658 : vector<782x128xf32> to vector<1x782x128xf32>
    %reduce_sum3A_2660 = arith.constant dense<0.000000e+00> : vector<1xf32>
    %reduce_sum3A_2661 = vector.multi_reduction <add>, %reduce_sum3A_2659, %reduce_sum3A_2660 [1, 2] : vector<1x782x128xf32> to vector<1xf32>
    %reduce_sum3A_2662 = vector.shape_cast %reduce_sum3A_2661 : vector<1xf32> to vector<1x1x1xf32>
    %reduce_sum3A_2663 = vector.extract %reduce_sum3A_2662[0, 0, 0] : f32 from vector<1x1x1xf32>
    %max3A_2664 = arith.constant 1.000000e+00 : f32
    %max3A_2665 = arith.maximumf %reduce_sum3A_2663, %max3A_2664 : f32
    %mul3A_2666 = arith.mulf %convert_element_type3A_2658, %max3A_26 : vector<782x128xf32>
    %reduce_sum3A_2667 = vector.shape_cast %mul3A_2666 : vector<782x128xf32> to vector<1x782x128xf32>
    %reduce_sum3A_2668 = arith.constant dense<0.000000e+00> : vector<1xf32>
    %reduce_sum3A_2669 = vector.multi_reduction <add>, %reduce_sum3A_2667, %reduce_sum3A_2668 [1, 2] : vector<1x782x128xf32> to vector<1xf32>
    %reduce_sum3A_2670 = vector.shape_cast %reduce_sum3A_2669 : vector<1xf32> to vector<1x1x1xf32>
    %reduce_sum3A_2671 = vector.extract %reduce_sum3A_2670[0, 0, 0] : f32 from vector<1x1x1xf32>
    %div3A_2672 = arith.divf %reduce_sum3A_2671, %max3A_2665 : f32
    %mul3A_2673 = arith.mulf %convert_element_type3A_2658, %max3A_54 : vector<782x128xf32>
    %reduce_sum3A_2674 = vector.shape_cast %mul3A_2673 : vector<782x128xf32> to vector<1x782x128xf32>
    %reduce_sum3A_2675 = arith.constant dense<0.000000e+00> : vector<1xf32>
    %reduce_sum3A_2676 = vector.multi_reduction <add>, %reduce_sum3A_2674, %reduce_sum3A_2675 [1, 2] : vector<1x782x128xf32> to vector<1xf32>
    %reduce_sum3A_2677 = vector.shape_cast %reduce_sum3A_2676 : vector<1xf32> to vector<1x1x1xf32>
    %reduce_sum3A_2678 = vector.extract %reduce_sum3A_2677[0, 0, 0] : f32 from vector<1x1x1xf32>
    %div3A_2679 = arith.divf %reduce_sum3A_2678, %max3A_2665 : f32
    %max3A_2680 = arith.maximumf %div3A_2672, %div3A_2679 : f32
    %sub3A_2681 = arith.subf %div3A_2672, %max3A_2680 : f32
    %exp3A_2682 = math.exp %sub3A_2681 : f32
    %sub3A_2683 = arith.subf %div3A_2679, %max3A_2680 : f32
    %exp3A_2684 = math.exp %sub3A_2683 : f32
    %add3A_2685 = arith.addf %exp3A_2682, %exp3A_2684 : f32
    %log3A_2686 = math.log %add3A_2685 : f32
    %add3A_2687 = arith.addf %log3A_2686, %max3A_2680 : f32
    %sub3A_2688 = arith.subf %div3A_2672, %add3A_2687 : f32
    %swap3A_2689 = arith.constant 62 : index
    %swap3A_2690 = arith.constant 0 : index
    %swap3A_2691 = memref.load %arg5[%swap3A_2689, %swap3A_2690] : memref<64x2xf32, #tpu.memory_space<smem>>
    memref.store %sub3A_2688, %arg5[%swap3A_2689, %swap3A_2690] : memref<64x2xf32, #tpu.memory_space<smem>>
    %sub3A_2692 = arith.subf %div3A_2679, %add3A_2687 : f32
    %swap3A_2693 = arith.constant 62 : index
    %swap3A_2694 = arith.constant 1 : index
    %swap3A_2695 = memref.load %arg5[%swap3A_2693, %swap3A_2694] : memref<64x2xf32, #tpu.memory_space<smem>>
    memref.store %sub3A_2692, %arg5[%swap3A_2693, %swap3A_2694] : memref<64x2xf32, #tpu.memory_space<smem>>
    %eq3A_2696 = arith.constant 63 : i32
    %eq3A_2697 = vector.broadcast %eq3A_2696 : i32 to vector<782x128xi32>
    %eq3A_2698 = arith.cmpi eq, %get3A_57, %eq3A_2697 : vector<782x128xi32>
    %convert_element_type3A_2699 = arith.extui %eq3A_2698 : vector<782x128xi1> to vector<782x128xi32>
    %convert_element_type3A_2700 = arith.sitofp %convert_element_type3A_2699 : vector<782x128xi32> to vector<782x128xf32>
    %reduce_sum3A_2701 = vector.shape_cast %convert_element_type3A_2700 : vector<782x128xf32> to vector<1x782x128xf32>
    %reduce_sum3A_2702 = arith.constant dense<0.000000e+00> : vector<1xf32>
    %reduce_sum3A_2703 = vector.multi_reduction <add>, %reduce_sum3A_2701, %reduce_sum3A_2702 [1, 2] : vector<1x782x128xf32> to vector<1xf32>
    %reduce_sum3A_2704 = vector.shape_cast %reduce_sum3A_2703 : vector<1xf32> to vector<1x1x1xf32>
    %reduce_sum3A_2705 = vector.extract %reduce_sum3A_2704[0, 0, 0] : f32 from vector<1x1x1xf32>
    %max3A_2706 = arith.constant 1.000000e+00 : f32
    %max3A_2707 = arith.maximumf %reduce_sum3A_2705, %max3A_2706 : f32
    %mul3A_2708 = arith.mulf %convert_element_type3A_2700, %max3A_26 : vector<782x128xf32>
    %reduce_sum3A_2709 = vector.shape_cast %mul3A_2708 : vector<782x128xf32> to vector<1x782x128xf32>
    %reduce_sum3A_2710 = arith.constant dense<0.000000e+00> : vector<1xf32>
    %reduce_sum3A_2711 = vector.multi_reduction <add>, %reduce_sum3A_2709, %reduce_sum3A_2710 [1, 2] : vector<1x782x128xf32> to vector<1xf32>
    %reduce_sum3A_2712 = vector.shape_cast %reduce_sum3A_2711 : vector<1xf32> to vector<1x1x1xf32>
    %reduce_sum3A_2713 = vector.extract %reduce_sum3A_2712[0, 0, 0] : f32 from vector<1x1x1xf32>
    %div3A_2714 = arith.divf %reduce_sum3A_2713, %max3A_2707 : f32
    %mul3A_2715 = arith.mulf %convert_element_type3A_2700, %max3A_54 : vector<782x128xf32>
    %reduce_sum3A_2716 = vector.shape_cast %mul3A_2715 : vector<782x128xf32> to vector<1x782x128xf32>
    %reduce_sum3A_2717 = arith.constant dense<0.000000e+00> : vector<1xf32>
    %reduce_sum3A_2718 = vector.multi_reduction <add>, %reduce_sum3A_2716, %reduce_sum3A_2717 [1, 2] : vector<1x782x128xf32> to vector<1xf32>
    %reduce_sum3A_2719 = vector.shape_cast %reduce_sum3A_2718 : vector<1xf32> to vector<1x1x1xf32>
    %reduce_sum3A_2720 = vector.extract %reduce_sum3A_2719[0, 0, 0] : f32 from vector<1x1x1xf32>
    %div3A_2721 = arith.divf %reduce_sum3A_2720, %max3A_2707 : f32
    %max3A_2722 = arith.maximumf %div3A_2714, %div3A_2721 : f32
    %sub3A_2723 = arith.subf %div3A_2714, %max3A_2722 : f32
    %exp3A_2724 = math.exp %sub3A_2723 : f32
    %sub3A_2725 = arith.subf %div3A_2721, %max3A_2722 : f32
    %exp3A_2726 = math.exp %sub3A_2725 : f32
    %add3A_2727 = arith.addf %exp3A_2724, %exp3A_2726 : f32
    %log3A_2728 = math.log %add3A_2727 : f32
    %add3A_2729 = arith.addf %log3A_2728, %max3A_2722 : f32
    %sub3A_2730 = arith.subf %div3A_2714, %add3A_2729 : f32
    %swap3A_2731 = arith.constant 63 : index
    %swap3A_2732 = arith.constant 0 : index
    %swap3A_2733 = memref.load %arg5[%swap3A_2731, %swap3A_2732] : memref<64x2xf32, #tpu.memory_space<smem>>
    memref.store %sub3A_2730, %arg5[%swap3A_2731, %swap3A_2732] : memref<64x2xf32, #tpu.memory_space<smem>>
    %sub3A_2734 = arith.subf %div3A_2721, %add3A_2729 : f32
    %swap3A_2735 = arith.constant 63 : index
    %swap3A_2736 = arith.constant 1 : index
    %swap3A_2737 = memref.load %arg5[%swap3A_2735, %swap3A_2736] : memref<64x2xf32, #tpu.memory_space<smem>>
    memref.store %sub3A_2734, %arg5[%swap3A_2735, %swap3A_2736] : memref<64x2xf32, #tpu.memory_space<smem>>
    return
  }
}

</mosaic_0001>

<sc_bundles>
// kernel: kernel.11.cloned.1.call-start
scs
__scs_entry_jumppad:
0x0: {  	(pc) =	sbr.rel $0x88, $3  }
0x1: {  	(tag) =	ssettag $0x0;
	lr =	simm.s32 $0x1  }
0x2: {  	[smem:$0x3F9A] =	sst lr;
	_ =	strace $0xD0000000  }
0x3: {  	_ = 	snop  }
0x4: {  	_ = 	snop  }
0x5: {  	_ = 	snop  }
0x6: {  	_ = 	snop  }
0x7: {  	_ = 	snop  }
__scs_overlays_trampoline_lowered:
0x8: {  	[smem:$0x3FA9] =	sst s0  }
0x9: {  	[smem:$0x3FAA] =	sst s1  }
0xa: {  	[smem:$0x3FAB] =	sst s2  }
0xb: {  	[smem:$0x3FAC] =	sst s3  }
0xc: {  	[smem:$0x3FAD] =	sst s4  }
0xd: {  	[smem:$0x3FAE] =	sst s5  }
0xe: {  	[smem:$0x3FAF] =	sst s6  }
0xf: {  	[smem:$0x3FB0] =	sst s7  }
0x10: {  	[smem:$0x3FB1] =	sst s8  }
0x11: {  	[smem:$0x3FB2] =	sst s9;
	s0 =	simm.s32 @!p0 $0x0  }
0x12: {  	s1 =	sld [smem:$0x3F98];
	s0 =	simm.s32 @p0 $0x1  }
0x13: {  	[smem:$0x3FB3] =	sst s0;
	s0 =	simm.s32 @!p1 $0x0  }
0x14: {  	s2 =	sld [smem:$0x3F97];
	s0 =	simm.s32 @p1 $0x1  }
0x15: {  	[smem:$0x3FB4] =	sst s0;
	s0 =	simm.s32 @!p2 $0x0  }
0x16: {  	s3 =	sld [smem:$0x3FDB];
	s0 =	simm.s32 @p2 $0x1  }
0x17: {  	s4 =	simm.s32 $0x1BF5;
	[smem:$0x3FB6] =	sst s0  }
0x18: {  	s0 =	sld [smem:$0x3F99];
	_ =	swait.ge [sflag:s4], $0x0  }
0x19: {  	s7 =	sld [smem:$0x3F9A]  }
0x1a: {  	s8 =	sadd.s32 $0xFFFFE003, lr  }
0x1b: {  	s9 =	sadd.s32 $0xFFFFFEF7, lr;
	s5 =	simm.s32 $0xFFFFFFFF;
	p2 =	slt.u32 s8, $0xFFFFF086  }
0x1c: {  	p1 =	slt.u32 s9, $0xF7A;
	s5 =	simm.s32 @!p2 $0x0  }
0x1d: {  	s5 =	simm.s32 @p1 $0x1;
	p0 =	seq.s32 s7, s2  }
0x1e: {  	s7 =	smul.u32 @!p0 $0xF7A, s2;
	p2 =	seq.s32 @!p0 s5, $0x0  }
0x1f: {  	s9 =	smul.u32 $0xF7A, s1;
	s8 =	simm.s32 @!p0 $0x1BF5;
	p2 =	por !p2, p0  }
0x20: {  	[sflag:s8] =	ssyncset.s32 @!p0 $0xFFFFF086;
	s6 =	sadd.s32 @!p0 s3, s7;
	s7 =	simm.s32 @!p0 $0x108  }
0x21: {  	s3 =	sadd.s32 s3, s9;
	s6 =	sadd.s32 @!p0 $0x88, s6;
	s7 =	simm.s32 @p2 $0x1082  }
0x22: {  	[simem:s7], [sflag:s8] =	dma.local @!p0 [hbm:s6], $0xF7A  }
0x23: {  	s9 =	sor.u32 $0xD0000000, s2;
	s6 =	simm.s32 $0x108;
	_ =	swait.ge @!p0 [sflag:s8], $0x0  }
0x24: {  	s3 =	sadd.s32 $0x88, s3;
	s6 =	simm.s32 @!p1 $0x1082;
	[sflag:s4] =	ssyncset.s32 $0xFFFFF086  }
0x25: {  	[simem:s6], [sflag:s4] =	dma.local [hbm:s3], $0xF7A  }
0x26: {  	[smem:$0x3F9A] =	sst s1;
	(tag) =	ssettag s2;
	_ =	strace s9  }
0x27: {  	s1 =	sld [smem:$0x3FAA]  }
0x28: {  	s2 =	sld [smem:$0x3FAB]  }
0x29: {  	s4 =	sld [smem:$0x3FAD]  }
0x2a: {  	p0 =	seq.s32 s5, $0x0;
	s5 =	sld [smem:$0x3FAE]  }
0x2b: {  	s6 =	sld [smem:$0x3FAF]  }
0x2c: {  	s7 =	sld [smem:$0x3FB0]  }
0x2d: {  	s3 =	simm.s32 $0x108;
	s8 =	sld [smem:$0x3FB1]  }
0x2e: {  	s3 =	simm.s32 @!p0 $0x1082;
	s9 =	sld [smem:$0x3FB2]  }
0x2f: {  	lr =	sadd.s32 s0, s3;
	s0 =	sld [smem:$0x3FA9]  }
0x30: {  	s3 =	sld [smem:$0x3FAC]  }
0x31: {  	[smem:$0x3FB5] =	sst s10  }
0x32: {  	s10 =	sld [smem:$0x3FB3];
	_ =	sdelay $0x3  }
0x33: {  	p0 =	seq.s32 s10, $0x1;
	s10 =	sld [smem:$0x3FB5];
	_ =	sdelay $0x3  }
0x34: {  	[smem:$0x3FB5] =	sst s10  }
0x35: {  	s10 =	sld [smem:$0x3FB4];
	_ =	sdelay $0x3  }
0x36: {  	p1 =	seq.s32 s10, $0x1;
	s10 =	sld [smem:$0x3FB5];
	_ =	sdelay $0x3  }
0x37: {  	[smem:$0x3FB5] =	sst s10  }
0x38: {  	s10 =	sld [smem:$0x3FB6]  }
0x39: {  	_ = 	snop;
	(pc) =	sbr.ind lr, $3  }
0x3a: {  	_ = 	snop  }
0x3b: {  	_ = 	snop  }
0x3c: {  	p2 =	seq.s32 s10, $0x1;
	s10 =	sld [smem:$0x3FB5]  }
0x3d: {  	_ =	shalt  }
0x3e: {  	_ =	shalt  }
0x3f: {  	_ =	shalt  }
0x40: {  	_ =	shalt  }
0x41: {  	_ =	shalt  }
0x42: {  	_ =	shalt  }
0x43: {  	_ =	shalt  }
0x44: {  	_ =	shalt  }
0x45: {  	_ =	shalt  }
0x46: {  	_ =	shalt  }
0x47: {  	_ =	shalt  }
0x48: {  	_ =	shalt  }
0x49: {  	_ =	shalt  }
0x4a: {  	_ =	shalt  }
0x4b: {  	_ =	shalt  }
0x4c: {  	_ =	shalt  }
0x4d: {  	_ =	shalt  }
0x4e: {  	_ =	shalt  }
0x4f: {  	_ =	shalt  }
0x50: {  	_ =	shalt  }
0x51: {  	_ =	shalt  }
0x52: {  	_ =	shalt  }
0x53: {  	_ =	shalt  }
0x54: {  	_ =	shalt  }
0x55: {  	_ =	shalt  }
0x56: {  	_ =	shalt  }
0x57: {  	_ =	shalt  }
0x58: {  	_ =	shalt  }
0x59: {  	_ =	shalt  }
0x5a: {  	_ =	shalt  }
0x5b: {  	_ =	shalt  }
0x5c: {  	_ =	shalt  }
0x5d: {  	_ =	shalt  }
0x5e: {  	_ =	shalt  }
0x5f: {  	_ =	shalt  }
0x60: {  	_ =	shalt  }
0x61: {  	_ =	shalt  }
0x62: {  	_ =	shalt  }
0x63: {  	_ =	shalt  }
0x64: {  	_ =	shalt  }
0x65: {  	_ =	shalt  }
0x66: {  	_ =	shalt  }
0x67: {  	_ =	shalt  }
0x68: {  	_ =	shalt  }
0x69: {  	_ =	shalt  }
0x6a: {  	_ =	shalt  }
0x6b: {  	_ =	shalt  }
0x6c: {  	_ =	shalt  }
0x6d: {  	_ =	shalt  }
0x6e: {  	_ =	shalt  }
0x6f: {  	_ =	shalt  }
0x70: {  	_ =	shalt  }
0x71: {  	_ =	shalt  }
0x72: {  	_ =	shalt  }
0x73: {  	_ =	shalt  }
0x74: {  	_ =	shalt  }
0x75: {  	_ =	shalt  }
0x76: {  	_ =	shalt  }
0x77: {  	_ =	shalt  }
0x78: {  	_ =	shalt  }
0x79: {  	_ =	shalt  }
0x7a: {  	_ =	shalt  }
0x7b: {  	_ =	shalt  }
0x7c: {  	_ =	shalt  }
0x7d: {  	_ =	shalt  }
0x7e: {  	_ =	shalt  }
0x7f: {  	_ =	shalt  }
0x80: {  	_ =	shalt  }
0x81: {  	_ =	shalt  }
0x82: {  	_ =	shalt  }
0x83: {  	_ =	shalt  }
0x84: {  	_ =	shalt  }
0x85: {  	_ =	shalt  }
0x86: {  	_ =	shalt  }
0x87: {  	_ =	shalt  }
.Lfunc_end0:
.L_simem_size_0:
called_computation.1_lowered:
.L_overlay_start_0:
0x88: {  	s2 =	sld [smem:$0x3FD9]  }
0x89: {  	s3 =	sld [smem:$0x3FFE];
	_ =	sdelay $0x1  }
0x8a: {  	s1 =	srdreg.scid  }
0x8b: {  	s0 =	sand.u32 $0x1, s1  }
0x8c: {  	s16 =	sshll.u32 s0, $0xA;
	s2 =	sadd.s32 s3, s2  }
0x8d: {  	s2 =	sadd.s32 s2, s16  }
0x8e: {  	[smem:$0x3FC1] =	sst s2  }
0x8f: {  	_ = 	snop  }
0x90: {  	(tm) =	ssettm $0x1  }
0x91: {  	s17 =	sld [smem:$0x3FFB];
	_ =	sdelay $0x3  }
0x92: {  	_ =	strace s17  }
0x93: {  	s2 =	sld [smem:$0x3FFC];
	_ =	sdelay $0x3  }
0x94: {  	_ =	strace s2  }
0x95: {  	s2 =	sld [smem:$0x3FFD];
	_ =	sdelay $0x3  }
0x96: {  	_ =	strace s2  }
0x97: {  	_ =	strace $0x8FFFFFFF  }
0x98: {  	s18 =	sld [smem:$0x3FDB];
	_ =	sdelay $0x1  }
0x99: {  	s19 =	simm.s32 $_scs_section_size  }
0x9a: {  	s4 =	simm.s32 $_size__tile_overlayer_lowered;
	s5 =	simm.s32 $_tile_overlayer_lowered  }
0x9b: {  	s22 =	simm.s32 $0x1BFF;
	s21 =	sshll.u32 s5, $0x1;
	s2 =	sadd.s32 s19, s18  }
0x9c: {  	s6 =	simm.s32 $0x0;
	s20 =	sshll.u32 s4, $0x1;
	s4 =	sadd.s32 s21, s2  }
0x9d: {  	[timem:s6], [sflag:s22] =	dma.local [hbm:s4], s20  }
0x9e: {  	_ =	swait.ge [sflag:s22], s20  }
0x9f: {  	s3 =	ssub.s32 $0x0, s20;
	[sflag:s22] =	ssyncset.done $0x0  }
0xa0: {  	[sflag:s22] =	ssyncadd.s32 s3;
	_ =	sdelay $0x1  }
0xa1: {  	s23 =	simm.s32 $0x1B8B  }
0xa2: {  	_ =	swait.ge [sflag:s23], $0x1  }
0xa3: {  	[sflag:s23] =	ssyncset.done $0x0  }
0xa4: {  	s25 =	simm.s32 $0x1B8E;
	s24 =	sld [smem:$0x3FFE];
	[sflag:s23] =	ssyncadd.s32 $0xFFFFFFFF  }
0xa5: {  	s26 =	simm.s32 $execute0_lowered;
	[smem:$0x3FD2] =	sst s25  }
0xa6: {  	s4 =	sshll.u32 s26, $0x1;
	_ =	strace $0x80000049;
	[dreg:$0x1] =	wrdreg $0xFFFFFFFF  }
0xa7: {  	s28 =	simm.s32 $_size_execute0_lowered;
	s2 =	sadd.s32 s2, s4;
	[dreg:$0x0] =	wrdreg $0x0  }
0xa8: {  	s4 =	sshll.u32 s28, $0x1;
	[dreg:$0x2] =	wrdreg s2  }
0xa9: {  	[dreg:$0x3] =	wrdreg s4  }
0xaa: {  	[dreg:$0x4] =	wrdreg $0xC0  }
0xab: {  	_ =	task [dreg:s6], $0x5FFFF  }
0xac: {  	[dreg:$0x1] =	wrdreg $0xFFFFFFFF  }
0xad: {  	[dreg:$0x0] =	wrdreg $0x60  }
0xae: {  	[dreg:$0x2] =	wrdreg s24  }
0xaf: {  	[dreg:$0x3] =	wrdreg $0x0  }
0xb0: {  	[dreg:$0x4] =	wrdreg $0x18700  }
0xb1: {  	[dreg:$0x5] =	wrdreg $0x9  }
0xb2: {  	_ =	task.clear_ibuf [dreg:s6], $0x6FFFF;
	_ =	strace $0x90000049  }
0xb3: {  	s29 =	simm.s32 $0x9;
	_ =	strace $0x8000004B  }
0xb4: {  	_ =	swait.ge [sflag:s29], $0x1  }
0xb5: {  	[sflag:s29] =	ssyncadd.s32 $0xFFFFFFFF  }
0xb6: {  	_ =	strace $0x9000004B  }
0xb7: {  	_ =	sfence  }
0xb8: {  	s30 =	sld [smem:$0x0];
	_ =	sdelay $0x2  }
0xb9: {  	s31 =	sshll.u32 s1, $0xD;
	s1 =	sshrl.u32 s1, $0x2  }
0xba: {  	s3 =	sand.u32 $0x4000, s31;
	s1 =	sadd.s32 s1, s30  }
0xbb: {  	s0 =	sor.u32 s3, s0;
	s1 =	sshll.u32 s1, $0x11  }
0xbc: {  	s0 =	sor.u32 s1, s0  }
0xbd: {  	s0 =	sadd.s32 $0x8F2B, s0  }
0xbe: {  	[sflag:s0] =	ssyncadd.remote.s32 $0x1  }
0xbf: {  	_ =	sfence.sel $0xFFFF  }
0xc0: {  	[dreg:$0x0] =	wrdreg $0xFFFFFFFF;
	(pc) =	sbr.abs _section_cstart, $3  }
0xc1: {  	[dreg:$0x1] =	wrdreg $0xFFFFFFFF  }
0xc2: {  	_ =	task.clear_ibuf [dreg:s6], $0x2FFFF;
	_ =	strace $0x9FFFFFFF  }
0xc3: {  	(tm) =	ssettm $0x7FFFFFFF  }
tec
execute0_lowered:
.L_overlay_start_1:
0x0: {  	(tag) =	ssettag $0x1  }
0x1: {  	s0 =	rddreg [dreg:$0x0]  }
0x2: {  	s2 =	rddreg [dreg:$0x1]  }
0x3: {  	s3 =	rddreg [dreg:$0x2]  }
0x4: {  	s13 =	stileid.u32;
	s1 =	srdreg.scid  }
0x5: {  	s4 =	simm.s32 $0x0;
	s28 =	simm.s32 $0x2710;
	s29 =	simm.s32 $0xCEE0  }
0x6: {  	s30 =	simm.s32 $0x2;
	s31 =	simm.s32 $0x0;
	s7 =	smul.u32 $0x1870, s13  }
0x7: {  	s1 =	sand.u32 $0x1, s1;
	[smem:$0x7FF] =	sst s4;
	s5 =	sadd.s32 $0x63600, s0  }
0x8: {  	s6 =	sadd.s32 $0x1A00, s0;
	s8 =	smul.u32 $0x18700, s1;
	_ =	strace $0x8000004A  }
0x9: {  	s9 =	sshll.u32 s1, $0x4;
	s20 =	ssub.s32 $0x2, s1;
	s1 =	smul.u32 $0x186A00, s1  }
0xa: {  	s9 =	sor.u32 s13, s9;
	s10 =	sshrl.u32 s7, $0x3;
	s21 =	sshrl.u32 s20, $0x1  }
0xb: {  	s13 =	smul.u32 $0x186A0, s13;
	s24 =	sadd.s32 s7, s2;
	s8 =	sadd.s32 s7, s8  }
0xc: {  	s9 =	smul.u32 $0x186A0, s9;
	s11 =	sadd.s32 s10, s0;
	[dreg:$0x7] =	wrdreg s24  }
0xd: {  	s24 =	simm.s32 $0x7FE0;
	s8 =	sshrl.u32 s8, $0x3;
	s23 =	sadd.s32 $0xC8400, s11  }
0xe: {  	s11 =	sadd.s32 $0xC5200, s11;
	s1 =	sadd.s32 s13, s1;
	s0 =	sadd.s32 s8, s0  }
0xf: {  	s12 =	sshrl.u32 s9, $0x3;
	s8 =	ssub.s32 s20, s21;
	[dreg:$0x6] =	wrdreg s23  }
0x10: {  	s25 =	sadd.s32 $0x2710, s1;
	s17 =	sadd.s32 $0x4E20, s1;
	s20 =	simm.s32 $0x30E0  }
0x11: {  	s21 =	simm.s32 $0x5860;
	s23 =	simm.s32 $0x3;
	s9 =	sadd.s32 s5, s12  }
0x12: {  	s22 =	sadd.s32 s6, s12;
	s14 =	sadd.s32 $0x2BF2, s12;
	s12 =	sadd.s32 s7, s3  }
0x13: {  	s15 =	sadd.s32 $0xCB600, s0;
	s26 =	sshrl.u32 s25, $0x3;
	[dreg:$0x4] =	wrdreg s9  }
0x14: {  	s16 =	smax.u32 s8, $0x1;
	s25 =	simm.s32 $0xA760;
	[dreg:$0x5] =	wrdreg s22  }
0x15: {  	s13 =	sadd.s32 s5, s14;
	s14 =	sadd.s32 s6, s14;
	s18 =	sadd.s32 s26, s6  }
0x16: {  	s19 =	sadd.s32 s26, s5;
	s22 =	simm.s32 $0xF660;
	s26 =	simm.s32 $0x1  }
.LBB2_1:
0x17: {  	s0 =	rddreg [dreg:$0x4]  }
0x18: {  	[tilespmem:s20], [sflag:$0x1] =	stream.linear.gather [hbm4b:s0+s4], $0x2710, $0x38;
	[tilespmem:$0x10EE0] =	vst v63  }
0x19: {  	s10 =	rddreg [dreg:$0x5]  }
0x1a: {  	[tilespmem:s21], [sflag:$0x1] =	stream.linear.gather [hbm4b:s10+s4], $0x2710, $0x38;
	[tilespmem:$0x10EE0] =	vst v63  }
0x1b: {  	s1 =	rddreg [dreg:$0x6]  }
0x1c: {  	[tilespmem:s22], [sflag:$0x3] =	stream.linear.gather [hbm4b:s1+s4], $0x1870, $0x38;
	[tilespmem:$0x10EE0] =	vst v63  }
0x1d: {  	_ =	swait.ge [sflag:s23], $0x1870  }
0x1e: {  	[sflag:s23] =	ssyncset.done $0x0  }
0x1f: {  	s7 =	rddreg [dreg:$0x7];
	[sflag:s23] =	ssyncadd.s32 $0xFFFFE790  }
0x20: {  	[spmem:s7] =	stream.linear.scatter [tilespmem:s22], [sflag:$0x3], $0x1870, $0x38;
	[tilespmem:$0x10EE0] =	vst v63  }
0x21: {  	_ =	swait.ge [sflag:s23], $0x1870  }
0x22: {  	[sflag:s23] =	ssyncset.done $0x0  }
0x23: {  	[sflag:s23] =	ssyncadd.s32 $0xFFFFE790  }
0x24: {  	[tilespmem:s22], [sflag:$0x3] =	stream.linear.gather [hbm4b:s11+s4], $0x1870, $0x38;
	[tilespmem:$0x10EE0] =	vst v63  }
0x25: {  	_ =	swait.ge [sflag:s23], $0x1870  }
0x26: {  	[sflag:s23] =	ssyncset.done $0x0  }
0x27: {  	[sflag:s23] =	ssyncadd.s32 $0xFFFFE790  }
0x28: {  	[spmem:s12] =	stream.linear.scatter [tilespmem:s22], [sflag:$0x3], $0x1870, $0x38;
	[tilespmem:$0x10EE0] =	vst v63  }
0x29: {  	_ =	swait.ge [sflag:s23], $0x1870  }
0x2a: {  	[sflag:s23] =	ssyncset.done $0x0  }
0x2b: {  	[sflag:s23] =	ssyncadd.s32 $0xFFFFE790  }
0x2c: {  	s8 =	sadd.s32 $0x0, s19;
	[bflag:$0x0] =	sbarrier.arrive $0xFFFF  }
0x2d: {  	[tilespmem:s24], [sflag:$0x2] =	stream.linear.gather [hbm4b:s8+s4], $0x2710, $0x38;
	[tilespmem:$0x10EE0] =	vst v63  }
0x2e: {  	s9 =	sadd.s32 $0x0, s18  }
0x2f: {  	[tilespmem:s25], [sflag:$0x2] =	stream.linear.gather [hbm4b:s9+s4], $0x2710, $0x38;
	[tilespmem:$0x10EE0] =	vst v63  }
0x30: {  	_ =	swait.ge [sflag:s26], $0x2710  }
0x31: {  	[sflag:s26] =	ssyncset.done $0x0  }
0x32: {  	[sflag:s26] =	ssyncadd.s32 $0xFFFFD8F0  }
0x33: {  	_ =	swait.ge [sflag:s26], $0x2710  }
0x34: {  	[sflag:s26] =	ssyncset.done $0x0  }
0x35: {  	[sflag:s26] =	ssyncadd.s32 $0xFFFFD8F0  }
0x36: {  	[tilespmem:s29], [sflag:$0x3] =	stream.indirect.gather [spmem:s2], $0x1, s20, s28, $0xb8;
	[tilespmem:$0x10EE0] =	vst v63  }
0x37: {  	_ =	swait.ge [sflag:s23], $0x2710  }
0x38: {  	[sflag:s23] =	ssyncset.done $0x0  }
0x39: {  	[sflag:s23] =	ssyncadd.s32 $0xFFFFD8F0  }
0x3a: {  	[spmem:s3] =	stream.indirect.scatter.add.f32 [tilespmem:s29], [sflag:$0x3], $0x1, s21, s28, $0xb8;
	[tilespmem:$0x10EE0] =	vst v63  }
0x3b: {  	_ =	swait.ge [sflag:s23], $0x2710  }
0x3c: {  	s10 =	sshrl.u32 s17, $0x3;
	[sflag:s23] =	ssyncset.done $0x0  }
0x3d: {  	s1 =	sadd.s32 s5, s10;
	[sflag:s23] =	ssyncadd.s32 $0xFFFFD8F0  }
0x3e: {  	[tilespmem:s20], [sflag:$0x1] =	stream.linear.gather [hbm4b:s1+s4], $0x2710, $0x38;
	[tilespmem:$0x10EE0] =	vst v63  }
0x3f: {  	s0 =	sadd.s32 s6, s10  }
0x40: {  	[tilespmem:s21], [sflag:$0x1] =	stream.linear.gather [hbm4b:s0+s4], $0x2710, $0x38;
	[tilespmem:$0x10EE0] =	vst v63  }
0x41: {  	_ =	swait.ge [sflag:s30], $0x2710  }
0x42: {  	[sflag:s30] =	ssyncset.done $0x0  }
0x43: {  	[sflag:s30] =	ssyncadd.s32 $0xFFFFD8F0  }
0x44: {  	_ =	swait.ge [sflag:s30], $0x2710  }
0x45: {  	[sflag:s30] =	ssyncset.done $0x0  }
0x46: {  	[sflag:s30] =	ssyncadd.s32 $0xFFFFD8F0  }
0x47: {  	[tilespmem:s29], [sflag:$0x3] =	stream.indirect.gather [spmem:s2], $0x1, s24, s28, $0xb8;
	[tilespmem:$0x10EE0] =	vst v63  }
0x48: {  	_ =	swait.ge [sflag:s23], $0x2710  }
0x49: {  	[sflag:s23] =	ssyncset.done $0x0  }
0x4a: {  	[sflag:s23] =	ssyncadd.s32 $0xFFFFD8F0  }
0x4b: {  	[spmem:s3] =	stream.indirect.scatter.add.f32 [tilespmem:s29], [sflag:$0x3], $0x1, s25, s28, $0xb8;
	[tilespmem:$0x10EE0] =	vst v63  }
0x4c: {  	s7 =	simm.s32 $0x1388;
	_ =	swait.ge [sflag:s23], $0x2710  }
0x4d: {  	s1 =	simm.s32 $0x9C4;
	s0 =	sadd.s32 $0x4E20, s17;
	[sflag:s23] =	ssyncset.done $0x0  }
.LBB2_2:
0x4e: {  	s9 =	sadd.s32 s1, s19  }
0x4f: {  	[sflag:s23] =	ssyncadd.s32 $0xFFFFD8F0;
	s10 =	smov.u32 s7;
	s8 =	sadd.s32 $0x9C4, s7  }
0x50: {  	[tilespmem:s24], [sflag:$0x2] =	stream.linear.gather [hbm4b:s9+s4], $0x2710, $0x38;
	[tilespmem:$0x10EE0] =	vst v63  }
0x51: {  	p0 =	sne.s32 s7, $0x1D4C;
	s7 =	sadd.s32 s1, s18;
	s1 =	smov.u32 s10  }
0x52: {  	[tilespmem:s25], [sflag:$0x2] =	stream.linear.gather [hbm4b:s7+s4], $0x2710, $0x38;
	[tilespmem:$0x10EE0] =	vst v63  }
0x53: {  	_ =	swait.ge [sflag:s26], $0x2710  }
0x54: {  	[sflag:s26] =	ssyncset.done $0x0  }
0x55: {  	[sflag:s26] =	ssyncadd.s32 $0xFFFFD8F0  }
0x56: {  	_ =	swait.ge [sflag:s26], $0x2710  }
0x57: {  	[sflag:s26] =	ssyncset.done $0x0  }
0x58: {  	[sflag:s26] =	ssyncadd.s32 $0xFFFFD8F0  }
0x59: {  	[tilespmem:s29], [sflag:$0x3] =	stream.indirect.gather [spmem:s2], $0x1, s20, s28, $0xb8;
	[tilespmem:$0x10EE0] =	vst v63  }
0x5a: {  	_ =	swait.ge [sflag:s23], $0x2710  }
0x5b: {  	[sflag:s23] =	ssyncset.done $0x0  }
0x5c: {  	[sflag:s23] =	ssyncadd.s32 $0xFFFFD8F0  }
0x5d: {  	[spmem:s3] =	stream.indirect.scatter.add.f32 [tilespmem:s29], [sflag:$0x3], $0x1, s21, s28, $0xb8;
	[tilespmem:$0x10EE0] =	vst v63  }
0x5e: {  	_ =	swait.ge [sflag:s23], $0x2710  }
0x5f: {  	s7 =	sshrl.u32 s0, $0x3;
	[sflag:s23] =	ssyncset.done $0x0  }
0x60: {  	s9 =	sadd.s32 s5, s7;
	[sflag:s23] =	ssyncadd.s32 $0xFFFFD8F0  }
0x61: {  	[tilespmem:s20], [sflag:$0x1] =	stream.linear.gather [hbm4b:s9+s4], $0x2710, $0x38;
	[tilespmem:$0x10EE0] =	vst v63  }
0x62: {  	s7 =	sadd.s32 s6, s7  }
0x63: {  	[tilespmem:s21], [sflag:$0x1] =	stream.linear.gather [hbm4b:s7+s4], $0x2710, $0x38;
	[tilespmem:$0x10EE0] =	vst v63  }
0x64: {  	_ =	swait.ge [sflag:s30], $0x2710  }
0x65: {  	[sflag:s30] =	ssyncset.done $0x0  }
0x66: {  	[sflag:s30] =	ssyncadd.s32 $0xFFFFD8F0  }
0x67: {  	_ =	swait.ge [sflag:s30], $0x2710  }
0x68: {  	[sflag:s30] =	ssyncset.done $0x0  }
0x69: {  	[sflag:s30] =	ssyncadd.s32 $0xFFFFD8F0  }
0x6a: {  	[tilespmem:s29], [sflag:$0x3] =	stream.indirect.gather [spmem:s2], $0x1, s24, s28, $0xb8;
	[tilespmem:$0x10EE0] =	vst v63  }
0x6b: {  	_ =	swait.ge [sflag:s23], $0x2710  }
.Ltmp0:
0x6c: {  	[sflag:s23] =	ssyncset.done $0x0;
	(pc) =	sbr.rel @p0 .LBB2_2-.Ltmp0, $4  }
0x6d: {  	[sflag:s23] =	ssyncadd.s32 $0xFFFFD8F0  }
0x6e: {  	[spmem:s3] =	stream.indirect.scatter.add.f32 [tilespmem:s29], [sflag:$0x3], $0x1, s25, s28, $0xb8;
	[tilespmem:$0x10EE0] =	vst v63  }
0x6f: {  	_ =	swait.ge [sflag:s23], $0x2710  }
0x70: {  	s0 =	sadd.s32 $0x4E20, s0;
	s7 =	smov.u32 s8;
	[sflag:s23] =	ssyncset.done $0x0  }
0x71: {  	s7 =	sadd.s32 s1, s19;
	[sflag:s23] =	ssyncadd.s32 $0xFFFFD8F0  }
0x72: {  	[tilespmem:s24], [sflag:$0x2] =	stream.linear.gather [hbm4b:s7+s4], $0x2710, $0x38;
	[tilespmem:$0x10EE0] =	vst v63  }
0x73: {  	s9 =	sadd.s32 s1, s18  }
0x74: {  	[tilespmem:s25], [sflag:$0x2] =	stream.linear.gather [hbm4b:s9+s4], $0x2710, $0x38;
	[tilespmem:$0x10EE0] =	vst v63  }
0x75: {  	_ =	swait.ge [sflag:s26], $0x2710  }
0x76: {  	[sflag:s26] =	ssyncset.done $0x0  }
0x77: {  	[sflag:s26] =	ssyncadd.s32 $0xFFFFD8F0  }
0x78: {  	_ =	swait.ge [sflag:s26], $0x2710  }
0x79: {  	[sflag:s26] =	ssyncset.done $0x0  }
0x7a: {  	[sflag:s26] =	ssyncadd.s32 $0xFFFFD8F0  }
0x7b: {  	[tilespmem:s29], [sflag:$0x3] =	stream.indirect.gather [spmem:s2], $0x1, s20, s28, $0xb8;
	[tilespmem:$0x10EE0] =	vst v63  }
0x7c: {  	_ =	swait.ge [sflag:s23], $0x2710  }
0x7d: {  	[sflag:s23] =	ssyncset.done $0x0  }
0x7e: {  	[sflag:s23] =	ssyncadd.s32 $0xFFFFD8F0  }
0x7f: {  	[spmem:s3] =	stream.indirect.scatter.add.f32 [tilespmem:s29], [sflag:$0x3], $0x1, s21, s28, $0xb8;
	[tilespmem:$0x10EE0] =	vst v63  }
0x80: {  	_ =	swait.ge [sflag:s23], $0x2710  }
0x81: {  	s0 =	sshrl.u32 s0, $0x3;
	[sflag:s23] =	ssyncset.done $0x0  }
0x82: {  	s10 =	sadd.s32 s5, s0;
	[sflag:s23] =	ssyncadd.s32 $0xFFFFD8F0  }
0x83: {  	[tilespmem:s20], [sflag:$0x1] =	stream.linear.gather [hbm4b:s10+s4], $0x2710, $0x38;
	[tilespmem:$0x10EE0] =	vst v63  }
0x84: {  	s0 =	sadd.s32 s6, s0  }
0x85: {  	[tilespmem:s21], [sflag:$0x1] =	stream.linear.gather [hbm4b:s0+s4], $0x2710, $0x38;
	[tilespmem:$0x10EE0] =	vst v63  }
0x86: {  	_ =	swait.ge [sflag:s30], $0x2710  }
0x87: {  	[sflag:s30] =	ssyncset.done $0x0  }
0x88: {  	[sflag:s30] =	ssyncadd.s32 $0xFFFFD8F0  }
0x89: {  	_ =	swait.ge [sflag:s30], $0x2710  }
0x8a: {  	[sflag:s30] =	ssyncset.done $0x0  }
0x8b: {  	[sflag:s30] =	ssyncadd.s32 $0xFFFFD8F0  }
0x8c: {  	[tilespmem:s29], [sflag:$0x3] =	stream.indirect.gather [spmem:s2], $0x1, s24, s28, $0xb8;
	[tilespmem:$0x10EE0] =	vst v63  }
0x8d: {  	_ =	swait.ge [sflag:s23], $0x2710  }
0x8e: {  	[sflag:s23] =	ssyncset.done $0x0  }
0x8f: {  	[sflag:s23] =	ssyncadd.s32 $0xFFFFD8F0  }
0x90: {  	[spmem:s3] =	stream.indirect.scatter.add.f32 [tilespmem:s29], [sflag:$0x3], $0x1, s25, s28, $0xb8;
	[tilespmem:$0x10EE0] =	vst v63  }
0x91: {  	_ =	swait.ge [sflag:s23], $0x2710  }
0x92: {  	[sflag:s23] =	ssyncset.done $0x0  }
0x93: {  	[sflag:s23] =	ssyncadd.s32 $0xFFFFD8F0  }
0x94: {  	[tilespmem:s24], [sflag:$0x2] =	stream.linear.gather [hbm4b:s13+s4], $0x2710, $0x38;
	[tilespmem:$0x10EE0] =	vst v63  }
0x95: {  	_ = 	snop  }
0x96: {  	[tilespmem:s25], [sflag:$0x2] =	stream.linear.gather [hbm4b:s14+s4], $0x2710, $0x38;
	[tilespmem:$0x10EE0] =	vst v63  }
0x97: {  	_ =	swait.ge [sflag:s26], $0x2710  }
0x98: {  	[sflag:s26] =	ssyncset.done $0x0  }
0x99: {  	[sflag:s26] =	ssyncadd.s32 $0xFFFFD8F0  }
0x9a: {  	_ =	swait.ge [sflag:s26], $0x2710  }
0x9b: {  	[sflag:s26] =	ssyncset.done $0x0  }
0x9c: {  	[sflag:s26] =	ssyncadd.s32 $0xFFFFD8F0  }
0x9d: {  	[tilespmem:s29], [sflag:$0x3] =	stream.indirect.gather [spmem:s2], $0x1, s20, s28, $0xb8;
	[tilespmem:$0x10EE0] =	vst v63  }
0x9e: {  	_ =	swait.ge [sflag:s23], $0x2710  }
0x9f: {  	[sflag:s23] =	ssyncset.done $0x0  }
0xa0: {  	[sflag:s23] =	ssyncadd.s32 $0xFFFFD8F0  }
0xa1: {  	[spmem:s3] =	stream.indirect.scatter.add.f32 [tilespmem:s29], [sflag:$0x3], $0x1, s21, s28, $0xb8;
	[tilespmem:$0x10EE0] =	vst v63  }
0xa2: {  	_ =	swait.ge [sflag:s23], $0x2710  }
0xa3: {  	[sflag:s23] =	ssyncset.done $0x0  }
0xa4: {  	[sflag:s23] =	ssyncadd.s32 $0xFFFFD8F0  }
0xa5: {  	_ =	swait.ge [sflag:s30], $0x2710  }
0xa6: {  	[sflag:s30] =	ssyncset.done $0x0  }
0xa7: {  	[sflag:s30] =	ssyncadd.s32 $0xFFFFD8F0  }
0xa8: {  	_ =	swait.ge [sflag:s30], $0x2710  }
0xa9: {  	[sflag:s30] =	ssyncset.done $0x0  }
0xaa: {  	[sflag:s30] =	ssyncadd.s32 $0xFFFFD8F0  }
0xab: {  	[tilespmem:s29], [sflag:$0x3] =	stream.indirect.gather [spmem:s2], $0x1, s24, s28, $0xb8;
	[tilespmem:$0x10EE0] =	vst v63  }
0xac: {  	_ =	swait.ge [sflag:s23], $0x2710  }
0xad: {  	[sflag:s23] =	ssyncset.done $0x0  }
0xae: {  	[sflag:s23] =	ssyncadd.s32 $0xFFFFD8F0  }
0xaf: {  	[spmem:s3] =	stream.indirect.scatter.add.f32 [tilespmem:s29], [sflag:$0x3], $0x1, s25, s28, $0xb8;
	[tilespmem:$0x10EE0] =	vst v63  }
0xb0: {  	_ =	swait.ge [sflag:s23], $0x2710  }
0xb1: {  	[sflag:s23] =	ssyncset.done $0x0  }
0xb2: {  	[sflag:s23] =	ssyncadd.s32 $0xFFFFD8F0  }
0xb3: {  	[bflag:$0x0] =	sbarrier.arrive $0xFFFF  }
0xb4: {  	[tilespmem:s22], [sflag:$0x3] =	stream.linear.gather [spmem:s12], $0x1870, $0x38;
	[tilespmem:$0x10EE0] =	vst v63  }
0xb5: {  	s31 =	sadd.s32 $0x1, s31;
	_ =	swait.ge [sflag:s23], $0x1870  }
0xb6: {  	p0 =	sne.s32 s31, s16;
	[sflag:s23] =	ssyncset.done $0x0  }
.Ltmp1:
0xb7: {  	[sflag:s23] =	ssyncadd.s32 $0xFFFFE790;
	(pc) =	sbr.rel @p0 .LBB2_1-.Ltmp1, $4  }
0xb8: {  	[hbm4b:s15+s4] =	stream.linear.scatter [tilespmem:s22], [sflag:$0x3], $0x1870, $0x38;
	[tilespmem:$0x10EE0] =	vst v63  }
0xb9: {  	_ =	swait.ge [sflag:s23], $0x1870  }
0xba: {  	[sflag:s23] =	ssyncset.done $0x0  }
0xbb: {  	[sflag:s23] =	ssyncadd.s32 $0xFFFFE790  }
0xbc: {  	_ =	sfence.sel $0x180000  }
0xbd: {  	[bflag:$0x0] =	sbarrier.arrive $0xFFFF  }
0xbe: {  	_ =	strace $0x9000004A  }
0xbf: {  	s0 =	stileid.u32;
	[bflag:$0x2] =	sbarrier.arrive $0xFFFF  }
0xc0: {  	p0 =	sne.s32 s0, $0x0;
	s0 =	rddreg [dreg:$0x3]  }
0xc1: {  	s0 =	sadd.s32 @!p0 $0x100000, s0  }
0xc2: {  	[sflag:s0] =	ssyncadd.tile.s32 @!p0 $0x1;
	_ =	shalt  }
.Lfunc_end2:
_tile_overlayer_lowered:
.L_overlay_start_2:
0xc3: {  	(tag) =	ssettag $0x2  }
0xc4: {  	s0 =	rddreg [dreg:$0x0];
	s2 =	stileid.u32  }
0xc5: {  	s1 =	rddreg [dreg:$0x1];
	p0 =	sne.s32 s2, $0x0  }
0xc6: {  	s3 =	rddreg [dreg:$0x2];
	[bflag:$0x3] =	sbarrier.arrive $0xFFFF;
	s2 =	simm.s32 @!p0 $0x1C03  }
0xc7: {  	[timem:s3], [sflag:s2] =	dma.local @!p0 [hbm:s0], s1  }
0xc8: {  	s0 =	simm.s32 @!p0 $0x3  }
0xc9: {  	_ =	swait.ge @!p0 [sflag:s0], s1  }
0xca: {  	s1 =	ssub.s32 @!p0 $0x0, s1;
	[sflag:s0] =	ssyncset.done @!p0 $0x0  }
0xcb: {  	[sflag:s0] =	ssyncadd.s32 @!p0 s1  }
0xcc: {  	[bflag:$0x3] =	sbarrier.arrive $0xFFFF  }
0xcd: {  	_ =	shalt  }

// kernel: kernel.14.cloned.1.call-start
scs
__scs_entry_jumppad:
0x0: {  	(pc) =	sbr.rel $0x88, $3  }
0x1: {  	(tag) =	ssettag $0x0;
	lr =	simm.s32 $0x1  }
0x2: {  	[smem:$0x3F9A] =	sst lr;
	_ =	strace $0xD0000000  }
0x3: {  	_ = 	snop  }
0x4: {  	_ = 	snop  }
0x5: {  	_ = 	snop  }
0x6: {  	_ = 	snop  }
0x7: {  	_ = 	snop  }
__scs_overlays_trampoline_lowered:
0x8: {  	[smem:$0x3FA9] =	sst s0  }
0x9: {  	[smem:$0x3FAA] =	sst s1  }
0xa: {  	[smem:$0x3FAB] =	sst s2  }
0xb: {  	[smem:$0x3FAC] =	sst s3  }
0xc: {  	[smem:$0x3FAD] =	sst s4  }
0xd: {  	[smem:$0x3FAE] =	sst s5  }
0xe: {  	[smem:$0x3FAF] =	sst s6  }
0xf: {  	[smem:$0x3FB0] =	sst s7  }
0x10: {  	[smem:$0x3FB1] =	sst s8  }
0x11: {  	[smem:$0x3FB2] =	sst s9;
	s0 =	simm.s32 @!p0 $0x0  }
0x12: {  	s1 =	sld [smem:$0x3F98];
	s0 =	simm.s32 @p0 $0x1  }
0x13: {  	[smem:$0x3FB3] =	sst s0;
	s0 =	simm.s32 @!p1 $0x0  }
0x14: {  	s2 =	sld [smem:$0x3F97];
	s0 =	simm.s32 @p1 $0x1  }
0x15: {  	[smem:$0x3FB4] =	sst s0;
	s0 =	simm.s32 @!p2 $0x0  }
0x16: {  	s3 =	sld [smem:$0x3FDB];
	s0 =	simm.s32 @p2 $0x1  }
0x17: {  	s4 =	simm.s32 $0x1BF5;
	[smem:$0x3FB6] =	sst s0  }
0x18: {  	s0 =	sld [smem:$0x3F99];
	_ =	swait.ge [sflag:s4], $0x0  }
0x19: {  	s7 =	sld [smem:$0x3F9A]  }
0x1a: {  	s8 =	sadd.s32 $0xFFFFE003, lr  }
0x1b: {  	s9 =	sadd.s32 $0xFFFFFEF7, lr;
	s5 =	simm.s32 $0xFFFFFFFF;
	p2 =	slt.u32 s8, $0xFFFFF086  }
0x1c: {  	p1 =	slt.u32 s9, $0xF7A;
	s5 =	simm.s32 @!p2 $0x0  }
0x1d: {  	s5 =	simm.s32 @p1 $0x1;
	p0 =	seq.s32 s7, s2  }
0x1e: {  	s7 =	smul.u32 @!p0 $0xF7A, s2;
	p2 =	seq.s32 @!p0 s5, $0x0  }
0x1f: {  	s9 =	smul.u32 $0xF7A, s1;
	s8 =	simm.s32 @!p0 $0x1BF5;
	p2 =	por !p2, p0  }
0x20: {  	[sflag:s8] =	ssyncset.s32 @!p0 $0xFFFFF086;
	s6 =	sadd.s32 @!p0 s3, s7;
	s7 =	simm.s32 @!p0 $0x108  }
0x21: {  	s3 =	sadd.s32 s3, s9;
	s6 =	sadd.s32 @!p0 $0x88, s6;
	s7 =	simm.s32 @p2 $0x1082  }
0x22: {  	[simem:s7], [sflag:s8] =	dma.local @!p0 [hbm:s6], $0xF7A  }
0x23: {  	s9 =	sor.u32 $0xD0000000, s2;
	s6 =	simm.s32 $0x108;
	_ =	swait.ge @!p0 [sflag:s8], $0x0  }
0x24: {  	s3 =	sadd.s32 $0x88, s3;
	s6 =	simm.s32 @!p1 $0x1082;
	[sflag:s4] =	ssyncset.s32 $0xFFFFF086  }
0x25: {  	[simem:s6], [sflag:s4] =	dma.local [hbm:s3], $0xF7A  }
0x26: {  	[smem:$0x3F9A] =	sst s1;
	(tag) =	ssettag s2;
	_ =	strace s9  }
0x27: {  	s1 =	sld [smem:$0x3FAA]  }
0x28: {  	s2 =	sld [smem:$0x3FAB]  }
0x29: {  	s4 =	sld [smem:$0x3FAD]  }
0x2a: {  	p0 =	seq.s32 s5, $0x0;
	s5 =	sld [smem:$0x3FAE]  }
0x2b: {  	s6 =	sld [smem:$0x3FAF]  }
0x2c: {  	s7 =	sld [smem:$0x3FB0]  }
0x2d: {  	s3 =	simm.s32 $0x108;
	s8 =	sld [smem:$0x3FB1]  }
0x2e: {  	s3 =	simm.s32 @!p0 $0x1082;
	s9 =	sld [smem:$0x3FB2]  }
0x2f: {  	lr =	sadd.s32 s0, s3;
	s0 =	sld [smem:$0x3FA9]  }
0x30: {  	s3 =	sld [smem:$0x3FAC]  }
0x31: {  	[smem:$0x3FB5] =	sst s10  }
0x32: {  	s10 =	sld [smem:$0x3FB3];
	_ =	sdelay $0x3  }
0x33: {  	p0 =	seq.s32 s10, $0x1;
	s10 =	sld [smem:$0x3FB5];
	_ =	sdelay $0x3  }
0x34: {  	[smem:$0x3FB5] =	sst s10  }
0x35: {  	s10 =	sld [smem:$0x3FB4];
	_ =	sdelay $0x3  }
0x36: {  	p1 =	seq.s32 s10, $0x1;
	s10 =	sld [smem:$0x3FB5];
	_ =	sdelay $0x3  }
0x37: {  	[smem:$0x3FB5] =	sst s10  }
0x38: {  	s10 =	sld [smem:$0x3FB6]  }
0x39: {  	_ = 	snop;
	(pc) =	sbr.ind lr, $3  }
0x3a: {  	_ = 	snop  }
0x3b: {  	_ = 	snop  }
0x3c: {  	p2 =	seq.s32 s10, $0x1;
	s10 =	sld [smem:$0x3FB5]  }
0x3d: {  	_ =	shalt  }
0x3e: {  	_ =	shalt  }
0x3f: {  	_ =	shalt  }
0x40: {  	_ =	shalt  }
0x41: {  	_ =	shalt  }
0x42: {  	_ =	shalt  }
0x43: {  	_ =	shalt  }
0x44: {  	_ =	shalt  }
0x45: {  	_ =	shalt  }
0x46: {  	_ =	shalt  }
0x47: {  	_ =	shalt  }
0x48: {  	_ =	shalt  }
0x49: {  	_ =	shalt  }
0x4a: {  	_ =	shalt  }
0x4b: {  	_ =	shalt  }
0x4c: {  	_ =	shalt  }
0x4d: {  	_ =	shalt  }
0x4e: {  	_ =	shalt  }
0x4f: {  	_ =	shalt  }
0x50: {  	_ =	shalt  }
0x51: {  	_ =	shalt  }
0x52: {  	_ =	shalt  }
0x53: {  	_ =	shalt  }
0x54: {  	_ =	shalt  }
0x55: {  	_ =	shalt  }
0x56: {  	_ =	shalt  }
0x57: {  	_ =	shalt  }
0x58: {  	_ =	shalt  }
0x59: {  	_ =	shalt  }
0x5a: {  	_ =	shalt  }
0x5b: {  	_ =	shalt  }
0x5c: {  	_ =	shalt  }
0x5d: {  	_ =	shalt  }
0x5e: {  	_ =	shalt  }
0x5f: {  	_ =	shalt  }
0x60: {  	_ =	shalt  }
0x61: {  	_ =	shalt  }
0x62: {  	_ =	shalt  }
0x63: {  	_ =	shalt  }
0x64: {  	_ =	shalt  }
0x65: {  	_ =	shalt  }
0x66: {  	_ =	shalt  }
0x67: {  	_ =	shalt  }
0x68: {  	_ =	shalt  }
0x69: {  	_ =	shalt  }
0x6a: {  	_ =	shalt  }
0x6b: {  	_ =	shalt  }
0x6c: {  	_ =	shalt  }
0x6d: {  	_ =	shalt  }
0x6e: {  	_ =	shalt  }
0x6f: {  	_ =	shalt  }
0x70: {  	_ =	shalt  }
0x71: {  	_ =	shalt  }
0x72: {  	_ =	shalt  }
0x73: {  	_ =	shalt  }
0x74: {  	_ =	shalt  }
0x75: {  	_ =	shalt  }
0x76: {  	_ =	shalt  }
0x77: {  	_ =	shalt  }
0x78: {  	_ =	shalt  }
0x79: {  	_ =	shalt  }
0x7a: {  	_ =	shalt  }
0x7b: {  	_ =	shalt  }
0x7c: {  	_ =	shalt  }
0x7d: {  	_ =	shalt  }
0x7e: {  	_ =	shalt  }
0x7f: {  	_ =	shalt  }
0x80: {  	_ =	shalt  }
0x81: {  	_ =	shalt  }
0x82: {  	_ =	shalt  }
0x83: {  	_ =	shalt  }
0x84: {  	_ =	shalt  }
0x85: {  	_ =	shalt  }
0x86: {  	_ =	shalt  }
0x87: {  	_ =	shalt  }
.Lfunc_end0:
.L_simem_size_0:
called_computation.2_lowered:
.L_overlay_start_0:
0x88: {  	s2 =	sld [smem:$0x3FD9]  }
0x89: {  	s3 =	sld [smem:$0x3FFE];
	_ =	sdelay $0x1  }
0x8a: {  	s1 =	srdreg.scid  }
0x8b: {  	s0 =	sand.u32 $0x1, s1  }
0x8c: {  	s16 =	sshll.u32 s0, $0xA;
	s2 =	sadd.s32 s3, s2  }
0x8d: {  	s2 =	sadd.s32 s2, s16  }
0x8e: {  	[smem:$0x3FC1] =	sst s2  }
0x8f: {  	_ = 	snop  }
0x90: {  	(tm) =	ssettm $0x1  }
0x91: {  	s17 =	sld [smem:$0x3FFB];
	_ =	sdelay $0x3  }
0x92: {  	_ =	strace s17  }
0x93: {  	s2 =	sld [smem:$0x3FFC];
	_ =	sdelay $0x3  }
0x94: {  	_ =	strace s2  }
0x95: {  	s2 =	sld [smem:$0x3FFD];
	_ =	sdelay $0x3  }
0x96: {  	_ =	strace s2  }
0x97: {  	_ =	strace $0x8FFFFFFF  }
0x98: {  	s18 =	sld [smem:$0x3FDB];
	_ =	sdelay $0x1  }
0x99: {  	s19 =	simm.s32 $_scs_section_size  }
0x9a: {  	s4 =	simm.s32 $_size__tile_overlayer_lowered;
	s5 =	simm.s32 $_tile_overlayer_lowered  }
0x9b: {  	s22 =	simm.s32 $0x1BFF;
	s21 =	sshll.u32 s5, $0x1;
	s2 =	sadd.s32 s19, s18  }
0x9c: {  	s6 =	simm.s32 $0x0;
	s20 =	sshll.u32 s4, $0x1;
	s4 =	sadd.s32 s21, s2  }
0x9d: {  	[timem:s6], [sflag:s22] =	dma.local [hbm:s4], s20  }
0x9e: {  	_ =	swait.ge [sflag:s22], s20  }
0x9f: {  	s3 =	ssub.s32 $0x0, s20;
	[sflag:s22] =	ssyncset.done $0x0  }
0xa0: {  	[sflag:s22] =	ssyncadd.s32 s3;
	_ =	sdelay $0x1  }
0xa1: {  	s23 =	simm.s32 $0x1B8B  }
0xa2: {  	_ =	swait.ge [sflag:s23], $0x1  }
0xa3: {  	[sflag:s23] =	ssyncset.done $0x0  }
0xa4: {  	s25 =	simm.s32 $0x1B8E;
	s24 =	sld [smem:$0x3FFE];
	[sflag:s23] =	ssyncadd.s32 $0xFFFFFFFF  }
0xa5: {  	s26 =	simm.s32 $execute0_lowered;
	[smem:$0x3FD2] =	sst s25  }
0xa6: {  	s4 =	sshll.u32 s26, $0x1;
	_ =	strace $0x8000004C;
	[dreg:$0x1] =	wrdreg $0xFFFFFFFF  }
0xa7: {  	s28 =	simm.s32 $_size_execute0_lowered;
	s2 =	sadd.s32 s2, s4;
	[dreg:$0x0] =	wrdreg $0x0  }
0xa8: {  	s4 =	sshll.u32 s28, $0x1;
	[dreg:$0x2] =	wrdreg s2  }
0xa9: {  	[dreg:$0x3] =	wrdreg s4  }
0xaa: {  	[dreg:$0x4] =	wrdreg $0xC0  }
0xab: {  	_ =	task [dreg:s6], $0x5FFFF  }
0xac: {  	[dreg:$0x1] =	wrdreg $0xFFFFFFFF  }
0xad: {  	[dreg:$0x0] =	wrdreg $0x60  }
0xae: {  	[dreg:$0x2] =	wrdreg s24  }
0xaf: {  	[dreg:$0x3] =	wrdreg $0x0  }
0xb0: {  	[dreg:$0x4] =	wrdreg $0x18700  }
0xb1: {  	[dreg:$0x5] =	wrdreg $0x30E00  }
0xb2: {  	[dreg:$0x6] =	wrdreg $0x49500  }
0xb3: {  	[dreg:$0x7] =	wrdreg $0x9  }
0xb4: {  	_ =	task.clear_ibuf [dreg:s6], $0x8FFFF;
	_ =	strace $0x9000004C  }
0xb5: {  	s29 =	simm.s32 $0x9;
	_ =	strace $0x8000004E  }
0xb6: {  	_ =	swait.ge [sflag:s29], $0x1  }
0xb7: {  	[sflag:s29] =	ssyncadd.s32 $0xFFFFFFFF  }
0xb8: {  	_ =	strace $0x9000004E  }
0xb9: {  	_ =	sfence  }
0xba: {  	s30 =	sld [smem:$0x0];
	_ =	sdelay $0x2  }
0xbb: {  	s31 =	sshll.u32 s1, $0xD;
	s1 =	sshrl.u32 s1, $0x2  }
0xbc: {  	s3 =	sand.u32 $0x4000, s31;
	s1 =	sadd.s32 s1, s30  }
0xbd: {  	s0 =	sor.u32 s3, s0;
	s1 =	sshll.u32 s1, $0x11  }
0xbe: {  	s0 =	sor.u32 s1, s0  }
0xbf: {  	s0 =	sadd.s32 $0x8F2B, s0  }
0xc0: {  	[sflag:s0] =	ssyncadd.remote.s32 $0x1  }
0xc1: {  	_ =	sfence.sel $0xFFFF  }
0xc2: {  	[dreg:$0x0] =	wrdreg $0xFFFFFFFF;
	(pc) =	sbr.abs _section_cstart, $3  }
0xc3: {  	[dreg:$0x1] =	wrdreg $0xFFFFFFFF  }
0xc4: {  	_ =	task.clear_ibuf [dreg:s6], $0x2FFFF;
	_ =	strace $0x9FFFFFFF  }
0xc5: {  	(tm) =	ssettm $0x7FFFFFFF  }
tec
execute0_lowered:
.L_overlay_start_1:
0x0: {  	(tag) =	ssettag $0x1  }
0x1: {  	s0 =	rddreg [dreg:$0x0]  }
0x2: {  	s1 =	rddreg [dreg:$0x1]  }
0x3: {  	s2 =	rddreg [dreg:$0x2]  }
0x4: {  	s4 =	rddreg [dreg:$0x3]  }
0x5: {  	s5 =	rddreg [dreg:$0x4];
	s6 =	simm.s32 $0x0;
	s14 =	stileid.u32  }
0x6: {  	s3 =	srdreg.scid;
	s28 =	simm.s32 $0x8940;
	s29 =	simm.s32 $0x14EC0  }
0x7: {  	s30 =	simm.s32 $0x3;
	s31 =	simm.s32 $0xB0C0;
	[smem:$0x7FF] =	sst s6  }
0x8: {  	s9 =	smul.u32 $0x1870, s14;
	s3 =	sand.u32 $0x1, s3;
	s7 =	sadd.s32 $0x63600, s0  }
0x9: {  	s8 =	sadd.s32 $0x1A00, s0;
	s21 =	smul.u32 $0x186A0, s14;
	_ =	strace $0x8000004D  }
0xa: {  	s10 =	smul.u32 $0x18700, s3;
	s11 =	sshll.u32 s3, $0x4;
	s13 =	ssub.s32 $0x2, s3  }
0xb: {  	s3 =	smul.u32 $0x186A00, s3;
	s11 =	sor.u32 s14, s11;
	s12 =	sshrl.u32 s9, $0x3  }
0xc: {  	s26 =	sshrl.u32 s13, $0x1;
	s18 =	sadd.s32 s9, s1;
	s20 =	sadd.s32 s9, s2  }
0xd: {  	s10 =	sadd.s32 s9, s10;
	s11 =	smul.u32 $0x186A0, s11;
	[dreg:$0x9] =	wrdreg s18  }
0xe: {  	s12 =	sadd.s32 s12, s0;
	[dreg:$0xb] =	wrdreg s20;
	s3 =	sadd.s32 s21, s3  }
0xf: {  	s10 =	sshrl.u32 s10, $0x3;
	s17 =	sadd.s32 $0xC8400, s12;
	s19 =	sadd.s32 $0xCB600, s12  }
0x10: {  	s12 =	sadd.s32 $0xC5200, s12;
	s25 =	sadd.s32 $0x2710, s3;
	[dreg:$0x8] =	wrdreg s17  }
0x11: {  	s0 =	sadd.s32 s10, s0;
	s11 =	sshrl.u32 s11, $0x3;
	[dreg:$0xa] =	wrdreg s19  }
0x12: {  	s10 =	ssub.s32 s13, s26;
	[dreg:$0xc] =	wrdreg s12;
	s17 =	sadd.s32 s9, s5  }
0x13: {  	s26 =	sshrl.u32 s25, $0x3;
	s12 =	simm.s32 $0x2;
	s13 =	simm.s32 $0x0  }
0x14: {  	s15 =	sadd.s32 s7, s11;
	s16 =	sadd.s32 s8, s11;
	s11 =	sadd.s32 $0x2BF2, s11  }
0x15: {  	s24 =	sadd.s32 $0xCE800, s0;
	s0 =	sadd.s32 $0xD4A00, s0;
	[dreg:$0x6] =	wrdreg s15  }
0x16: {  	s25 =	sadd.s32 s26, s7;
	[dreg:$0x7] =	wrdreg s16;
	s16 =	sadd.s32 s9, s4  }
0x17: {  	s22 =	sadd.s32 s7, s11;
	s23 =	sadd.s32 s8, s11;
	[dreg:$0xf] =	wrdreg s24  }
0x18: {  	[dreg:$0x10] =	wrdreg s0;
	s24 =	sadd.s32 s26, s8;
	s26 =	simm.s32 $0x61C0  }
0x19: {  	s0 =	simm.s32 $0xD840;
	s9 =	simm.s32 $0x2710;
	[dreg:$0xd] =	wrdreg s22  }
0x1a: {  	s11 =	simm.s32 $0x12740;
	[dreg:$0xe] =	wrdreg s23;
	s22 =	smax.u32 s10, $0x1  }
0x1b: {  	s23 =	sadd.s32 $0x4E20, s3;
	s3 =	simm.s32 $0x1;
	s10 =	simm.s32 $0xFFC0  }
.LBB2_1:
0x1c: {  	s14 =	rddreg [dreg:$0x6]  }
0x1d: {  	[tilespmem:s26], [sflag:$0x1] =	stream.linear.gather [hbm4b:s14+s6], $0x2710, $0x38;
	[tilespmem:$0x16740] =	vst v63  }
0x1e: {  	s18 =	rddreg [dreg:$0x7]  }
0x1f: {  	[tilespmem:s28], [sflag:$0x1] =	stream.linear.gather [hbm4b:s18+s6], $0x2710, $0x38;
	[tilespmem:$0x16740] =	vst v63  }
0x20: {  	s19 =	rddreg [dreg:$0x8]  }
0x21: {  	[tilespmem:s29], [sflag:$0x3] =	stream.linear.gather [hbm4b:s19+s6], $0x1870, $0x38;
	[tilespmem:$0x16740] =	vst v63  }
0x22: {  	_ =	swait.ge [sflag:s30], $0x1870  }
0x23: {  	[sflag:s30] =	ssyncset.done $0x0  }
0x24: {  	s20 =	rddreg [dreg:$0x9];
	[sflag:s30] =	ssyncadd.s32 $0xFFFFE790  }
0x25: {  	[spmem:s20] =	stream.linear.scatter [tilespmem:s29], [sflag:$0x3], $0x1870, $0x38;
	[tilespmem:$0x16740] =	vst v63  }
0x26: {  	_ =	swait.ge [sflag:s30], $0x1870  }
0x27: {  	[sflag:s30] =	ssyncset.done $0x0  }
0x28: {  	s21 =	rddreg [dreg:$0xa];
	[sflag:s30] =	ssyncadd.s32 $0xFFFFE790  }
0x29: {  	[tilespmem:s29], [sflag:$0x3] =	stream.linear.gather [hbm4b:s21+s6], $0x1870, $0x38;
	[tilespmem:$0x16740] =	vst v63  }
0x2a: {  	_ =	swait.ge [sflag:s30], $0x1870  }
0x2b: {  	[sflag:s30] =	ssyncset.done $0x0  }
0x2c: {  	s15 =	rddreg [dreg:$0xb];
	[sflag:s30] =	ssyncadd.s32 $0xFFFFE790  }
0x2d: {  	[spmem:s15] =	stream.linear.scatter [tilespmem:s29], [sflag:$0x3], $0x1870, $0x38;
	[tilespmem:$0x16740] =	vst v63  }
0x2e: {  	_ =	swait.ge [sflag:s30], $0x1870  }
0x2f: {  	[sflag:s30] =	ssyncset.done $0x0  }
0x30: {  	s18 =	rddreg [dreg:$0xc];
	[sflag:s30] =	ssyncadd.s32 $0xFFFFE790  }
0x31: {  	[tilespmem:s29], [sflag:$0x3] =	stream.linear.gather [hbm4b:s18+s6], $0x1870, $0x38;
	[tilespmem:$0x16740] =	vst v63  }
0x32: {  	_ =	swait.ge [sflag:s30], $0x1870  }
0x33: {  	[sflag:s30] =	ssyncset.done $0x0  }
0x34: {  	[sflag:s30] =	ssyncadd.s32 $0xFFFFE790  }
0x35: {  	[spmem:s16] =	stream.linear.scatter [tilespmem:s29], [sflag:$0x3], $0x1870, $0x38;
	[tilespmem:$0x16740] =	vst v63  }
0x36: {  	_ =	swait.ge [sflag:s30], $0x1870  }
0x37: {  	[sflag:s30] =	ssyncset.done $0x0  }
0x38: {  	[sflag:s30] =	ssyncadd.s32 $0xFFFFE790  }
0x39: {  	[spmem:s17] =	stream.linear.scatter [tilespmem:s29], [sflag:$0x3], $0x1870, $0x38;
	[tilespmem:$0x16740] =	vst v63  }
0x3a: {  	_ =	swait.ge [sflag:s30], $0x1870  }
0x3b: {  	[sflag:s30] =	ssyncset.done $0x0  }
0x3c: {  	[sflag:s30] =	ssyncadd.s32 $0xFFFFE790  }
0x3d: {  	s19 =	sadd.s32 $0x0, s25;
	[bflag:$0x0] =	sbarrier.arrive $0xFFFF  }
0x3e: {  	[tilespmem:s31], [sflag:$0x2] =	stream.linear.gather [hbm4b:s19+s6], $0x2710, $0x38;
	[tilespmem:$0x16740] =	vst v63  }
0x3f: {  	s20 =	sadd.s32 $0x0, s24  }
0x40: {  	[tilespmem:s0], [sflag:$0x2] =	stream.linear.gather [hbm4b:s20+s6], $0x2710, $0x38;
	[tilespmem:$0x16740] =	vst v63  }
0x41: {  	_ =	swait.ge [sflag:s3], $0x2710  }
0x42: {  	[sflag:s3] =	ssyncset.done $0x0  }
0x43: {  	[sflag:s3] =	ssyncadd.s32 $0xFFFFD8F0  }
0x44: {  	_ =	swait.ge [sflag:s3], $0x2710  }
0x45: {  	[sflag:s3] =	ssyncset.done $0x0  }
0x46: {  	[sflag:s3] =	ssyncadd.s32 $0xFFFFD8F0  }
0x47: {  	[tilespmem:s10], [sflag:$0x3] =	stream.indirect.gather [spmem:s1], $0x1, s26, s9, $0xb8;
	[tilespmem:$0x16740] =	vst v63  }
0x48: {  	_ =	swait.ge [sflag:s30], $0x2710  }
0x49: {  	[sflag:s30] =	ssyncset.done $0x0  }
0x4a: {  	[sflag:s30] =	ssyncadd.s32 $0xFFFFD8F0  }
0x4b: {  	[tilespmem:s11], [sflag:$0x3] =	stream.indirect.gather [spmem:s2], $0x1, s26, s9, $0xb8;
	[tilespmem:$0x16740] =	vst v63  }
0x4c: {  	_ =	swait.ge [sflag:s30], $0x2710  }
0x4d: {  	[sflag:s30] =	ssyncset.done $0x0  }
0x4e: {  	[sflag:s30] =	ssyncadd.s32 $0xFFFFD8F0  }
0x4f: {  	[spmem:s4] =	stream.indirect.scatter.add.f32 [tilespmem:s10], [sflag:$0x3], $0x1, s28, s9, $0xb8;
	[tilespmem:$0x16740] =	vst v63  }
0x50: {  	_ =	swait.ge [sflag:s30], $0x2710  }
0x51: {  	[sflag:s30] =	ssyncset.done $0x0  }
0x52: {  	[sflag:s30] =	ssyncadd.s32 $0xFFFFD8F0  }
0x53: {  	[spmem:s5] =	stream.indirect.scatter.add.f32 [tilespmem:s11], [sflag:$0x3], $0x1, s28, s9, $0xb8;
	[tilespmem:$0x16740] =	vst v63  }
0x54: {  	_ =	swait.ge [sflag:s30], $0x2710  }
0x55: {  	s21 =	sshrl.u32 s23, $0x3;
	[sflag:s30] =	ssyncset.done $0x0  }
0x56: {  	s15 =	sadd.s32 s7, s21;
	[sflag:s30] =	ssyncadd.s32 $0xFFFFD8F0  }
0x57: {  	[tilespmem:s26], [sflag:$0x1] =	stream.linear.gather [hbm4b:s15+s6], $0x2710, $0x38;
	[tilespmem:$0x16740] =	vst v63  }
0x58: {  	s14 =	sadd.s32 s8, s21  }
0x59: {  	[tilespmem:s28], [sflag:$0x1] =	stream.linear.gather [hbm4b:s14+s6], $0x2710, $0x38;
	[tilespmem:$0x16740] =	vst v63  }
0x5a: {  	_ =	swait.ge [sflag:s12], $0x2710  }
0x5b: {  	[sflag:s12] =	ssyncset.done $0x0  }
0x5c: {  	[sflag:s12] =	ssyncadd.s32 $0xFFFFD8F0  }
0x5d: {  	_ =	swait.ge [sflag:s12], $0x2710  }
0x5e: {  	[sflag:s12] =	ssyncset.done $0x0  }
0x5f: {  	[sflag:s12] =	ssyncadd.s32 $0xFFFFD8F0  }
0x60: {  	[tilespmem:s10], [sflag:$0x3] =	stream.indirect.gather [spmem:s1], $0x1, s31, s9, $0xb8;
	[tilespmem:$0x16740] =	vst v63  }
0x61: {  	_ =	swait.ge [sflag:s30], $0x2710  }
0x62: {  	[sflag:s30] =	ssyncset.done $0x0  }
0x63: {  	[sflag:s30] =	ssyncadd.s32 $0xFFFFD8F0  }
0x64: {  	[tilespmem:s11], [sflag:$0x3] =	stream.indirect.gather [spmem:s2], $0x1, s31, s9, $0xb8;
	[tilespmem:$0x16740] =	vst v63  }
0x65: {  	_ =	swait.ge [sflag:s30], $0x2710  }
0x66: {  	[sflag:s30] =	ssyncset.done $0x0  }
0x67: {  	[sflag:s30] =	ssyncadd.s32 $0xFFFFD8F0  }
0x68: {  	[spmem:s4] =	stream.indirect.scatter.add.f32 [tilespmem:s10], [sflag:$0x3], $0x1, s0, s9, $0xb8;
	[tilespmem:$0x16740] =	vst v63  }
0x69: {  	_ =	swait.ge [sflag:s30], $0x2710  }
0x6a: {  	[sflag:s30] =	ssyncset.done $0x0  }
0x6b: {  	[sflag:s30] =	ssyncadd.s32 $0xFFFFD8F0  }
0x6c: {  	[spmem:s5] =	stream.indirect.scatter.add.f32 [tilespmem:s11], [sflag:$0x3], $0x1, s0, s9, $0xb8;
	[tilespmem:$0x16740] =	vst v63  }
0x6d: {  	s18 =	simm.s32 $0x1388;
	_ =	swait.ge [sflag:s30], $0x2710  }
0x6e: {  	s15 =	simm.s32 $0x9C4;
	s14 =	sadd.s32 $0x4E20, s23;
	[sflag:s30] =	ssyncset.done $0x0  }
.LBB2_2:
0x6f: {  	s20 =	sadd.s32 s15, s25  }
0x70: {  	[sflag:s30] =	ssyncadd.s32 $0xFFFFD8F0;
	s21 =	smov.u32 s18;
	s19 =	sadd.s32 $0x9C4, s18  }
0x71: {  	[tilespmem:s31], [sflag:$0x2] =	stream.linear.gather [hbm4b:s20+s6], $0x2710, $0x38;
	[tilespmem:$0x16740] =	vst v63  }
0x72: {  	p0 =	sne.s32 s18, $0x1D4C;
	s18 =	sadd.s32 s15, s24;
	s15 =	smov.u32 s21  }
0x73: {  	[tilespmem:s0], [sflag:$0x2] =	stream.linear.gather [hbm4b:s18+s6], $0x2710, $0x38;
	[tilespmem:$0x16740] =	vst v63  }
0x74: {  	_ =	swait.ge [sflag:s3], $0x2710  }
0x75: {  	[sflag:s3] =	ssyncset.done $0x0  }
0x76: {  	[sflag:s3] =	ssyncadd.s32 $0xFFFFD8F0  }
0x77: {  	_ =	swait.ge [sflag:s3], $0x2710  }
0x78: {  	[sflag:s3] =	ssyncset.done $0x0  }
0x79: {  	[sflag:s3] =	ssyncadd.s32 $0xFFFFD8F0  }
0x7a: {  	[tilespmem:s10], [sflag:$0x3] =	stream.indirect.gather [spmem:s1], $0x1, s26, s9, $0xb8;
	[tilespmem:$0x16740] =	vst v63  }
0x7b: {  	_ =	swait.ge [sflag:s30], $0x2710  }
0x7c: {  	[sflag:s30] =	ssyncset.done $0x0  }
0x7d: {  	[sflag:s30] =	ssyncadd.s32 $0xFFFFD8F0  }
0x7e: {  	[tilespmem:s11], [sflag:$0x3] =	stream.indirect.gather [spmem:s2], $0x1, s26, s9, $0xb8;
	[tilespmem:$0x16740] =	vst v63  }
0x7f: {  	_ =	swait.ge [sflag:s30], $0x2710  }
0x80: {  	[sflag:s30] =	ssyncset.done $0x0  }
0x81: {  	[sflag:s30] =	ssyncadd.s32 $0xFFFFD8F0  }
0x82: {  	[spmem:s4] =	stream.indirect.scatter.add.f32 [tilespmem:s10], [sflag:$0x3], $0x1, s28, s9, $0xb8;
	[tilespmem:$0x16740] =	vst v63  }
0x83: {  	_ =	swait.ge [sflag:s30], $0x2710  }
0x84: {  	[sflag:s30] =	ssyncset.done $0x0  }
0x85: {  	[sflag:s30] =	ssyncadd.s32 $0xFFFFD8F0  }
0x86: {  	[spmem:s5] =	stream.indirect.scatter.add.f32 [tilespmem:s11], [sflag:$0x3], $0x1, s28, s9, $0xb8;
	[tilespmem:$0x16740] =	vst v63  }
0x87: {  	_ =	swait.ge [sflag:s30], $0x2710  }
0x88: {  	s18 =	sshrl.u32 s14, $0x3;
	[sflag:s30] =	ssyncset.done $0x0  }
0x89: {  	s20 =	sadd.s32 s7, s18;
	[sflag:s30] =	ssyncadd.s32 $0xFFFFD8F0  }
0x8a: {  	[tilespmem:s26], [sflag:$0x1] =	stream.linear.gather [hbm4b:s20+s6], $0x2710, $0x38;
	[tilespmem:$0x16740] =	vst v63  }
0x8b: {  	s18 =	sadd.s32 s8, s18  }
0x8c: {  	[tilespmem:s28], [sflag:$0x1] =	stream.linear.gather [hbm4b:s18+s6], $0x2710, $0x38;
	[tilespmem:$0x16740] =	vst v63  }
0x8d: {  	_ =	swait.ge [sflag:s12], $0x2710  }
0x8e: {  	[sflag:s12] =	ssyncset.done $0x0  }
0x8f: {  	[sflag:s12] =	ssyncadd.s32 $0xFFFFD8F0  }
0x90: {  	_ =	swait.ge [sflag:s12], $0x2710  }
0x91: {  	[sflag:s12] =	ssyncset.done $0x0  }
0x92: {  	[sflag:s12] =	ssyncadd.s32 $0xFFFFD8F0  }
0x93: {  	[tilespmem:s10], [sflag:$0x3] =	stream.indirect.gather [spmem:s1], $0x1, s31, s9, $0xb8;
	[tilespmem:$0x16740] =	vst v63  }
0x94: {  	_ =	swait.ge [sflag:s30], $0x2710  }
0x95: {  	[sflag:s30] =	ssyncset.done $0x0  }
0x96: {  	[sflag:s30] =	ssyncadd.s32 $0xFFFFD8F0  }
0x97: {  	[tilespmem:s11], [sflag:$0x3] =	stream.indirect.gather [spmem:s2], $0x1, s31, s9, $0xb8;
	[tilespmem:$0x16740] =	vst v63  }
0x98: {  	_ =	swait.ge [sflag:s30], $0x2710  }
0x99: {  	[sflag:s30] =	ssyncset.done $0x0  }
0x9a: {  	[sflag:s30] =	ssyncadd.s32 $0xFFFFD8F0  }
0x9b: {  	[spmem:s4] =	stream.indirect.scatter.add.f32 [tilespmem:s10], [sflag:$0x3], $0x1, s0, s9, $0xb8;
	[tilespmem:$0x16740] =	vst v63  }
0x9c: {  	_ =	swait.ge [sflag:s30], $0x2710  }
.Ltmp0:
0x9d: {  	[sflag:s30] =	ssyncset.done $0x0;
	(pc) =	sbr.rel @p0 .LBB2_2-.Ltmp0, $4  }
0x9e: {  	[sflag:s30] =	ssyncadd.s32 $0xFFFFD8F0  }
0x9f: {  	[spmem:s5] =	stream.indirect.scatter.add.f32 [tilespmem:s11], [sflag:$0x3], $0x1, s0, s9, $0xb8;
	[tilespmem:$0x16740] =	vst v63  }
0xa0: {  	_ =	swait.ge [sflag:s30], $0x2710  }
0xa1: {  	s14 =	sadd.s32 $0x4E20, s14;
	s18 =	smov.u32 s19;
	[sflag:s30] =	ssyncset.done $0x0  }
0xa2: {  	s18 =	sadd.s32 s15, s25;
	[sflag:s30] =	ssyncadd.s32 $0xFFFFD8F0  }
0xa3: {  	[tilespmem:s31], [sflag:$0x2] =	stream.linear.gather [hbm4b:s18+s6], $0x2710, $0x38;
	[tilespmem:$0x16740] =	vst v63  }
0xa4: {  	s20 =	sadd.s32 s15, s24  }
0xa5: {  	[tilespmem:s0], [sflag:$0x2] =	stream.linear.gather [hbm4b:s20+s6], $0x2710, $0x38;
	[tilespmem:$0x16740] =	vst v63  }
0xa6: {  	_ =	swait.ge [sflag:s3], $0x2710  }
0xa7: {  	[sflag:s3] =	ssyncset.done $0x0  }
0xa8: {  	[sflag:s3] =	ssyncadd.s32 $0xFFFFD8F0  }
0xa9: {  	_ =	swait.ge [sflag:s3], $0x2710  }
0xaa: {  	[sflag:s3] =	ssyncset.done $0x0  }
0xab: {  	[sflag:s3] =	ssyncadd.s32 $0xFFFFD8F0  }
0xac: {  	[tilespmem:s10], [sflag:$0x3] =	stream.indirect.gather [spmem:s1], $0x1, s26, s9, $0xb8;
	[tilespmem:$0x16740] =	vst v63  }
0xad: {  	_ =	swait.ge [sflag:s30], $0x2710  }
0xae: {  	[sflag:s30] =	ssyncset.done $0x0  }
0xaf: {  	[sflag:s30] =	ssyncadd.s32 $0xFFFFD8F0  }
0xb0: {  	[tilespmem:s11], [sflag:$0x3] =	stream.indirect.gather [spmem:s2], $0x1, s26, s9, $0xb8;
	[tilespmem:$0x16740] =	vst v63  }
0xb1: {  	_ =	swait.ge [sflag:s30], $0x2710  }
0xb2: {  	[sflag:s30] =	ssyncset.done $0x0  }
0xb3: {  	[sflag:s30] =	ssyncadd.s32 $0xFFFFD8F0  }
0xb4: {  	[spmem:s4] =	stream.indirect.scatter.add.f32 [tilespmem:s10], [sflag:$0x3], $0x1, s28, s9, $0xb8;
	[tilespmem:$0x16740] =	vst v63  }
0xb5: {  	_ =	swait.ge [sflag:s30], $0x2710  }
0xb6: {  	[sflag:s30] =	ssyncset.done $0x0  }
0xb7: {  	[sflag:s30] =	ssyncadd.s32 $0xFFFFD8F0  }
0xb8: {  	[spmem:s5] =	stream.indirect.scatter.add.f32 [tilespmem:s11], [sflag:$0x3], $0x1, s28, s9, $0xb8;
	[tilespmem:$0x16740] =	vst v63  }
0xb9: {  	_ =	swait.ge [sflag:s30], $0x2710  }
0xba: {  	s14 =	sshrl.u32 s14, $0x3;
	[sflag:s30] =	ssyncset.done $0x0  }
0xbb: {  	s21 =	sadd.s32 s7, s14;
	[sflag:s30] =	ssyncadd.s32 $0xFFFFD8F0  }
0xbc: {  	[tilespmem:s26], [sflag:$0x1] =	stream.linear.gather [hbm4b:s21+s6], $0x2710, $0x38;
	[tilespmem:$0x16740] =	vst v63  }
0xbd: {  	s14 =	sadd.s32 s8, s14  }
0xbe: {  	[tilespmem:s28], [sflag:$0x1] =	stream.linear.gather [hbm4b:s14+s6], $0x2710, $0x38;
	[tilespmem:$0x16740] =	vst v63  }
0xbf: {  	_ =	swait.ge [sflag:s12], $0x2710  }
0xc0: {  	[sflag:s12] =	ssyncset.done $0x0  }
0xc1: {  	[sflag:s12] =	ssyncadd.s32 $0xFFFFD8F0  }
0xc2: {  	_ =	swait.ge [sflag:s12], $0x2710  }
0xc3: {  	[sflag:s12] =	ssyncset.done $0x0  }
0xc4: {  	[sflag:s12] =	ssyncadd.s32 $0xFFFFD8F0  }
0xc5: {  	[tilespmem:s10], [sflag:$0x3] =	stream.indirect.gather [spmem:s1], $0x1, s31, s9, $0xb8;
	[tilespmem:$0x16740] =	vst v63  }
0xc6: {  	_ =	swait.ge [sflag:s30], $0x2710  }
0xc7: {  	[sflag:s30] =	ssyncset.done $0x0  }
0xc8: {  	[sflag:s30] =	ssyncadd.s32 $0xFFFFD8F0  }
0xc9: {  	[tilespmem:s11], [sflag:$0x3] =	stream.indirect.gather [spmem:s2], $0x1, s31, s9, $0xb8;
	[tilespmem:$0x16740] =	vst v63  }
0xca: {  	_ =	swait.ge [sflag:s30], $0x2710  }
0xcb: {  	[sflag:s30] =	ssyncset.done $0x0  }
0xcc: {  	[sflag:s30] =	ssyncadd.s32 $0xFFFFD8F0  }
0xcd: {  	[spmem:s4] =	stream.indirect.scatter.add.f32 [tilespmem:s10], [sflag:$0x3], $0x1, s0, s9, $0xb8;
	[tilespmem:$0x16740] =	vst v63  }
0xce: {  	_ =	swait.ge [sflag:s30], $0x2710  }
0xcf: {  	[sflag:s30] =	ssyncset.done $0x0  }
0xd0: {  	[sflag:s30] =	ssyncadd.s32 $0xFFFFD8F0  }
0xd1: {  	[spmem:s5] =	stream.indirect.scatter.add.f32 [tilespmem:s11], [sflag:$0x3], $0x1, s0, s9, $0xb8;
	[tilespmem:$0x16740] =	vst v63  }
0xd2: {  	_ =	swait.ge [sflag:s30], $0x2710  }
0xd3: {  	[sflag:s30] =	ssyncset.done $0x0  }
0xd4: {  	s18 =	rddreg [dreg:$0xd];
	[sflag:s30] =	ssyncadd.s32 $0xFFFFD8F0  }
0xd5: {  	[tilespmem:s31], [sflag:$0x2] =	stream.linear.gather [hbm4b:s18+s6], $0x2710, $0x38;
	[tilespmem:$0x16740] =	vst v63  }
0xd6: {  	s19 =	rddreg [dreg:$0xe]  }
0xd7: {  	[tilespmem:s0], [sflag:$0x2] =	stream.linear.gather [hbm4b:s19+s6], $0x2710, $0x38;
	[tilespmem:$0x16740] =	vst v63  }
0xd8: {  	_ =	swait.ge [sflag:s3], $0x2710  }
0xd9: {  	[sflag:s3] =	ssyncset.done $0x0  }
0xda: {  	[sflag:s3] =	ssyncadd.s32 $0xFFFFD8F0  }
0xdb: {  	_ =	swait.ge [sflag:s3], $0x2710  }
0xdc: {  	[sflag:s3] =	ssyncset.done $0x0  }
0xdd: {  	[sflag:s3] =	ssyncadd.s32 $0xFFFFD8F0  }
0xde: {  	[tilespmem:s10], [sflag:$0x3] =	stream.indirect.gather [spmem:s1], $0x1, s26, s9, $0xb8;
	[tilespmem:$0x16740] =	vst v63  }
0xdf: {  	_ =	swait.ge [sflag:s30], $0x2710  }
0xe0: {  	[sflag:s30] =	ssyncset.done $0x0  }
0xe1: {  	[sflag:s30] =	ssyncadd.s32 $0xFFFFD8F0  }
0xe2: {  	[tilespmem:s11], [sflag:$0x3] =	stream.indirect.gather [spmem:s2], $0x1, s26, s9, $0xb8;
	[tilespmem:$0x16740] =	vst v63  }
0xe3: {  	_ =	swait.ge [sflag:s30], $0x2710  }
0xe4: {  	[sflag:s30] =	ssyncset.done $0x0  }
0xe5: {  	[sflag:s30] =	ssyncadd.s32 $0xFFFFD8F0  }
0xe6: {  	[spmem:s4] =	stream.indirect.scatter.add.f32 [tilespmem:s10], [sflag:$0x3], $0x1, s28, s9, $0xb8;
	[tilespmem:$0x16740] =	vst v63  }
0xe7: {  	_ =	swait.ge [sflag:s30], $0x2710  }
0xe8: {  	[sflag:s30] =	ssyncset.done $0x0  }
0xe9: {  	[sflag:s30] =	ssyncadd.s32 $0xFFFFD8F0  }
0xea: {  	[spmem:s5] =	stream.indirect.scatter.add.f32 [tilespmem:s11], [sflag:$0x3], $0x1, s28, s9, $0xb8;
	[tilespmem:$0x16740] =	vst v63  }
0xeb: {  	_ =	swait.ge [sflag:s30], $0x2710  }
0xec: {  	[sflag:s30] =	ssyncset.done $0x0  }
0xed: {  	[sflag:s30] =	ssyncadd.s32 $0xFFFFD8F0  }
0xee: {  	_ =	swait.ge [sflag:s12], $0x2710  }
0xef: {  	[sflag:s12] =	ssyncset.done $0x0  }
0xf0: {  	[sflag:s12] =	ssyncadd.s32 $0xFFFFD8F0  }
0xf1: {  	_ =	swait.ge [sflag:s12], $0x2710  }
0xf2: {  	[sflag:s12] =	ssyncset.done $0x0  }
0xf3: {  	[sflag:s12] =	ssyncadd.s32 $0xFFFFD8F0  }
0xf4: {  	[tilespmem:s10], [sflag:$0x3] =	stream.indirect.gather [spmem:s1], $0x1, s31, s9, $0xb8;
	[tilespmem:$0x16740] =	vst v63  }
0xf5: {  	_ =	swait.ge [sflag:s30], $0x2710  }
0xf6: {  	[sflag:s30] =	ssyncset.done $0x0  }
0xf7: {  	[sflag:s30] =	ssyncadd.s32 $0xFFFFD8F0  }
0xf8: {  	[tilespmem:s11], [sflag:$0x3] =	stream.indirect.gather [spmem:s2], $0x1, s31, s9, $0xb8;
	[tilespmem:$0x16740] =	vst v63  }
0xf9: {  	_ =	swait.ge [sflag:s30], $0x2710  }
0xfa: {  	[sflag:s30] =	ssyncset.done $0x0  }
0xfb: {  	[sflag:s30] =	ssyncadd.s32 $0xFFFFD8F0  }
0xfc: {  	[spmem:s4] =	stream.indirect.scatter.add.f32 [tilespmem:s10], [sflag:$0x3], $0x1, s0, s9, $0xb8;
	[tilespmem:$0x16740] =	vst v63  }
0xfd: {  	_ =	swait.ge [sflag:s30], $0x2710  }
0xfe: {  	[sflag:s30] =	ssyncset.done $0x0  }
0xff: {  	[sflag:s30] =	ssyncadd.s32 $0xFFFFD8F0  }
0x100: {  	[spmem:s5] =	stream.indirect.scatter.add.f32 [tilespmem:s11], [sflag:$0x3], $0x1, s0, s9, $0xb8;
	[tilespmem:$0x16740] =	vst v63  }
0x101: {  	_ =	swait.ge [sflag:s30], $0x2710  }
0x102: {  	[sflag:s30] =	ssyncset.done $0x0  }
0x103: {  	[sflag:s30] =	ssyncadd.s32 $0xFFFFD8F0  }
0x104: {  	[bflag:$0x0] =	sbarrier.arrive $0xFFFF  }
0x105: {  	[tilespmem:s29], [sflag:$0x3] =	stream.linear.gather [spmem:s16], $0x1870, $0x38;
	[tilespmem:$0x16740] =	vst v63  }
0x106: {  	_ =	swait.ge [sflag:s30], $0x1870  }
0x107: {  	[sflag:s30] =	ssyncset.done $0x0  }
0x108: {  	s20 =	rddreg [dreg:$0xf];
	[sflag:s30] =	ssyncadd.s32 $0xFFFFE790  }
0x109: {  	[hbm4b:s20+s6] =	stream.linear.scatter [tilespmem:s29], [sflag:$0x3], $0x1870, $0x38;
	[tilespmem:$0x16740] =	vst v63  }
0x10a: {  	_ =	swait.ge [sflag:s30], $0x1870  }
0x10b: {  	[sflag:s30] =	ssyncset.done $0x0  }
0x10c: {  	[sflag:s30] =	ssyncadd.s32 $0xFFFFE790  }
0x10d: {  	[tilespmem:s29], [sflag:$0x3] =	stream.linear.gather [spmem:s17], $0x1870, $0x38;
	[tilespmem:$0x16740] =	vst v63  }
0x10e: {  	s13 =	sadd.s32 $0x1, s13;
	_ =	swait.ge [sflag:s30], $0x1870  }
0x10f: {  	p0 =	sne.s32 s13, s22;
	[sflag:s30] =	ssyncset.done $0x0  }
.Ltmp1:
0x110: {  	s21 =	rddreg [dreg:$0x10];
	[sflag:s30] =	ssyncadd.s32 $0xFFFFE790;
	(pc) =	sbr.rel @p0 .LBB2_1-.Ltmp1, $4  }
0x111: {  	[hbm4b:s21+s6] =	stream.linear.scatter [tilespmem:s29], [sflag:$0x3], $0x1870, $0x38;
	[tilespmem:$0x16740] =	vst v63  }
0x112: {  	_ =	swait.ge [sflag:s30], $0x1870  }
0x113: {  	[sflag:s30] =	ssyncset.done $0x0  }
0x114: {  	[sflag:s30] =	ssyncadd.s32 $0xFFFFE790  }
0x115: {  	_ =	sfence.sel $0x180000  }
0x116: {  	[bflag:$0x0] =	sbarrier.arrive $0xFFFF  }
0x117: {  	_ =	strace $0x9000004D  }
0x118: {  	s0 =	stileid.u32;
	[bflag:$0x2] =	sbarrier.arrive $0xFFFF  }
0x119: {  	p0 =	sne.s32 s0, $0x0;
	s0 =	rddreg [dreg:$0x5]  }
0x11a: {  	s0 =	sadd.s32 @!p0 $0x100000, s0  }
0x11b: {  	[sflag:s0] =	ssyncadd.tile.s32 @!p0 $0x1;
	_ =	shalt  }
.Lfunc_end2:
_tile_overlayer_lowered:
.L_overlay_start_2:
0x11c: {  	(tag) =	ssettag $0x2  }
0x11d: {  	s0 =	rddreg [dreg:$0x0];
	s2 =	stileid.u32  }
0x11e: {  	s1 =	rddreg [dreg:$0x1];
	p0 =	sne.s32 s2, $0x0  }
0x11f: {  	s3 =	rddreg [dreg:$0x2];
	[bflag:$0x3] =	sbarrier.arrive $0xFFFF;
	s2 =	simm.s32 @!p0 $0x1C03  }
0x120: {  	[timem:s3], [sflag:s2] =	dma.local @!p0 [hbm:s0], s1  }
0x121: {  	s0 =	simm.s32 @!p0 $0x3  }
0x122: {  	_ =	swait.ge @!p0 [sflag:s0], s1  }
0x123: {  	s1 =	ssub.s32 @!p0 $0x0, s1;
	[sflag:s0] =	ssyncset.done @!p0 $0x0  }
0x124: {  	[sflag:s0] =	ssyncadd.s32 @!p0 s1  }
0x125: {  	[bflag:$0x3] =	sbarrier.arrive $0xFFFF  }
0x126: {  	_ =	shalt  }

// kernel: kernel.8.cloned.1.call-start
scs
__scs_entry_jumppad:
0x0: {  	(pc) =	sbr.rel $0x88, $3  }
0x1: {  	(tag) =	ssettag $0x0;
	lr =	simm.s32 $0x1  }
0x2: {  	[smem:$0x3F9A] =	sst lr;
	_ =	strace $0xD0000000  }
0x3: {  	_ = 	snop  }
0x4: {  	_ = 	snop  }
0x5: {  	_ = 	snop  }
0x6: {  	_ = 	snop  }
0x7: {  	_ = 	snop  }
__scs_overlays_trampoline_lowered:
0x8: {  	[smem:$0x3FA9] =	sst s0  }
0x9: {  	[smem:$0x3FAA] =	sst s1  }
0xa: {  	[smem:$0x3FAB] =	sst s2  }
0xb: {  	[smem:$0x3FAC] =	sst s3  }
0xc: {  	[smem:$0x3FAD] =	sst s4  }
0xd: {  	[smem:$0x3FAE] =	sst s5  }
0xe: {  	[smem:$0x3FAF] =	sst s6  }
0xf: {  	[smem:$0x3FB0] =	sst s7  }
0x10: {  	[smem:$0x3FB1] =	sst s8  }
0x11: {  	[smem:$0x3FB2] =	sst s9;
	s0 =	simm.s32 @!p0 $0x0  }
0x12: {  	s1 =	sld [smem:$0x3F98];
	s0 =	simm.s32 @p0 $0x1  }
0x13: {  	[smem:$0x3FB3] =	sst s0;
	s0 =	simm.s32 @!p1 $0x0  }
0x14: {  	s2 =	sld [smem:$0x3F97];
	s0 =	simm.s32 @p1 $0x1  }
0x15: {  	[smem:$0x3FB4] =	sst s0;
	s0 =	simm.s32 @!p2 $0x0  }
0x16: {  	s3 =	sld [smem:$0x3FDB];
	s0 =	simm.s32 @p2 $0x1  }
0x17: {  	s4 =	simm.s32 $0x1BF5;
	[smem:$0x3FB6] =	sst s0  }
0x18: {  	s0 =	sld [smem:$0x3F99];
	_ =	swait.ge [sflag:s4], $0x0  }
0x19: {  	s7 =	sld [smem:$0x3F9A]  }
0x1a: {  	s8 =	sadd.s32 $0xFFFFE003, lr  }
0x1b: {  	s9 =	sadd.s32 $0xFFFFFEF7, lr;
	s5 =	simm.s32 $0xFFFFFFFF;
	p2 =	slt.u32 s8, $0xFFFFF086  }
0x1c: {  	p1 =	slt.u32 s9, $0xF7A;
	s5 =	simm.s32 @!p2 $0x0  }
0x1d: {  	s5 =	simm.s32 @p1 $0x1;
	p0 =	seq.s32 s7, s2  }
0x1e: {  	s7 =	smul.u32 @!p0 $0xF7A, s2;
	p2 =	seq.s32 @!p0 s5, $0x0  }
0x1f: {  	s9 =	smul.u32 $0xF7A, s1;
	s8 =	simm.s32 @!p0 $0x1BF5;
	p2 =	por !p2, p0  }
0x20: {  	[sflag:s8] =	ssyncset.s32 @!p0 $0xFFFFF086;
	s6 =	sadd.s32 @!p0 s3, s7;
	s7 =	simm.s32 @!p0 $0x108  }
0x21: {  	s3 =	sadd.s32 s3, s9;
	s6 =	sadd.s32 @!p0 $0x88, s6;
	s7 =	simm.s32 @p2 $0x1082  }
0x22: {  	[simem:s7], [sflag:s8] =	dma.local @!p0 [hbm:s6], $0xF7A  }
0x23: {  	s9 =	sor.u32 $0xD0000000, s2;
	s6 =	simm.s32 $0x108;
	_ =	swait.ge @!p0 [sflag:s8], $0x0  }
0x24: {  	s3 =	sadd.s32 $0x88, s3;
	s6 =	simm.s32 @!p1 $0x1082;
	[sflag:s4] =	ssyncset.s32 $0xFFFFF086  }
0x25: {  	[simem:s6], [sflag:s4] =	dma.local [hbm:s3], $0xF7A  }
0x26: {  	[smem:$0x3F9A] =	sst s1;
	(tag) =	ssettag s2;
	_ =	strace s9  }
0x27: {  	s1 =	sld [smem:$0x3FAA]  }
0x28: {  	s2 =	sld [smem:$0x3FAB]  }
0x29: {  	s4 =	sld [smem:$0x3FAD]  }
0x2a: {  	p0 =	seq.s32 s5, $0x0;
	s5 =	sld [smem:$0x3FAE]  }
0x2b: {  	s6 =	sld [smem:$0x3FAF]  }
0x2c: {  	s7 =	sld [smem:$0x3FB0]  }
0x2d: {  	s3 =	simm.s32 $0x108;
	s8 =	sld [smem:$0x3FB1]  }
0x2e: {  	s3 =	simm.s32 @!p0 $0x1082;
	s9 =	sld [smem:$0x3FB2]  }
0x2f: {  	lr =	sadd.s32 s0, s3;
	s0 =	sld [smem:$0x3FA9]  }
0x30: {  	s3 =	sld [smem:$0x3FAC]  }
0x31: {  	[smem:$0x3FB5] =	sst s10  }
0x32: {  	s10 =	sld [smem:$0x3FB3];
	_ =	sdelay $0x3  }
0x33: {  	p0 =	seq.s32 s10, $0x1;
	s10 =	sld [smem:$0x3FB5];
	_ =	sdelay $0x3  }
0x34: {  	[smem:$0x3FB5] =	sst s10  }
0x35: {  	s10 =	sld [smem:$0x3FB4];
	_ =	sdelay $0x3  }
0x36: {  	p1 =	seq.s32 s10, $0x1;
	s10 =	sld [smem:$0x3FB5];
	_ =	sdelay $0x3  }
0x37: {  	[smem:$0x3FB5] =	sst s10  }
0x38: {  	s10 =	sld [smem:$0x3FB6]  }
0x39: {  	_ = 	snop;
	(pc) =	sbr.ind lr, $3  }
0x3a: {  	_ = 	snop  }
0x3b: {  	_ = 	snop  }
0x3c: {  	p2 =	seq.s32 s10, $0x1;
	s10 =	sld [smem:$0x3FB5]  }
0x3d: {  	_ =	shalt  }
0x3e: {  	_ =	shalt  }
0x3f: {  	_ =	shalt  }
0x40: {  	_ =	shalt  }
0x41: {  	_ =	shalt  }
0x42: {  	_ =	shalt  }
0x43: {  	_ =	shalt  }
0x44: {  	_ =	shalt  }
0x45: {  	_ =	shalt  }
0x46: {  	_ =	shalt  }
0x47: {  	_ =	shalt  }
0x48: {  	_ =	shalt  }
0x49: {  	_ =	shalt  }
0x4a: {  	_ =	shalt  }
0x4b: {  	_ =	shalt  }
0x4c: {  	_ =	shalt  }
0x4d: {  	_ =	shalt  }
0x4e: {  	_ =	shalt  }
0x4f: {  	_ =	shalt  }
0x50: {  	_ =	shalt  }
0x51: {  	_ =	shalt  }
0x52: {  	_ =	shalt  }
0x53: {  	_ =	shalt  }
0x54: {  	_ =	shalt  }
0x55: {  	_ =	shalt  }
0x56: {  	_ =	shalt  }
0x57: {  	_ =	shalt  }
0x58: {  	_ =	shalt  }
0x59: {  	_ =	shalt  }
0x5a: {  	_ =	shalt  }
0x5b: {  	_ =	shalt  }
0x5c: {  	_ =	shalt  }
0x5d: {  	_ =	shalt  }
0x5e: {  	_ =	shalt  }
0x5f: {  	_ =	shalt  }
0x60: {  	_ =	shalt  }
0x61: {  	_ =	shalt  }
0x62: {  	_ =	shalt  }
0x63: {  	_ =	shalt  }
0x64: {  	_ =	shalt  }
0x65: {  	_ =	shalt  }
0x66: {  	_ =	shalt  }
0x67: {  	_ =	shalt  }
0x68: {  	_ =	shalt  }
0x69: {  	_ =	shalt  }
0x6a: {  	_ =	shalt  }
0x6b: {  	_ =	shalt  }
0x6c: {  	_ =	shalt  }
0x6d: {  	_ =	shalt  }
0x6e: {  	_ =	shalt  }
0x6f: {  	_ =	shalt  }
0x70: {  	_ =	shalt  }
0x71: {  	_ =	shalt  }
0x72: {  	_ =	shalt  }
0x73: {  	_ =	shalt  }
0x74: {  	_ =	shalt  }
0x75: {  	_ =	shalt  }
0x76: {  	_ =	shalt  }
0x77: {  	_ =	shalt  }
0x78: {  	_ =	shalt  }
0x79: {  	_ =	shalt  }
0x7a: {  	_ =	shalt  }
0x7b: {  	_ =	shalt  }
0x7c: {  	_ =	shalt  }
0x7d: {  	_ =	shalt  }
0x7e: {  	_ =	shalt  }
0x7f: {  	_ =	shalt  }
0x80: {  	_ =	shalt  }
0x81: {  	_ =	shalt  }
0x82: {  	_ =	shalt  }
0x83: {  	_ =	shalt  }
0x84: {  	_ =	shalt  }
0x85: {  	_ =	shalt  }
0x86: {  	_ =	shalt  }
0x87: {  	_ =	shalt  }
.Lfunc_end0:
.L_simem_size_0:
called_computation_lowered:
.L_overlay_start_0:
0x88: {  	s2 =	sld [smem:$0x3FD9]  }
0x89: {  	s3 =	sld [smem:$0x3FFE];
	_ =	sdelay $0x1  }
0x8a: {  	s1 =	srdreg.scid  }
0x8b: {  	s0 =	sand.u32 $0x1, s1  }
0x8c: {  	s16 =	sshll.u32 s0, $0xA;
	s2 =	sadd.s32 s3, s2  }
0x8d: {  	s2 =	sadd.s32 s2, s16  }
0x8e: {  	[smem:$0x3FC1] =	sst s2  }
0x8f: {  	_ = 	snop  }
0x90: {  	(tm) =	ssettm $0x1  }
0x91: {  	s17 =	sld [smem:$0x3FFB];
	_ =	sdelay $0x3  }
0x92: {  	_ =	strace s17  }
0x93: {  	s2 =	sld [smem:$0x3FFC];
	_ =	sdelay $0x3  }
0x94: {  	_ =	strace s2  }
0x95: {  	s2 =	sld [smem:$0x3FFD];
	_ =	sdelay $0x3  }
0x96: {  	_ =	strace s2  }
0x97: {  	_ =	strace $0x8FFFFFFF  }
0x98: {  	s18 =	sld [smem:$0x3FDB];
	_ =	sdelay $0x1  }
0x99: {  	s19 =	simm.s32 $_scs_section_size  }
0x9a: {  	s4 =	simm.s32 $_size__tile_overlayer_lowered;
	s5 =	simm.s32 $_tile_overlayer_lowered  }
0x9b: {  	s22 =	simm.s32 $0x1BFF;
	s21 =	sshll.u32 s5, $0x1;
	s2 =	sadd.s32 s19, s18  }
0x9c: {  	s6 =	simm.s32 $0x0;
	s20 =	sshll.u32 s4, $0x1;
	s4 =	sadd.s32 s21, s2  }
0x9d: {  	[timem:s6], [sflag:s22] =	dma.local [hbm:s4], s20  }
0x9e: {  	_ =	swait.ge [sflag:s22], s20  }
0x9f: {  	s3 =	ssub.s32 $0x0, s20;
	[sflag:s22] =	ssyncset.done $0x0  }
0xa0: {  	[sflag:s22] =	ssyncadd.s32 s3;
	_ =	sdelay $0x1  }
0xa1: {  	s23 =	simm.s32 $0x1B8B  }
0xa2: {  	_ =	swait.ge [sflag:s23], $0x1  }
0xa3: {  	[sflag:s23] =	ssyncset.done $0x0  }
0xa4: {  	s25 =	simm.s32 $0x1B8E;
	s24 =	sld [smem:$0x3FFE];
	[sflag:s23] =	ssyncadd.s32 $0xFFFFFFFF  }
0xa5: {  	s26 =	simm.s32 $execute0_lowered;
	[smem:$0x3FD2] =	sst s25  }
0xa6: {  	s4 =	sshll.u32 s26, $0x1;
	_ =	strace $0x80000046;
	[dreg:$0x1] =	wrdreg $0xFFFFFFFF  }
0xa7: {  	s28 =	simm.s32 $_size_execute0_lowered;
	s2 =	sadd.s32 s2, s4;
	[dreg:$0x0] =	wrdreg $0x0  }
0xa8: {  	s4 =	sshll.u32 s28, $0x1;
	[dreg:$0x2] =	wrdreg s2  }
0xa9: {  	[dreg:$0x3] =	wrdreg s4  }
0xaa: {  	[dreg:$0x4] =	wrdreg $0xC0  }
0xab: {  	_ =	task [dreg:s6], $0x5FFFF  }
0xac: {  	[dreg:$0x1] =	wrdreg $0xFFFFFFFF  }
0xad: {  	[dreg:$0x0] =	wrdreg $0x60  }
0xae: {  	[dreg:$0x2] =	wrdreg s24  }
0xaf: {  	[dreg:$0x3] =	wrdreg $0x0  }
0xb0: {  	[dreg:$0x4] =	wrdreg $0x9  }
0xb1: {  	_ =	task.clear_ibuf [dreg:s6], $0x5FFFF;
	_ =	strace $0x90000046  }
0xb2: {  	s29 =	simm.s32 $0x9;
	_ =	strace $0x80000048  }
0xb3: {  	_ =	swait.ge [sflag:s29], $0x1  }
0xb4: {  	[sflag:s29] =	ssyncadd.s32 $0xFFFFFFFF  }
0xb5: {  	_ =	strace $0x90000048  }
0xb6: {  	_ =	sfence  }
0xb7: {  	s30 =	sld [smem:$0x0];
	_ =	sdelay $0x2  }
0xb8: {  	s31 =	sshll.u32 s1, $0xD;
	s1 =	sshrl.u32 s1, $0x2  }
0xb9: {  	s3 =	sand.u32 $0x4000, s31;
	s1 =	sadd.s32 s1, s30  }
0xba: {  	s0 =	sor.u32 s3, s0;
	s1 =	sshll.u32 s1, $0x11  }
0xbb: {  	s0 =	sor.u32 s1, s0  }
0xbc: {  	s0 =	sadd.s32 $0x8F2B, s0  }
0xbd: {  	[sflag:s0] =	ssyncadd.remote.s32 $0x1  }
0xbe: {  	_ =	sfence.sel $0xFFFF  }
0xbf: {  	[dreg:$0x0] =	wrdreg $0xFFFFFFFF;
	(pc) =	sbr.abs _section_cstart, $3  }
0xc0: {  	[dreg:$0x1] =	wrdreg $0xFFFFFFFF  }
0xc1: {  	_ =	task.clear_ibuf [dreg:s6], $0x2FFFF;
	_ =	strace $0x9FFFFFFF  }
0xc2: {  	(tm) =	ssettm $0x7FFFFFFF  }
0xc3: {  	_ =	shalt  }
tec
execute0_lowered:
.L_overlay_start_1:
0x0: {  	(tag) =	ssettag $0x1  }
0x1: {  	s0 =	srdreg.scid  }
0x2: {  	s26 =	sand.u32 $0x1, s0  }
0x3: {  	s0 =	stileid.u32;
	s1 =	sshll.u32 s26, $0x4  }
0x4: {  	s1 =	sor.u32 s0, s1  }
0x5: {  	s25 =	rddreg [dreg:$0x0];
	s4 =	smul.u32 $0x186A0, s1  }
0x6: {  	s2 =	rddreg [dreg:$0x1];
	s3 =	simm.s32 $0x0;
	s28 =	smul.u32 $0x1870, s0  }
0x7: {  	s5 =	simm.s32 $0x1870;
	[smem:$0x7FF] =	sst s3;
	s4 =	sshrl.u32 s4, $0x3  }
0x8: {  	s1 =	rddreg [dreg:$0x2];
	s30 =	sshrl.u32 s28, $0x3;
	s24 =	sadd.s32 s4, s25  }
0x9: {  	_ =	strace $0x80000047;
	s6 =	sadd.s32 s30, s25;
	s4 =	sadd.s32 $0x1A00, s24  }
0xa: {  	[tilespmem:s5], [sflag:$0x1] =	stream.linear.gather [hbm4b:s4+s3], $0x2710, $0x38;
	[tilespmem:$0xA770] =	vst v63  }
0xb: {  	s8 =	simm.s32 $0x8EF0;
	s7 =	simm.s32 $0x3;
	s6 =	sadd.s32 $0xC5200, s6  }
0xc: {  	[tilespmem:s8], [sflag:$0x3] =	stream.linear.gather [hbm4b:s6+s3], $0x1870, $0x38;
	[tilespmem:$0xA770] =	vst v63  }
0xd: {  	_ =	swait.ge [sflag:s7], $0x1870  }
0xe: {  	[sflag:s7] =	ssyncset.done $0x0  }
0xf: {  	s9 =	sadd.s32 s28, s2;
	[sflag:s7] =	ssyncadd.s32 $0xFFFFE790  }
0x10: {  	[spmem:s9] =	stream.linear.scatter [tilespmem:s8], [sflag:$0x3], $0x1870, $0x38;
	[tilespmem:$0xA770] =	vst v63  }
0x11: {  	_ =	swait.ge [sflag:s7], $0x1870  }
0x12: {  	[sflag:s7] =	ssyncset.done $0x0  }
0x13: {  	s11 =	simm.s32 $0x6770;
	s10 =	sadd.s32 $0xC8400, s25;
	[sflag:s7] =	ssyncadd.s32 $0xFFFFE790  }
0x14: {  	[tilespmem:s11], [sflag:$0x3] =	stream.linear.gather [hbm4b:s10+s3], $0x2780, $0x38;
	[tilespmem:$0xA770] =	vst v63  }
0x15: {  	_ =	swait.ge [sflag:s7], $0x2780  }
0x16: {  	[sflag:s7] =	ssyncset.done $0x0  }
0x17: {  	s13 =	simm.s32 $0x3FF0;
	[sflag:s7] =	ssyncadd.s32 $0xFFFFD880  }
0x18: {  	s14 =	simm.s32 $0x1;
	s12 =	sadd.s32 $0x1EE2, s24;
	[bflag:$0x0] =	sbarrier.arrive $0xFFFF  }
0x19: {  	[tilespmem:s13], [sflag:$0x2] =	stream.linear.gather [hbm4b:s12+s3], $0x2710, $0x38;
	[tilespmem:$0xA770] =	vst v63  }
0x1a: {  	_ =	swait.ge [sflag:s14], $0x2710  }
0x1b: {  	[sflag:s14] =	ssyncset.done $0x0  }
0x1c: {  	s15 =	simm.s32 $0x2710;
	[sflag:s14] =	ssyncadd.s32 $0xFFFFD8F0  }
0x1d: {  	[spmem:s2] =	stream.indirect.scatter.add.f32 [tilespmem:s11], [sflag:$0x3], $0x1, s5, s15, $0xb8;
	[tilespmem:$0xA770] =	vst v63  }
0x1e: {  	_ =	swait.ge [sflag:s7], $0x2710  }
0x1f: {  	[sflag:s7] =	ssyncset.done $0x0  }
0x20: {  	s17 =	simm.s32 $0x2;
	s16 =	sadd.s32 $0x23C4, s24;
	[sflag:s7] =	ssyncadd.s32 $0xFFFFD8F0  }
0x21: {  	[tilespmem:s5], [sflag:$0x1] =	stream.linear.gather [hbm4b:s16+s3], $0x2710, $0x38;
	[tilespmem:$0xA770] =	vst v63  }
0x22: {  	_ =	swait.ge [sflag:s17], $0x2710  }
0x23: {  	[sflag:s17] =	ssyncset.done $0x0  }
0x24: {  	[sflag:s17] =	ssyncadd.s32 $0xFFFFD8F0  }
0x25: {  	[spmem:s2] =	stream.indirect.scatter.add.f32 [tilespmem:s11], [sflag:$0x3], $0x1, s13, s15, $0xb8;
	[tilespmem:$0xA770] =	vst v63  }
0x26: {  	_ =	swait.ge [sflag:s7], $0x2710  }
0x27: {  	[sflag:s7] =	ssyncset.done $0x0  }
0x28: {  	s18 =	sadd.s32 $0x28A6, s24;
	[sflag:s7] =	ssyncadd.s32 $0xFFFFD8F0  }
0x29: {  	[tilespmem:s13], [sflag:$0x2] =	stream.linear.gather [hbm4b:s18+s3], $0x2710, $0x38;
	[tilespmem:$0xA770] =	vst v63  }
0x2a: {  	_ =	swait.ge [sflag:s14], $0x2710  }
0x2b: {  	[sflag:s14] =	ssyncset.done $0x0  }
0x2c: {  	[sflag:s14] =	ssyncadd.s32 $0xFFFFD8F0  }
0x2d: {  	[spmem:s2] =	stream.indirect.scatter.add.f32 [tilespmem:s11], [sflag:$0x3], $0x1, s5, s15, $0xb8;
	[tilespmem:$0xA770] =	vst v63  }
0x2e: {  	_ =	swait.ge [sflag:s7], $0x2710  }
0x2f: {  	[sflag:s7] =	ssyncset.done $0x0  }
0x30: {  	s19 =	sadd.s32 $0x2D88, s24;
	[sflag:s7] =	ssyncadd.s32 $0xFFFFD8F0  }
0x31: {  	[tilespmem:s5], [sflag:$0x1] =	stream.linear.gather [hbm4b:s19+s3], $0x2710, $0x38;
	[tilespmem:$0xA770] =	vst v63  }
0x32: {  	_ =	swait.ge [sflag:s17], $0x2710  }
0x33: {  	[sflag:s17] =	ssyncset.done $0x0  }
0x34: {  	[sflag:s17] =	ssyncadd.s32 $0xFFFFD8F0  }
0x35: {  	[spmem:s2] =	stream.indirect.scatter.add.f32 [tilespmem:s11], [sflag:$0x3], $0x1, s13, s15, $0xb8;
	[tilespmem:$0xA770] =	vst v63  }
0x36: {  	_ =	swait.ge [sflag:s7], $0x2710  }
0x37: {  	[sflag:s7] =	ssyncset.done $0x0  }
0x38: {  	s20 =	sadd.s32 $0x326A, s24;
	[sflag:s7] =	ssyncadd.s32 $0xFFFFD8F0  }
0x39: {  	[tilespmem:s13], [sflag:$0x2] =	stream.linear.gather [hbm4b:s20+s3], $0x2710, $0x38;
	[tilespmem:$0xA770] =	vst v63  }
0x3a: {  	_ =	swait.ge [sflag:s14], $0x2710  }
0x3b: {  	[sflag:s14] =	ssyncset.done $0x0  }
0x3c: {  	[sflag:s14] =	ssyncadd.s32 $0xFFFFD8F0  }
0x3d: {  	[spmem:s2] =	stream.indirect.scatter.add.f32 [tilespmem:s11], [sflag:$0x3], $0x1, s5, s15, $0xb8;
	[tilespmem:$0xA770] =	vst v63  }
0x3e: {  	_ =	swait.ge [sflag:s7], $0x2710  }
0x3f: {  	[sflag:s7] =	ssyncset.done $0x0  }
0x40: {  	s21 =	sadd.s32 $0x374C, s24;
	[sflag:s7] =	ssyncadd.s32 $0xFFFFD8F0  }
0x41: {  	[tilespmem:s5], [sflag:$0x1] =	stream.linear.gather [hbm4b:s21+s3], $0x2710, $0x38;
	[tilespmem:$0xA770] =	vst v63  }
0x42: {  	_ =	swait.ge [sflag:s17], $0x2710  }
0x43: {  	[sflag:s17] =	ssyncset.done $0x0  }
0x44: {  	[sflag:s17] =	ssyncadd.s32 $0xFFFFD8F0  }
0x45: {  	[spmem:s2] =	stream.indirect.scatter.add.f32 [tilespmem:s11], [sflag:$0x3], $0x1, s13, s15, $0xb8;
	[tilespmem:$0xA770] =	vst v63  }
0x46: {  	_ =	swait.ge [sflag:s7], $0x2710  }
0x47: {  	[sflag:s7] =	ssyncset.done $0x0  }
0x48: {  	s22 =	sadd.s32 $0x3C2E, s24;
	[sflag:s7] =	ssyncadd.s32 $0xFFFFD8F0  }
0x49: {  	[tilespmem:s13], [sflag:$0x2] =	stream.linear.gather [hbm4b:s22+s3], $0x2710, $0x38;
	[tilespmem:$0xA770] =	vst v63  }
0x4a: {  	_ =	swait.ge [sflag:s14], $0x2710  }
0x4b: {  	[sflag:s14] =	ssyncset.done $0x0  }
0x4c: {  	[sflag:s14] =	ssyncadd.s32 $0xFFFFD8F0  }
0x4d: {  	[spmem:s2] =	stream.indirect.scatter.add.f32 [tilespmem:s11], [sflag:$0x3], $0x1, s5, s15, $0xb8;
	[tilespmem:$0xA770] =	vst v63  }
0x4e: {  	_ =	swait.ge [sflag:s7], $0x2710  }
0x4f: {  	[sflag:s7] =	ssyncset.done $0x0  }
0x50: {  	s23 =	sadd.s32 $0x4110, s24;
	[sflag:s7] =	ssyncadd.s32 $0xFFFFD8F0  }
0x51: {  	[tilespmem:s5], [sflag:$0x1] =	stream.linear.gather [hbm4b:s23+s3], $0x2710, $0x38;
	[tilespmem:$0xA770] =	vst v63  }
0x52: {  	_ =	swait.ge [sflag:s17], $0x2710  }
0x53: {  	[sflag:s17] =	ssyncset.done $0x0  }
0x54: {  	[sflag:s17] =	ssyncadd.s32 $0xFFFFD8F0  }
0x55: {  	[spmem:s2] =	stream.indirect.scatter.add.f32 [tilespmem:s11], [sflag:$0x3], $0x1, s13, s15, $0xb8;
	[tilespmem:$0xA770] =	vst v63  }
0x56: {  	_ =	swait.ge [sflag:s7], $0x2710  }
0x57: {  	[sflag:s7] =	ssyncset.done $0x0  }
0x58: {  	s24 =	sadd.s32 $0x45F2, s24;
	[sflag:s7] =	ssyncadd.s32 $0xFFFFD8F0  }
0x59: {  	[tilespmem:s13], [sflag:$0x2] =	stream.linear.gather [hbm4b:s24+s3], $0x2710, $0x38;
	[tilespmem:$0xA770] =	vst v63  }
0x5a: {  	_ =	swait.ge [sflag:s14], $0x2710  }
0x5b: {  	[sflag:s14] =	ssyncset.done $0x0  }
0x5c: {  	[sflag:s14] =	ssyncadd.s32 $0xFFFFD8F0  }
0x5d: {  	[spmem:s2] =	stream.indirect.scatter.add.f32 [tilespmem:s11], [sflag:$0x3], $0x1, s5, s15, $0xb8;
	[tilespmem:$0xA770] =	vst v63  }
0x5e: {  	_ =	swait.ge [sflag:s7], $0x2710  }
0x5f: {  	[sflag:s7] =	ssyncset.done $0x0  }
0x60: {  	[sflag:s7] =	ssyncadd.s32 $0xFFFFD8F0  }
0x61: {  	_ =	swait.ge [sflag:s17], $0x2710  }
0x62: {  	[sflag:s17] =	ssyncset.done $0x0  }
0x63: {  	[sflag:s17] =	ssyncadd.s32 $0xFFFFD8F0  }
0x64: {  	[spmem:s2] =	stream.indirect.scatter.add.f32 [tilespmem:s11], [sflag:$0x3], $0x1, s13, s15, $0xb8;
	[tilespmem:$0xA770] =	vst v63  }
0x65: {  	s29 =	smul.u32 $0x18700, s26;
	s26 =	ssub.s32 $0x2, s26;
	_ =	swait.ge [sflag:s7], $0x2710  }
0x66: {  	s31 =	sshrl.u32 s26, $0x1;
	[sflag:s7] =	ssyncset.done $0x0  }
0x67: {  	s26 =	ssub.s32 s26, s31;
	[sflag:s7] =	ssyncadd.s32 $0xFFFFD8F0  }
0x68: {  	s28 =	sadd.s32 s28, s29;
	s26 =	smax.u32 s26, $0x1;
	[bflag:$0x0] =	sbarrier.arrive $0xFFFF  }
0x69: {  	[tilespmem:s8], [sflag:$0x3] =	stream.linear.gather [spmem:s9], $0x1870, $0x38;
	[tilespmem:$0xA770] =	vst v63  }
0x6a: {  	s28 =	sshrl.u32 s28, $0x3;
	p0 =	sne.s32 s26, $0x1;
	_ =	swait.ge [sflag:s7], $0x1870  }
.Ltmp0:
0x6b: {  	s25 =	sadd.s32 s28, s25;
	[sflag:s7] =	ssyncset.done $0x0;
	(pc) =	sbr.rel @!p0 .LBB2_2-.Ltmp0, $4  }
0x6c: {  	s25 =	sadd.s32 $0xC8A00, s25;
	[sflag:s7] =	ssyncadd.s32 $0xFFFFE790  }
0x6d: {  	[hbm4b:s25+s3] =	stream.linear.scatter [tilespmem:s8], [sflag:$0x3], $0x1870, $0x38;
	[tilespmem:$0xA770] =	vst v63  }
0x6e: {  	_ =	swait.ge [sflag:s7], $0x1870  }
0x6f: {  	s26 =	sadd.s32 $0xFFFFFFFF, s26;
	[sflag:s7] =	ssyncset.done $0x0  }
.LBB2_1:
0x70: {  	p0 =	sne.s32 s26, $0x1;
	s26 =	sadd.s32 $0xFFFFFFFF, s26;
	[sflag:s7] =	ssyncadd.s32 $0xFFFFE790  }
0x71: {  	[tilespmem:s5], [sflag:$0x1] =	stream.linear.gather [hbm4b:s4+s3], $0x2710, $0x38;
	[tilespmem:$0xA770] =	vst v63  }
0x72: {  	_ = 	snop  }
0x73: {  	[tilespmem:s8], [sflag:$0x3] =	stream.linear.gather [hbm4b:s6+s3], $0x1870, $0x38;
	[tilespmem:$0xA770] =	vst v63  }
0x74: {  	_ =	swait.ge [sflag:s7], $0x1870  }
0x75: {  	[sflag:s7] =	ssyncset.done $0x0  }
0x76: {  	[sflag:s7] =	ssyncadd.s32 $0xFFFFE790  }
0x77: {  	[spmem:s9] =	stream.linear.scatter [tilespmem:s8], [sflag:$0x3], $0x1870, $0x38;
	[tilespmem:$0xA770] =	vst v63  }
0x78: {  	_ =	swait.ge [sflag:s7], $0x1870  }
0x79: {  	[sflag:s7] =	ssyncset.done $0x0  }
0x7a: {  	[sflag:s7] =	ssyncadd.s32 $0xFFFFE790  }
0x7b: {  	[tilespmem:s11], [sflag:$0x3] =	stream.linear.gather [hbm4b:s10+s3], $0x2780, $0x38;
	[tilespmem:$0xA770] =	vst v63  }
0x7c: {  	_ =	swait.ge [sflag:s7], $0x2780  }
0x7d: {  	[sflag:s7] =	ssyncset.done $0x0  }
0x7e: {  	[sflag:s7] =	ssyncadd.s32 $0xFFFFD880  }
0x7f: {  	[bflag:$0x0] =	sbarrier.arrive $0xFFFF  }
0x80: {  	[tilespmem:s13], [sflag:$0x2] =	stream.linear.gather [hbm4b:s12+s3], $0x2710, $0x38;
	[tilespmem:$0xA770] =	vst v63  }
0x81: {  	_ =	swait.ge [sflag:s14], $0x2710  }
0x82: {  	[sflag:s14] =	ssyncset.done $0x0  }
0x83: {  	[sflag:s14] =	ssyncadd.s32 $0xFFFFD8F0  }
0x84: {  	[spmem:s2] =	stream.indirect.scatter.add.f32 [tilespmem:s11], [sflag:$0x3], $0x1, s5, s15, $0xb8;
	[tilespmem:$0xA770] =	vst v63  }
0x85: {  	_ =	swait.ge [sflag:s7], $0x2710  }
0x86: {  	[sflag:s7] =	ssyncset.done $0x0  }
0x87: {  	[sflag:s7] =	ssyncadd.s32 $0xFFFFD8F0  }
0x88: {  	[tilespmem:s5], [sflag:$0x1] =	stream.linear.gather [hbm4b:s16+s3], $0x2710, $0x38;
	[tilespmem:$0xA770] =	vst v63  }
0x89: {  	_ =	swait.ge [sflag:s17], $0x2710  }
0x8a: {  	[sflag:s17] =	ssyncset.done $0x0  }
0x8b: {  	[sflag:s17] =	ssyncadd.s32 $0xFFFFD8F0  }
0x8c: {  	[spmem:s2] =	stream.indirect.scatter.add.f32 [tilespmem:s11], [sflag:$0x3], $0x1, s13, s15, $0xb8;
	[tilespmem:$0xA770] =	vst v63  }
0x8d: {  	_ =	swait.ge [sflag:s7], $0x2710  }
0x8e: {  	[sflag:s7] =	ssyncset.done $0x0  }
0x8f: {  	[sflag:s7] =	ssyncadd.s32 $0xFFFFD8F0  }
0x90: {  	[tilespmem:s13], [sflag:$0x2] =	stream.linear.gather [hbm4b:s18+s3], $0x2710, $0x38;
	[tilespmem:$0xA770] =	vst v63  }
0x91: {  	_ =	swait.ge [sflag:s14], $0x2710  }
0x92: {  	[sflag:s14] =	ssyncset.done $0x0  }
0x93: {  	[sflag:s14] =	ssyncadd.s32 $0xFFFFD8F0  }
0x94: {  	[spmem:s2] =	stream.indirect.scatter.add.f32 [tilespmem:s11], [sflag:$0x3], $0x1, s5, s15, $0xb8;
	[tilespmem:$0xA770] =	vst v63  }
0x95: {  	_ =	swait.ge [sflag:s7], $0x2710  }
0x96: {  	[sflag:s7] =	ssyncset.done $0x0  }
0x97: {  	[sflag:s7] =	ssyncadd.s32 $0xFFFFD8F0  }
0x98: {  	[tilespmem:s5], [sflag:$0x1] =	stream.linear.gather [hbm4b:s19+s3], $0x2710, $0x38;
	[tilespmem:$0xA770] =	vst v63  }
0x99: {  	_ =	swait.ge [sflag:s17], $0x2710  }
0x9a: {  	[sflag:s17] =	ssyncset.done $0x0  }
0x9b: {  	[sflag:s17] =	ssyncadd.s32 $0xFFFFD8F0  }
0x9c: {  	[spmem:s2] =	stream.indirect.scatter.add.f32 [tilespmem:s11], [sflag:$0x3], $0x1, s13, s15, $0xb8;
	[tilespmem:$0xA770] =	vst v63  }
0x9d: {  	_ =	swait.ge [sflag:s7], $0x2710  }
0x9e: {  	[sflag:s7] =	ssyncset.done $0x0  }
0x9f: {  	[sflag:s7] =	ssyncadd.s32 $0xFFFFD8F0  }
0xa0: {  	[tilespmem:s13], [sflag:$0x2] =	stream.linear.gather [hbm4b:s20+s3], $0x2710, $0x38;
	[tilespmem:$0xA770] =	vst v63  }
0xa1: {  	_ =	swait.ge [sflag:s14], $0x2710  }
0xa2: {  	[sflag:s14] =	ssyncset.done $0x0  }
0xa3: {  	[sflag:s14] =	ssyncadd.s32 $0xFFFFD8F0  }
0xa4: {  	[spmem:s2] =	stream.indirect.scatter.add.f32 [tilespmem:s11], [sflag:$0x3], $0x1, s5, s15, $0xb8;
	[tilespmem:$0xA770] =	vst v63  }
0xa5: {  	_ =	swait.ge [sflag:s7], $0x2710  }
0xa6: {  	[sflag:s7] =	ssyncset.done $0x0  }
0xa7: {  	[sflag:s7] =	ssyncadd.s32 $0xFFFFD8F0  }
0xa8: {  	[tilespmem:s5], [sflag:$0x1] =	stream.linear.gather [hbm4b:s21+s3], $0x2710, $0x38;
	[tilespmem:$0xA770] =	vst v63  }
0xa9: {  	_ =	swait.ge [sflag:s17], $0x2710  }
0xaa: {  	[sflag:s17] =	ssyncset.done $0x0  }
0xab: {  	[sflag:s17] =	ssyncadd.s32 $0xFFFFD8F0  }
0xac: {  	[spmem:s2] =	stream.indirect.scatter.add.f32 [tilespmem:s11], [sflag:$0x3], $0x1, s13, s15, $0xb8;
	[tilespmem:$0xA770] =	vst v63  }
0xad: {  	_ =	swait.ge [sflag:s7], $0x2710  }
0xae: {  	[sflag:s7] =	ssyncset.done $0x0  }
0xaf: {  	[sflag:s7] =	ssyncadd.s32 $0xFFFFD8F0  }
0xb0: {  	[tilespmem:s13], [sflag:$0x2] =	stream.linear.gather [hbm4b:s22+s3], $0x2710, $0x38;
	[tilespmem:$0xA770] =	vst v63  }
0xb1: {  	_ =	swait.ge [sflag:s14], $0x2710  }
0xb2: {  	[sflag:s14] =	ssyncset.done $0x0  }
0xb3: {  	[sflag:s14] =	ssyncadd.s32 $0xFFFFD8F0  }
0xb4: {  	[spmem:s2] =	stream.indirect.scatter.add.f32 [tilespmem:s11], [sflag:$0x3], $0x1, s5, s15, $0xb8;
	[tilespmem:$0xA770] =	vst v63  }
0xb5: {  	_ =	swait.ge [sflag:s7], $0x2710  }
0xb6: {  	[sflag:s7] =	ssyncset.done $0x0  }
0xb7: {  	[sflag:s7] =	ssyncadd.s32 $0xFFFFD8F0  }
0xb8: {  	[tilespmem:s5], [sflag:$0x1] =	stream.linear.gather [hbm4b:s23+s3], $0x2710, $0x38;
	[tilespmem:$0xA770] =	vst v63  }
0xb9: {  	_ =	swait.ge [sflag:s17], $0x2710  }
0xba: {  	[sflag:s17] =	ssyncset.done $0x0  }
0xbb: {  	[sflag:s17] =	ssyncadd.s32 $0xFFFFD8F0  }
0xbc: {  	[spmem:s2] =	stream.indirect.scatter.add.f32 [tilespmem:s11], [sflag:$0x3], $0x1, s13, s15, $0xb8;
	[tilespmem:$0xA770] =	vst v63  }
0xbd: {  	_ =	swait.ge [sflag:s7], $0x2710  }
0xbe: {  	[sflag:s7] =	ssyncset.done $0x0  }
0xbf: {  	[sflag:s7] =	ssyncadd.s32 $0xFFFFD8F0  }
0xc0: {  	[tilespmem:s13], [sflag:$0x2] =	stream.linear.gather [hbm4b:s24+s3], $0x2710, $0x38;
	[tilespmem:$0xA770] =	vst v63  }
0xc1: {  	_ =	swait.ge [sflag:s14], $0x2710  }
0xc2: {  	[sflag:s14] =	ssyncset.done $0x0  }
0xc3: {  	[sflag:s14] =	ssyncadd.s32 $0xFFFFD8F0  }
0xc4: {  	[spmem:s2] =	stream.indirect.scatter.add.f32 [tilespmem:s11], [sflag:$0x3], $0x1, s5, s15, $0xb8;
	[tilespmem:$0xA770] =	vst v63  }
0xc5: {  	_ =	swait.ge [sflag:s7], $0x2710  }
0xc6: {  	[sflag:s7] =	ssyncset.done $0x0  }
0xc7: {  	[sflag:s7] =	ssyncadd.s32 $0xFFFFD8F0  }
0xc8: {  	_ =	swait.ge [sflag:s17], $0x2710  }
0xc9: {  	[sflag:s17] =	ssyncset.done $0x0  }
0xca: {  	[sflag:s17] =	ssyncadd.s32 $0xFFFFD8F0  }
0xcb: {  	[spmem:s2] =	stream.indirect.scatter.add.f32 [tilespmem:s11], [sflag:$0x3], $0x1, s13, s15, $0xb8;
	[tilespmem:$0xA770] =	vst v63  }
0xcc: {  	_ =	swait.ge [sflag:s7], $0x2710  }
0xcd: {  	[sflag:s7] =	ssyncset.done $0x0  }
0xce: {  	[sflag:s7] =	ssyncadd.s32 $0xFFFFD8F0  }
0xcf: {  	[bflag:$0x0] =	sbarrier.arrive $0xFFFF  }
0xd0: {  	[tilespmem:s8], [sflag:$0x3] =	stream.linear.gather [spmem:s9], $0x1870, $0x38;
	[tilespmem:$0xA770] =	vst v63  }
0xd1: {  	_ =	swait.ge [sflag:s7], $0x1870  }
.Ltmp1:
0xd2: {  	[sflag:s7] =	ssyncset.done $0x0;
	(pc) =	sbr.rel @p0 .LBB2_1-.Ltmp1, $4  }
0xd3: {  	[sflag:s7] =	ssyncadd.s32 $0xFFFFE790  }
0xd4: {  	[hbm4b:s25+s3] =	stream.linear.scatter [tilespmem:s8], [sflag:$0x3], $0x1870, $0x38;
	[tilespmem:$0xA770] =	vst v63  }
0xd5: {  	_ =	swait.ge [sflag:s7], $0x1870  }
0xd6: {  	[sflag:s7] =	ssyncset.done $0x0  }
.LBB2_2:
0xd7: {  	[sflag:s7] =	ssyncadd.s32 $0xFFFFE790  }
0xd8: {  	_ =	sfence.sel $0x180000  }
0xd9: {  	[bflag:$0x0] =	sbarrier.arrive $0xFFFF  }
0xda: {  	p0 =	sne.s32 s0, $0x0;
	_ =	strace $0x90000047  }
0xdb: {  	s0 =	sadd.s32 @!p0 $0x100000, s1;
	[bflag:$0x2] =	sbarrier.arrive $0xFFFF  }
0xdc: {  	[sflag:s0] =	ssyncadd.tile.s32 @!p0 $0x1;
	_ =	shalt  }
.Lfunc_end2:
_tile_overlayer_lowered:
.L_overlay_start_2:
0xdd: {  	(tag) =	ssettag $0x2  }
0xde: {  	s0 =	rddreg [dreg:$0x0];
	s2 =	stileid.u32  }
0xdf: {  	s1 =	rddreg [dreg:$0x1];
	p0 =	sne.s32 s2, $0x0  }
0xe0: {  	s3 =	rddreg [dreg:$0x2];
	[bflag:$0x3] =	sbarrier.arrive $0xFFFF;
	s2 =	simm.s32 @!p0 $0x1C03  }
0xe1: {  	[timem:s3], [sflag:s2] =	dma.local @!p0 [hbm:s0], s1  }
0xe2: {  	s0 =	simm.s32 @!p0 $0x3  }
0xe3: {  	_ =	swait.ge @!p0 [sflag:s0], s1  }
0xe4: {  	s1 =	ssub.s32 @!p0 $0x0, s1;
	[sflag:s0] =	ssyncset.done @!p0 $0x0  }
0xe5: {  	[sflag:s0] =	ssyncadd.s32 @!p0 s1  }
0xe6: {  	[bflag:$0x3] =	sbarrier.arrive $0xFFFF  }
0xe7: {  	_ =	shalt  }

</sc_bundles>
